<compile_context>
chip_gen: v7x
topology: tpu7x:2x2x1
jax: 0.10.2.dev20260603
libtpu: 0.0.44.dev20260713+nightly
codegen_flags: <defaults>
</compile_context>

<pallas_src>
import functools

import jax
import jax.numpy as jnp
import numpy as np
from jax import lax
from jax.experimental import pallas as pl
from jax.experimental.pallas import tpu as pltpu
from jax.experimental.pallas import tpu_sc as plsc

N = 16384
T = 50
MARGIN = 1.0
NUM_CORES = 2
NUM_TILES = 16
ROWS_PER_TILE = N // (NUM_CORES * NUM_TILES)
CHUNK_ROWS = 128
CHUNKS_PER_TILE = ROWS_PER_TILE // CHUNK_ROWS
GROUPS_PER_CHUNK = CHUNK_ROWS // 16
BITS_PER_CHUNK = CHUNK_ROWS * T
TRIAL_BLOCK = 8
BITS_BUF = BITS_PER_CHUNK + 16 * TRIAL_BLOCK
BITS_PAD_WORDS = N * T + 2 * CHUNK_ROWS * T
COMPACT_BUF = N + 16
SCAN_UNROLL = 8

def _rotl(x, r):
    return ((x << np.uint32(r)) | (x >> np.uint32(32 - r))).astype(np.uint32)


def _threefry2x32(ks0, ks1, x0, x1):
    rot_a = (13, 15, 26, 6)
    rot_b = (17, 29, 16, 24)
    ks2 = np.uint32(ks0 ^ ks1 ^ np.uint32(0x1BD11BDA))
    x0 = (x0 + ks0).astype(np.uint32)
    x1 = (x1 + ks1).astype(np.uint32)

    def four_rounds(x0, x1, rots):
        for r in rots:
            x0 = (x0 + x1).astype(np.uint32)
            x1 = _rotl(x1, r)
            x1 = x1 ^ x0
        return x0, x1

    sched = [(ks1, ks2), (ks2, ks0), (ks0, ks1), (ks1, ks2), (ks2, ks0)]
    for i, (a, b) in enumerate(sched):
        x0, x1 = four_rounds(x0, x1, rot_a if i % 2 == 0 else rot_b)
        x0 = (x0 + a).astype(np.uint32)
        x1 = (x1 + b + np.uint32(i + 1)).astype(np.uint32)
    return x0, x1


def _np_random_bits(key2, size):
    o0, o1 = _threefry2x32(key2[0], key2[1], np.zeros(size, np.uint32),
                           np.arange(size, dtype=np.uint32))
    return o0 ^ o1


def _np_split(key2):
    o0, o1 = _threefry2x32(key2[0], key2[1], np.zeros(2, np.uint32),
                           np.arange(2, dtype=np.uint32))
    return np.stack([o0, o1], axis=1)


_TABLES = None


def _tables():
    global _TABLES
    if _TABLES is None:
        k1, k2 = _np_split(np.array([0, 42], dtype=np.uint32))
        hi = _np_random_bits(k1, N * T).reshape(N, T)
        lo = _np_random_bits(k2, N * T).reshape(N, T)

        def permute(b):
            return np.ascontiguousarray(
                b.reshape(N // 16, 16, T).transpose(0, 2, 1)
            ).reshape(-1).view(np.int32)

        harm = np.zeros(64, np.float32)
        harm[:T] = np.cumsum((1.0 / np.arange(1, T + 1)).astype(np.float32),
                             dtype=np.float32)
        def pad(b):
            return np.pad(b, (0, BITS_PAD_WORDS - b.shape[0]))

        _TABLES = (pad(permute(hi)), pad(permute(lo)), harm)
    return _TABLES


def _warp_body(scores_h, labels_h, hi_h, lo_h, harm_h, out_h,
               scores_v, labels_v, pos_buf, neg_buf,
               hi_a, lo_a, hi_b, lo_b, harm_v, stage_v,
               red_v, partials_s,
               sem_ah, sem_al, sem_bh, sem_bl):
    cid = lax.axis_index("c")
    sid = lax.axis_index("s")
    base = (sid * NUM_CORES + cid) * ROWS_PER_TILE
    iota = lax.iota(jnp.int32, 16)
    zeros_i = jnp.zeros((16,), jnp.int32)
    ones_i = jnp.full((16,), 1, jnp.int32)

    pltpu.async_copy(hi_h.at[pl.ds(base * T, BITS_PER_CHUNK)],
                     hi_a.at[pl.ds(0, BITS_PER_CHUNK)], sem_ah)
    pltpu.async_copy(lo_h.at[pl.ds(base * T, BITS_PER_CHUNK)],
                     lo_a.at[pl.ds(0, BITS_PER_CHUNK)], sem_al)
    pltpu.async_copy(hi_h.at[pl.ds((base + CHUNK_ROWS) * T, BITS_PER_CHUNK)],
                     hi_b.at[pl.ds(0, BITS_PER_CHUNK)], sem_bh)
    pltpu.async_copy(lo_h.at[pl.ds((base + CHUNK_ROWS) * T, BITS_PER_CHUNK)],
                     lo_b.at[pl.ds(0, BITS_PER_CHUNK)], sem_bl)

    pltpu.sync_copy(scores_h, scores_v)
    pltpu.sync_copy(labels_h, labels_v)
    pltpu.sync_copy(harm_h, harm_v)

    def scan_body(v, carry):
        off_p, off_n = carry
        for u in range(SCAN_UNROLL):
            idx0 = (v * SCAN_UNROLL + u) * 16
            s = scores_v[pl.ds(idx0, 16)]
            l = labels_v[pl.ds(idx0, 16)]
            mpos = l == 1
            mpos_i = jnp.where(mpos, ones_i, zeros_i)
            cums = plsc.cumsum(mpos_i)
            cp = plsc.all_reduce_population_count(mpos)
            excl_p = cums - mpos_i
            idx_p = jnp.where(mpos, off_p + excl_p, N + iota)
            idx_n = jnp.where(mpos, N + iota, off_n + iota - excl_p)
            plsc.store_scatter(pos_buf, [idx_p], s)
            plsc.store_scatter(neg_buf, [idx_n], s)
            off_p = off_p + cp
            off_n = off_n + (16 - cp)
        return off_p, off_n

    np_v, nn_v = lax.fori_loop(0, N // (16 * SCAN_UNROLL), scan_body,
                               (zeros_i, zeros_i))
    num_pos = jnp.max(np_v)
    num_neg = jnp.max(nn_v)

    span_u = jnp.maximum(num_neg, 1).astype(jnp.uint32)
    m1 = jnp.uint32(65536) % span_u
    mult_u = (m1 * m1) % span_u

    def group_body(g, acc_vec, start, hi_v, lo_v):
        r0 = start + g * 16
        pos16 = pos_buf[pl.ds(r0, 16)]
        done0 = jnp.where((r0 + iota) >= num_pos, ones_i, zeros_i)
        bitbase = g * (16 * T)

        def cond(st):
            tb, done, tstar, fneg = st
            return (tb < T) & (jnp.min(done) == 0)

        def bbody(st):
            tb, done, tstar, fneg = st
            for b in range(TRIAL_BLOCK):
                t = tb + b
                hu = plsc.bitcast(hi_v[pl.ds(bitbase + t * 16, 16)],
                                  jnp.uint32)
                lu = plsc.bitcast(lo_v[pl.ds(bitbase + t * 16, 16)],
                                  jnp.uint32)
                offs = ((hu % span_u) * mult_u + (lu % span_u)) % span_u
                idx = offs.astype(jnp.int32)
                vals = plsc.load_gather(neg_buf, [idx])
                viol = (vals + MARGIN) > pos16
                newly = viol & (done == 0) & (t < T)
                tstar = jnp.where(newly, t, tstar)
                fneg = jnp.where(newly, vals, fneg)
                done = jnp.where(viol, ones_i, done)
            return tb + TRIAL_BLOCK, done, tstar, fneg

        _, _, tstar, fneg = lax.while_loop(
            cond, bbody,
            (jnp.int32(0), done0, jnp.full((16,), -1, jnp.int32),
             jnp.zeros((16,), jnp.float32)))

        tsafe = jnp.maximum(tstar, 0)
        rank = jnp.maximum(1, T // (tsafe + 1))
        w16 = plsc.load_gather(harm_v, [rank - 1])
        hinge = jnp.maximum(MARGIN - (pos16 - fneg), 0.0)
        contrib = jnp.where(tstar >= 0, w16 * hinge, 0.0)
        return acc_vec + contrib

    def half_chunk(acc_vec, c, hi_v, lo_v, sem_h, sem_l):
        pltpu.make_async_copy(hi_h.at[pl.ds(0, BITS_PER_CHUNK)],
                              hi_v.at[pl.ds(0, BITS_PER_CHUNK)], sem_h).wait()
        pltpu.make_async_copy(lo_h.at[pl.ds(0, BITS_PER_CHUNK)],
                              lo_v.at[pl.ds(0, BITS_PER_CHUNK)], sem_l).wait()
        start = base + c * CHUNK_ROWS

        def do(a):
            return lax.fori_loop(
                0, GROUPS_PER_CHUNK,
                lambda g, x: group_body(g, x, start, hi_v, lo_v), a)

        acc_vec = lax.cond(start < num_pos, do, lambda a: a, acc_vec)
        nxt = (start + 2 * CHUNK_ROWS) * T
        pltpu.async_copy(hi_h.at[pl.ds(nxt, BITS_PER_CHUNK)],
                         hi_v.at[pl.ds(0, BITS_PER_CHUNK)], sem_h)
        pltpu.async_copy(lo_h.at[pl.ds(nxt, BITS_PER_CHUNK)],
                         lo_v.at[pl.ds(0, BITS_PER_CHUNK)], sem_l)
        return acc_vec

    def chunk_pair(k, acc_vec):
        acc_vec = half_chunk(acc_vec, 2 * k, hi_a, lo_a, sem_ah, sem_al)
        acc_vec = half_chunk(acc_vec, 2 * k + 1, hi_b, lo_b, sem_bh, sem_bl)
        return acc_vec

    acc_vec = lax.fori_loop(0, CHUNKS_PER_TILE // 2, chunk_pair,
                            jnp.zeros((16,), jnp.float32))

    pltpu.make_async_copy(hi_h.at[pl.ds(0, BITS_PER_CHUNK)],
                          hi_a.at[pl.ds(0, BITS_PER_CHUNK)], sem_ah).wait()
    pltpu.make_async_copy(lo_h.at[pl.ds(0, BITS_PER_CHUNK)],
                          lo_a.at[pl.ds(0, BITS_PER_CHUNK)], sem_al).wait()
    pltpu.make_async_copy(hi_h.at[pl.ds(0, BITS_PER_CHUNK)],
                          hi_b.at[pl.ds(0, BITS_PER_CHUNK)], sem_bh).wait()
    pltpu.make_async_copy(lo_h.at[pl.ds(0, BITS_PER_CHUNK)],
                          lo_b.at[pl.ds(0, BITS_PER_CHUNK)], sem_bl).wait()

    stage_v[...] = acc_vec
    pltpu.sync_copy(stage_v, partials_s.at[pl.ds(sid * 16, 16)])
    plsc.subcore_barrier()

    @pl.when(sid == 0)
    def _():
        pltpu.sync_copy(partials_s, red_v)
        tot = jnp.zeros((16,), jnp.float32)
        for i in range(NUM_TILES):
            tot = tot + red_v[pl.ds(i * 16, 16)]
        total = jnp.sum(tot)
        empty = (num_pos == 0) | (num_neg == 0)
        denom = jnp.maximum(num_pos, 1).astype(jnp.float32)
        denom_vec = jnp.zeros((16,), jnp.float32) + denom
        final_vec = jnp.where(empty, jnp.zeros((16,), jnp.float32),
                              (jnp.zeros((16,), jnp.float32) + total)
                              / denom_vec)
        stage_v[...] = final_vec
        pltpu.sync_copy(stage_v, out_h.at[cid])


_WARP = None


def _get_warp():
    global _WARP
    if _WARP is None:
        mesh = plsc.VectorSubcoreMesh(
            core_axis_name="c", subcore_axis_name="s",
            num_cores=NUM_CORES, num_subcores=NUM_TILES)
        _WARP = functools.partial(
            pl.kernel,
            out_type=jax.ShapeDtypeStruct((NUM_CORES, 16), jnp.float32),
            mesh=mesh,
            compiler_params=pltpu.CompilerParams(needs_layout_passes=False),
            scratch_types=[
                pltpu.VMEM((N,), jnp.float32),
                pltpu.VMEM((N,), jnp.int32),
                pltpu.VMEM((COMPACT_BUF,), jnp.float32),
                pltpu.VMEM((COMPACT_BUF,), jnp.float32),
                pltpu.VMEM((BITS_BUF,), jnp.int32),
                pltpu.VMEM((BITS_BUF,), jnp.int32),
                pltpu.VMEM((BITS_BUF,), jnp.int32),
                pltpu.VMEM((BITS_BUF,), jnp.int32),
                pltpu.VMEM((64,), jnp.float32),
                pltpu.VMEM((16,), jnp.float32),
                pltpu.VMEM((16 * NUM_TILES,), jnp.float32),
                pltpu.VMEM_SHARED((16 * NUM_TILES,), jnp.float32),
                pltpu.SemaphoreType.DMA,
                pltpu.SemaphoreType.DMA,
                pltpu.SemaphoreType.DMA,
                pltpu.SemaphoreType.DMA,
            ],
        )(_warp_body)
    return _WARP


def kernel(scores, labels):
    hi_np, lo_np, harm_np = _tables()
    out = _get_warp()(scores, labels.astype(jnp.int32),
                      jnp.asarray(hi_np), jnp.asarray(lo_np),
                      jnp.asarray(harm_np))
    return out[0, 0] + out[1, 0]

# --- scband reference (transcript-rebuilt; emitter-appended) ---
"""Pipeline reference for scband-warploss-28432683500213 (READ-ONLY COPY).

The authoritative reference and input builder live on the scoring server;
editing this copy changes nothing except your own understanding.
"""

import jax, jax.numpy as jnp
import numpy as np

MARGIN = 1.0
MAX_TRIALS = 50


def setup_inputs(seed: int = 0) -> dict:
    key = jax.random.key(seed)
    k1, k2 = jax.random.split(key)
    scores = jax.random.normal(k1, (16384,), dtype=jnp.float32)
    labels = jax.random.randint(k2, (16384,), 0, 2).astype(jnp.int64)
    return {"scores": scores, "labels": labels}


def reference(scores, labels):
    # WARP loss: for each positive, sample negatives until a margin violation
    # is found (up to MAX_TRIALS); weight the hinge loss by an approximate
    # rank-based weight (harmonic number of the rank estimate).
    pos_mask = labels == 1
    neg_mask = labels == 0
    n = scores.shape[0]
    num_pos = jnp.sum(pos_mask)
    num_neg = jnp.sum(neg_mask)
    # Compact positives/negatives to the front (stable, so order matches
    # boolean-mask extraction); entries beyond the counts are masked out below.
    pos_order = jnp.argsort(jnp.where(pos_mask, 0, 1), stable=True)
    neg_order = jnp.argsort(jnp.where(neg_mask, 0, 1), stable=True)
    pos_scores = scores[pos_order]  # [n]; first num_pos entries are positives
    neg_scores = scores[neg_order]  # [n]; first num_neg entries are negatives
    # Pre-draw the sequence of sampled negative indices for every positive
    # (deterministic stand-in for torch.randint inside the sequential loop).
    skey = jax.random.key(42)
    samp_idx = jax.random.randint(skey, (n, MAX_TRIALS), 0, num_neg)
    neg_samples = jnp.take(neg_scores, samp_idx, axis=0)  # [n, T] gather
    # Violation at trial t iff neg_sample + margin > s_pos
    viol = neg_samples + MARGIN > pos_scores[:, None]  # [n, T]
    found = jnp.any(viol, axis=1)  # [n]
    trials = jnp.argmax(viol, axis=1)  # index of first violation (0 if none; masked by `found`)
    first_neg = jnp.take_along_axis(neg_samples, trials[:, None], axis=1)[:, 0]  # [n]
    # rank_est = max(1, floor(max_trials / (trials + 1)))
    rank_est = jnp.maximum(1, MAX_TRIALS // (trials + 1))  # [n], in [1, MAX_TRIALS]
    # weight = sum_{i=1}^{rank_est} 1/i  -> harmonic-number lookup table
    harm = jnp.cumsum(1.0 / jnp.arange(1, MAX_TRIALS + 1, dtype=jnp.float32))
    weight = jnp.take(harm, rank_est - 1, axis=0)  # [n]
    hinge = jnp.maximum(MARGIN - (pos_scores - first_neg), 0.0)
    valid = jnp.arange(n) < num_pos
    loss = jnp.where(found & valid, weight * hinge, 0.0)
    total_loss = jnp.sum(loss)
    empty = (num_pos == 0) | (num_neg == 0)
    return jnp.where(empty, jnp.array(0.0, dtype=jnp.float32),
                     total_loss / jnp.maximum(num_pos, 1))

if __name__ == "__main__":
    import jax
    _d = setup_inputs()
    print(jax.jit(kernel)(*tuple(_d.values())))

</pallas_src>

<mosaic_0001>
#map = affine_map<(d0, d1) -> (0)>
#map1 = affine_map<(d0, d1) -> (0, 0)>
module attributes {stable_mosaic.version = 14 : i64} {
  func.func @_warp_body(%arg0: i32, %arg1: i32, %arg2: memref<16384xf32, #tpu.memory_space<hbm>>, %arg3: memref<16384xi32, #tpu.memory_space<hbm>>, %arg4: memref<832000xi32, #tpu.memory_space<hbm>>, %arg5: memref<832000xi32, #tpu.memory_space<hbm>>, %arg6: memref<64xf32, #tpu.memory_space<hbm>>, %arg7: memref<2x16xf32, #tpu.memory_space<hbm>>, %arg8: memref<16384xf32, #tpu.memory_space<vmem>>, %arg9: memref<16384xi32, #tpu.memory_space<vmem>>, %arg10: memref<16400xf32, #tpu.memory_space<vmem>>, %arg11: memref<16400xf32, #tpu.memory_space<vmem>>, %arg12: memref<6528xi32, #tpu.memory_space<vmem>>, %arg13: memref<6528xi32, #tpu.memory_space<vmem>>, %arg14: memref<6528xi32, #tpu.memory_space<vmem>>, %arg15: memref<6528xi32, #tpu.memory_space<vmem>>, %arg16: memref<64xf32, #tpu.memory_space<vmem>>, %arg17: memref<16xf32, #tpu.memory_space<vmem>>, %arg18: memref<256xf32, #tpu.memory_space<vmem>>, %arg19: memref<256xf32, #tpu.memory_space<vmem_shared>>, %arg20: memref<!tpu.dma_semaphore, #tpu.memory_space<semaphore_mem>>, %arg21: memref<!tpu.dma_semaphore, #tpu.memory_space<semaphore_mem>>, %arg22: memref<!tpu.dma_semaphore, #tpu.memory_space<semaphore_mem>>, %arg23: memref<!tpu.dma_semaphore, #tpu.memory_space<semaphore_mem>>) attributes {dimension_semantics = [#tpu.dimension_semantics<core_parallel>, #tpu.dimension_semantics<subcore_parallel>], iteration_bounds = array<i64: 2, 16>, scalar_prefetch = 0 : i64, scratch_operands = 16 : i64, tpu.core_type = #tpu.core_type<sc_vector_subcore>, window_params = [{transform_indices = #map}, {transform_indices = #map}, {transform_indices = #map}, {transform_indices = #map}, {transform_indices = #map}, {transform_indices = #map1}]} {
    %mul3A = arith.constant 2 : i32
    %mul3A_0 = arith.muli %arg1, %mul3A : i32
    %add3A = arith.addi %mul3A_0, %arg0 : i32
    %mul3A_1 = arith.constant 512 : i32
    %mul3A_2 = arith.muli %add3A, %mul3A_1 : i32
    %iota3A = tpu.iota {dimensions = array<i32: 0>} : vector<16xi32>
    %broadcast_in_dim3A = arith.constant 0 : i32
    %broadcast_in_dim3A_3 = vector.broadcast %broadcast_in_dim3A : i32 to vector<16xi32>
    %broadcast_in_dim3A_4 = arith.constant 1 : i32
    %broadcast_in_dim3A_5 = vector.broadcast %broadcast_in_dim3A_4 : i32 to vector<16xi32>
    %mul3A_6 = arith.constant 50 : i32
    %mul3A_7 = arith.muli %mul3A_2, %mul3A_6 : i32
    %dma_start3A = arith.constant 0 : i32
    %dma_start3A_8 = tpu.memref_slice %arg12[%dma_start3A] : memref<6528xi32, #tpu.memory_space<vmem>> -> memref<6400xi32, #tpu.memory_space<vmem>>
    %dma_start3A_9 = tpu.memref_slice %arg4[%mul3A_7] : memref<832000xi32, #tpu.memory_space<hbm>> -> memref<6400xi32, #tpu.memory_space<hbm>>
    %dma_start3A_10 = arith.constant 0 : i32
    %dma_start3A_11 = tpu.memref_slice %arg12[%dma_start3A_10] : memref<6528xi32, #tpu.memory_space<vmem>> -> memref<6400xi32, #tpu.memory_space<vmem>>
    %dma_start3A_12 = tpu.memref_slice %arg4[%mul3A_7] : memref<832000xi32, #tpu.memory_space<hbm>> -> memref<6400xi32, #tpu.memory_space<hbm>>
    tpu.enqueue_dma source(%dma_start3A_12 : memref<6400xi32, #tpu.memory_space<hbm>>) target(%dma_start3A_11 : memref<6400xi32, #tpu.memory_space<vmem>>) target_semaphore(%arg20 : memref<!tpu.dma_semaphore, #tpu.memory_space<semaphore_mem>>)
    %mul3A_13 = arith.constant 50 : i32
    %mul3A_14 = arith.muli %mul3A_2, %mul3A_13 : i32
    %dma_start3A_15 = arith.constant 0 : i32
    %dma_start3A_16 = tpu.memref_slice %arg13[%dma_start3A_15] : memref<6528xi32, #tpu.memory_space<vmem>> -> memref<6400xi32, #tpu.memory_space<vmem>>
    %dma_start3A_17 = tpu.memref_slice %arg5[%mul3A_14] : memref<832000xi32, #tpu.memory_space<hbm>> -> memref<6400xi32, #tpu.memory_space<hbm>>
    %dma_start3A_18 = arith.constant 0 : i32
    %dma_start3A_19 = tpu.memref_slice %arg13[%dma_start3A_18] : memref<6528xi32, #tpu.memory_space<vmem>> -> memref<6400xi32, #tpu.memory_space<vmem>>
    %dma_start3A_20 = tpu.memref_slice %arg5[%mul3A_14] : memref<832000xi32, #tpu.memory_space<hbm>> -> memref<6400xi32, #tpu.memory_space<hbm>>
    tpu.enqueue_dma source(%dma_start3A_20 : memref<6400xi32, #tpu.memory_space<hbm>>) target(%dma_start3A_19 : memref<6400xi32, #tpu.memory_space<vmem>>) target_semaphore(%arg21 : memref<!tpu.dma_semaphore, #tpu.memory_space<semaphore_mem>>)
    %add3A_21 = arith.constant 128 : i32
    %add3A_22 = arith.addi %mul3A_2, %add3A_21 : i32
    %mul3A_23 = arith.constant 50 : i32
    %mul3A_24 = arith.muli %add3A_22, %mul3A_23 : i32
    %dma_start3A_25 = arith.constant 0 : i32
    %dma_start3A_26 = tpu.memref_slice %arg14[%dma_start3A_25] : memref<6528xi32, #tpu.memory_space<vmem>> -> memref<6400xi32, #tpu.memory_space<vmem>>
    %dma_start3A_27 = tpu.memref_slice %arg4[%mul3A_24] : memref<832000xi32, #tpu.memory_space<hbm>> -> memref<6400xi32, #tpu.memory_space<hbm>>
    %dma_start3A_28 = arith.constant 0 : i32
    %dma_start3A_29 = tpu.memref_slice %arg14[%dma_start3A_28] : memref<6528xi32, #tpu.memory_space<vmem>> -> memref<6400xi32, #tpu.memory_space<vmem>>
    %dma_start3A_30 = tpu.memref_slice %arg4[%mul3A_24] : memref<832000xi32, #tpu.memory_space<hbm>> -> memref<6400xi32, #tpu.memory_space<hbm>>
    tpu.enqueue_dma source(%dma_start3A_30 : memref<6400xi32, #tpu.memory_space<hbm>>) target(%dma_start3A_29 : memref<6400xi32, #tpu.memory_space<vmem>>) target_semaphore(%arg22 : memref<!tpu.dma_semaphore, #tpu.memory_space<semaphore_mem>>)
    %add3A_31 = arith.constant 128 : i32
    %add3A_32 = arith.addi %mul3A_2, %add3A_31 : i32
    %mul3A_33 = arith.constant 50 : i32
    %mul3A_34 = arith.muli %add3A_32, %mul3A_33 : i32
    %dma_start3A_35 = arith.constant 0 : i32
    %dma_start3A_36 = tpu.memref_slice %arg15[%dma_start3A_35] : memref<6528xi32, #tpu.memory_space<vmem>> -> memref<6400xi32, #tpu.memory_space<vmem>>
    %dma_start3A_37 = tpu.memref_slice %arg5[%mul3A_34] : memref<832000xi32, #tpu.memory_space<hbm>> -> memref<6400xi32, #tpu.memory_space<hbm>>
    %dma_start3A_38 = arith.constant 0 : i32
    %dma_start3A_39 = tpu.memref_slice %arg15[%dma_start3A_38] : memref<6528xi32, #tpu.memory_space<vmem>> -> memref<6400xi32, #tpu.memory_space<vmem>>
    %dma_start3A_40 = tpu.memref_slice %arg5[%mul3A_34] : memref<832000xi32, #tpu.memory_space<hbm>> -> memref<6400xi32, #tpu.memory_space<hbm>>
    tpu.enqueue_dma source(%dma_start3A_40 : memref<6400xi32, #tpu.memory_space<hbm>>) target(%dma_start3A_39 : memref<6400xi32, #tpu.memory_space<vmem>>) target_semaphore(%arg23 : memref<!tpu.dma_semaphore, #tpu.memory_space<semaphore_mem>>)
    "tpu.region"() ({
      %run_scoped3A = tpu.sem_alloc : memref<!tpu.dma_semaphore, #tpu.memory_space<semaphore_mem>>
      tpu.enqueue_dma source(%arg2 : memref<16384xf32, #tpu.memory_space<hbm>>) target(%arg8 : memref<16384xf32, #tpu.memory_space<vmem>>) target_semaphore(%run_scoped3A : memref<!tpu.dma_semaphore, #tpu.memory_space<semaphore_mem>>)
      tpu.wait_dma2 semaphore(%run_scoped3A : memref<!tpu.dma_semaphore, #tpu.memory_space<semaphore_mem>>) src(%arg2 : memref<16384xf32, #tpu.memory_space<hbm>>) dst(%arg8 : memref<16384xf32, #tpu.memory_space<vmem>>)
      tpu.yield
    }) : () -> ()
    "tpu.region"() ({
      %run_scoped3A = tpu.sem_alloc : memref<!tpu.dma_semaphore, #tpu.memory_space<semaphore_mem>>
      tpu.enqueue_dma source(%arg3 : memref<16384xi32, #tpu.memory_space<hbm>>) target(%arg9 : memref<16384xi32, #tpu.memory_space<vmem>>) target_semaphore(%run_scoped3A : memref<!tpu.dma_semaphore, #tpu.memory_space<semaphore_mem>>)
      tpu.wait_dma2 semaphore(%run_scoped3A : memref<!tpu.dma_semaphore, #tpu.memory_space<semaphore_mem>>) src(%arg3 : memref<16384xi32, #tpu.memory_space<hbm>>) dst(%arg9 : memref<16384xi32, #tpu.memory_space<vmem>>)
      tpu.yield
    }) : () -> ()
    "tpu.region"() ({
      %run_scoped3A = tpu.sem_alloc : memref<!tpu.dma_semaphore, #tpu.memory_space<semaphore_mem>>
      tpu.enqueue_dma source(%arg6 : memref<64xf32, #tpu.memory_space<hbm>>) target(%arg16 : memref<64xf32, #tpu.memory_space<vmem>>) target_semaphore(%run_scoped3A : memref<!tpu.dma_semaphore, #tpu.memory_space<semaphore_mem>>)
      tpu.wait_dma2 semaphore(%run_scoped3A : memref<!tpu.dma_semaphore, #tpu.memory_space<semaphore_mem>>) src(%arg6 : memref<64xf32, #tpu.memory_space<hbm>>) dst(%arg16 : memref<64xf32, #tpu.memory_space<vmem>>)
      tpu.yield
    }) : () -> ()
    %scan3A = arith.constant 0 : i32
    %scan3A_41 = arith.constant 128 : i32
    %scan3A_42 = arith.addi %scan3A, %scan3A_41 : i32
    %scan3A_43 = arith.constant 1 : i32
    %scan3A_44:2 = scf.for %scan3A_132 = %scan3A to %scan3A_42 step %scan3A_43 iter_args(%scan3A_133 = %broadcast_in_dim3A_3, %scan3A_134 = %broadcast_in_dim3A_3) -> (vector<16xi32>, vector<16xi32>)  : i32 {
      %mul3A_135 = arith.constant 8 : i32
      %mul3A_136 = arith.muli %scan3A_132, %mul3A_135 : i32
      %add3A_137 = arith.constant 0 : i32
      %add3A_138 = arith.addi %mul3A_136, %add3A_137 : i32
      %mul3A_139 = arith.constant 16 : i32
      %mul3A_140 = arith.muli %add3A_138, %mul3A_139 : i32
      %get3A = arith.index_cast %mul3A_140 : i32 to index
      %get3A_141 = tpu.vector_load %arg8[%get3A] {strides = array<i32>} : memref<16384xf32, #tpu.memory_space<vmem>>, vector<16xf32>,
      %get3A_142 = arith.index_cast %mul3A_140 : i32 to index
      %get3A_143 = tpu.vector_load %arg9[%get3A_142] {strides = array<i32>} : memref<16384xi32, #tpu.memory_space<vmem>>, vector<16xi32>,
      %eq3A_144 = arith.constant 1 : i32
      %eq3A_145 = vector.broadcast %eq3A_144 : i32 to vector<16xi32>
      %eq3A_146 = arith.cmpi eq, %get3A_143, %eq3A_145 : vector<16xi32>
      %select_n3A_147 = arith.select %eq3A_146, %broadcast_in_dim3A_5, %broadcast_in_dim3A_3 : vector<16xi1>, vector<16xi32>
      %broadcast_in_dim3A_148 = arith.constant true
      %broadcast_in_dim3A_149 = vector.broadcast %broadcast_in_dim3A_148 : i1 to vector<16xi1>
      %masked_cumsum3A = tpu.scan <sum>, %select_n3A_147 masked %broadcast_in_dim3A_149 : vector<16xi32>, vector<16xi1> -> vector<16xi32>
      %all_reduce_population_count3A = tpu.all_reduce %eq3A_146 {dim = 0 : i64, kind = #tpu.reduction_kind<sum>} : vector<16xi1> -> vector<16xi32>
      %sub3A = arith.subi %masked_cumsum3A, %select_n3A_147 : vector<16xi32>
      %add3A_150 = arith.addi %scan3A_133, %sub3A : vector<16xi32>
      %add3A_151 = arith.constant 16384 : i32
      %add3A_152 = vector.broadcast %add3A_151 : i32 to vector<16xi32>
      %add3A_153 = arith.addi %add3A_152, %iota3A : vector<16xi32>
      %select_n3A_154 = arith.select %eq3A_146, %add3A_150, %add3A_153 : vector<16xi1>, vector<16xi32>
      %add3A_155 = arith.constant 16384 : i32
      %add3A_156 = vector.broadcast %add3A_155 : i32 to vector<16xi32>
      %add3A_157 = arith.addi %add3A_156, %iota3A : vector<16xi32>
      %add3A_158 = arith.addi %scan3A_134, %iota3A : vector<16xi32>
      %sub3A_159 = arith.subi %add3A_158, %sub3A : vector<16xi32>
      %select_n3A_160 = arith.select %eq3A_146, %add3A_157, %sub3A_159 : vector<16xi1>, vector<16xi32>
      tpu.vector_store_idx %arg10[%select_n3A_154], %get3A_141 : memref<16400xf32, #tpu.memory_space<vmem>>[vector<16xi32>], vector<16xf32>,
      tpu.vector_store_idx %arg11[%select_n3A_160], %get3A_141 : memref<16400xf32, #tpu.memory_space<vmem>>[vector<16xi32>], vector<16xf32>,
      %add3A_161 = arith.addi %scan3A_133, %all_reduce_population_count3A : vector<16xi32>
      %sub3A_162 = arith.constant 16 : i32
      %sub3A_163 = vector.broadcast %sub3A_162 : i32 to vector<16xi32>
      %sub3A_164 = arith.subi %sub3A_163, %all_reduce_population_count3A : vector<16xi32>
      %add3A_165 = arith.addi %scan3A_134, %sub3A_164 : vector<16xi32>
      %mul3A_166 = arith.constant 8 : i32
      %mul3A_167 = arith.muli %scan3A_132, %mul3A_166 : i32
      %add3A_168 = arith.constant 1 : i32
      %add3A_169 = arith.addi %mul3A_167, %add3A_168 : i32
      %mul3A_170 = arith.constant 16 : i32
      %mul3A_171 = arith.muli %add3A_169, %mul3A_170 : i32
      %get3A_172 = arith.index_cast %mul3A_171 : i32 to index
      %get3A_173 = tpu.vector_load %arg8[%get3A_172] {strides = array<i32>} : memref<16384xf32, #tpu.memory_space<vmem>>, vector<16xf32>,
      %get3A_174 = arith.index_cast %mul3A_171 : i32 to index
      %get3A_175 = tpu.vector_load %arg9[%get3A_174] {strides = array<i32>} : memref<16384xi32, #tpu.memory_space<vmem>>, vector<16xi32>,
      %eq3A_176 = arith.constant 1 : i32
      %eq3A_177 = vector.broadcast %eq3A_176 : i32 to vector<16xi32>
      %eq3A_178 = arith.cmpi eq, %get3A_175, %eq3A_177 : vector<16xi32>
      %select_n3A_179 = arith.select %eq3A_178, %broadcast_in_dim3A_5, %broadcast_in_dim3A_3 : vector<16xi1>, vector<16xi32>
      %broadcast_in_dim3A_180 = arith.constant true
      %broadcast_in_dim3A_181 = vector.broadcast %broadcast_in_dim3A_180 : i1 to vector<16xi1>
      %masked_cumsum3A_182 = tpu.scan <sum>, %select_n3A_179 masked %broadcast_in_dim3A_181 : vector<16xi32>, vector<16xi1> -> vector<16xi32>
      %all_reduce_population_count3A_183 = tpu.all_reduce %eq3A_178 {dim = 0 : i64, kind = #tpu.reduction_kind<sum>} : vector<16xi1> -> vector<16xi32>
      %sub3A_184 = arith.subi %masked_cumsum3A_182, %select_n3A_179 : vector<16xi32>
      %add3A_185 = arith.addi %add3A_161, %sub3A_184 : vector<16xi32>
      %add3A_186 = arith.constant 16384 : i32
      %add3A_187 = vector.broadcast %add3A_186 : i32 to vector<16xi32>
      %add3A_188 = arith.addi %add3A_187, %iota3A : vector<16xi32>
      %select_n3A_189 = arith.select %eq3A_178, %add3A_185, %add3A_188 : vector<16xi1>, vector<16xi32>
      %add3A_190 = arith.constant 16384 : i32
      %add3A_191 = vector.broadcast %add3A_190 : i32 to vector<16xi32>
      %add3A_192 = arith.addi %add3A_191, %iota3A : vector<16xi32>
      %add3A_193 = arith.addi %add3A_165, %iota3A : vector<16xi32>
      %sub3A_194 = arith.subi %add3A_193, %sub3A_184 : vector<16xi32>
      %select_n3A_195 = arith.select %eq3A_178, %add3A_192, %sub3A_194 : vector<16xi1>, vector<16xi32>
      tpu.vector_store_idx %arg10[%select_n3A_189], %get3A_173 : memref<16400xf32, #tpu.memory_space<vmem>>[vector<16xi32>], vector<16xf32>,
      tpu.vector_store_idx %arg11[%select_n3A_195], %get3A_173 : memref<16400xf32, #tpu.memory_space<vmem>>[vector<16xi32>], vector<16xf32>,
      %add3A_196 = arith.addi %add3A_161, %all_reduce_population_count3A_183 : vector<16xi32>
      %sub3A_197 = arith.constant 16 : i32
      %sub3A_198 = vector.broadcast %sub3A_197 : i32 to vector<16xi32>
      %sub3A_199 = arith.subi %sub3A_198, %all_reduce_population_count3A_183 : vector<16xi32>
      %add3A_200 = arith.addi %add3A_165, %sub3A_199 : vector<16xi32>
      %mul3A_201 = arith.constant 8 : i32
      %mul3A_202 = arith.muli %scan3A_132, %mul3A_201 : i32
      %add3A_203 = arith.constant 2 : i32
      %add3A_204 = arith.addi %mul3A_202, %add3A_203 : i32
      %mul3A_205 = arith.constant 16 : i32
      %mul3A_206 = arith.muli %add3A_204, %mul3A_205 : i32
      %get3A_207 = arith.index_cast %mul3A_206 : i32 to index
      %get3A_208 = tpu.vector_load %arg8[%get3A_207] {strides = array<i32>} : memref<16384xf32, #tpu.memory_space<vmem>>, vector<16xf32>,
      %get3A_209 = arith.index_cast %mul3A_206 : i32 to index
      %get3A_210 = tpu.vector_load %arg9[%get3A_209] {strides = array<i32>} : memref<16384xi32, #tpu.memory_space<vmem>>, vector<16xi32>,
      %eq3A_211 = arith.constant 1 : i32
      %eq3A_212 = vector.broadcast %eq3A_211 : i32 to vector<16xi32>
      %eq3A_213 = arith.cmpi eq, %get3A_210, %eq3A_212 : vector<16xi32>
      %select_n3A_214 = arith.select %eq3A_213, %broadcast_in_dim3A_5, %broadcast_in_dim3A_3 : vector<16xi1>, vector<16xi32>
      %broadcast_in_dim3A_215 = arith.constant true
      %broadcast_in_dim3A_216 = vector.broadcast %broadcast_in_dim3A_215 : i1 to vector<16xi1>
      %masked_cumsum3A_217 = tpu.scan <sum>, %select_n3A_214 masked %broadcast_in_dim3A_216 : vector<16xi32>, vector<16xi1> -> vector<16xi32>
      %all_reduce_population_count3A_218 = tpu.all_reduce %eq3A_213 {dim = 0 : i64, kind = #tpu.reduction_kind<sum>} : vector<16xi1> -> vector<16xi32>
      %sub3A_219 = arith.subi %masked_cumsum3A_217, %select_n3A_214 : vector<16xi32>
      %add3A_220 = arith.addi %add3A_196, %sub3A_219 : vector<16xi32>
      %add3A_221 = arith.constant 16384 : i32
      %add3A_222 = vector.broadcast %add3A_221 : i32 to vector<16xi32>
      %add3A_223 = arith.addi %add3A_222, %iota3A : vector<16xi32>
      %select_n3A_224 = arith.select %eq3A_213, %add3A_220, %add3A_223 : vector<16xi1>, vector<16xi32>
      %add3A_225 = arith.constant 16384 : i32
      %add3A_226 = vector.broadcast %add3A_225 : i32 to vector<16xi32>
      %add3A_227 = arith.addi %add3A_226, %iota3A : vector<16xi32>
      %add3A_228 = arith.addi %add3A_200, %iota3A : vector<16xi32>
      %sub3A_229 = arith.subi %add3A_228, %sub3A_219 : vector<16xi32>
      %select_n3A_230 = arith.select %eq3A_213, %add3A_227, %sub3A_229 : vector<16xi1>, vector<16xi32>
      tpu.vector_store_idx %arg10[%select_n3A_224], %get3A_208 : memref<16400xf32, #tpu.memory_space<vmem>>[vector<16xi32>], vector<16xf32>,
      tpu.vector_store_idx %arg11[%select_n3A_230], %get3A_208 : memref<16400xf32, #tpu.memory_space<vmem>>[vector<16xi32>], vector<16xf32>,
      %add3A_231 = arith.addi %add3A_196, %all_reduce_population_count3A_218 : vector<16xi32>
      %sub3A_232 = arith.constant 16 : i32
      %sub3A_233 = vector.broadcast %sub3A_232 : i32 to vector<16xi32>
      %sub3A_234 = arith.subi %sub3A_233, %all_reduce_population_count3A_218 : vector<16xi32>
      %add3A_235 = arith.addi %add3A_200, %sub3A_234 : vector<16xi32>
      %mul3A_236 = arith.constant 8 : i32
      %mul3A_237 = arith.muli %scan3A_132, %mul3A_236 : i32
      %add3A_238 = arith.constant 3 : i32
      %add3A_239 = arith.addi %mul3A_237, %add3A_238 : i32
      %mul3A_240 = arith.constant 16 : i32
      %mul3A_241 = arith.muli %add3A_239, %mul3A_240 : i32
      %get3A_242 = arith.index_cast %mul3A_241 : i32 to index
      %get3A_243 = tpu.vector_load %arg8[%get3A_242] {strides = array<i32>} : memref<16384xf32, #tpu.memory_space<vmem>>, vector<16xf32>,
      %get3A_244 = arith.index_cast %mul3A_241 : i32 to index
      %get3A_245 = tpu.vector_load %arg9[%get3A_244] {strides = array<i32>} : memref<16384xi32, #tpu.memory_space<vmem>>, vector<16xi32>,
      %eq3A_246 = arith.constant 1 : i32
      %eq3A_247 = vector.broadcast %eq3A_246 : i32 to vector<16xi32>
      %eq3A_248 = arith.cmpi eq, %get3A_245, %eq3A_247 : vector<16xi32>
      %select_n3A_249 = arith.select %eq3A_248, %broadcast_in_dim3A_5, %broadcast_in_dim3A_3 : vector<16xi1>, vector<16xi32>
      %broadcast_in_dim3A_250 = arith.constant true
      %broadcast_in_dim3A_251 = vector.broadcast %broadcast_in_dim3A_250 : i1 to vector<16xi1>
      %masked_cumsum3A_252 = tpu.scan <sum>, %select_n3A_249 masked %broadcast_in_dim3A_251 : vector<16xi32>, vector<16xi1> -> vector<16xi32>
      %all_reduce_population_count3A_253 = tpu.all_reduce %eq3A_248 {dim = 0 : i64, kind = #tpu.reduction_kind<sum>} : vector<16xi1> -> vector<16xi32>
      %sub3A_254 = arith.subi %masked_cumsum3A_252, %select_n3A_249 : vector<16xi32>
      %add3A_255 = arith.addi %add3A_231, %sub3A_254 : vector<16xi32>
      %add3A_256 = arith.constant 16384 : i32
      %add3A_257 = vector.broadcast %add3A_256 : i32 to vector<16xi32>
      %add3A_258 = arith.addi %add3A_257, %iota3A : vector<16xi32>
      %select_n3A_259 = arith.select %eq3A_248, %add3A_255, %add3A_258 : vector<16xi1>, vector<16xi32>
      %add3A_260 = arith.constant 16384 : i32
      %add3A_261 = vector.broadcast %add3A_260 : i32 to vector<16xi32>
      %add3A_262 = arith.addi %add3A_261, %iota3A : vector<16xi32>
      %add3A_263 = arith.addi %add3A_235, %iota3A : vector<16xi32>
      %sub3A_264 = arith.subi %add3A_263, %sub3A_254 : vector<16xi32>
      %select_n3A_265 = arith.select %eq3A_248, %add3A_262, %sub3A_264 : vector<16xi1>, vector<16xi32>
      tpu.vector_store_idx %arg10[%select_n3A_259], %get3A_243 : memref<16400xf32, #tpu.memory_space<vmem>>[vector<16xi32>], vector<16xf32>,
      tpu.vector_store_idx %arg11[%select_n3A_265], %get3A_243 : memref<16400xf32, #tpu.memory_space<vmem>>[vector<16xi32>], vector<16xf32>,
      %add3A_266 = arith.addi %add3A_231, %all_reduce_population_count3A_253 : vector<16xi32>
      %sub3A_267 = arith.constant 16 : i32
      %sub3A_268 = vector.broadcast %sub3A_267 : i32 to vector<16xi32>
      %sub3A_269 = arith.subi %sub3A_268, %all_reduce_population_count3A_253 : vector<16xi32>
      %add3A_270 = arith.addi %add3A_235, %sub3A_269 : vector<16xi32>
      %mul3A_271 = arith.constant 8 : i32
      %mul3A_272 = arith.muli %scan3A_132, %mul3A_271 : i32
      %add3A_273 = arith.constant 4 : i32
      %add3A_274 = arith.addi %mul3A_272, %add3A_273 : i32
      %mul3A_275 = arith.constant 16 : i32
      %mul3A_276 = arith.muli %add3A_274, %mul3A_275 : i32
      %get3A_277 = arith.index_cast %mul3A_276 : i32 to index
      %get3A_278 = tpu.vector_load %arg8[%get3A_277] {strides = array<i32>} : memref<16384xf32, #tpu.memory_space<vmem>>, vector<16xf32>,
      %get3A_279 = arith.index_cast %mul3A_276 : i32 to index
      %get3A_280 = tpu.vector_load %arg9[%get3A_279] {strides = array<i32>} : memref<16384xi32, #tpu.memory_space<vmem>>, vector<16xi32>,
      %eq3A_281 = arith.constant 1 : i32
      %eq3A_282 = vector.broadcast %eq3A_281 : i32 to vector<16xi32>
      %eq3A_283 = arith.cmpi eq, %get3A_280, %eq3A_282 : vector<16xi32>
      %select_n3A_284 = arith.select %eq3A_283, %broadcast_in_dim3A_5, %broadcast_in_dim3A_3 : vector<16xi1>, vector<16xi32>
      %broadcast_in_dim3A_285 = arith.constant true
      %broadcast_in_dim3A_286 = vector.broadcast %broadcast_in_dim3A_285 : i1 to vector<16xi1>
      %masked_cumsum3A_287 = tpu.scan <sum>, %select_n3A_284 masked %broadcast_in_dim3A_286 : vector<16xi32>, vector<16xi1> -> vector<16xi32>
      %all_reduce_population_count3A_288 = tpu.all_reduce %eq3A_283 {dim = 0 : i64, kind = #tpu.reduction_kind<sum>} : vector<16xi1> -> vector<16xi32>
      %sub3A_289 = arith.subi %masked_cumsum3A_287, %select_n3A_284 : vector<16xi32>
      %add3A_290 = arith.addi %add3A_266, %sub3A_289 : vector<16xi32>
      %add3A_291 = arith.constant 16384 : i32
      %add3A_292 = vector.broadcast %add3A_291 : i32 to vector<16xi32>
      %add3A_293 = arith.addi %add3A_292, %iota3A : vector<16xi32>
      %select_n3A_294 = arith.select %eq3A_283, %add3A_290, %add3A_293 : vector<16xi1>, vector<16xi32>
      %add3A_295 = arith.constant 16384 : i32
      %add3A_296 = vector.broadcast %add3A_295 : i32 to vector<16xi32>
      %add3A_297 = arith.addi %add3A_296, %iota3A : vector<16xi32>
      %add3A_298 = arith.addi %add3A_270, %iota3A : vector<16xi32>
      %sub3A_299 = arith.subi %add3A_298, %sub3A_289 : vector<16xi32>
      %select_n3A_300 = arith.select %eq3A_283, %add3A_297, %sub3A_299 : vector<16xi1>, vector<16xi32>
      tpu.vector_store_idx %arg10[%select_n3A_294], %get3A_278 : memref<16400xf32, #tpu.memory_space<vmem>>[vector<16xi32>], vector<16xf32>,
      tpu.vector_store_idx %arg11[%select_n3A_300], %get3A_278 : memref<16400xf32, #tpu.memory_space<vmem>>[vector<16xi32>], vector<16xf32>,
      %add3A_301 = arith.addi %add3A_266, %all_reduce_population_count3A_288 : vector<16xi32>
      %sub3A_302 = arith.constant 16 : i32
      %sub3A_303 = vector.broadcast %sub3A_302 : i32 to vector<16xi32>
      %sub3A_304 = arith.subi %sub3A_303, %all_reduce_population_count3A_288 : vector<16xi32>
      %add3A_305 = arith.addi %add3A_270, %sub3A_304 : vector<16xi32>
      %mul3A_306 = arith.constant 8 : i32
      %mul3A_307 = arith.muli %scan3A_132, %mul3A_306 : i32
      %add3A_308 = arith.constant 5 : i32
      %add3A_309 = arith.addi %mul3A_307, %add3A_308 : i32
      %mul3A_310 = arith.constant 16 : i32
      %mul3A_311 = arith.muli %add3A_309, %mul3A_310 : i32
      %get3A_312 = arith.index_cast %mul3A_311 : i32 to index
      %get3A_313 = tpu.vector_load %arg8[%get3A_312] {strides = array<i32>} : memref<16384xf32, #tpu.memory_space<vmem>>, vector<16xf32>,
      %get3A_314 = arith.index_cast %mul3A_311 : i32 to index
      %get3A_315 = tpu.vector_load %arg9[%get3A_314] {strides = array<i32>} : memref<16384xi32, #tpu.memory_space<vmem>>, vector<16xi32>,
      %eq3A_316 = arith.constant 1 : i32
      %eq3A_317 = vector.broadcast %eq3A_316 : i32 to vector<16xi32>
      %eq3A_318 = arith.cmpi eq, %get3A_315, %eq3A_317 : vector<16xi32>
      %select_n3A_319 = arith.select %eq3A_318, %broadcast_in_dim3A_5, %broadcast_in_dim3A_3 : vector<16xi1>, vector<16xi32>
      %broadcast_in_dim3A_320 = arith.constant true
      %broadcast_in_dim3A_321 = vector.broadcast %broadcast_in_dim3A_320 : i1 to vector<16xi1>
      %masked_cumsum3A_322 = tpu.scan <sum>, %select_n3A_319 masked %broadcast_in_dim3A_321 : vector<16xi32>, vector<16xi1> -> vector<16xi32>
      %all_reduce_population_count3A_323 = tpu.all_reduce %eq3A_318 {dim = 0 : i64, kind = #tpu.reduction_kind<sum>} : vector<16xi1> -> vector<16xi32>
      %sub3A_324 = arith.subi %masked_cumsum3A_322, %select_n3A_319 : vector<16xi32>
      %add3A_325 = arith.addi %add3A_301, %sub3A_324 : vector<16xi32>
      %add3A_326 = arith.constant 16384 : i32
      %add3A_327 = vector.broadcast %add3A_326 : i32 to vector<16xi32>
      %add3A_328 = arith.addi %add3A_327, %iota3A : vector<16xi32>
      %select_n3A_329 = arith.select %eq3A_318, %add3A_325, %add3A_328 : vector<16xi1>, vector<16xi32>
      %add3A_330 = arith.constant 16384 : i32
      %add3A_331 = vector.broadcast %add3A_330 : i32 to vector<16xi32>
      %add3A_332 = arith.addi %add3A_331, %iota3A : vector<16xi32>
      %add3A_333 = arith.addi %add3A_305, %iota3A : vector<16xi32>
      %sub3A_334 = arith.subi %add3A_333, %sub3A_324 : vector<16xi32>
      %select_n3A_335 = arith.select %eq3A_318, %add3A_332, %sub3A_334 : vector<16xi1>, vector<16xi32>
      tpu.vector_store_idx %arg10[%select_n3A_329], %get3A_313 : memref<16400xf32, #tpu.memory_space<vmem>>[vector<16xi32>], vector<16xf32>,
      tpu.vector_store_idx %arg11[%select_n3A_335], %get3A_313 : memref<16400xf32, #tpu.memory_space<vmem>>[vector<16xi32>], vector<16xf32>,
      %add3A_336 = arith.addi %add3A_301, %all_reduce_population_count3A_323 : vector<16xi32>
      %sub3A_337 = arith.constant 16 : i32
      %sub3A_338 = vector.broadcast %sub3A_337 : i32 to vector<16xi32>
      %sub3A_339 = arith.subi %sub3A_338, %all_reduce_population_count3A_323 : vector<16xi32>
      %add3A_340 = arith.addi %add3A_305, %sub3A_339 : vector<16xi32>
      %mul3A_341 = arith.constant 8 : i32
      %mul3A_342 = arith.muli %scan3A_132, %mul3A_341 : i32
      %add3A_343 = arith.constant 6 : i32
      %add3A_344 = arith.addi %mul3A_342, %add3A_343 : i32
      %mul3A_345 = arith.constant 16 : i32
      %mul3A_346 = arith.muli %add3A_344, %mul3A_345 : i32
      %get3A_347 = arith.index_cast %mul3A_346 : i32 to index
      %get3A_348 = tpu.vector_load %arg8[%get3A_347] {strides = array<i32>} : memref<16384xf32, #tpu.memory_space<vmem>>, vector<16xf32>,
      %get3A_349 = arith.index_cast %mul3A_346 : i32 to index
      %get3A_350 = tpu.vector_load %arg9[%get3A_349] {strides = array<i32>} : memref<16384xi32, #tpu.memory_space<vmem>>, vector<16xi32>,
      %eq3A_351 = arith.constant 1 : i32
      %eq3A_352 = vector.broadcast %eq3A_351 : i32 to vector<16xi32>
      %eq3A_353 = arith.cmpi eq, %get3A_350, %eq3A_352 : vector<16xi32>
      %select_n3A_354 = arith.select %eq3A_353, %broadcast_in_dim3A_5, %broadcast_in_dim3A_3 : vector<16xi1>, vector<16xi32>
      %broadcast_in_dim3A_355 = arith.constant true
      %broadcast_in_dim3A_356 = vector.broadcast %broadcast_in_dim3A_355 : i1 to vector<16xi1>
      %masked_cumsum3A_357 = tpu.scan <sum>, %select_n3A_354 masked %broadcast_in_dim3A_356 : vector<16xi32>, vector<16xi1> -> vector<16xi32>
      %all_reduce_population_count3A_358 = tpu.all_reduce %eq3A_353 {dim = 0 : i64, kind = #tpu.reduction_kind<sum>} : vector<16xi1> -> vector<16xi32>
      %sub3A_359 = arith.subi %masked_cumsum3A_357, %select_n3A_354 : vector<16xi32>
      %add3A_360 = arith.addi %add3A_336, %sub3A_359 : vector<16xi32>
      %add3A_361 = arith.constant 16384 : i32
      %add3A_362 = vector.broadcast %add3A_361 : i32 to vector<16xi32>
      %add3A_363 = arith.addi %add3A_362, %iota3A : vector<16xi32>
      %select_n3A_364 = arith.select %eq3A_353, %add3A_360, %add3A_363 : vector<16xi1>, vector<16xi32>
      %add3A_365 = arith.constant 16384 : i32
      %add3A_366 = vector.broadcast %add3A_365 : i32 to vector<16xi32>
      %add3A_367 = arith.addi %add3A_366, %iota3A : vector<16xi32>
      %add3A_368 = arith.addi %add3A_340, %iota3A : vector<16xi32>
      %sub3A_369 = arith.subi %add3A_368, %sub3A_359 : vector<16xi32>
      %select_n3A_370 = arith.select %eq3A_353, %add3A_367, %sub3A_369 : vector<16xi1>, vector<16xi32>
      tpu.vector_store_idx %arg10[%select_n3A_364], %get3A_348 : memref<16400xf32, #tpu.memory_space<vmem>>[vector<16xi32>], vector<16xf32>,
      tpu.vector_store_idx %arg11[%select_n3A_370], %get3A_348 : memref<16400xf32, #tpu.memory_space<vmem>>[vector<16xi32>], vector<16xf32>,
      %add3A_371 = arith.addi %add3A_336, %all_reduce_population_count3A_358 : vector<16xi32>
      %sub3A_372 = arith.constant 16 : i32
      %sub3A_373 = vector.broadcast %sub3A_372 : i32 to vector<16xi32>
      %sub3A_374 = arith.subi %sub3A_373, %all_reduce_population_count3A_358 : vector<16xi32>
      %add3A_375 = arith.addi %add3A_340, %sub3A_374 : vector<16xi32>
      %mul3A_376 = arith.constant 8 : i32
      %mul3A_377 = arith.muli %scan3A_132, %mul3A_376 : i32
      %add3A_378 = arith.constant 7 : i32
      %add3A_379 = arith.addi %mul3A_377, %add3A_378 : i32
      %mul3A_380 = arith.constant 16 : i32
      %mul3A_381 = arith.muli %add3A_379, %mul3A_380 : i32
      %get3A_382 = arith.index_cast %mul3A_381 : i32 to index
      %get3A_383 = tpu.vector_load %arg8[%get3A_382] {strides = array<i32>} : memref<16384xf32, #tpu.memory_space<vmem>>, vector<16xf32>,
      %get3A_384 = arith.index_cast %mul3A_381 : i32 to index
      %get3A_385 = tpu.vector_load %arg9[%get3A_384] {strides = array<i32>} : memref<16384xi32, #tpu.memory_space<vmem>>, vector<16xi32>,
      %eq3A_386 = arith.constant 1 : i32
      %eq3A_387 = vector.broadcast %eq3A_386 : i32 to vector<16xi32>
      %eq3A_388 = arith.cmpi eq, %get3A_385, %eq3A_387 : vector<16xi32>
      %select_n3A_389 = arith.select %eq3A_388, %broadcast_in_dim3A_5, %broadcast_in_dim3A_3 : vector<16xi1>, vector<16xi32>
      %broadcast_in_dim3A_390 = arith.constant true
      %broadcast_in_dim3A_391 = vector.broadcast %broadcast_in_dim3A_390 : i1 to vector<16xi1>
      %masked_cumsum3A_392 = tpu.scan <sum>, %select_n3A_389 masked %broadcast_in_dim3A_391 : vector<16xi32>, vector<16xi1> -> vector<16xi32>
      %all_reduce_population_count3A_393 = tpu.all_reduce %eq3A_388 {dim = 0 : i64, kind = #tpu.reduction_kind<sum>} : vector<16xi1> -> vector<16xi32>
      %sub3A_394 = arith.subi %masked_cumsum3A_392, %select_n3A_389 : vector<16xi32>
      %add3A_395 = arith.addi %add3A_371, %sub3A_394 : vector<16xi32>
      %add3A_396 = arith.constant 16384 : i32
      %add3A_397 = vector.broadcast %add3A_396 : i32 to vector<16xi32>
      %add3A_398 = arith.addi %add3A_397, %iota3A : vector<16xi32>
      %select_n3A_399 = arith.select %eq3A_388, %add3A_395, %add3A_398 : vector<16xi1>, vector<16xi32>
      %add3A_400 = arith.constant 16384 : i32
      %add3A_401 = vector.broadcast %add3A_400 : i32 to vector<16xi32>
      %add3A_402 = arith.addi %add3A_401, %iota3A : vector<16xi32>
      %add3A_403 = arith.addi %add3A_375, %iota3A : vector<16xi32>
      %sub3A_404 = arith.subi %add3A_403, %sub3A_394 : vector<16xi32>
      %select_n3A_405 = arith.select %eq3A_388, %add3A_402, %sub3A_404 : vector<16xi1>, vector<16xi32>
      tpu.vector_store_idx %arg10[%select_n3A_399], %get3A_383 : memref<16400xf32, #tpu.memory_space<vmem>>[vector<16xi32>], vector<16xf32>,
      tpu.vector_store_idx %arg11[%select_n3A_405], %get3A_383 : memref<16400xf32, #tpu.memory_space<vmem>>[vector<16xi32>], vector<16xf32>,
      %add3A_406 = arith.addi %add3A_371, %all_reduce_population_count3A_393 : vector<16xi32>
      %sub3A_407 = arith.constant 16 : i32
      %sub3A_408 = vector.broadcast %sub3A_407 : i32 to vector<16xi32>
      %sub3A_409 = arith.subi %sub3A_408, %all_reduce_population_count3A_393 : vector<16xi32>
      %add3A_410 = arith.addi %add3A_375, %sub3A_409 : vector<16xi32>
      scf.yield %add3A_406, %add3A_410 : vector<16xi32>, vector<16xi32>
    }
    %scan3A_45 = arith.constant 128 : i32
    %reduce_max3A = arith.constant true
    %reduce_max3A_46 = vector.broadcast %reduce_max3A : i1 to vector<16xi1>
    %reduce_max3A_47 = arith.constant -2147483648 : i32
    %reduce_max3A_48 = vector.broadcast %reduce_max3A_47 : i32 to vector<16xi32>
    %reduce_max3A_49 = arith.xori %scan3A_44#0, %reduce_max3A_48 : vector<16xi32>
    %reduce_max3A_50 = tpu.scan <max>, %reduce_max3A_49 masked %reduce_max3A_46 : vector<16xi32>, vector<16xi1> -> vector<16xi32>
    %reduce_max3A_51 = arith.xori %reduce_max3A_50, %reduce_max3A_48 : vector<16xi32>
    %reduce_max3A_52 = vector.extract %reduce_max3A_51[15] : i32 from vector<16xi32>
    %reduce_max3A_53 = arith.constant true
    %reduce_max3A_54 = vector.broadcast %reduce_max3A_53 : i1 to vector<16xi1>
    %reduce_max3A_55 = arith.constant -2147483648 : i32
    %reduce_max3A_56 = vector.broadcast %reduce_max3A_55 : i32 to vector<16xi32>
    %reduce_max3A_57 = arith.xori %scan3A_44#1, %reduce_max3A_56 : vector<16xi32>
    %reduce_max3A_58 = tpu.scan <max>, %reduce_max3A_57 masked %reduce_max3A_54 : vector<16xi32>, vector<16xi1> -> vector<16xi32>
    %reduce_max3A_59 = arith.xori %reduce_max3A_58, %reduce_max3A_56 : vector<16xi32>
    %reduce_max3A_60 = vector.extract %reduce_max3A_59[15] : i32 from vector<16xi32>
    %max3A = arith.constant 1 : i32
    %max3A_61 = arith.maxsi %reduce_max3A_60, %max3A : i32
    %jit3A = arith.constant 65536 : i32
    %eq3A = arith.constant 0 : i32
    %eq3A_62 = arith.cmpi eq, %max3A_61, %eq3A : i32
    %jit3A_63 = arith.constant 1 : i32
    %select_n3A = arith.select %eq3A_62, %jit3A_63, %max3A_61 : i32
    %rem3A = arith.remui %jit3A, %select_n3A : i32
    %ne3A = arith.constant 0 : i32
    %ne3A_64 = arith.cmpi ne, %rem3A, %ne3A : i32
    %lt3A = arith.constant 0 : i32
    %lt3A_65 = arith.cmpi ult, %rem3A, %lt3A : i32
    %lt3A_66 = arith.constant 0 : i32
    %lt3A_67 = arith.cmpi ult, %select_n3A, %lt3A_66 : i32
    %ne3A_68 = arith.xori %lt3A_65, %lt3A_67 : i1
    %and3A = arith.andi %ne3A_68, %ne3A_64 : i1
    %add3A_69 = arith.addi %rem3A, %select_n3A : i32
    %select_n3A_70 = arith.select %and3A, %add3A_69, %rem3A : i32
    %mul3A_71 = arith.muli %select_n3A_70, %select_n3A_70 : i32
    %eq3A_72 = arith.constant 0 : i32
    %eq3A_73 = arith.cmpi eq, %max3A_61, %eq3A_72 : i32
    %jit3A_74 = arith.constant 1 : i32
    %select_n3A_75 = arith.select %eq3A_73, %jit3A_74, %max3A_61 : i32
    %rem3A_76 = arith.remui %mul3A_71, %select_n3A_75 : i32
    %ne3A_77 = arith.constant 0 : i32
    %ne3A_78 = arith.cmpi ne, %rem3A_76, %ne3A_77 : i32
    %lt3A_79 = arith.constant 0 : i32
    %lt3A_80 = arith.cmpi ult, %rem3A_76, %lt3A_79 : i32
    %lt3A_81 = arith.constant 0 : i32
    %lt3A_82 = arith.cmpi ult, %select_n3A_75, %lt3A_81 : i32
    %ne3A_83 = arith.xori %lt3A_80, %lt3A_82 : i1
    %and3A_84 = arith.andi %ne3A_83, %ne3A_78 : i1
    %add3A_85 = arith.addi %rem3A_76, %select_n3A_75 : i32
    %select_n3A_86 = arith.select %and3A_84, %add3A_85, %rem3A_76 : i32
    %broadcast_in_dim3A_87 = arith.constant 0.000000e+00 : f32
    %broadcast_in_dim3A_88 = vector.broadcast %broadcast_in_dim3A_87 : f32 to vector<16xf32>
    %scan3A_89 = arith.constant 0 : i32
    %scan3A_90 = arith.constant 2 : i32
    %scan3A_91 = arith.addi %scan3A_89, %scan3A_90 : i32
    %scan3A_92 = arith.constant 1 : i32
    %scan3A_93 = scf.for %scan3A_132 = %scan3A_89 to %scan3A_91 step %scan3A_92 iter_args(%scan3A_133 = %broadcast_in_dim3A_88) -> (vector<16xf32>)  : i32 {
      %mul3A_134 = arith.constant 2 : i32
      %mul3A_135 = arith.muli %mul3A_134, %scan3A_132 : i32
      %dma_wait3A_136 = arith.constant 0 : i32
      %dma_wait3A_137 = tpu.memref_slice %arg12[%dma_wait3A_136] : memref<6528xi32, #tpu.memory_space<vmem>> -> memref<6400xi32, #tpu.memory_space<vmem>>
      %dma_wait3A_138 = arith.constant 0 : i32
      %dma_wait3A_139 = tpu.memref_slice %arg4[%dma_wait3A_138] : memref<832000xi32, #tpu.memory_space<hbm>> -> memref<6400xi32, #tpu.memory_space<hbm>>
      %dma_wait3A_140 = arith.constant 0 : i32
      %dma_wait3A_141 = tpu.memref_slice %arg12[%dma_wait3A_140] : memref<6528xi32, #tpu.memory_space<vmem>> -> memref<6400xi32, #tpu.memory_space<vmem>>
      %dma_wait3A_142 = arith.constant 0 : i32
      %dma_wait3A_143 = tpu.memref_slice %arg4[%dma_wait3A_142] : memref<832000xi32, #tpu.memory_space<hbm>> -> memref<6400xi32, #tpu.memory_space<hbm>>
      tpu.wait_dma2 semaphore(%arg20 : memref<!tpu.dma_semaphore, #tpu.memory_space<semaphore_mem>>) src(%dma_wait3A_143 : memref<6400xi32, #tpu.memory_space<hbm>>) dst(%dma_wait3A_141 : memref<6400xi32, #tpu.memory_space<vmem>>)
      %dma_wait3A_144 = arith.constant 0 : i32
      %dma_wait3A_145 = tpu.memref_slice %arg13[%dma_wait3A_144] : memref<6528xi32, #tpu.memory_space<vmem>> -> memref<6400xi32, #tpu.memory_space<vmem>>
      %dma_wait3A_146 = arith.constant 0 : i32
      %dma_wait3A_147 = tpu.memref_slice %arg5[%dma_wait3A_146] : memref<832000xi32, #tpu.memory_space<hbm>> -> memref<6400xi32, #tpu.memory_space<hbm>>
      %dma_wait3A_148 = arith.constant 0 : i32
      %dma_wait3A_149 = tpu.memref_slice %arg13[%dma_wait3A_148] : memref<6528xi32, #tpu.memory_space<vmem>> -> memref<6400xi32, #tpu.memory_space<vmem>>
      %dma_wait3A_150 = arith.constant 0 : i32
      %dma_wait3A_151 = tpu.memref_slice %arg5[%dma_wait3A_150] : memref<832000xi32, #tpu.memory_space<hbm>> -> memref<6400xi32, #tpu.memory_space<hbm>>
      tpu.wait_dma2 semaphore(%arg21 : memref<!tpu.dma_semaphore, #tpu.memory_space<semaphore_mem>>) src(%dma_wait3A_151 : memref<6400xi32, #tpu.memory_space<hbm>>) dst(%dma_wait3A_149 : memref<6400xi32, #tpu.memory_space<vmem>>)
      %mul3A_152 = arith.constant 128 : i32
      %mul3A_153 = arith.muli %mul3A_135, %mul3A_152 : i32
      %add3A_154 = arith.addi %mul3A_2, %mul3A_153 : i32
      %lt3A_155 = arith.cmpi slt, %add3A_154, %reduce_max3A_52 : i32
      %convert_element_type3A_156 = arith.extui %lt3A_155 : i1 to i32
      %cond3A_157 = arith.constant 0 : i32
      %cond3A_158 = arith.cmpi ne, %convert_element_type3A_156, %cond3A_157 : i32
      %cond3A_159 = scf.if %cond3A_158 -> (vector<16xf32>) {
        %scan3A_220 = arith.constant 0 : i32
        %scan3A_221 = arith.constant 8 : i32
        %scan3A_222 = arith.addi %scan3A_220, %scan3A_221 : i32
        %scan3A_223 = arith.constant 1 : i32
        %scan3A_224 = scf.for %scan3A_226 = %scan3A_220 to %scan3A_222 step %scan3A_223 iter_args(%scan3A_227 = %scan3A_133) -> (vector<16xf32>)  : i32 {
          %mul3A_228 = arith.constant 16 : i32
          %mul3A_229 = arith.muli %scan3A_226, %mul3A_228 : i32
          %add3A_230 = arith.addi %add3A_154, %mul3A_229 : i32
          %get3A = arith.index_cast %add3A_230 : i32 to index
          %get3A_231 = tpu.vector_load %arg10[%get3A] {strides = array<i32>} : memref<16400xf32, #tpu.memory_space<vmem>>, vector<16xf32>,
          %add3A_232 = vector.broadcast %add3A_230 : i32 to vector<16xi32>
          %add3A_233 = arith.addi %add3A_232, %iota3A : vector<16xi32>
          %ge3A = vector.broadcast %reduce_max3A_52 : i32 to vector<16xi32>
          %ge3A_234 = arith.cmpi sge, %add3A_233, %ge3A : vector<16xi32>
          %select_n3A_235 = arith.select %ge3A_234, %broadcast_in_dim3A_5, %broadcast_in_dim3A_3 : vector<16xi1>, vector<16xi32>
          %mul3A_236 = arith.constant 800 : i32
          %mul3A_237 = arith.muli %scan3A_226, %mul3A_236 : i32
          %broadcast_in_dim3A_238 = arith.constant -1 : i32
          %broadcast_in_dim3A_239 = vector.broadcast %broadcast_in_dim3A_238 : i32 to vector<16xi32>
          %broadcast_in_dim3A_240 = arith.constant 0.000000e+00 : f32
          %broadcast_in_dim3A_241 = vector.broadcast %broadcast_in_dim3A_240 : f32 to vector<16xf32>
          %while3A = arith.constant 0 : i32
          %while3A_242:4 = scf.while (%while3A_298 = %while3A, %while3A_299 = %select_n3A_235, %while3A_300 = %broadcast_in_dim3A_239, %while3A_301 = %broadcast_in_dim3A_241) : (i32, vector<16xi32>, vector<16xi32>, vector<16xf32>) -> (i32, vector<16xi32>, vector<16xi32>, vector<16xf32>) {
            %lt3A_302 = arith.constant 50 : i32
            %lt3A_303 = arith.cmpi slt, %while3A_298, %lt3A_302 : i32
            %reduce_min3A = arith.constant true
            %reduce_min3A_304 = vector.broadcast %reduce_min3A : i1 to vector<16xi1>
            %reduce_min3A_305 = arith.constant -2147483648 : i32
            %reduce_min3A_306 = vector.broadcast %reduce_min3A_305 : i32 to vector<16xi32>
            %reduce_min3A_307 = arith.xori %while3A_299, %reduce_min3A_306 : vector<16xi32>
            %reduce_min3A_308 = tpu.scan <min>, %reduce_min3A_307 masked %reduce_min3A_304 : vector<16xi32>, vector<16xi1> -> vector<16xi32>
            %reduce_min3A_309 = arith.xori %reduce_min3A_308, %reduce_min3A_306 : vector<16xi32>
            %reduce_min3A_310 = vector.extract %reduce_min3A_309[15] : i32 from vector<16xi32>
            %eq3A_311 = arith.constant 0 : i32
            %eq3A_312 = arith.cmpi eq, %reduce_min3A_310, %eq3A_311 : i32
            %and3A_313 = arith.andi %lt3A_303, %eq3A_312 : i1
            scf.condition(%and3A_313) %while3A_298, %while3A_299, %while3A_300, %while3A_301 : i32, vector<16xi32>, vector<16xi32>, vector<16xf32>
          } do {
          ^bb0(%while3A_298: i32, %while3A_299: vector<16xi32>, %while3A_300: vector<16xi32>, %while3A_301: vector<16xf32>):
            %add3A_302 = arith.constant 0 : i32
            %add3A_303 = arith.addi %while3A_298, %add3A_302 : i32
            %mul3A_304 = arith.constant 16 : i32
            %mul3A_305 = arith.muli %add3A_303, %mul3A_304 : i32
            %add3A_306 = arith.addi %mul3A_237, %mul3A_305 : i32
            %get3A_307 = arith.index_cast %add3A_306 : i32 to index
            %get3A_308 = tpu.vector_load %arg12[%get3A_307] {strides = array<i32>} : memref<6528xi32, #tpu.memory_space<vmem>>, vector<16xi32>,
            %bitcast3A = vector.bitcast %get3A_308 : vector<16xi32> to vector<16xi32>
            %mul3A_309 = arith.constant 16 : i32
            %mul3A_310 = arith.muli %add3A_303, %mul3A_309 : i32
            %add3A_311 = arith.addi %mul3A_237, %mul3A_310 : i32
            %get3A_312 = arith.index_cast %add3A_311 : i32 to index
            %get3A_313 = tpu.vector_load %arg13[%get3A_312] {strides = array<i32>} : memref<6528xi32, #tpu.memory_space<vmem>>, vector<16xi32>,
            %bitcast3A_314 = vector.bitcast %get3A_313 : vector<16xi32> to vector<16xi32>
            %eq3A_315 = arith.constant 0 : i32
            %eq3A_316 = arith.cmpi eq, %max3A_61, %eq3A_315 : i32
            %jit3A_317 = arith.constant 1 : i32
            %select_n3A_318 = arith.select %eq3A_316, %jit3A_317, %max3A_61 : i32
            %rem3A_319 = vector.broadcast %select_n3A_318 : i32 to vector<16xi32>
            %rem3A_320 = arith.remui %bitcast3A, %rem3A_319 : vector<16xi32>
            %ne3A_321 = arith.constant 0 : i32
            %ne3A_322 = vector.broadcast %ne3A_321 : i32 to vector<16xi32>
            %ne3A_323 = arith.cmpi ne, %rem3A_320, %ne3A_322 : vector<16xi32>
            %lt3A_324 = arith.constant 0 : i32
            %lt3A_325 = vector.broadcast %lt3A_324 : i32 to vector<16xi32>
            %lt3A_326 = arith.cmpi ult, %rem3A_320, %lt3A_325 : vector<16xi32>
            %lt3A_327 = arith.constant 0 : i32
            %lt3A_328 = arith.cmpi ult, %select_n3A_318, %lt3A_327 : i32
            %ne3A_329 = vector.broadcast %lt3A_328 : i1 to vector<16xi1>
            %ne3A_330 = vector.broadcast %ne3A_329 : vector<16xi1> to vector<16xi1>
            %ne3A_331 = arith.xori %lt3A_326, %ne3A_330 : vector<16xi1>
            %and3A_332 = arith.andi %ne3A_331, %ne3A_323 : vector<16xi1>
            %add3A_333 = vector.broadcast %select_n3A_318 : i32 to vector<16xi32>
            %add3A_334 = arith.addi %rem3A_320, %add3A_333 : vector<16xi32>
            %select_n3A_335 = arith.select %and3A_332, %add3A_334, %rem3A_320 : vector<16xi1>, vector<16xi32>
            %mul3A_336 = vector.broadcast %select_n3A_86 : i32 to vector<16xi32>
            %mul3A_337 = arith.muli %select_n3A_335, %mul3A_336 : vector<16xi32>
            %eq3A_338 = arith.constant 0 : i32
            %eq3A_339 = arith.cmpi eq, %max3A_61, %eq3A_338 : i32
            %jit3A_340 = arith.constant 1 : i32
            %select_n3A_341 = arith.select %eq3A_339, %jit3A_340, %max3A_61 : i32
            %rem3A_342 = vector.broadcast %select_n3A_341 : i32 to vector<16xi32>
            %rem3A_343 = arith.remui %bitcast3A_314, %rem3A_342 : vector<16xi32>
            %ne3A_344 = arith.constant 0 : i32
            %ne3A_345 = vector.broadcast %ne3A_344 : i32 to vector<16xi32>
            %ne3A_346 = arith.cmpi ne, %rem3A_343, %ne3A_345 : vector<16xi32>
            %lt3A_347 = arith.constant 0 : i32
            %lt3A_348 = vector.broadcast %lt3A_347 : i32 to vector<16xi32>
            %lt3A_349 = arith.cmpi ult, %rem3A_343, %lt3A_348 : vector<16xi32>
            %lt3A_350 = arith.constant 0 : i32
            %lt3A_351 = arith.cmpi ult, %select_n3A_341, %lt3A_350 : i32
            %ne3A_352 = vector.broadcast %lt3A_351 : i1 to vector<16xi1>
            %ne3A_353 = vector.broadcast %ne3A_352 : vector<16xi1> to vector<16xi1>
            %ne3A_354 = arith.xori %lt3A_349, %ne3A_353 : vector<16xi1>
            %and3A_355 = arith.andi %ne3A_354, %ne3A_346 : vector<16xi1>
            %add3A_356 = vector.broadcast %select_n3A_341 : i32 to vector<16xi32>
            %add3A_357 = arith.addi %rem3A_343, %add3A_356 : vector<16xi32>
            %select_n3A_358 = arith.select %and3A_355, %add3A_357, %rem3A_343 : vector<16xi1>, vector<16xi32>
            %add3A_359 = arith.addi %mul3A_337, %select_n3A_358 : vector<16xi32>
            %eq3A_360 = arith.constant 0 : i32
            %eq3A_361 = arith.cmpi eq, %max3A_61, %eq3A_360 : i32
            %jit3A_362 = arith.constant 1 : i32
            %select_n3A_363 = arith.select %eq3A_361, %jit3A_362, %max3A_61 : i32
            %rem3A_364 = vector.broadcast %select_n3A_363 : i32 to vector<16xi32>
            %rem3A_365 = arith.remui %add3A_359, %rem3A_364 : vector<16xi32>
            %ne3A_366 = arith.constant 0 : i32
            %ne3A_367 = vector.broadcast %ne3A_366 : i32 to vector<16xi32>
            %ne3A_368 = arith.cmpi ne, %rem3A_365, %ne3A_367 : vector<16xi32>
            %lt3A_369 = arith.constant 0 : i32
            %lt3A_370 = vector.broadcast %lt3A_369 : i32 to vector<16xi32>
            %lt3A_371 = arith.cmpi ult, %rem3A_365, %lt3A_370 : vector<16xi32>
            %lt3A_372 = arith.constant 0 : i32
            %lt3A_373 = arith.cmpi ult, %select_n3A_363, %lt3A_372 : i32
            %ne3A_374 = vector.broadcast %lt3A_373 : i1 to vector<16xi1>
            %ne3A_375 = vector.broadcast %ne3A_374 : vector<16xi1> to vector<16xi1>
            %ne3A_376 = arith.xori %lt3A_371, %ne3A_375 : vector<16xi1>
            %and3A_377 = arith.andi %ne3A_376, %ne3A_368 : vector<16xi1>
            %add3A_378 = vector.broadcast %select_n3A_363 : i32 to vector<16xi32>
            %add3A_379 = arith.addi %rem3A_365, %add3A_378 : vector<16xi32>
            %select_n3A_380 = arith.select %and3A_377, %add3A_379, %rem3A_365 : vector<16xi1>, vector<16xi32>
            %gather3A_381 = tpu.vector_load_idx %arg11[%select_n3A_380] : memref<16400xf32, #tpu.memory_space<vmem>>[vector<16xi32>], vector<16xf32>,
            %add3A_382 = arith.constant 1.000000e+00 : f32
            %add3A_383 = vector.broadcast %add3A_382 : f32 to vector<16xf32>
            %add3A_384 = arith.addf %gather3A_381, %add3A_383 : vector<16xf32>
            %gt3A = arith.cmpf ogt, %add3A_384, %get3A_231 : vector<16xf32>
            %eq3A_385 = arith.constant 0 : i32
            %eq3A_386 = vector.broadcast %eq3A_385 : i32 to vector<16xi32>
            %eq3A_387 = arith.cmpi eq, %while3A_299, %eq3A_386 : vector<16xi32>
            %and3A_388 = arith.andi %gt3A, %eq3A_387 : vector<16xi1>
            %lt3A_389 = arith.constant 50 : i32
            %lt3A_390 = arith.cmpi slt, %add3A_303, %lt3A_389 : i32
            %and3A_391 = vector.broadcast %lt3A_390 : i1 to vector<16xi1>
            %and3A_392 = arith.andi %and3A_388, %and3A_391 : vector<16xi1>
            %broadcast_in_dim3A_393 = vector.broadcast %add3A_303 : i32 to vector<16xi32>
            %select_n3A_394 = arith.select %and3A_392, %broadcast_in_dim3A_393, %while3A_300 : vector<16xi1>, vector<16xi32>
            %select_n3A_395 = arith.select %and3A_392, %gather3A_381, %while3A_301 : vector<16xi1>, vector<16xf32>
            %select_n3A_396 = arith.select %gt3A, %broadcast_in_dim3A_5, %while3A_299 : vector<16xi1>, vector<16xi32>
            %add3A_397 = arith.constant 1 : i32
            %add3A_398 = arith.addi %while3A_298, %add3A_397 : i32
            %mul3A_399 = arith.constant 16 : i32
            %mul3A_400 = arith.muli %add3A_398, %mul3A_399 : i32
            %add3A_401 = arith.addi %mul3A_237, %mul3A_400 : i32
            %get3A_402 = arith.index_cast %add3A_401 : i32 to index
            %get3A_403 = tpu.vector_load %arg12[%get3A_402] {strides = array<i32>} : memref<6528xi32, #tpu.memory_space<vmem>>, vector<16xi32>,
            %bitcast3A_404 = vector.bitcast %get3A_403 : vector<16xi32> to vector<16xi32>
            %mul3A_405 = arith.constant 16 : i32
            %mul3A_406 = arith.muli %add3A_398, %mul3A_405 : i32
            %add3A_407 = arith.addi %mul3A_237, %mul3A_406 : i32
            %get3A_408 = arith.index_cast %add3A_407 : i32 to index
            %get3A_409 = tpu.vector_load %arg13[%get3A_408] {strides = array<i32>} : memref<6528xi32, #tpu.memory_space<vmem>>, vector<16xi32>,
            %bitcast3A_410 = vector.bitcast %get3A_409 : vector<16xi32> to vector<16xi32>
            %eq3A_411 = arith.constant 0 : i32
            %eq3A_412 = arith.cmpi eq, %max3A_61, %eq3A_411 : i32
            %jit3A_413 = arith.constant 1 : i32
            %select_n3A_414 = arith.select %eq3A_412, %jit3A_413, %max3A_61 : i32
            %rem3A_415 = vector.broadcast %select_n3A_414 : i32 to vector<16xi32>
            %rem3A_416 = arith.remui %bitcast3A_404, %rem3A_415 : vector<16xi32>
            %ne3A_417 = arith.constant 0 : i32
            %ne3A_418 = vector.broadcast %ne3A_417 : i32 to vector<16xi32>
            %ne3A_419 = arith.cmpi ne, %rem3A_416, %ne3A_418 : vector<16xi32>
            %lt3A_420 = arith.constant 0 : i32
            %lt3A_421 = vector.broadcast %lt3A_420 : i32 to vector<16xi32>
            %lt3A_422 = arith.cmpi ult, %rem3A_416, %lt3A_421 : vector<16xi32>
            %lt3A_423 = arith.constant 0 : i32
            %lt3A_424 = arith.cmpi ult, %select_n3A_414, %lt3A_423 : i32
            %ne3A_425 = vector.broadcast %lt3A_424 : i1 to vector<16xi1>
            %ne3A_426 = vector.broadcast %ne3A_425 : vector<16xi1> to vector<16xi1>
            %ne3A_427 = arith.xori %lt3A_422, %ne3A_426 : vector<16xi1>
            %and3A_428 = arith.andi %ne3A_427, %ne3A_419 : vector<16xi1>
            %add3A_429 = vector.broadcast %select_n3A_414 : i32 to vector<16xi32>
            %add3A_430 = arith.addi %rem3A_416, %add3A_429 : vector<16xi32>
            %select_n3A_431 = arith.select %and3A_428, %add3A_430, %rem3A_416 : vector<16xi1>, vector<16xi32>
            %mul3A_432 = vector.broadcast %select_n3A_86 : i32 to vector<16xi32>
            %mul3A_433 = arith.muli %select_n3A_431, %mul3A_432 : vector<16xi32>
            %eq3A_434 = arith.constant 0 : i32
            %eq3A_435 = arith.cmpi eq, %max3A_61, %eq3A_434 : i32
            %jit3A_436 = arith.constant 1 : i32
            %select_n3A_437 = arith.select %eq3A_435, %jit3A_436, %max3A_61 : i32
            %rem3A_438 = vector.broadcast %select_n3A_437 : i32 to vector<16xi32>
            %rem3A_439 = arith.remui %bitcast3A_410, %rem3A_438 : vector<16xi32>
            %ne3A_440 = arith.constant 0 : i32
            %ne3A_441 = vector.broadcast %ne3A_440 : i32 to vector<16xi32>
            %ne3A_442 = arith.cmpi ne, %rem3A_439, %ne3A_441 : vector<16xi32>
            %lt3A_443 = arith.constant 0 : i32
            %lt3A_444 = vector.broadcast %lt3A_443 : i32 to vector<16xi32>
            %lt3A_445 = arith.cmpi ult, %rem3A_439, %lt3A_444 : vector<16xi32>
            %lt3A_446 = arith.constant 0 : i32
            %lt3A_447 = arith.cmpi ult, %select_n3A_437, %lt3A_446 : i32
            %ne3A_448 = vector.broadcast %lt3A_447 : i1 to vector<16xi1>
            %ne3A_449 = vector.broadcast %ne3A_448 : vector<16xi1> to vector<16xi1>
            %ne3A_450 = arith.xori %lt3A_445, %ne3A_449 : vector<16xi1>
            %and3A_451 = arith.andi %ne3A_450, %ne3A_442 : vector<16xi1>
            %add3A_452 = vector.broadcast %select_n3A_437 : i32 to vector<16xi32>
            %add3A_453 = arith.addi %rem3A_439, %add3A_452 : vector<16xi32>
            %select_n3A_454 = arith.select %and3A_451, %add3A_453, %rem3A_439 : vector<16xi1>, vector<16xi32>
            %add3A_455 = arith.addi %mul3A_433, %select_n3A_454 : vector<16xi32>
            %eq3A_456 = arith.constant 0 : i32
            %eq3A_457 = arith.cmpi eq, %max3A_61, %eq3A_456 : i32
            %jit3A_458 = arith.constant 1 : i32
            %select_n3A_459 = arith.select %eq3A_457, %jit3A_458, %max3A_61 : i32
            %rem3A_460 = vector.broadcast %select_n3A_459 : i32 to vector<16xi32>
            %rem3A_461 = arith.remui %add3A_455, %rem3A_460 : vector<16xi32>
            %ne3A_462 = arith.constant 0 : i32
            %ne3A_463 = vector.broadcast %ne3A_462 : i32 to vector<16xi32>
            %ne3A_464 = arith.cmpi ne, %rem3A_461, %ne3A_463 : vector<16xi32>
            %lt3A_465 = arith.constant 0 : i32
            %lt3A_466 = vector.broadcast %lt3A_465 : i32 to vector<16xi32>
            %lt3A_467 = arith.cmpi ult, %rem3A_461, %lt3A_466 : vector<16xi32>
            %lt3A_468 = arith.constant 0 : i32
            %lt3A_469 = arith.cmpi ult, %select_n3A_459, %lt3A_468 : i32
            %ne3A_470 = vector.broadcast %lt3A_469 : i1 to vector<16xi1>
            %ne3A_471 = vector.broadcast %ne3A_470 : vector<16xi1> to vector<16xi1>
            %ne3A_472 = arith.xori %lt3A_467, %ne3A_471 : vector<16xi1>
            %and3A_473 = arith.andi %ne3A_472, %ne3A_464 : vector<16xi1>
            %add3A_474 = vector.broadcast %select_n3A_459 : i32 to vector<16xi32>
            %add3A_475 = arith.addi %rem3A_461, %add3A_474 : vector<16xi32>
            %select_n3A_476 = arith.select %and3A_473, %add3A_475, %rem3A_461 : vector<16xi1>, vector<16xi32>
            %gather3A_477 = tpu.vector_load_idx %arg11[%select_n3A_476] : memref<16400xf32, #tpu.memory_space<vmem>>[vector<16xi32>], vector<16xf32>,
            %add3A_478 = arith.constant 1.000000e+00 : f32
            %add3A_479 = vector.broadcast %add3A_478 : f32 to vector<16xf32>
            %add3A_480 = arith.addf %gather3A_477, %add3A_479 : vector<16xf32>
            %gt3A_481 = arith.cmpf ogt, %add3A_480, %get3A_231 : vector<16xf32>
            %eq3A_482 = arith.constant 0 : i32
            %eq3A_483 = vector.broadcast %eq3A_482 : i32 to vector<16xi32>
            %eq3A_484 = arith.cmpi eq, %select_n3A_396, %eq3A_483 : vector<16xi32>
            %and3A_485 = arith.andi %gt3A_481, %eq3A_484 : vector<16xi1>
            %lt3A_486 = arith.constant 50 : i32
            %lt3A_487 = arith.cmpi slt, %add3A_398, %lt3A_486 : i32
            %and3A_488 = vector.broadcast %lt3A_487 : i1 to vector<16xi1>
            %and3A_489 = arith.andi %and3A_485, %and3A_488 : vector<16xi1>
            %broadcast_in_dim3A_490 = vector.broadcast %add3A_398 : i32 to vector<16xi32>
            %select_n3A_491 = arith.select %and3A_489, %broadcast_in_dim3A_490, %select_n3A_394 : vector<16xi1>, vector<16xi32>
            %select_n3A_492 = arith.select %and3A_489, %gather3A_477, %select_n3A_395 : vector<16xi1>, vector<16xf32>
            %select_n3A_493 = arith.select %gt3A_481, %broadcast_in_dim3A_5, %select_n3A_396 : vector<16xi1>, vector<16xi32>
            %add3A_494 = arith.constant 2 : i32
            %add3A_495 = arith.addi %while3A_298, %add3A_494 : i32
            %mul3A_496 = arith.constant 16 : i32
            %mul3A_497 = arith.muli %add3A_495, %mul3A_496 : i32
            %add3A_498 = arith.addi %mul3A_237, %mul3A_497 : i32
            %get3A_499 = arith.index_cast %add3A_498 : i32 to index
            %get3A_500 = tpu.vector_load %arg12[%get3A_499] {strides = array<i32>} : memref<6528xi32, #tpu.memory_space<vmem>>, vector<16xi32>,
            %bitcast3A_501 = vector.bitcast %get3A_500 : vector<16xi32> to vector<16xi32>
            %mul3A_502 = arith.constant 16 : i32
            %mul3A_503 = arith.muli %add3A_495, %mul3A_502 : i32
            %add3A_504 = arith.addi %mul3A_237, %mul3A_503 : i32
            %get3A_505 = arith.index_cast %add3A_504 : i32 to index
            %get3A_506 = tpu.vector_load %arg13[%get3A_505] {strides = array<i32>} : memref<6528xi32, #tpu.memory_space<vmem>>, vector<16xi32>,
            %bitcast3A_507 = vector.bitcast %get3A_506 : vector<16xi32> to vector<16xi32>
            %eq3A_508 = arith.constant 0 : i32
            %eq3A_509 = arith.cmpi eq, %max3A_61, %eq3A_508 : i32
            %jit3A_510 = arith.constant 1 : i32
            %select_n3A_511 = arith.select %eq3A_509, %jit3A_510, %max3A_61 : i32
            %rem3A_512 = vector.broadcast %select_n3A_511 : i32 to vector<16xi32>
            %rem3A_513 = arith.remui %bitcast3A_501, %rem3A_512 : vector<16xi32>
            %ne3A_514 = arith.constant 0 : i32
            %ne3A_515 = vector.broadcast %ne3A_514 : i32 to vector<16xi32>
            %ne3A_516 = arith.cmpi ne, %rem3A_513, %ne3A_515 : vector<16xi32>
            %lt3A_517 = arith.constant 0 : i32
            %lt3A_518 = vector.broadcast %lt3A_517 : i32 to vector<16xi32>
            %lt3A_519 = arith.cmpi ult, %rem3A_513, %lt3A_518 : vector<16xi32>
            %lt3A_520 = arith.constant 0 : i32
            %lt3A_521 = arith.cmpi ult, %select_n3A_511, %lt3A_520 : i32
            %ne3A_522 = vector.broadcast %lt3A_521 : i1 to vector<16xi1>
            %ne3A_523 = vector.broadcast %ne3A_522 : vector<16xi1> to vector<16xi1>
            %ne3A_524 = arith.xori %lt3A_519, %ne3A_523 : vector<16xi1>
            %and3A_525 = arith.andi %ne3A_524, %ne3A_516 : vector<16xi1>
            %add3A_526 = vector.broadcast %select_n3A_511 : i32 to vector<16xi32>
            %add3A_527 = arith.addi %rem3A_513, %add3A_526 : vector<16xi32>
            %select_n3A_528 = arith.select %and3A_525, %add3A_527, %rem3A_513 : vector<16xi1>, vector<16xi32>
            %mul3A_529 = vector.broadcast %select_n3A_86 : i32 to vector<16xi32>
            %mul3A_530 = arith.muli %select_n3A_528, %mul3A_529 : vector<16xi32>
            %eq3A_531 = arith.constant 0 : i32
            %eq3A_532 = arith.cmpi eq, %max3A_61, %eq3A_531 : i32
            %jit3A_533 = arith.constant 1 : i32
            %select_n3A_534 = arith.select %eq3A_532, %jit3A_533, %max3A_61 : i32
            %rem3A_535 = vector.broadcast %select_n3A_534 : i32 to vector<16xi32>
            %rem3A_536 = arith.remui %bitcast3A_507, %rem3A_535 : vector<16xi32>
            %ne3A_537 = arith.constant 0 : i32
            %ne3A_538 = vector.broadcast %ne3A_537 : i32 to vector<16xi32>
            %ne3A_539 = arith.cmpi ne, %rem3A_536, %ne3A_538 : vector<16xi32>
            %lt3A_540 = arith.constant 0 : i32
            %lt3A_541 = vector.broadcast %lt3A_540 : i32 to vector<16xi32>
            %lt3A_542 = arith.cmpi ult, %rem3A_536, %lt3A_541 : vector<16xi32>
            %lt3A_543 = arith.constant 0 : i32
            %lt3A_544 = arith.cmpi ult, %select_n3A_534, %lt3A_543 : i32
            %ne3A_545 = vector.broadcast %lt3A_544 : i1 to vector<16xi1>
            %ne3A_546 = vector.broadcast %ne3A_545 : vector<16xi1> to vector<16xi1>
            %ne3A_547 = arith.xori %lt3A_542, %ne3A_546 : vector<16xi1>
            %and3A_548 = arith.andi %ne3A_547, %ne3A_539 : vector<16xi1>
            %add3A_549 = vector.broadcast %select_n3A_534 : i32 to vector<16xi32>
            %add3A_550 = arith.addi %rem3A_536, %add3A_549 : vector<16xi32>
            %select_n3A_551 = arith.select %and3A_548, %add3A_550, %rem3A_536 : vector<16xi1>, vector<16xi32>
            %add3A_552 = arith.addi %mul3A_530, %select_n3A_551 : vector<16xi32>
            %eq3A_553 = arith.constant 0 : i32
            %eq3A_554 = arith.cmpi eq, %max3A_61, %eq3A_553 : i32
            %jit3A_555 = arith.constant 1 : i32
            %select_n3A_556 = arith.select %eq3A_554, %jit3A_555, %max3A_61 : i32
            %rem3A_557 = vector.broadcast %select_n3A_556 : i32 to vector<16xi32>
            %rem3A_558 = arith.remui %add3A_552, %rem3A_557 : vector<16xi32>
            %ne3A_559 = arith.constant 0 : i32
            %ne3A_560 = vector.broadcast %ne3A_559 : i32 to vector<16xi32>
            %ne3A_561 = arith.cmpi ne, %rem3A_558, %ne3A_560 : vector<16xi32>
            %lt3A_562 = arith.constant 0 : i32
            %lt3A_563 = vector.broadcast %lt3A_562 : i32 to vector<16xi32>
            %lt3A_564 = arith.cmpi ult, %rem3A_558, %lt3A_563 : vector<16xi32>
            %lt3A_565 = arith.constant 0 : i32
            %lt3A_566 = arith.cmpi ult, %select_n3A_556, %lt3A_565 : i32
            %ne3A_567 = vector.broadcast %lt3A_566 : i1 to vector<16xi1>
            %ne3A_568 = vector.broadcast %ne3A_567 : vector<16xi1> to vector<16xi1>
            %ne3A_569 = arith.xori %lt3A_564, %ne3A_568 : vector<16xi1>
            %and3A_570 = arith.andi %ne3A_569, %ne3A_561 : vector<16xi1>
            %add3A_571 = vector.broadcast %select_n3A_556 : i32 to vector<16xi32>
            %add3A_572 = arith.addi %rem3A_558, %add3A_571 : vector<16xi32>
            %select_n3A_573 = arith.select %and3A_570, %add3A_572, %rem3A_558 : vector<16xi1>, vector<16xi32>
            %gather3A_574 = tpu.vector_load_idx %arg11[%select_n3A_573] : memref<16400xf32, #tpu.memory_space<vmem>>[vector<16xi32>], vector<16xf32>,
            %add3A_575 = arith.constant 1.000000e+00 : f32
            %add3A_576 = vector.broadcast %add3A_575 : f32 to vector<16xf32>
            %add3A_577 = arith.addf %gather3A_574, %add3A_576 : vector<16xf32>
            %gt3A_578 = arith.cmpf ogt, %add3A_577, %get3A_231 : vector<16xf32>
            %eq3A_579 = arith.constant 0 : i32
            %eq3A_580 = vector.broadcast %eq3A_579 : i32 to vector<16xi32>
            %eq3A_581 = arith.cmpi eq, %select_n3A_493, %eq3A_580 : vector<16xi32>
            %and3A_582 = arith.andi %gt3A_578, %eq3A_581 : vector<16xi1>
            %lt3A_583 = arith.constant 50 : i32
            %lt3A_584 = arith.cmpi slt, %add3A_495, %lt3A_583 : i32
            %and3A_585 = vector.broadcast %lt3A_584 : i1 to vector<16xi1>
            %and3A_586 = arith.andi %and3A_582, %and3A_585 : vector<16xi1>
            %broadcast_in_dim3A_587 = vector.broadcast %add3A_495 : i32 to vector<16xi32>
            %select_n3A_588 = arith.select %and3A_586, %broadcast_in_dim3A_587, %select_n3A_491 : vector<16xi1>, vector<16xi32>
            %select_n3A_589 = arith.select %and3A_586, %gather3A_574, %select_n3A_492 : vector<16xi1>, vector<16xf32>
            %select_n3A_590 = arith.select %gt3A_578, %broadcast_in_dim3A_5, %select_n3A_493 : vector<16xi1>, vector<16xi32>
            %add3A_591 = arith.constant 3 : i32
            %add3A_592 = arith.addi %while3A_298, %add3A_591 : i32
            %mul3A_593 = arith.constant 16 : i32
            %mul3A_594 = arith.muli %add3A_592, %mul3A_593 : i32
            %add3A_595 = arith.addi %mul3A_237, %mul3A_594 : i32
            %get3A_596 = arith.index_cast %add3A_595 : i32 to index
            %get3A_597 = tpu.vector_load %arg12[%get3A_596] {strides = array<i32>} : memref<6528xi32, #tpu.memory_space<vmem>>, vector<16xi32>,
            %bitcast3A_598 = vector.bitcast %get3A_597 : vector<16xi32> to vector<16xi32>
            %mul3A_599 = arith.constant 16 : i32
            %mul3A_600 = arith.muli %add3A_592, %mul3A_599 : i32
            %add3A_601 = arith.addi %mul3A_237, %mul3A_600 : i32
            %get3A_602 = arith.index_cast %add3A_601 : i32 to index
            %get3A_603 = tpu.vector_load %arg13[%get3A_602] {strides = array<i32>} : memref<6528xi32, #tpu.memory_space<vmem>>, vector<16xi32>,
            %bitcast3A_604 = vector.bitcast %get3A_603 : vector<16xi32> to vector<16xi32>
            %eq3A_605 = arith.constant 0 : i32
            %eq3A_606 = arith.cmpi eq, %max3A_61, %eq3A_605 : i32
            %jit3A_607 = arith.constant 1 : i32
            %select_n3A_608 = arith.select %eq3A_606, %jit3A_607, %max3A_61 : i32
            %rem3A_609 = vector.broadcast %select_n3A_608 : i32 to vector<16xi32>
            %rem3A_610 = arith.remui %bitcast3A_598, %rem3A_609 : vector<16xi32>
            %ne3A_611 = arith.constant 0 : i32
            %ne3A_612 = vector.broadcast %ne3A_611 : i32 to vector<16xi32>
            %ne3A_613 = arith.cmpi ne, %rem3A_610, %ne3A_612 : vector<16xi32>
            %lt3A_614 = arith.constant 0 : i32
            %lt3A_615 = vector.broadcast %lt3A_614 : i32 to vector<16xi32>
            %lt3A_616 = arith.cmpi ult, %rem3A_610, %lt3A_615 : vector<16xi32>
            %lt3A_617 = arith.constant 0 : i32
            %lt3A_618 = arith.cmpi ult, %select_n3A_608, %lt3A_617 : i32
            %ne3A_619 = vector.broadcast %lt3A_618 : i1 to vector<16xi1>
            %ne3A_620 = vector.broadcast %ne3A_619 : vector<16xi1> to vector<16xi1>
            %ne3A_621 = arith.xori %lt3A_616, %ne3A_620 : vector<16xi1>
            %and3A_622 = arith.andi %ne3A_621, %ne3A_613 : vector<16xi1>
            %add3A_623 = vector.broadcast %select_n3A_608 : i32 to vector<16xi32>
            %add3A_624 = arith.addi %rem3A_610, %add3A_623 : vector<16xi32>
            %select_n3A_625 = arith.select %and3A_622, %add3A_624, %rem3A_610 : vector<16xi1>, vector<16xi32>
            %mul3A_626 = vector.broadcast %select_n3A_86 : i32 to vector<16xi32>
            %mul3A_627 = arith.muli %select_n3A_625, %mul3A_626 : vector<16xi32>
            %eq3A_628 = arith.constant 0 : i32
            %eq3A_629 = arith.cmpi eq, %max3A_61, %eq3A_628 : i32
            %jit3A_630 = arith.constant 1 : i32
            %select_n3A_631 = arith.select %eq3A_629, %jit3A_630, %max3A_61 : i32
            %rem3A_632 = vector.broadcast %select_n3A_631 : i32 to vector<16xi32>
            %rem3A_633 = arith.remui %bitcast3A_604, %rem3A_632 : vector<16xi32>
            %ne3A_634 = arith.constant 0 : i32
            %ne3A_635 = vector.broadcast %ne3A_634 : i32 to vector<16xi32>
            %ne3A_636 = arith.cmpi ne, %rem3A_633, %ne3A_635 : vector<16xi32>
            %lt3A_637 = arith.constant 0 : i32
            %lt3A_638 = vector.broadcast %lt3A_637 : i32 to vector<16xi32>
            %lt3A_639 = arith.cmpi ult, %rem3A_633, %lt3A_638 : vector<16xi32>
            %lt3A_640 = arith.constant 0 : i32
            %lt3A_641 = arith.cmpi ult, %select_n3A_631, %lt3A_640 : i32
            %ne3A_642 = vector.broadcast %lt3A_641 : i1 to vector<16xi1>
            %ne3A_643 = vector.broadcast %ne3A_642 : vector<16xi1> to vector<16xi1>
            %ne3A_644 = arith.xori %lt3A_639, %ne3A_643 : vector<16xi1>
            %and3A_645 = arith.andi %ne3A_644, %ne3A_636 : vector<16xi1>
            %add3A_646 = vector.broadcast %select_n3A_631 : i32 to vector<16xi32>
            %add3A_647 = arith.addi %rem3A_633, %add3A_646 : vector<16xi32>
            %select_n3A_648 = arith.select %and3A_645, %add3A_647, %rem3A_633 : vector<16xi1>, vector<16xi32>
            %add3A_649 = arith.addi %mul3A_627, %select_n3A_648 : vector<16xi32>
            %eq3A_650 = arith.constant 0 : i32
            %eq3A_651 = arith.cmpi eq, %max3A_61, %eq3A_650 : i32
            %jit3A_652 = arith.constant 1 : i32
            %select_n3A_653 = arith.select %eq3A_651, %jit3A_652, %max3A_61 : i32
            %rem3A_654 = vector.broadcast %select_n3A_653 : i32 to vector<16xi32>
            %rem3A_655 = arith.remui %add3A_649, %rem3A_654 : vector<16xi32>
            %ne3A_656 = arith.constant 0 : i32
            %ne3A_657 = vector.broadcast %ne3A_656 : i32 to vector<16xi32>
            %ne3A_658 = arith.cmpi ne, %rem3A_655, %ne3A_657 : vector<16xi32>
            %lt3A_659 = arith.constant 0 : i32
            %lt3A_660 = vector.broadcast %lt3A_659 : i32 to vector<16xi32>
            %lt3A_661 = arith.cmpi ult, %rem3A_655, %lt3A_660 : vector<16xi32>
            %lt3A_662 = arith.constant 0 : i32
            %lt3A_663 = arith.cmpi ult, %select_n3A_653, %lt3A_662 : i32
            %ne3A_664 = vector.broadcast %lt3A_663 : i1 to vector<16xi1>
            %ne3A_665 = vector.broadcast %ne3A_664 : vector<16xi1> to vector<16xi1>
            %ne3A_666 = arith.xori %lt3A_661, %ne3A_665 : vector<16xi1>
            %and3A_667 = arith.andi %ne3A_666, %ne3A_658 : vector<16xi1>
            %add3A_668 = vector.broadcast %select_n3A_653 : i32 to vector<16xi32>
            %add3A_669 = arith.addi %rem3A_655, %add3A_668 : vector<16xi32>
            %select_n3A_670 = arith.select %and3A_667, %add3A_669, %rem3A_655 : vector<16xi1>, vector<16xi32>
            %gather3A_671 = tpu.vector_load_idx %arg11[%select_n3A_670] : memref<16400xf32, #tpu.memory_space<vmem>>[vector<16xi32>], vector<16xf32>,
            %add3A_672 = arith.constant 1.000000e+00 : f32
            %add3A_673 = vector.broadcast %add3A_672 : f32 to vector<16xf32>
            %add3A_674 = arith.addf %gather3A_671, %add3A_673 : vector<16xf32>
            %gt3A_675 = arith.cmpf ogt, %add3A_674, %get3A_231 : vector<16xf32>
            %eq3A_676 = arith.constant 0 : i32
            %eq3A_677 = vector.broadcast %eq3A_676 : i32 to vector<16xi32>
            %eq3A_678 = arith.cmpi eq, %select_n3A_590, %eq3A_677 : vector<16xi32>
            %and3A_679 = arith.andi %gt3A_675, %eq3A_678 : vector<16xi1>
            %lt3A_680 = arith.constant 50 : i32
            %lt3A_681 = arith.cmpi slt, %add3A_592, %lt3A_680 : i32
            %and3A_682 = vector.broadcast %lt3A_681 : i1 to vector<16xi1>
            %and3A_683 = arith.andi %and3A_679, %and3A_682 : vector<16xi1>
            %broadcast_in_dim3A_684 = vector.broadcast %add3A_592 : i32 to vector<16xi32>
            %select_n3A_685 = arith.select %and3A_683, %broadcast_in_dim3A_684, %select_n3A_588 : vector<16xi1>, vector<16xi32>
            %select_n3A_686 = arith.select %and3A_683, %gather3A_671, %select_n3A_589 : vector<16xi1>, vector<16xf32>
            %select_n3A_687 = arith.select %gt3A_675, %broadcast_in_dim3A_5, %select_n3A_590 : vector<16xi1>, vector<16xi32>
            %add3A_688 = arith.constant 4 : i32
            %add3A_689 = arith.addi %while3A_298, %add3A_688 : i32
            %mul3A_690 = arith.constant 16 : i32
            %mul3A_691 = arith.muli %add3A_689, %mul3A_690 : i32
            %add3A_692 = arith.addi %mul3A_237, %mul3A_691 : i32
            %get3A_693 = arith.index_cast %add3A_692 : i32 to index
            %get3A_694 = tpu.vector_load %arg12[%get3A_693] {strides = array<i32>} : memref<6528xi32, #tpu.memory_space<vmem>>, vector<16xi32>,
            %bitcast3A_695 = vector.bitcast %get3A_694 : vector<16xi32> to vector<16xi32>
            %mul3A_696 = arith.constant 16 : i32
            %mul3A_697 = arith.muli %add3A_689, %mul3A_696 : i32
            %add3A_698 = arith.addi %mul3A_237, %mul3A_697 : i32
            %get3A_699 = arith.index_cast %add3A_698 : i32 to index
            %get3A_700 = tpu.vector_load %arg13[%get3A_699] {strides = array<i32>} : memref<6528xi32, #tpu.memory_space<vmem>>, vector<16xi32>,
            %bitcast3A_701 = vector.bitcast %get3A_700 : vector<16xi32> to vector<16xi32>
            %eq3A_702 = arith.constant 0 : i32
            %eq3A_703 = arith.cmpi eq, %max3A_61, %eq3A_702 : i32
            %jit3A_704 = arith.constant 1 : i32
            %select_n3A_705 = arith.select %eq3A_703, %jit3A_704, %max3A_61 : i32
            %rem3A_706 = vector.broadcast %select_n3A_705 : i32 to vector<16xi32>
            %rem3A_707 = arith.remui %bitcast3A_695, %rem3A_706 : vector<16xi32>
            %ne3A_708 = arith.constant 0 : i32
            %ne3A_709 = vector.broadcast %ne3A_708 : i32 to vector<16xi32>
            %ne3A_710 = arith.cmpi ne, %rem3A_707, %ne3A_709 : vector<16xi32>
            %lt3A_711 = arith.constant 0 : i32
            %lt3A_712 = vector.broadcast %lt3A_711 : i32 to vector<16xi32>
            %lt3A_713 = arith.cmpi ult, %rem3A_707, %lt3A_712 : vector<16xi32>
            %lt3A_714 = arith.constant 0 : i32
            %lt3A_715 = arith.cmpi ult, %select_n3A_705, %lt3A_714 : i32
            %ne3A_716 = vector.broadcast %lt3A_715 : i1 to vector<16xi1>
            %ne3A_717 = vector.broadcast %ne3A_716 : vector<16xi1> to vector<16xi1>
            %ne3A_718 = arith.xori %lt3A_713, %ne3A_717 : vector<16xi1>
            %and3A_719 = arith.andi %ne3A_718, %ne3A_710 : vector<16xi1>
            %add3A_720 = vector.broadcast %select_n3A_705 : i32 to vector<16xi32>
            %add3A_721 = arith.addi %rem3A_707, %add3A_720 : vector<16xi32>
            %select_n3A_722 = arith.select %and3A_719, %add3A_721, %rem3A_707 : vector<16xi1>, vector<16xi32>
            %mul3A_723 = vector.broadcast %select_n3A_86 : i32 to vector<16xi32>
            %mul3A_724 = arith.muli %select_n3A_722, %mul3A_723 : vector<16xi32>
            %eq3A_725 = arith.constant 0 : i32
            %eq3A_726 = arith.cmpi eq, %max3A_61, %eq3A_725 : i32
            %jit3A_727 = arith.constant 1 : i32
            %select_n3A_728 = arith.select %eq3A_726, %jit3A_727, %max3A_61 : i32
            %rem3A_729 = vector.broadcast %select_n3A_728 : i32 to vector<16xi32>
            %rem3A_730 = arith.remui %bitcast3A_701, %rem3A_729 : vector<16xi32>
            %ne3A_731 = arith.constant 0 : i32
            %ne3A_732 = vector.broadcast %ne3A_731 : i32 to vector<16xi32>
            %ne3A_733 = arith.cmpi ne, %rem3A_730, %ne3A_732 : vector<16xi32>
            %lt3A_734 = arith.constant 0 : i32
            %lt3A_735 = vector.broadcast %lt3A_734 : i32 to vector<16xi32>
            %lt3A_736 = arith.cmpi ult, %rem3A_730, %lt3A_735 : vector<16xi32>
            %lt3A_737 = arith.constant 0 : i32
            %lt3A_738 = arith.cmpi ult, %select_n3A_728, %lt3A_737 : i32
            %ne3A_739 = vector.broadcast %lt3A_738 : i1 to vector<16xi1>
            %ne3A_740 = vector.broadcast %ne3A_739 : vector<16xi1> to vector<16xi1>
            %ne3A_741 = arith.xori %lt3A_736, %ne3A_740 : vector<16xi1>
            %and3A_742 = arith.andi %ne3A_741, %ne3A_733 : vector<16xi1>
            %add3A_743 = vector.broadcast %select_n3A_728 : i32 to vector<16xi32>
            %add3A_744 = arith.addi %rem3A_730, %add3A_743 : vector<16xi32>
            %select_n3A_745 = arith.select %and3A_742, %add3A_744, %rem3A_730 : vector<16xi1>, vector<16xi32>
            %add3A_746 = arith.addi %mul3A_724, %select_n3A_745 : vector<16xi32>
            %eq3A_747 = arith.constant 0 : i32
            %eq3A_748 = arith.cmpi eq, %max3A_61, %eq3A_747 : i32
            %jit3A_749 = arith.constant 1 : i32
            %select_n3A_750 = arith.select %eq3A_748, %jit3A_749, %max3A_61 : i32
            %rem3A_751 = vector.broadcast %select_n3A_750 : i32 to vector<16xi32>
            %rem3A_752 = arith.remui %add3A_746, %rem3A_751 : vector<16xi32>
            %ne3A_753 = arith.constant 0 : i32
            %ne3A_754 = vector.broadcast %ne3A_753 : i32 to vector<16xi32>
            %ne3A_755 = arith.cmpi ne, %rem3A_752, %ne3A_754 : vector<16xi32>
            %lt3A_756 = arith.constant 0 : i32
            %lt3A_757 = vector.broadcast %lt3A_756 : i32 to vector<16xi32>
            %lt3A_758 = arith.cmpi ult, %rem3A_752, %lt3A_757 : vector<16xi32>
            %lt3A_759 = arith.constant 0 : i32
            %lt3A_760 = arith.cmpi ult, %select_n3A_750, %lt3A_759 : i32
            %ne3A_761 = vector.broadcast %lt3A_760 : i1 to vector<16xi1>
            %ne3A_762 = vector.broadcast %ne3A_761 : vector<16xi1> to vector<16xi1>
            %ne3A_763 = arith.xori %lt3A_758, %ne3A_762 : vector<16xi1>
            %and3A_764 = arith.andi %ne3A_763, %ne3A_755 : vector<16xi1>
            %add3A_765 = vector.broadcast %select_n3A_750 : i32 to vector<16xi32>
            %add3A_766 = arith.addi %rem3A_752, %add3A_765 : vector<16xi32>
            %select_n3A_767 = arith.select %and3A_764, %add3A_766, %rem3A_752 : vector<16xi1>, vector<16xi32>
            %gather3A_768 = tpu.vector_load_idx %arg11[%select_n3A_767] : memref<16400xf32, #tpu.memory_space<vmem>>[vector<16xi32>], vector<16xf32>,
            %add3A_769 = arith.constant 1.000000e+00 : f32
            %add3A_770 = vector.broadcast %add3A_769 : f32 to vector<16xf32>
            %add3A_771 = arith.addf %gather3A_768, %add3A_770 : vector<16xf32>
            %gt3A_772 = arith.cmpf ogt, %add3A_771, %get3A_231 : vector<16xf32>
            %eq3A_773 = arith.constant 0 : i32
            %eq3A_774 = vector.broadcast %eq3A_773 : i32 to vector<16xi32>
            %eq3A_775 = arith.cmpi eq, %select_n3A_687, %eq3A_774 : vector<16xi32>
            %and3A_776 = arith.andi %gt3A_772, %eq3A_775 : vector<16xi1>
            %lt3A_777 = arith.constant 50 : i32
            %lt3A_778 = arith.cmpi slt, %add3A_689, %lt3A_777 : i32
            %and3A_779 = vector.broadcast %lt3A_778 : i1 to vector<16xi1>
            %and3A_780 = arith.andi %and3A_776, %and3A_779 : vector<16xi1>
            %broadcast_in_dim3A_781 = vector.broadcast %add3A_689 : i32 to vector<16xi32>
            %select_n3A_782 = arith.select %and3A_780, %broadcast_in_dim3A_781, %select_n3A_685 : vector<16xi1>, vector<16xi32>
            %select_n3A_783 = arith.select %and3A_780, %gather3A_768, %select_n3A_686 : vector<16xi1>, vector<16xf32>
            %select_n3A_784 = arith.select %gt3A_772, %broadcast_in_dim3A_5, %select_n3A_687 : vector<16xi1>, vector<16xi32>
            %add3A_785 = arith.constant 5 : i32
            %add3A_786 = arith.addi %while3A_298, %add3A_785 : i32
            %mul3A_787 = arith.constant 16 : i32
            %mul3A_788 = arith.muli %add3A_786, %mul3A_787 : i32
            %add3A_789 = arith.addi %mul3A_237, %mul3A_788 : i32
            %get3A_790 = arith.index_cast %add3A_789 : i32 to index
            %get3A_791 = tpu.vector_load %arg12[%get3A_790] {strides = array<i32>} : memref<6528xi32, #tpu.memory_space<vmem>>, vector<16xi32>,
            %bitcast3A_792 = vector.bitcast %get3A_791 : vector<16xi32> to vector<16xi32>
            %mul3A_793 = arith.constant 16 : i32
            %mul3A_794 = arith.muli %add3A_786, %mul3A_793 : i32
            %add3A_795 = arith.addi %mul3A_237, %mul3A_794 : i32
            %get3A_796 = arith.index_cast %add3A_795 : i32 to index
            %get3A_797 = tpu.vector_load %arg13[%get3A_796] {strides = array<i32>} : memref<6528xi32, #tpu.memory_space<vmem>>, vector<16xi32>,
            %bitcast3A_798 = vector.bitcast %get3A_797 : vector<16xi32> to vector<16xi32>
            %eq3A_799 = arith.constant 0 : i32
            %eq3A_800 = arith.cmpi eq, %max3A_61, %eq3A_799 : i32
            %jit3A_801 = arith.constant 1 : i32
            %select_n3A_802 = arith.select %eq3A_800, %jit3A_801, %max3A_61 : i32
            %rem3A_803 = vector.broadcast %select_n3A_802 : i32 to vector<16xi32>
            %rem3A_804 = arith.remui %bitcast3A_792, %rem3A_803 : vector<16xi32>
            %ne3A_805 = arith.constant 0 : i32
            %ne3A_806 = vector.broadcast %ne3A_805 : i32 to vector<16xi32>
            %ne3A_807 = arith.cmpi ne, %rem3A_804, %ne3A_806 : vector<16xi32>
            %lt3A_808 = arith.constant 0 : i32
            %lt3A_809 = vector.broadcast %lt3A_808 : i32 to vector<16xi32>
            %lt3A_810 = arith.cmpi ult, %rem3A_804, %lt3A_809 : vector<16xi32>
            %lt3A_811 = arith.constant 0 : i32
            %lt3A_812 = arith.cmpi ult, %select_n3A_802, %lt3A_811 : i32
            %ne3A_813 = vector.broadcast %lt3A_812 : i1 to vector<16xi1>
            %ne3A_814 = vector.broadcast %ne3A_813 : vector<16xi1> to vector<16xi1>
            %ne3A_815 = arith.xori %lt3A_810, %ne3A_814 : vector<16xi1>
            %and3A_816 = arith.andi %ne3A_815, %ne3A_807 : vector<16xi1>
            %add3A_817 = vector.broadcast %select_n3A_802 : i32 to vector<16xi32>
            %add3A_818 = arith.addi %rem3A_804, %add3A_817 : vector<16xi32>
            %select_n3A_819 = arith.select %and3A_816, %add3A_818, %rem3A_804 : vector<16xi1>, vector<16xi32>
            %mul3A_820 = vector.broadcast %select_n3A_86 : i32 to vector<16xi32>
            %mul3A_821 = arith.muli %select_n3A_819, %mul3A_820 : vector<16xi32>
            %eq3A_822 = arith.constant 0 : i32
            %eq3A_823 = arith.cmpi eq, %max3A_61, %eq3A_822 : i32
            %jit3A_824 = arith.constant 1 : i32
            %select_n3A_825 = arith.select %eq3A_823, %jit3A_824, %max3A_61 : i32
            %rem3A_826 = vector.broadcast %select_n3A_825 : i32 to vector<16xi32>
            %rem3A_827 = arith.remui %bitcast3A_798, %rem3A_826 : vector<16xi32>
            %ne3A_828 = arith.constant 0 : i32
            %ne3A_829 = vector.broadcast %ne3A_828 : i32 to vector<16xi32>
            %ne3A_830 = arith.cmpi ne, %rem3A_827, %ne3A_829 : vector<16xi32>
            %lt3A_831 = arith.constant 0 : i32
            %lt3A_832 = vector.broadcast %lt3A_831 : i32 to vector<16xi32>
            %lt3A_833 = arith.cmpi ult, %rem3A_827, %lt3A_832 : vector<16xi32>
            %lt3A_834 = arith.constant 0 : i32
            %lt3A_835 = arith.cmpi ult, %select_n3A_825, %lt3A_834 : i32
            %ne3A_836 = vector.broadcast %lt3A_835 : i1 to vector<16xi1>
            %ne3A_837 = vector.broadcast %ne3A_836 : vector<16xi1> to vector<16xi1>
            %ne3A_838 = arith.xori %lt3A_833, %ne3A_837 : vector<16xi1>
            %and3A_839 = arith.andi %ne3A_838, %ne3A_830 : vector<16xi1>
            %add3A_840 = vector.broadcast %select_n3A_825 : i32 to vector<16xi32>
            %add3A_841 = arith.addi %rem3A_827, %add3A_840 : vector<16xi32>
            %select_n3A_842 = arith.select %and3A_839, %add3A_841, %rem3A_827 : vector<16xi1>, vector<16xi32>
            %add3A_843 = arith.addi %mul3A_821, %select_n3A_842 : vector<16xi32>
            %eq3A_844 = arith.constant 0 : i32
            %eq3A_845 = arith.cmpi eq, %max3A_61, %eq3A_844 : i32
            %jit3A_846 = arith.constant 1 : i32
            %select_n3A_847 = arith.select %eq3A_845, %jit3A_846, %max3A_61 : i32
            %rem3A_848 = vector.broadcast %select_n3A_847 : i32 to vector<16xi32>
            %rem3A_849 = arith.remui %add3A_843, %rem3A_848 : vector<16xi32>
            %ne3A_850 = arith.constant 0 : i32
            %ne3A_851 = vector.broadcast %ne3A_850 : i32 to vector<16xi32>
            %ne3A_852 = arith.cmpi ne, %rem3A_849, %ne3A_851 : vector<16xi32>
            %lt3A_853 = arith.constant 0 : i32
            %lt3A_854 = vector.broadcast %lt3A_853 : i32 to vector<16xi32>
            %lt3A_855 = arith.cmpi ult, %rem3A_849, %lt3A_854 : vector<16xi32>
            %lt3A_856 = arith.constant 0 : i32
            %lt3A_857 = arith.cmpi ult, %select_n3A_847, %lt3A_856 : i32
            %ne3A_858 = vector.broadcast %lt3A_857 : i1 to vector<16xi1>
            %ne3A_859 = vector.broadcast %ne3A_858 : vector<16xi1> to vector<16xi1>
            %ne3A_860 = arith.xori %lt3A_855, %ne3A_859 : vector<16xi1>
            %and3A_861 = arith.andi %ne3A_860, %ne3A_852 : vector<16xi1>
            %add3A_862 = vector.broadcast %select_n3A_847 : i32 to vector<16xi32>
            %add3A_863 = arith.addi %rem3A_849, %add3A_862 : vector<16xi32>
            %select_n3A_864 = arith.select %and3A_861, %add3A_863, %rem3A_849 : vector<16xi1>, vector<16xi32>
            %gather3A_865 = tpu.vector_load_idx %arg11[%select_n3A_864] : memref<16400xf32, #tpu.memory_space<vmem>>[vector<16xi32>], vector<16xf32>,
            %add3A_866 = arith.constant 1.000000e+00 : f32
            %add3A_867 = vector.broadcast %add3A_866 : f32 to vector<16xf32>
            %add3A_868 = arith.addf %gather3A_865, %add3A_867 : vector<16xf32>
            %gt3A_869 = arith.cmpf ogt, %add3A_868, %get3A_231 : vector<16xf32>
            %eq3A_870 = arith.constant 0 : i32
            %eq3A_871 = vector.broadcast %eq3A_870 : i32 to vector<16xi32>
            %eq3A_872 = arith.cmpi eq, %select_n3A_784, %eq3A_871 : vector<16xi32>
            %and3A_873 = arith.andi %gt3A_869, %eq3A_872 : vector<16xi1>
            %lt3A_874 = arith.constant 50 : i32
            %lt3A_875 = arith.cmpi slt, %add3A_786, %lt3A_874 : i32
            %and3A_876 = vector.broadcast %lt3A_875 : i1 to vector<16xi1>
            %and3A_877 = arith.andi %and3A_873, %and3A_876 : vector<16xi1>
            %broadcast_in_dim3A_878 = vector.broadcast %add3A_786 : i32 to vector<16xi32>
            %select_n3A_879 = arith.select %and3A_877, %broadcast_in_dim3A_878, %select_n3A_782 : vector<16xi1>, vector<16xi32>
            %select_n3A_880 = arith.select %and3A_877, %gather3A_865, %select_n3A_783 : vector<16xi1>, vector<16xf32>
            %select_n3A_881 = arith.select %gt3A_869, %broadcast_in_dim3A_5, %select_n3A_784 : vector<16xi1>, vector<16xi32>
            %add3A_882 = arith.constant 6 : i32
            %add3A_883 = arith.addi %while3A_298, %add3A_882 : i32
            %mul3A_884 = arith.constant 16 : i32
            %mul3A_885 = arith.muli %add3A_883, %mul3A_884 : i32
            %add3A_886 = arith.addi %mul3A_237, %mul3A_885 : i32
            %get3A_887 = arith.index_cast %add3A_886 : i32 to index
            %get3A_888 = tpu.vector_load %arg12[%get3A_887] {strides = array<i32>} : memref<6528xi32, #tpu.memory_space<vmem>>, vector<16xi32>,
            %bitcast3A_889 = vector.bitcast %get3A_888 : vector<16xi32> to vector<16xi32>
            %mul3A_890 = arith.constant 16 : i32
            %mul3A_891 = arith.muli %add3A_883, %mul3A_890 : i32
            %add3A_892 = arith.addi %mul3A_237, %mul3A_891 : i32
            %get3A_893 = arith.index_cast %add3A_892 : i32 to index
            %get3A_894 = tpu.vector_load %arg13[%get3A_893] {strides = array<i32>} : memref<6528xi32, #tpu.memory_space<vmem>>, vector<16xi32>,
            %bitcast3A_895 = vector.bitcast %get3A_894 : vector<16xi32> to vector<16xi32>
            %eq3A_896 = arith.constant 0 : i32
            %eq3A_897 = arith.cmpi eq, %max3A_61, %eq3A_896 : i32
            %jit3A_898 = arith.constant 1 : i32
            %select_n3A_899 = arith.select %eq3A_897, %jit3A_898, %max3A_61 : i32
            %rem3A_900 = vector.broadcast %select_n3A_899 : i32 to vector<16xi32>
            %rem3A_901 = arith.remui %bitcast3A_889, %rem3A_900 : vector<16xi32>
            %ne3A_902 = arith.constant 0 : i32
            %ne3A_903 = vector.broadcast %ne3A_902 : i32 to vector<16xi32>
            %ne3A_904 = arith.cmpi ne, %rem3A_901, %ne3A_903 : vector<16xi32>
            %lt3A_905 = arith.constant 0 : i32
            %lt3A_906 = vector.broadcast %lt3A_905 : i32 to vector<16xi32>
            %lt3A_907 = arith.cmpi ult, %rem3A_901, %lt3A_906 : vector<16xi32>
            %lt3A_908 = arith.constant 0 : i32
            %lt3A_909 = arith.cmpi ult, %select_n3A_899, %lt3A_908 : i32
            %ne3A_910 = vector.broadcast %lt3A_909 : i1 to vector<16xi1>
            %ne3A_911 = vector.broadcast %ne3A_910 : vector<16xi1> to vector<16xi1>
            %ne3A_912 = arith.xori %lt3A_907, %ne3A_911 : vector<16xi1>
            %and3A_913 = arith.andi %ne3A_912, %ne3A_904 : vector<16xi1>
            %add3A_914 = vector.broadcast %select_n3A_899 : i32 to vector<16xi32>
            %add3A_915 = arith.addi %rem3A_901, %add3A_914 : vector<16xi32>
            %select_n3A_916 = arith.select %and3A_913, %add3A_915, %rem3A_901 : vector<16xi1>, vector<16xi32>
            %mul3A_917 = vector.broadcast %select_n3A_86 : i32 to vector<16xi32>
            %mul3A_918 = arith.muli %select_n3A_916, %mul3A_917 : vector<16xi32>
            %eq3A_919 = arith.constant 0 : i32
            %eq3A_920 = arith.cmpi eq, %max3A_61, %eq3A_919 : i32
            %jit3A_921 = arith.constant 1 : i32
            %select_n3A_922 = arith.select %eq3A_920, %jit3A_921, %max3A_61 : i32
            %rem3A_923 = vector.broadcast %select_n3A_922 : i32 to vector<16xi32>
            %rem3A_924 = arith.remui %bitcast3A_895, %rem3A_923 : vector<16xi32>
            %ne3A_925 = arith.constant 0 : i32
            %ne3A_926 = vector.broadcast %ne3A_925 : i32 to vector<16xi32>
            %ne3A_927 = arith.cmpi ne, %rem3A_924, %ne3A_926 : vector<16xi32>
            %lt3A_928 = arith.constant 0 : i32
            %lt3A_929 = vector.broadcast %lt3A_928 : i32 to vector<16xi32>
            %lt3A_930 = arith.cmpi ult, %rem3A_924, %lt3A_929 : vector<16xi32>
            %lt3A_931 = arith.constant 0 : i32
            %lt3A_932 = arith.cmpi ult, %select_n3A_922, %lt3A_931 : i32
            %ne3A_933 = vector.broadcast %lt3A_932 : i1 to vector<16xi1>
            %ne3A_934 = vector.broadcast %ne3A_933 : vector<16xi1> to vector<16xi1>
            %ne3A_935 = arith.xori %lt3A_930, %ne3A_934 : vector<16xi1>
            %and3A_936 = arith.andi %ne3A_935, %ne3A_927 : vector<16xi1>
            %add3A_937 = vector.broadcast %select_n3A_922 : i32 to vector<16xi32>
            %add3A_938 = arith.addi %rem3A_924, %add3A_937 : vector<16xi32>
            %select_n3A_939 = arith.select %and3A_936, %add3A_938, %rem3A_924 : vector<16xi1>, vector<16xi32>
            %add3A_940 = arith.addi %mul3A_918, %select_n3A_939 : vector<16xi32>
            %eq3A_941 = arith.constant 0 : i32
            %eq3A_942 = arith.cmpi eq, %max3A_61, %eq3A_941 : i32
            %jit3A_943 = arith.constant 1 : i32
            %select_n3A_944 = arith.select %eq3A_942, %jit3A_943, %max3A_61 : i32
            %rem3A_945 = vector.broadcast %select_n3A_944 : i32 to vector<16xi32>
            %rem3A_946 = arith.remui %add3A_940, %rem3A_945 : vector<16xi32>
            %ne3A_947 = arith.constant 0 : i32
            %ne3A_948 = vector.broadcast %ne3A_947 : i32 to vector<16xi32>
            %ne3A_949 = arith.cmpi ne, %rem3A_946, %ne3A_948 : vector<16xi32>
            %lt3A_950 = arith.constant 0 : i32
            %lt3A_951 = vector.broadcast %lt3A_950 : i32 to vector<16xi32>
            %lt3A_952 = arith.cmpi ult, %rem3A_946, %lt3A_951 : vector<16xi32>
            %lt3A_953 = arith.constant 0 : i32
            %lt3A_954 = arith.cmpi ult, %select_n3A_944, %lt3A_953 : i32
            %ne3A_955 = vector.broadcast %lt3A_954 : i1 to vector<16xi1>
            %ne3A_956 = vector.broadcast %ne3A_955 : vector<16xi1> to vector<16xi1>
            %ne3A_957 = arith.xori %lt3A_952, %ne3A_956 : vector<16xi1>
            %and3A_958 = arith.andi %ne3A_957, %ne3A_949 : vector<16xi1>
            %add3A_959 = vector.broadcast %select_n3A_944 : i32 to vector<16xi32>
            %add3A_960 = arith.addi %rem3A_946, %add3A_959 : vector<16xi32>
            %select_n3A_961 = arith.select %and3A_958, %add3A_960, %rem3A_946 : vector<16xi1>, vector<16xi32>
            %gather3A_962 = tpu.vector_load_idx %arg11[%select_n3A_961] : memref<16400xf32, #tpu.memory_space<vmem>>[vector<16xi32>], vector<16xf32>,
            %add3A_963 = arith.constant 1.000000e+00 : f32
            %add3A_964 = vector.broadcast %add3A_963 : f32 to vector<16xf32>
            %add3A_965 = arith.addf %gather3A_962, %add3A_964 : vector<16xf32>
            %gt3A_966 = arith.cmpf ogt, %add3A_965, %get3A_231 : vector<16xf32>
            %eq3A_967 = arith.constant 0 : i32
            %eq3A_968 = vector.broadcast %eq3A_967 : i32 to vector<16xi32>
            %eq3A_969 = arith.cmpi eq, %select_n3A_881, %eq3A_968 : vector<16xi32>
            %and3A_970 = arith.andi %gt3A_966, %eq3A_969 : vector<16xi1>
            %lt3A_971 = arith.constant 50 : i32
            %lt3A_972 = arith.cmpi slt, %add3A_883, %lt3A_971 : i32
            %and3A_973 = vector.broadcast %lt3A_972 : i1 to vector<16xi1>
            %and3A_974 = arith.andi %and3A_970, %and3A_973 : vector<16xi1>
            %broadcast_in_dim3A_975 = vector.broadcast %add3A_883 : i32 to vector<16xi32>
            %select_n3A_976 = arith.select %and3A_974, %broadcast_in_dim3A_975, %select_n3A_879 : vector<16xi1>, vector<16xi32>
            %select_n3A_977 = arith.select %and3A_974, %gather3A_962, %select_n3A_880 : vector<16xi1>, vector<16xf32>
            %select_n3A_978 = arith.select %gt3A_966, %broadcast_in_dim3A_5, %select_n3A_881 : vector<16xi1>, vector<16xi32>
            %add3A_979 = arith.constant 7 : i32
            %add3A_980 = arith.addi %while3A_298, %add3A_979 : i32
            %mul3A_981 = arith.constant 16 : i32
            %mul3A_982 = arith.muli %add3A_980, %mul3A_981 : i32
            %add3A_983 = arith.addi %mul3A_237, %mul3A_982 : i32
            %get3A_984 = arith.index_cast %add3A_983 : i32 to index
            %get3A_985 = tpu.vector_load %arg12[%get3A_984] {strides = array<i32>} : memref<6528xi32, #tpu.memory_space<vmem>>, vector<16xi32>,
            %bitcast3A_986 = vector.bitcast %get3A_985 : vector<16xi32> to vector<16xi32>
            %mul3A_987 = arith.constant 16 : i32
            %mul3A_988 = arith.muli %add3A_980, %mul3A_987 : i32
            %add3A_989 = arith.addi %mul3A_237, %mul3A_988 : i32
            %get3A_990 = arith.index_cast %add3A_989 : i32 to index
            %get3A_991 = tpu.vector_load %arg13[%get3A_990] {strides = array<i32>} : memref<6528xi32, #tpu.memory_space<vmem>>, vector<16xi32>,
            %bitcast3A_992 = vector.bitcast %get3A_991 : vector<16xi32> to vector<16xi32>
            %eq3A_993 = arith.constant 0 : i32
            %eq3A_994 = arith.cmpi eq, %max3A_61, %eq3A_993 : i32
            %jit3A_995 = arith.constant 1 : i32
            %select_n3A_996 = arith.select %eq3A_994, %jit3A_995, %max3A_61 : i32
            %rem3A_997 = vector.broadcast %select_n3A_996 : i32 to vector<16xi32>
            %rem3A_998 = arith.remui %bitcast3A_986, %rem3A_997 : vector<16xi32>
            %ne3A_999 = arith.constant 0 : i32
            %ne3A_1000 = vector.broadcast %ne3A_999 : i32 to vector<16xi32>
            %ne3A_1001 = arith.cmpi ne, %rem3A_998, %ne3A_1000 : vector<16xi32>
            %lt3A_1002 = arith.constant 0 : i32
            %lt3A_1003 = vector.broadcast %lt3A_1002 : i32 to vector<16xi32>
            %lt3A_1004 = arith.cmpi ult, %rem3A_998, %lt3A_1003 : vector<16xi32>
            %lt3A_1005 = arith.constant 0 : i32
            %lt3A_1006 = arith.cmpi ult, %select_n3A_996, %lt3A_1005 : i32
            %ne3A_1007 = vector.broadcast %lt3A_1006 : i1 to vector<16xi1>
            %ne3A_1008 = vector.broadcast %ne3A_1007 : vector<16xi1> to vector<16xi1>
            %ne3A_1009 = arith.xori %lt3A_1004, %ne3A_1008 : vector<16xi1>
            %and3A_1010 = arith.andi %ne3A_1009, %ne3A_1001 : vector<16xi1>
            %add3A_1011 = vector.broadcast %select_n3A_996 : i32 to vector<16xi32>
            %add3A_1012 = arith.addi %rem3A_998, %add3A_1011 : vector<16xi32>
            %select_n3A_1013 = arith.select %and3A_1010, %add3A_1012, %rem3A_998 : vector<16xi1>, vector<16xi32>
            %mul3A_1014 = vector.broadcast %select_n3A_86 : i32 to vector<16xi32>
            %mul3A_1015 = arith.muli %select_n3A_1013, %mul3A_1014 : vector<16xi32>
            %eq3A_1016 = arith.constant 0 : i32
            %eq3A_1017 = arith.cmpi eq, %max3A_61, %eq3A_1016 : i32
            %jit3A_1018 = arith.constant 1 : i32
            %select_n3A_1019 = arith.select %eq3A_1017, %jit3A_1018, %max3A_61 : i32
            %rem3A_1020 = vector.broadcast %select_n3A_1019 : i32 to vector<16xi32>
            %rem3A_1021 = arith.remui %bitcast3A_992, %rem3A_1020 : vector<16xi32>
            %ne3A_1022 = arith.constant 0 : i32
            %ne3A_1023 = vector.broadcast %ne3A_1022 : i32 to vector<16xi32>
            %ne3A_1024 = arith.cmpi ne, %rem3A_1021, %ne3A_1023 : vector<16xi32>
            %lt3A_1025 = arith.constant 0 : i32
            %lt3A_1026 = vector.broadcast %lt3A_1025 : i32 to vector<16xi32>
            %lt3A_1027 = arith.cmpi ult, %rem3A_1021, %lt3A_1026 : vector<16xi32>
            %lt3A_1028 = arith.constant 0 : i32
            %lt3A_1029 = arith.cmpi ult, %select_n3A_1019, %lt3A_1028 : i32
            %ne3A_1030 = vector.broadcast %lt3A_1029 : i1 to vector<16xi1>
            %ne3A_1031 = vector.broadcast %ne3A_1030 : vector<16xi1> to vector<16xi1>
            %ne3A_1032 = arith.xori %lt3A_1027, %ne3A_1031 : vector<16xi1>
            %and3A_1033 = arith.andi %ne3A_1032, %ne3A_1024 : vector<16xi1>
            %add3A_1034 = vector.broadcast %select_n3A_1019 : i32 to vector<16xi32>
            %add3A_1035 = arith.addi %rem3A_1021, %add3A_1034 : vector<16xi32>
            %select_n3A_1036 = arith.select %and3A_1033, %add3A_1035, %rem3A_1021 : vector<16xi1>, vector<16xi32>
            %add3A_1037 = arith.addi %mul3A_1015, %select_n3A_1036 : vector<16xi32>
            %eq3A_1038 = arith.constant 0 : i32
            %eq3A_1039 = arith.cmpi eq, %max3A_61, %eq3A_1038 : i32
            %jit3A_1040 = arith.constant 1 : i32
            %select_n3A_1041 = arith.select %eq3A_1039, %jit3A_1040, %max3A_61 : i32
            %rem3A_1042 = vector.broadcast %select_n3A_1041 : i32 to vector<16xi32>
            %rem3A_1043 = arith.remui %add3A_1037, %rem3A_1042 : vector<16xi32>
            %ne3A_1044 = arith.constant 0 : i32
            %ne3A_1045 = vector.broadcast %ne3A_1044 : i32 to vector<16xi32>
            %ne3A_1046 = arith.cmpi ne, %rem3A_1043, %ne3A_1045 : vector<16xi32>
            %lt3A_1047 = arith.constant 0 : i32
            %lt3A_1048 = vector.broadcast %lt3A_1047 : i32 to vector<16xi32>
            %lt3A_1049 = arith.cmpi ult, %rem3A_1043, %lt3A_1048 : vector<16xi32>
            %lt3A_1050 = arith.constant 0 : i32
            %lt3A_1051 = arith.cmpi ult, %select_n3A_1041, %lt3A_1050 : i32
            %ne3A_1052 = vector.broadcast %lt3A_1051 : i1 to vector<16xi1>
            %ne3A_1053 = vector.broadcast %ne3A_1052 : vector<16xi1> to vector<16xi1>
            %ne3A_1054 = arith.xori %lt3A_1049, %ne3A_1053 : vector<16xi1>
            %and3A_1055 = arith.andi %ne3A_1054, %ne3A_1046 : vector<16xi1>
            %add3A_1056 = vector.broadcast %select_n3A_1041 : i32 to vector<16xi32>
            %add3A_1057 = arith.addi %rem3A_1043, %add3A_1056 : vector<16xi32>
            %select_n3A_1058 = arith.select %and3A_1055, %add3A_1057, %rem3A_1043 : vector<16xi1>, vector<16xi32>
            %gather3A_1059 = tpu.vector_load_idx %arg11[%select_n3A_1058] : memref<16400xf32, #tpu.memory_space<vmem>>[vector<16xi32>], vector<16xf32>,
            %add3A_1060 = arith.constant 1.000000e+00 : f32
            %add3A_1061 = vector.broadcast %add3A_1060 : f32 to vector<16xf32>
            %add3A_1062 = arith.addf %gather3A_1059, %add3A_1061 : vector<16xf32>
            %gt3A_1063 = arith.cmpf ogt, %add3A_1062, %get3A_231 : vector<16xf32>
            %eq3A_1064 = arith.constant 0 : i32
            %eq3A_1065 = vector.broadcast %eq3A_1064 : i32 to vector<16xi32>
            %eq3A_1066 = arith.cmpi eq, %select_n3A_978, %eq3A_1065 : vector<16xi32>
            %and3A_1067 = arith.andi %gt3A_1063, %eq3A_1066 : vector<16xi1>
            %lt3A_1068 = arith.constant 50 : i32
            %lt3A_1069 = arith.cmpi slt, %add3A_980, %lt3A_1068 : i32
            %and3A_1070 = vector.broadcast %lt3A_1069 : i1 to vector<16xi1>
            %and3A_1071 = arith.andi %and3A_1067, %and3A_1070 : vector<16xi1>
            %broadcast_in_dim3A_1072 = vector.broadcast %add3A_980 : i32 to vector<16xi32>
            %select_n3A_1073 = arith.select %and3A_1071, %broadcast_in_dim3A_1072, %select_n3A_976 : vector<16xi1>, vector<16xi32>
            %select_n3A_1074 = arith.select %and3A_1071, %gather3A_1059, %select_n3A_977 : vector<16xi1>, vector<16xf32>
            %select_n3A_1075 = arith.select %gt3A_1063, %broadcast_in_dim3A_5, %select_n3A_978 : vector<16xi1>, vector<16xi32>
            %add3A_1076 = arith.constant 8 : i32
            %add3A_1077 = arith.addi %while3A_298, %add3A_1076 : i32
            scf.yield %add3A_1077, %select_n3A_1075, %select_n3A_1073, %select_n3A_1074 : i32, vector<16xi32>, vector<16xi32>, vector<16xf32>
          }
          %max3A_243 = arith.constant 0 : i32
          %max3A_244 = vector.broadcast %max3A_243 : i32 to vector<16xi32>
          %max3A_245 = arith.maxsi %while3A_242#2, %max3A_244 : vector<16xi32>
          %add3A_246 = arith.constant 1 : i32
          %add3A_247 = vector.broadcast %add3A_246 : i32 to vector<16xi32>
          %add3A_248 = arith.addi %max3A_245, %add3A_247 : vector<16xi32>
          %jit3A_249 = arith.constant 50 : i32
          %div3A = vector.broadcast %jit3A_249 : i32 to vector<16xi32>
          %div3A_250 = arith.divsi %div3A, %add3A_248 : vector<16xi32>
          %sign3A = arith.constant 0 : i32
          %sign3A_251 = arith.cmpi sgt, %jit3A_249, %sign3A : i32
          %sign3A_252 = arith.extui %sign3A_251 : i1 to i32
          %sign3A_253 = arith.constant 0 : i32
          %sign3A_254 = arith.cmpi slt, %jit3A_249, %sign3A_253 : i32
          %sign3A_255 = arith.extui %sign3A_254 : i1 to i32
          %sign3A_256 = arith.subi %sign3A_252, %sign3A_255 : i32
          %sign3A_257 = arith.constant 0 : i32
          %sign3A_258 = vector.broadcast %sign3A_257 : i32 to vector<16xi32>
          %sign3A_259 = arith.cmpi sgt, %add3A_248, %sign3A_258 : vector<16xi32>
          %sign3A_260 = arith.extui %sign3A_259 : vector<16xi1> to vector<16xi32>
          %sign3A_261 = arith.constant 0 : i32
          %sign3A_262 = vector.broadcast %sign3A_261 : i32 to vector<16xi32>
          %sign3A_263 = arith.cmpi slt, %add3A_248, %sign3A_262 : vector<16xi32>
          %sign3A_264 = arith.extui %sign3A_263 : vector<16xi1> to vector<16xi32>
          %sign3A_265 = arith.subi %sign3A_260, %sign3A_264 : vector<16xi32>
          %ne3A_266 = vector.broadcast %sign3A_256 : i32 to vector<16xi32>
          %ne3A_267 = arith.cmpi ne, %ne3A_266, %sign3A_265 : vector<16xi32>
          %rem3A_268 = vector.broadcast %jit3A_249 : i32 to vector<16xi32>
          %rem3A_269 = arith.remsi %rem3A_268, %add3A_248 : vector<16xi32>
          %ne3A_270 = arith.constant 0 : i32
          %ne3A_271 = vector.broadcast %ne3A_270 : i32 to vector<16xi32>
          %ne3A_272 = arith.cmpi ne, %rem3A_269, %ne3A_271 : vector<16xi32>
          %and3A_273 = arith.andi %ne3A_267, %ne3A_272 : vector<16xi1>
          %sub3A = arith.constant 1 : i32
          %sub3A_274 = vector.broadcast %sub3A : i32 to vector<16xi32>
          %sub3A_275 = arith.subi %div3A_250, %sub3A_274 : vector<16xi32>
          %select_n3A_276 = arith.select %and3A_273, %sub3A_275, %div3A_250 : vector<16xi1>, vector<16xi32>
          %max3A_277 = arith.constant 1 : i32
          %max3A_278 = vector.broadcast %max3A_277 : i32 to vector<16xi32>
          %max3A_279 = arith.maxsi %max3A_278, %select_n3A_276 : vector<16xi32>
          %sub3A_280 = arith.constant 1 : i32
          %sub3A_281 = vector.broadcast %sub3A_280 : i32 to vector<16xi32>
          %sub3A_282 = arith.subi %max3A_279, %sub3A_281 : vector<16xi32>
          %gather3A = tpu.vector_load_idx %arg16[%sub3A_282] : memref<64xf32, #tpu.memory_space<vmem>>[vector<16xi32>], vector<16xf32>,
          %sub3A_283 = arith.subf %get3A_231, %while3A_242#3 : vector<16xf32>
          %sub3A_284 = arith.constant 1.000000e+00 : f32
          %sub3A_285 = vector.broadcast %sub3A_284 : f32 to vector<16xf32>
          %sub3A_286 = arith.subf %sub3A_285, %sub3A_283 : vector<16xf32>
          %max3A_287 = arith.constant 0.000000e+00 : f32
          %max3A_288 = vector.broadcast %max3A_287 : f32 to vector<16xf32>
          %max3A_289 = arith.maximumf %sub3A_286, %max3A_288 : vector<16xf32>
          %ge3A_290 = arith.constant 0 : i32
          %ge3A_291 = vector.broadcast %ge3A_290 : i32 to vector<16xi32>
          %ge3A_292 = arith.cmpi sge, %while3A_242#2, %ge3A_291 : vector<16xi32>
          %mul3A_293 = arith.mulf %gather3A, %max3A_289 : vector<16xf32>
          %jit3A_294 = arith.constant 0.000000e+00 : f32
          %broadcast_in_dim3A_295 = vector.broadcast %jit3A_294 : f32 to vector<16xf32>
          %select_n3A_296 = arith.select %ge3A_292, %mul3A_293, %broadcast_in_dim3A_295 : vector<16xi1>, vector<16xf32>
          %add3A_297 = arith.addf %scan3A_227, %select_n3A_296 : vector<16xf32>
          scf.yield %add3A_297 : vector<16xf32>
        }
        %scan3A_225 = arith.constant 8 : i32
        scf.yield %scan3A_224 : vector<16xf32>
      } else {
        scf.yield %scan3A_133 : vector<16xf32>
      }
      %add3A_160 = arith.constant 256 : i32
      %add3A_161 = arith.addi %add3A_154, %add3A_160 : i32
      %mul3A_162 = arith.constant 50 : i32
      %mul3A_163 = arith.muli %add3A_161, %mul3A_162 : i32
      %dma_start3A_164 = arith.constant 0 : i32
      %dma_start3A_165 = tpu.memref_slice %arg12[%dma_start3A_164] : memref<6528xi32, #tpu.memory_space<vmem>> -> memref<6400xi32, #tpu.memory_space<vmem>>
      %dma_start3A_166 = tpu.memref_slice %arg4[%mul3A_163] : memref<832000xi32, #tpu.memory_space<hbm>> -> memref<6400xi32, #tpu.memory_space<hbm>>
      %dma_start3A_167 = arith.constant 0 : i32
      %dma_start3A_168 = tpu.memref_slice %arg12[%dma_start3A_167] : memref<6528xi32, #tpu.memory_space<vmem>> -> memref<6400xi32, #tpu.memory_space<vmem>>
      %dma_start3A_169 = tpu.memref_slice %arg4[%mul3A_163] : memref<832000xi32, #tpu.memory_space<hbm>> -> memref<6400xi32, #tpu.memory_space<hbm>>
      tpu.enqueue_dma source(%dma_start3A_169 : memref<6400xi32, #tpu.memory_space<hbm>>) target(%dma_start3A_168 : memref<6400xi32, #tpu.memory_space<vmem>>) target_semaphore(%arg20 : memref<!tpu.dma_semaphore, #tpu.memory_space<semaphore_mem>>)
      %dma_start3A_170 = arith.constant 0 : i32
      %dma_start3A_171 = tpu.memref_slice %arg13[%dma_start3A_170] : memref<6528xi32, #tpu.memory_space<vmem>> -> memref<6400xi32, #tpu.memory_space<vmem>>
      %dma_start3A_172 = tpu.memref_slice %arg5[%mul3A_163] : memref<832000xi32, #tpu.memory_space<hbm>> -> memref<6400xi32, #tpu.memory_space<hbm>>
      %dma_start3A_173 = arith.constant 0 : i32
      %dma_start3A_174 = tpu.memref_slice %arg13[%dma_start3A_173] : memref<6528xi32, #tpu.memory_space<vmem>> -> memref<6400xi32, #tpu.memory_space<vmem>>
      %dma_start3A_175 = tpu.memref_slice %arg5[%mul3A_163] : memref<832000xi32, #tpu.memory_space<hbm>> -> memref<6400xi32, #tpu.memory_space<hbm>>
      tpu.enqueue_dma source(%dma_start3A_175 : memref<6400xi32, #tpu.memory_space<hbm>>) target(%dma_start3A_174 : memref<6400xi32, #tpu.memory_space<vmem>>) target_semaphore(%arg21 : memref<!tpu.dma_semaphore, #tpu.memory_space<semaphore_mem>>)
      %mul3A_176 = arith.constant 2 : i32
      %mul3A_177 = arith.muli %mul3A_176, %scan3A_132 : i32
      %add3A_178 = arith.constant 1 : i32
      %add3A_179 = arith.addi %mul3A_177, %add3A_178 : i32
      %dma_wait3A_180 = arith.constant 0 : i32
      %dma_wait3A_181 = tpu.memref_slice %arg14[%dma_wait3A_180] : memref<6528xi32, #tpu.memory_space<vmem>> -> memref<6400xi32, #tpu.memory_space<vmem>>
      %dma_wait3A_182 = arith.constant 0 : i32
      %dma_wait3A_183 = tpu.memref_slice %arg4[%dma_wait3A_182] : memref<832000xi32, #tpu.memory_space<hbm>> -> memref<6400xi32, #tpu.memory_space<hbm>>
      %dma_wait3A_184 = arith.constant 0 : i32
      %dma_wait3A_185 = tpu.memref_slice %arg14[%dma_wait3A_184] : memref<6528xi32, #tpu.memory_space<vmem>> -> memref<6400xi32, #tpu.memory_space<vmem>>
      %dma_wait3A_186 = arith.constant 0 : i32
      %dma_wait3A_187 = tpu.memref_slice %arg4[%dma_wait3A_186] : memref<832000xi32, #tpu.memory_space<hbm>> -> memref<6400xi32, #tpu.memory_space<hbm>>
      tpu.wait_dma2 semaphore(%arg22 : memref<!tpu.dma_semaphore, #tpu.memory_space<semaphore_mem>>) src(%dma_wait3A_187 : memref<6400xi32, #tpu.memory_space<hbm>>) dst(%dma_wait3A_185 : memref<6400xi32, #tpu.memory_space<vmem>>)
      %dma_wait3A_188 = arith.constant 0 : i32
      %dma_wait3A_189 = tpu.memref_slice %arg15[%dma_wait3A_188] : memref<6528xi32, #tpu.memory_space<vmem>> -> memref<6400xi32, #tpu.memory_space<vmem>>
      %dma_wait3A_190 = arith.constant 0 : i32
      %dma_wait3A_191 = tpu.memref_slice %arg5[%dma_wait3A_190] : memref<832000xi32, #tpu.memory_space<hbm>> -> memref<6400xi32, #tpu.memory_space<hbm>>
      %dma_wait3A_192 = arith.constant 0 : i32
      %dma_wait3A_193 = tpu.memref_slice %arg15[%dma_wait3A_192] : memref<6528xi32, #tpu.memory_space<vmem>> -> memref<6400xi32, #tpu.memory_space<vmem>>
      %dma_wait3A_194 = arith.constant 0 : i32
      %dma_wait3A_195 = tpu.memref_slice %arg5[%dma_wait3A_194] : memref<832000xi32, #tpu.memory_space<hbm>> -> memref<6400xi32, #tpu.memory_space<hbm>>
      tpu.wait_dma2 semaphore(%arg23 : memref<!tpu.dma_semaphore, #tpu.memory_space<semaphore_mem>>) src(%dma_wait3A_195 : memref<6400xi32, #tpu.memory_space<hbm>>) dst(%dma_wait3A_193 : memref<6400xi32, #tpu.memory_space<vmem>>)
      %mul3A_196 = arith.constant 128 : i32
      %mul3A_197 = arith.muli %add3A_179, %mul3A_196 : i32
      %add3A_198 = arith.addi %mul3A_2, %mul3A_197 : i32
      %lt3A_199 = arith.cmpi slt, %add3A_198, %reduce_max3A_52 : i32
      %convert_element_type3A_200 = arith.extui %lt3A_199 : i1 to i32
      %cond3A_201 = arith.constant 0 : i32
      %cond3A_202 = arith.cmpi ne, %convert_element_type3A_200, %cond3A_201 : i32
      %cond3A_203 = scf.if %cond3A_202 -> (vector<16xf32>) {
        %scan3A_220 = arith.constant 0 : i32
        %scan3A_221 = arith.constant 8 : i32
        %scan3A_222 = arith.addi %scan3A_220, %scan3A_221 : i32
        %scan3A_223 = arith.constant 1 : i32
        %scan3A_224 = scf.for %scan3A_226 = %scan3A_220 to %scan3A_222 step %scan3A_223 iter_args(%scan3A_227 = %cond3A_159) -> (vector<16xf32>)  : i32 {
          %mul3A_228 = arith.constant 16 : i32
          %mul3A_229 = arith.muli %scan3A_226, %mul3A_228 : i32
          %add3A_230 = arith.addi %add3A_198, %mul3A_229 : i32
          %get3A = arith.index_cast %add3A_230 : i32 to index
          %get3A_231 = tpu.vector_load %arg10[%get3A] {strides = array<i32>} : memref<16400xf32, #tpu.memory_space<vmem>>, vector<16xf32>,
          %add3A_232 = vector.broadcast %add3A_230 : i32 to vector<16xi32>
          %add3A_233 = arith.addi %add3A_232, %iota3A : vector<16xi32>
          %ge3A = vector.broadcast %reduce_max3A_52 : i32 to vector<16xi32>
          %ge3A_234 = arith.cmpi sge, %add3A_233, %ge3A : vector<16xi32>
          %select_n3A_235 = arith.select %ge3A_234, %broadcast_in_dim3A_5, %broadcast_in_dim3A_3 : vector<16xi1>, vector<16xi32>
          %mul3A_236 = arith.constant 800 : i32
          %mul3A_237 = arith.muli %scan3A_226, %mul3A_236 : i32
          %broadcast_in_dim3A_238 = arith.constant -1 : i32
          %broadcast_in_dim3A_239 = vector.broadcast %broadcast_in_dim3A_238 : i32 to vector<16xi32>
          %broadcast_in_dim3A_240 = arith.constant 0.000000e+00 : f32
          %broadcast_in_dim3A_241 = vector.broadcast %broadcast_in_dim3A_240 : f32 to vector<16xf32>
          %while3A = arith.constant 0 : i32
          %while3A_242:4 = scf.while (%while3A_298 = %while3A, %while3A_299 = %select_n3A_235, %while3A_300 = %broadcast_in_dim3A_239, %while3A_301 = %broadcast_in_dim3A_241) : (i32, vector<16xi32>, vector<16xi32>, vector<16xf32>) -> (i32, vector<16xi32>, vector<16xi32>, vector<16xf32>) {
            %lt3A_302 = arith.constant 50 : i32
            %lt3A_303 = arith.cmpi slt, %while3A_298, %lt3A_302 : i32
            %reduce_min3A = arith.constant true
            %reduce_min3A_304 = vector.broadcast %reduce_min3A : i1 to vector<16xi1>
            %reduce_min3A_305 = arith.constant -2147483648 : i32
            %reduce_min3A_306 = vector.broadcast %reduce_min3A_305 : i32 to vector<16xi32>
            %reduce_min3A_307 = arith.xori %while3A_299, %reduce_min3A_306 : vector<16xi32>
            %reduce_min3A_308 = tpu.scan <min>, %reduce_min3A_307 masked %reduce_min3A_304 : vector<16xi32>, vector<16xi1> -> vector<16xi32>
            %reduce_min3A_309 = arith.xori %reduce_min3A_308, %reduce_min3A_306 : vector<16xi32>
            %reduce_min3A_310 = vector.extract %reduce_min3A_309[15] : i32 from vector<16xi32>
            %eq3A_311 = arith.constant 0 : i32
            %eq3A_312 = arith.cmpi eq, %reduce_min3A_310, %eq3A_311 : i32
            %and3A_313 = arith.andi %lt3A_303, %eq3A_312 : i1
            scf.condition(%and3A_313) %while3A_298, %while3A_299, %while3A_300, %while3A_301 : i32, vector<16xi32>, vector<16xi32>, vector<16xf32>
          } do {
          ^bb0(%while3A_298: i32, %while3A_299: vector<16xi32>, %while3A_300: vector<16xi32>, %while3A_301: vector<16xf32>):
            %add3A_302 = arith.constant 0 : i32
            %add3A_303 = arith.addi %while3A_298, %add3A_302 : i32
            %mul3A_304 = arith.constant 16 : i32
            %mul3A_305 = arith.muli %add3A_303, %mul3A_304 : i32
            %add3A_306 = arith.addi %mul3A_237, %mul3A_305 : i32
            %get3A_307 = arith.index_cast %add3A_306 : i32 to index
            %get3A_308 = tpu.vector_load %arg14[%get3A_307] {strides = array<i32>} : memref<6528xi32, #tpu.memory_space<vmem>>, vector<16xi32>,
            %bitcast3A = vector.bitcast %get3A_308 : vector<16xi32> to vector<16xi32>
            %mul3A_309 = arith.constant 16 : i32
            %mul3A_310 = arith.muli %add3A_303, %mul3A_309 : i32
            %add3A_311 = arith.addi %mul3A_237, %mul3A_310 : i32
            %get3A_312 = arith.index_cast %add3A_311 : i32 to index
            %get3A_313 = tpu.vector_load %arg15[%get3A_312] {strides = array<i32>} : memref<6528xi32, #tpu.memory_space<vmem>>, vector<16xi32>,
            %bitcast3A_314 = vector.bitcast %get3A_313 : vector<16xi32> to vector<16xi32>
            %eq3A_315 = arith.constant 0 : i32
            %eq3A_316 = arith.cmpi eq, %max3A_61, %eq3A_315 : i32
            %jit3A_317 = arith.constant 1 : i32
            %select_n3A_318 = arith.select %eq3A_316, %jit3A_317, %max3A_61 : i32
            %rem3A_319 = vector.broadcast %select_n3A_318 : i32 to vector<16xi32>
            %rem3A_320 = arith.remui %bitcast3A, %rem3A_319 : vector<16xi32>
            %ne3A_321 = arith.constant 0 : i32
            %ne3A_322 = vector.broadcast %ne3A_321 : i32 to vector<16xi32>
            %ne3A_323 = arith.cmpi ne, %rem3A_320, %ne3A_322 : vector<16xi32>
            %lt3A_324 = arith.constant 0 : i32
            %lt3A_325 = vector.broadcast %lt3A_324 : i32 to vector<16xi32>
            %lt3A_326 = arith.cmpi ult, %rem3A_320, %lt3A_325 : vector<16xi32>
            %lt3A_327 = arith.constant 0 : i32
            %lt3A_328 = arith.cmpi ult, %select_n3A_318, %lt3A_327 : i32
            %ne3A_329 = vector.broadcast %lt3A_328 : i1 to vector<16xi1>
            %ne3A_330 = vector.broadcast %ne3A_329 : vector<16xi1> to vector<16xi1>
            %ne3A_331 = arith.xori %lt3A_326, %ne3A_330 : vector<16xi1>
            %and3A_332 = arith.andi %ne3A_331, %ne3A_323 : vector<16xi1>
            %add3A_333 = vector.broadcast %select_n3A_318 : i32 to vector<16xi32>
            %add3A_334 = arith.addi %rem3A_320, %add3A_333 : vector<16xi32>
            %select_n3A_335 = arith.select %and3A_332, %add3A_334, %rem3A_320 : vector<16xi1>, vector<16xi32>
            %mul3A_336 = vector.broadcast %select_n3A_86 : i32 to vector<16xi32>
            %mul3A_337 = arith.muli %select_n3A_335, %mul3A_336 : vector<16xi32>
            %eq3A_338 = arith.constant 0 : i32
            %eq3A_339 = arith.cmpi eq, %max3A_61, %eq3A_338 : i32
            %jit3A_340 = arith.constant 1 : i32
            %select_n3A_341 = arith.select %eq3A_339, %jit3A_340, %max3A_61 : i32
            %rem3A_342 = vector.broadcast %select_n3A_341 : i32 to vector<16xi32>
            %rem3A_343 = arith.remui %bitcast3A_314, %rem3A_342 : vector<16xi32>
            %ne3A_344 = arith.constant 0 : i32
            %ne3A_345 = vector.broadcast %ne3A_344 : i32 to vector<16xi32>
            %ne3A_346 = arith.cmpi ne, %rem3A_343, %ne3A_345 : vector<16xi32>
            %lt3A_347 = arith.constant 0 : i32
            %lt3A_348 = vector.broadcast %lt3A_347 : i32 to vector<16xi32>
            %lt3A_349 = arith.cmpi ult, %rem3A_343, %lt3A_348 : vector<16xi32>
            %lt3A_350 = arith.constant 0 : i32
            %lt3A_351 = arith.cmpi ult, %select_n3A_341, %lt3A_350 : i32
            %ne3A_352 = vector.broadcast %lt3A_351 : i1 to vector<16xi1>
            %ne3A_353 = vector.broadcast %ne3A_352 : vector<16xi1> to vector<16xi1>
            %ne3A_354 = arith.xori %lt3A_349, %ne3A_353 : vector<16xi1>
            %and3A_355 = arith.andi %ne3A_354, %ne3A_346 : vector<16xi1>
            %add3A_356 = vector.broadcast %select_n3A_341 : i32 to vector<16xi32>
            %add3A_357 = arith.addi %rem3A_343, %add3A_356 : vector<16xi32>
            %select_n3A_358 = arith.select %and3A_355, %add3A_357, %rem3A_343 : vector<16xi1>, vector<16xi32>
            %add3A_359 = arith.addi %mul3A_337, %select_n3A_358 : vector<16xi32>
            %eq3A_360 = arith.constant 0 : i32
            %eq3A_361 = arith.cmpi eq, %max3A_61, %eq3A_360 : i32
            %jit3A_362 = arith.constant 1 : i32
            %select_n3A_363 = arith.select %eq3A_361, %jit3A_362, %max3A_61 : i32
            %rem3A_364 = vector.broadcast %select_n3A_363 : i32 to vector<16xi32>
            %rem3A_365 = arith.remui %add3A_359, %rem3A_364 : vector<16xi32>
            %ne3A_366 = arith.constant 0 : i32
            %ne3A_367 = vector.broadcast %ne3A_366 : i32 to vector<16xi32>
            %ne3A_368 = arith.cmpi ne, %rem3A_365, %ne3A_367 : vector<16xi32>
            %lt3A_369 = arith.constant 0 : i32
            %lt3A_370 = vector.broadcast %lt3A_369 : i32 to vector<16xi32>
            %lt3A_371 = arith.cmpi ult, %rem3A_365, %lt3A_370 : vector<16xi32>
            %lt3A_372 = arith.constant 0 : i32
            %lt3A_373 = arith.cmpi ult, %select_n3A_363, %lt3A_372 : i32
            %ne3A_374 = vector.broadcast %lt3A_373 : i1 to vector<16xi1>
            %ne3A_375 = vector.broadcast %ne3A_374 : vector<16xi1> to vector<16xi1>
            %ne3A_376 = arith.xori %lt3A_371, %ne3A_375 : vector<16xi1>
            %and3A_377 = arith.andi %ne3A_376, %ne3A_368 : vector<16xi1>
            %add3A_378 = vector.broadcast %select_n3A_363 : i32 to vector<16xi32>
            %add3A_379 = arith.addi %rem3A_365, %add3A_378 : vector<16xi32>
            %select_n3A_380 = arith.select %and3A_377, %add3A_379, %rem3A_365 : vector<16xi1>, vector<16xi32>
            %gather3A_381 = tpu.vector_load_idx %arg11[%select_n3A_380] : memref<16400xf32, #tpu.memory_space<vmem>>[vector<16xi32>], vector<16xf32>,
            %add3A_382 = arith.constant 1.000000e+00 : f32
            %add3A_383 = vector.broadcast %add3A_382 : f32 to vector<16xf32>
            %add3A_384 = arith.addf %gather3A_381, %add3A_383 : vector<16xf32>
            %gt3A = arith.cmpf ogt, %add3A_384, %get3A_231 : vector<16xf32>
            %eq3A_385 = arith.constant 0 : i32
            %eq3A_386 = vector.broadcast %eq3A_385 : i32 to vector<16xi32>
            %eq3A_387 = arith.cmpi eq, %while3A_299, %eq3A_386 : vector<16xi32>
            %and3A_388 = arith.andi %gt3A, %eq3A_387 : vector<16xi1>
            %lt3A_389 = arith.constant 50 : i32
            %lt3A_390 = arith.cmpi slt, %add3A_303, %lt3A_389 : i32
            %and3A_391 = vector.broadcast %lt3A_390 : i1 to vector<16xi1>
            %and3A_392 = arith.andi %and3A_388, %and3A_391 : vector<16xi1>
            %broadcast_in_dim3A_393 = vector.broadcast %add3A_303 : i32 to vector<16xi32>
            %select_n3A_394 = arith.select %and3A_392, %broadcast_in_dim3A_393, %while3A_300 : vector<16xi1>, vector<16xi32>
            %select_n3A_395 = arith.select %and3A_392, %gather3A_381, %while3A_301 : vector<16xi1>, vector<16xf32>
            %select_n3A_396 = arith.select %gt3A, %broadcast_in_dim3A_5, %while3A_299 : vector<16xi1>, vector<16xi32>
            %add3A_397 = arith.constant 1 : i32
            %add3A_398 = arith.addi %while3A_298, %add3A_397 : i32
            %mul3A_399 = arith.constant 16 : i32
            %mul3A_400 = arith.muli %add3A_398, %mul3A_399 : i32
            %add3A_401 = arith.addi %mul3A_237, %mul3A_400 : i32
            %get3A_402 = arith.index_cast %add3A_401 : i32 to index
            %get3A_403 = tpu.vector_load %arg14[%get3A_402] {strides = array<i32>} : memref<6528xi32, #tpu.memory_space<vmem>>, vector<16xi32>,
            %bitcast3A_404 = vector.bitcast %get3A_403 : vector<16xi32> to vector<16xi32>
            %mul3A_405 = arith.constant 16 : i32
            %mul3A_406 = arith.muli %add3A_398, %mul3A_405 : i32
            %add3A_407 = arith.addi %mul3A_237, %mul3A_406 : i32
            %get3A_408 = arith.index_cast %add3A_407 : i32 to index
            %get3A_409 = tpu.vector_load %arg15[%get3A_408] {strides = array<i32>} : memref<6528xi32, #tpu.memory_space<vmem>>, vector<16xi32>,
            %bitcast3A_410 = vector.bitcast %get3A_409 : vector<16xi32> to vector<16xi32>
            %eq3A_411 = arith.constant 0 : i32
            %eq3A_412 = arith.cmpi eq, %max3A_61, %eq3A_411 : i32
            %jit3A_413 = arith.constant 1 : i32
            %select_n3A_414 = arith.select %eq3A_412, %jit3A_413, %max3A_61 : i32
            %rem3A_415 = vector.broadcast %select_n3A_414 : i32 to vector<16xi32>
            %rem3A_416 = arith.remui %bitcast3A_404, %rem3A_415 : vector<16xi32>
            %ne3A_417 = arith.constant 0 : i32
            %ne3A_418 = vector.broadcast %ne3A_417 : i32 to vector<16xi32>
            %ne3A_419 = arith.cmpi ne, %rem3A_416, %ne3A_418 : vector<16xi32>
            %lt3A_420 = arith.constant 0 : i32
            %lt3A_421 = vector.broadcast %lt3A_420 : i32 to vector<16xi32>
            %lt3A_422 = arith.cmpi ult, %rem3A_416, %lt3A_421 : vector<16xi32>
            %lt3A_423 = arith.constant 0 : i32
            %lt3A_424 = arith.cmpi ult, %select_n3A_414, %lt3A_423 : i32
            %ne3A_425 = vector.broadcast %lt3A_424 : i1 to vector<16xi1>
            %ne3A_426 = vector.broadcast %ne3A_425 : vector<16xi1> to vector<16xi1>
            %ne3A_427 = arith.xori %lt3A_422, %ne3A_426 : vector<16xi1>
            %and3A_428 = arith.andi %ne3A_427, %ne3A_419 : vector<16xi1>
            %add3A_429 = vector.broadcast %select_n3A_414 : i32 to vector<16xi32>
            %add3A_430 = arith.addi %rem3A_416, %add3A_429 : vector<16xi32>
            %select_n3A_431 = arith.select %and3A_428, %add3A_430, %rem3A_416 : vector<16xi1>, vector<16xi32>
            %mul3A_432 = vector.broadcast %select_n3A_86 : i32 to vector<16xi32>
            %mul3A_433 = arith.muli %select_n3A_431, %mul3A_432 : vector<16xi32>
            %eq3A_434 = arith.constant 0 : i32
            %eq3A_435 = arith.cmpi eq, %max3A_61, %eq3A_434 : i32
            %jit3A_436 = arith.constant 1 : i32
            %select_n3A_437 = arith.select %eq3A_435, %jit3A_436, %max3A_61 : i32
            %rem3A_438 = vector.broadcast %select_n3A_437 : i32 to vector<16xi32>
            %rem3A_439 = arith.remui %bitcast3A_410, %rem3A_438 : vector<16xi32>
            %ne3A_440 = arith.constant 0 : i32
            %ne3A_441 = vector.broadcast %ne3A_440 : i32 to vector<16xi32>
            %ne3A_442 = arith.cmpi ne, %rem3A_439, %ne3A_441 : vector<16xi32>
            %lt3A_443 = arith.constant 0 : i32
            %lt3A_444 = vector.broadcast %lt3A_443 : i32 to vector<16xi32>
            %lt3A_445 = arith.cmpi ult, %rem3A_439, %lt3A_444 : vector<16xi32>
            %lt3A_446 = arith.constant 0 : i32
            %lt3A_447 = arith.cmpi ult, %select_n3A_437, %lt3A_446 : i32
            %ne3A_448 = vector.broadcast %lt3A_447 : i1 to vector<16xi1>
            %ne3A_449 = vector.broadcast %ne3A_448 : vector<16xi1> to vector<16xi1>
            %ne3A_450 = arith.xori %lt3A_445, %ne3A_449 : vector<16xi1>
            %and3A_451 = arith.andi %ne3A_450, %ne3A_442 : vector<16xi1>
            %add3A_452 = vector.broadcast %select_n3A_437 : i32 to vector<16xi32>
            %add3A_453 = arith.addi %rem3A_439, %add3A_452 : vector<16xi32>
            %select_n3A_454 = arith.select %and3A_451, %add3A_453, %rem3A_439 : vector<16xi1>, vector<16xi32>
            %add3A_455 = arith.addi %mul3A_433, %select_n3A_454 : vector<16xi32>
            %eq3A_456 = arith.constant 0 : i32
            %eq3A_457 = arith.cmpi eq, %max3A_61, %eq3A_456 : i32
            %jit3A_458 = arith.constant 1 : i32
            %select_n3A_459 = arith.select %eq3A_457, %jit3A_458, %max3A_61 : i32
            %rem3A_460 = vector.broadcast %select_n3A_459 : i32 to vector<16xi32>
            %rem3A_461 = arith.remui %add3A_455, %rem3A_460 : vector<16xi32>
            %ne3A_462 = arith.constant 0 : i32
            %ne3A_463 = vector.broadcast %ne3A_462 : i32 to vector<16xi32>
            %ne3A_464 = arith.cmpi ne, %rem3A_461, %ne3A_463 : vector<16xi32>
            %lt3A_465 = arith.constant 0 : i32
            %lt3A_466 = vector.broadcast %lt3A_465 : i32 to vector<16xi32>
            %lt3A_467 = arith.cmpi ult, %rem3A_461, %lt3A_466 : vector<16xi32>
            %lt3A_468 = arith.constant 0 : i32
            %lt3A_469 = arith.cmpi ult, %select_n3A_459, %lt3A_468 : i32
            %ne3A_470 = vector.broadcast %lt3A_469 : i1 to vector<16xi1>
            %ne3A_471 = vector.broadcast %ne3A_470 : vector<16xi1> to vector<16xi1>
            %ne3A_472 = arith.xori %lt3A_467, %ne3A_471 : vector<16xi1>
            %and3A_473 = arith.andi %ne3A_472, %ne3A_464 : vector<16xi1>
            %add3A_474 = vector.broadcast %select_n3A_459 : i32 to vector<16xi32>
            %add3A_475 = arith.addi %rem3A_461, %add3A_474 : vector<16xi32>
            %select_n3A_476 = arith.select %and3A_473, %add3A_475, %rem3A_461 : vector<16xi1>, vector<16xi32>
            %gather3A_477 = tpu.vector_load_idx %arg11[%select_n3A_476] : memref<16400xf32, #tpu.memory_space<vmem>>[vector<16xi32>], vector<16xf32>,
            %add3A_478 = arith.constant 1.000000e+00 : f32
            %add3A_479 = vector.broadcast %add3A_478 : f32 to vector<16xf32>
            %add3A_480 = arith.addf %gather3A_477, %add3A_479 : vector<16xf32>
            %gt3A_481 = arith.cmpf ogt, %add3A_480, %get3A_231 : vector<16xf32>
            %eq3A_482 = arith.constant 0 : i32
            %eq3A_483 = vector.broadcast %eq3A_482 : i32 to vector<16xi32>
            %eq3A_484 = arith.cmpi eq, %select_n3A_396, %eq3A_483 : vector<16xi32>
            %and3A_485 = arith.andi %gt3A_481, %eq3A_484 : vector<16xi1>
            %lt3A_486 = arith.constant 50 : i32
            %lt3A_487 = arith.cmpi slt, %add3A_398, %lt3A_486 : i32
            %and3A_488 = vector.broadcast %lt3A_487 : i1 to vector<16xi1>
            %and3A_489 = arith.andi %and3A_485, %and3A_488 : vector<16xi1>
            %broadcast_in_dim3A_490 = vector.broadcast %add3A_398 : i32 to vector<16xi32>
            %select_n3A_491 = arith.select %and3A_489, %broadcast_in_dim3A_490, %select_n3A_394 : vector<16xi1>, vector<16xi32>
            %select_n3A_492 = arith.select %and3A_489, %gather3A_477, %select_n3A_395 : vector<16xi1>, vector<16xf32>
            %select_n3A_493 = arith.select %gt3A_481, %broadcast_in_dim3A_5, %select_n3A_396 : vector<16xi1>, vector<16xi32>
            %add3A_494 = arith.constant 2 : i32
            %add3A_495 = arith.addi %while3A_298, %add3A_494 : i32
            %mul3A_496 = arith.constant 16 : i32
            %mul3A_497 = arith.muli %add3A_495, %mul3A_496 : i32
            %add3A_498 = arith.addi %mul3A_237, %mul3A_497 : i32
            %get3A_499 = arith.index_cast %add3A_498 : i32 to index
            %get3A_500 = tpu.vector_load %arg14[%get3A_499] {strides = array<i32>} : memref<6528xi32, #tpu.memory_space<vmem>>, vector<16xi32>,
            %bitcast3A_501 = vector.bitcast %get3A_500 : vector<16xi32> to vector<16xi32>
            %mul3A_502 = arith.constant 16 : i32
            %mul3A_503 = arith.muli %add3A_495, %mul3A_502 : i32
            %add3A_504 = arith.addi %mul3A_237, %mul3A_503 : i32
            %get3A_505 = arith.index_cast %add3A_504 : i32 to index
            %get3A_506 = tpu.vector_load %arg15[%get3A_505] {strides = array<i32>} : memref<6528xi32, #tpu.memory_space<vmem>>, vector<16xi32>,
            %bitcast3A_507 = vector.bitcast %get3A_506 : vector<16xi32> to vector<16xi32>
            %eq3A_508 = arith.constant 0 : i32
            %eq3A_509 = arith.cmpi eq, %max3A_61, %eq3A_508 : i32
            %jit3A_510 = arith.constant 1 : i32
            %select_n3A_511 = arith.select %eq3A_509, %jit3A_510, %max3A_61 : i32
            %rem3A_512 = vector.broadcast %select_n3A_511 : i32 to vector<16xi32>
            %rem3A_513 = arith.remui %bitcast3A_501, %rem3A_512 : vector<16xi32>
            %ne3A_514 = arith.constant 0 : i32
            %ne3A_515 = vector.broadcast %ne3A_514 : i32 to vector<16xi32>
            %ne3A_516 = arith.cmpi ne, %rem3A_513, %ne3A_515 : vector<16xi32>
            %lt3A_517 = arith.constant 0 : i32
            %lt3A_518 = vector.broadcast %lt3A_517 : i32 to vector<16xi32>
            %lt3A_519 = arith.cmpi ult, %rem3A_513, %lt3A_518 : vector<16xi32>
            %lt3A_520 = arith.constant 0 : i32
            %lt3A_521 = arith.cmpi ult, %select_n3A_511, %lt3A_520 : i32
            %ne3A_522 = vector.broadcast %lt3A_521 : i1 to vector<16xi1>
            %ne3A_523 = vector.broadcast %ne3A_522 : vector<16xi1> to vector<16xi1>
            %ne3A_524 = arith.xori %lt3A_519, %ne3A_523 : vector<16xi1>
            %and3A_525 = arith.andi %ne3A_524, %ne3A_516 : vector<16xi1>
            %add3A_526 = vector.broadcast %select_n3A_511 : i32 to vector<16xi32>
            %add3A_527 = arith.addi %rem3A_513, %add3A_526 : vector<16xi32>
            %select_n3A_528 = arith.select %and3A_525, %add3A_527, %rem3A_513 : vector<16xi1>, vector<16xi32>
            %mul3A_529 = vector.broadcast %select_n3A_86 : i32 to vector<16xi32>
            %mul3A_530 = arith.muli %select_n3A_528, %mul3A_529 : vector<16xi32>
            %eq3A_531 = arith.constant 0 : i32
            %eq3A_532 = arith.cmpi eq, %max3A_61, %eq3A_531 : i32
            %jit3A_533 = arith.constant 1 : i32
            %select_n3A_534 = arith.select %eq3A_532, %jit3A_533, %max3A_61 : i32
            %rem3A_535 = vector.broadcast %select_n3A_534 : i32 to vector<16xi32>
            %rem3A_536 = arith.remui %bitcast3A_507, %rem3A_535 : vector<16xi32>
            %ne3A_537 = arith.constant 0 : i32
            %ne3A_538 = vector.broadcast %ne3A_537 : i32 to vector<16xi32>
            %ne3A_539 = arith.cmpi ne, %rem3A_536, %ne3A_538 : vector<16xi32>
            %lt3A_540 = arith.constant 0 : i32
            %lt3A_541 = vector.broadcast %lt3A_540 : i32 to vector<16xi32>
            %lt3A_542 = arith.cmpi ult, %rem3A_536, %lt3A_541 : vector<16xi32>
            %lt3A_543 = arith.constant 0 : i32
            %lt3A_544 = arith.cmpi ult, %select_n3A_534, %lt3A_543 : i32
            %ne3A_545 = vector.broadcast %lt3A_544 : i1 to vector<16xi1>
            %ne3A_546 = vector.broadcast %ne3A_545 : vector<16xi1> to vector<16xi1>
            %ne3A_547 = arith.xori %lt3A_542, %ne3A_546 : vector<16xi1>
            %and3A_548 = arith.andi %ne3A_547, %ne3A_539 : vector<16xi1>
            %add3A_549 = vector.broadcast %select_n3A_534 : i32 to vector<16xi32>
            %add3A_550 = arith.addi %rem3A_536, %add3A_549 : vector<16xi32>
            %select_n3A_551 = arith.select %and3A_548, %add3A_550, %rem3A_536 : vector<16xi1>, vector<16xi32>
            %add3A_552 = arith.addi %mul3A_530, %select_n3A_551 : vector<16xi32>
            %eq3A_553 = arith.constant 0 : i32
            %eq3A_554 = arith.cmpi eq, %max3A_61, %eq3A_553 : i32
            %jit3A_555 = arith.constant 1 : i32
            %select_n3A_556 = arith.select %eq3A_554, %jit3A_555, %max3A_61 : i32
            %rem3A_557 = vector.broadcast %select_n3A_556 : i32 to vector<16xi32>
            %rem3A_558 = arith.remui %add3A_552, %rem3A_557 : vector<16xi32>
            %ne3A_559 = arith.constant 0 : i32
            %ne3A_560 = vector.broadcast %ne3A_559 : i32 to vector<16xi32>
            %ne3A_561 = arith.cmpi ne, %rem3A_558, %ne3A_560 : vector<16xi32>
            %lt3A_562 = arith.constant 0 : i32
            %lt3A_563 = vector.broadcast %lt3A_562 : i32 to vector<16xi32>
            %lt3A_564 = arith.cmpi ult, %rem3A_558, %lt3A_563 : vector<16xi32>
            %lt3A_565 = arith.constant 0 : i32
            %lt3A_566 = arith.cmpi ult, %select_n3A_556, %lt3A_565 : i32
            %ne3A_567 = vector.broadcast %lt3A_566 : i1 to vector<16xi1>
            %ne3A_568 = vector.broadcast %ne3A_567 : vector<16xi1> to vector<16xi1>
            %ne3A_569 = arith.xori %lt3A_564, %ne3A_568 : vector<16xi1>
            %and3A_570 = arith.andi %ne3A_569, %ne3A_561 : vector<16xi1>
            %add3A_571 = vector.broadcast %select_n3A_556 : i32 to vector<16xi32>
            %add3A_572 = arith.addi %rem3A_558, %add3A_571 : vector<16xi32>
            %select_n3A_573 = arith.select %and3A_570, %add3A_572, %rem3A_558 : vector<16xi1>, vector<16xi32>
            %gather3A_574 = tpu.vector_load_idx %arg11[%select_n3A_573] : memref<16400xf32, #tpu.memory_space<vmem>>[vector<16xi32>], vector<16xf32>,
            %add3A_575 = arith.constant 1.000000e+00 : f32
            %add3A_576 = vector.broadcast %add3A_575 : f32 to vector<16xf32>
            %add3A_577 = arith.addf %gather3A_574, %add3A_576 : vector<16xf32>
            %gt3A_578 = arith.cmpf ogt, %add3A_577, %get3A_231 : vector<16xf32>
            %eq3A_579 = arith.constant 0 : i32
            %eq3A_580 = vector.broadcast %eq3A_579 : i32 to vector<16xi32>
            %eq3A_581 = arith.cmpi eq, %select_n3A_493, %eq3A_580 : vector<16xi32>
            %and3A_582 = arith.andi %gt3A_578, %eq3A_581 : vector<16xi1>
            %lt3A_583 = arith.constant 50 : i32
            %lt3A_584 = arith.cmpi slt, %add3A_495, %lt3A_583 : i32
            %and3A_585 = vector.broadcast %lt3A_584 : i1 to vector<16xi1>
            %and3A_586 = arith.andi %and3A_582, %and3A_585 : vector<16xi1>
            %broadcast_in_dim3A_587 = vector.broadcast %add3A_495 : i32 to vector<16xi32>
            %select_n3A_588 = arith.select %and3A_586, %broadcast_in_dim3A_587, %select_n3A_491 : vector<16xi1>, vector<16xi32>
            %select_n3A_589 = arith.select %and3A_586, %gather3A_574, %select_n3A_492 : vector<16xi1>, vector<16xf32>
            %select_n3A_590 = arith.select %gt3A_578, %broadcast_in_dim3A_5, %select_n3A_493 : vector<16xi1>, vector<16xi32>
            %add3A_591 = arith.constant 3 : i32
            %add3A_592 = arith.addi %while3A_298, %add3A_591 : i32
            %mul3A_593 = arith.constant 16 : i32
            %mul3A_594 = arith.muli %add3A_592, %mul3A_593 : i32
            %add3A_595 = arith.addi %mul3A_237, %mul3A_594 : i32
            %get3A_596 = arith.index_cast %add3A_595 : i32 to index
            %get3A_597 = tpu.vector_load %arg14[%get3A_596] {strides = array<i32>} : memref<6528xi32, #tpu.memory_space<vmem>>, vector<16xi32>,
            %bitcast3A_598 = vector.bitcast %get3A_597 : vector<16xi32> to vector<16xi32>
            %mul3A_599 = arith.constant 16 : i32
            %mul3A_600 = arith.muli %add3A_592, %mul3A_599 : i32
            %add3A_601 = arith.addi %mul3A_237, %mul3A_600 : i32
            %get3A_602 = arith.index_cast %add3A_601 : i32 to index
            %get3A_603 = tpu.vector_load %arg15[%get3A_602] {strides = array<i32>} : memref<6528xi32, #tpu.memory_space<vmem>>, vector<16xi32>,
            %bitcast3A_604 = vector.bitcast %get3A_603 : vector<16xi32> to vector<16xi32>
            %eq3A_605 = arith.constant 0 : i32
            %eq3A_606 = arith.cmpi eq, %max3A_61, %eq3A_605 : i32
            %jit3A_607 = arith.constant 1 : i32
            %select_n3A_608 = arith.select %eq3A_606, %jit3A_607, %max3A_61 : i32
            %rem3A_609 = vector.broadcast %select_n3A_608 : i32 to vector<16xi32>
            %rem3A_610 = arith.remui %bitcast3A_598, %rem3A_609 : vector<16xi32>
            %ne3A_611 = arith.constant 0 : i32
            %ne3A_612 = vector.broadcast %ne3A_611 : i32 to vector<16xi32>
            %ne3A_613 = arith.cmpi ne, %rem3A_610, %ne3A_612 : vector<16xi32>
            %lt3A_614 = arith.constant 0 : i32
            %lt3A_615 = vector.broadcast %lt3A_614 : i32 to vector<16xi32>
            %lt3A_616 = arith.cmpi ult, %rem3A_610, %lt3A_615 : vector<16xi32>
            %lt3A_617 = arith.constant 0 : i32
            %lt3A_618 = arith.cmpi ult, %select_n3A_608, %lt3A_617 : i32
            %ne3A_619 = vector.broadcast %lt3A_618 : i1 to vector<16xi1>
            %ne3A_620 = vector.broadcast %ne3A_619 : vector<16xi1> to vector<16xi1>
            %ne3A_621 = arith.xori %lt3A_616, %ne3A_620 : vector<16xi1>
            %and3A_622 = arith.andi %ne3A_621, %ne3A_613 : vector<16xi1>
            %add3A_623 = vector.broadcast %select_n3A_608 : i32 to vector<16xi32>
            %add3A_624 = arith.addi %rem3A_610, %add3A_623 : vector<16xi32>
            %select_n3A_625 = arith.select %and3A_622, %add3A_624, %rem3A_610 : vector<16xi1>, vector<16xi32>
            %mul3A_626 = vector.broadcast %select_n3A_86 : i32 to vector<16xi32>
            %mul3A_627 = arith.muli %select_n3A_625, %mul3A_626 : vector<16xi32>
            %eq3A_628 = arith.constant 0 : i32
            %eq3A_629 = arith.cmpi eq, %max3A_61, %eq3A_628 : i32
            %jit3A_630 = arith.constant 1 : i32
            %select_n3A_631 = arith.select %eq3A_629, %jit3A_630, %max3A_61 : i32
            %rem3A_632 = vector.broadcast %select_n3A_631 : i32 to vector<16xi32>
            %rem3A_633 = arith.remui %bitcast3A_604, %rem3A_632 : vector<16xi32>
            %ne3A_634 = arith.constant 0 : i32
            %ne3A_635 = vector.broadcast %ne3A_634 : i32 to vector<16xi32>
            %ne3A_636 = arith.cmpi ne, %rem3A_633, %ne3A_635 : vector<16xi32>
            %lt3A_637 = arith.constant 0 : i32
            %lt3A_638 = vector.broadcast %lt3A_637 : i32 to vector<16xi32>
            %lt3A_639 = arith.cmpi ult, %rem3A_633, %lt3A_638 : vector<16xi32>
            %lt3A_640 = arith.constant 0 : i32
            %lt3A_641 = arith.cmpi ult, %select_n3A_631, %lt3A_640 : i32
            %ne3A_642 = vector.broadcast %lt3A_641 : i1 to vector<16xi1>
            %ne3A_643 = vector.broadcast %ne3A_642 : vector<16xi1> to vector<16xi1>
            %ne3A_644 = arith.xori %lt3A_639, %ne3A_643 : vector<16xi1>
            %and3A_645 = arith.andi %ne3A_644, %ne3A_636 : vector<16xi1>
            %add3A_646 = vector.broadcast %select_n3A_631 : i32 to vector<16xi32>
            %add3A_647 = arith.addi %rem3A_633, %add3A_646 : vector<16xi32>
            %select_n3A_648 = arith.select %and3A_645, %add3A_647, %rem3A_633 : vector<16xi1>, vector<16xi32>
            %add3A_649 = arith.addi %mul3A_627, %select_n3A_648 : vector<16xi32>
            %eq3A_650 = arith.constant 0 : i32
            %eq3A_651 = arith.cmpi eq, %max3A_61, %eq3A_650 : i32
            %jit3A_652 = arith.constant 1 : i32
            %select_n3A_653 = arith.select %eq3A_651, %jit3A_652, %max3A_61 : i32
            %rem3A_654 = vector.broadcast %select_n3A_653 : i32 to vector<16xi32>
            %rem3A_655 = arith.remui %add3A_649, %rem3A_654 : vector<16xi32>
            %ne3A_656 = arith.constant 0 : i32
            %ne3A_657 = vector.broadcast %ne3A_656 : i32 to vector<16xi32>
            %ne3A_658 = arith.cmpi ne, %rem3A_655, %ne3A_657 : vector<16xi32>
            %lt3A_659 = arith.constant 0 : i32
            %lt3A_660 = vector.broadcast %lt3A_659 : i32 to vector<16xi32>
            %lt3A_661 = arith.cmpi ult, %rem3A_655, %lt3A_660 : vector<16xi32>
            %lt3A_662 = arith.constant 0 : i32
            %lt3A_663 = arith.cmpi ult, %select_n3A_653, %lt3A_662 : i32
            %ne3A_664 = vector.broadcast %lt3A_663 : i1 to vector<16xi1>
            %ne3A_665 = vector.broadcast %ne3A_664 : vector<16xi1> to vector<16xi1>
            %ne3A_666 = arith.xori %lt3A_661, %ne3A_665 : vector<16xi1>
            %and3A_667 = arith.andi %ne3A_666, %ne3A_658 : vector<16xi1>
            %add3A_668 = vector.broadcast %select_n3A_653 : i32 to vector<16xi32>
            %add3A_669 = arith.addi %rem3A_655, %add3A_668 : vector<16xi32>
            %select_n3A_670 = arith.select %and3A_667, %add3A_669, %rem3A_655 : vector<16xi1>, vector<16xi32>
            %gather3A_671 = tpu.vector_load_idx %arg11[%select_n3A_670] : memref<16400xf32, #tpu.memory_space<vmem>>[vector<16xi32>], vector<16xf32>,
            %add3A_672 = arith.constant 1.000000e+00 : f32
            %add3A_673 = vector.broadcast %add3A_672 : f32 to vector<16xf32>
            %add3A_674 = arith.addf %gather3A_671, %add3A_673 : vector<16xf32>
            %gt3A_675 = arith.cmpf ogt, %add3A_674, %get3A_231 : vector<16xf32>
            %eq3A_676 = arith.constant 0 : i32
            %eq3A_677 = vector.broadcast %eq3A_676 : i32 to vector<16xi32>
            %eq3A_678 = arith.cmpi eq, %select_n3A_590, %eq3A_677 : vector<16xi32>
            %and3A_679 = arith.andi %gt3A_675, %eq3A_678 : vector<16xi1>
            %lt3A_680 = arith.constant 50 : i32
            %lt3A_681 = arith.cmpi slt, %add3A_592, %lt3A_680 : i32
            %and3A_682 = vector.broadcast %lt3A_681 : i1 to vector<16xi1>
            %and3A_683 = arith.andi %and3A_679, %and3A_682 : vector<16xi1>
            %broadcast_in_dim3A_684 = vector.broadcast %add3A_592 : i32 to vector<16xi32>
            %select_n3A_685 = arith.select %and3A_683, %broadcast_in_dim3A_684, %select_n3A_588 : vector<16xi1>, vector<16xi32>
            %select_n3A_686 = arith.select %and3A_683, %gather3A_671, %select_n3A_589 : vector<16xi1>, vector<16xf32>
            %select_n3A_687 = arith.select %gt3A_675, %broadcast_in_dim3A_5, %select_n3A_590 : vector<16xi1>, vector<16xi32>
            %add3A_688 = arith.constant 4 : i32
            %add3A_689 = arith.addi %while3A_298, %add3A_688 : i32
            %mul3A_690 = arith.constant 16 : i32
            %mul3A_691 = arith.muli %add3A_689, %mul3A_690 : i32
            %add3A_692 = arith.addi %mul3A_237, %mul3A_691 : i32
            %get3A_693 = arith.index_cast %add3A_692 : i32 to index
            %get3A_694 = tpu.vector_load %arg14[%get3A_693] {strides = array<i32>} : memref<6528xi32, #tpu.memory_space<vmem>>, vector<16xi32>,
            %bitcast3A_695 = vector.bitcast %get3A_694 : vector<16xi32> to vector<16xi32>
            %mul3A_696 = arith.constant 16 : i32
            %mul3A_697 = arith.muli %add3A_689, %mul3A_696 : i32
            %add3A_698 = arith.addi %mul3A_237, %mul3A_697 : i32
            %get3A_699 = arith.index_cast %add3A_698 : i32 to index
            %get3A_700 = tpu.vector_load %arg15[%get3A_699] {strides = array<i32>} : memref<6528xi32, #tpu.memory_space<vmem>>, vector<16xi32>,
            %bitcast3A_701 = vector.bitcast %get3A_700 : vector<16xi32> to vector<16xi32>
            %eq3A_702 = arith.constant 0 : i32
            %eq3A_703 = arith.cmpi eq, %max3A_61, %eq3A_702 : i32
            %jit3A_704 = arith.constant 1 : i32
            %select_n3A_705 = arith.select %eq3A_703, %jit3A_704, %max3A_61 : i32
            %rem3A_706 = vector.broadcast %select_n3A_705 : i32 to vector<16xi32>
            %rem3A_707 = arith.remui %bitcast3A_695, %rem3A_706 : vector<16xi32>
            %ne3A_708 = arith.constant 0 : i32
            %ne3A_709 = vector.broadcast %ne3A_708 : i32 to vector<16xi32>
            %ne3A_710 = arith.cmpi ne, %rem3A_707, %ne3A_709 : vector<16xi32>
            %lt3A_711 = arith.constant 0 : i32
            %lt3A_712 = vector.broadcast %lt3A_711 : i32 to vector<16xi32>
            %lt3A_713 = arith.cmpi ult, %rem3A_707, %lt3A_712 : vector<16xi32>
            %lt3A_714 = arith.constant 0 : i32
            %lt3A_715 = arith.cmpi ult, %select_n3A_705, %lt3A_714 : i32
            %ne3A_716 = vector.broadcast %lt3A_715 : i1 to vector<16xi1>
            %ne3A_717 = vector.broadcast %ne3A_716 : vector<16xi1> to vector<16xi1>
            %ne3A_718 = arith.xori %lt3A_713, %ne3A_717 : vector<16xi1>
            %and3A_719 = arith.andi %ne3A_718, %ne3A_710 : vector<16xi1>
            %add3A_720 = vector.broadcast %select_n3A_705 : i32 to vector<16xi32>
            %add3A_721 = arith.addi %rem3A_707, %add3A_720 : vector<16xi32>
            %select_n3A_722 = arith.select %and3A_719, %add3A_721, %rem3A_707 : vector<16xi1>, vector<16xi32>
            %mul3A_723 = vector.broadcast %select_n3A_86 : i32 to vector<16xi32>
            %mul3A_724 = arith.muli %select_n3A_722, %mul3A_723 : vector<16xi32>
            %eq3A_725 = arith.constant 0 : i32
            %eq3A_726 = arith.cmpi eq, %max3A_61, %eq3A_725 : i32
            %jit3A_727 = arith.constant 1 : i32
            %select_n3A_728 = arith.select %eq3A_726, %jit3A_727, %max3A_61 : i32
            %rem3A_729 = vector.broadcast %select_n3A_728 : i32 to vector<16xi32>
            %rem3A_730 = arith.remui %bitcast3A_701, %rem3A_729 : vector<16xi32>
            %ne3A_731 = arith.constant 0 : i32
            %ne3A_732 = vector.broadcast %ne3A_731 : i32 to vector<16xi32>
            %ne3A_733 = arith.cmpi ne, %rem3A_730, %ne3A_732 : vector<16xi32>
            %lt3A_734 = arith.constant 0 : i32
            %lt3A_735 = vector.broadcast %lt3A_734 : i32 to vector<16xi32>
            %lt3A_736 = arith.cmpi ult, %rem3A_730, %lt3A_735 : vector<16xi32>
            %lt3A_737 = arith.constant 0 : i32
            %lt3A_738 = arith.cmpi ult, %select_n3A_728, %lt3A_737 : i32
            %ne3A_739 = vector.broadcast %lt3A_738 : i1 to vector<16xi1>
            %ne3A_740 = vector.broadcast %ne3A_739 : vector<16xi1> to vector<16xi1>
            %ne3A_741 = arith.xori %lt3A_736, %ne3A_740 : vector<16xi1>
            %and3A_742 = arith.andi %ne3A_741, %ne3A_733 : vector<16xi1>
            %add3A_743 = vector.broadcast %select_n3A_728 : i32 to vector<16xi32>
            %add3A_744 = arith.addi %rem3A_730, %add3A_743 : vector<16xi32>
            %select_n3A_745 = arith.select %and3A_742, %add3A_744, %rem3A_730 : vector<16xi1>, vector<16xi32>
            %add3A_746 = arith.addi %mul3A_724, %select_n3A_745 : vector<16xi32>
            %eq3A_747 = arith.constant 0 : i32
            %eq3A_748 = arith.cmpi eq, %max3A_61, %eq3A_747 : i32
            %jit3A_749 = arith.constant 1 : i32
            %select_n3A_750 = arith.select %eq3A_748, %jit3A_749, %max3A_61 : i32
            %rem3A_751 = vector.broadcast %select_n3A_750 : i32 to vector<16xi32>
            %rem3A_752 = arith.remui %add3A_746, %rem3A_751 : vector<16xi32>
            %ne3A_753 = arith.constant 0 : i32
            %ne3A_754 = vector.broadcast %ne3A_753 : i32 to vector<16xi32>
            %ne3A_755 = arith.cmpi ne, %rem3A_752, %ne3A_754 : vector<16xi32>
            %lt3A_756 = arith.constant 0 : i32
            %lt3A_757 = vector.broadcast %lt3A_756 : i32 to vector<16xi32>
            %lt3A_758 = arith.cmpi ult, %rem3A_752, %lt3A_757 : vector<16xi32>
            %lt3A_759 = arith.constant 0 : i32
            %lt3A_760 = arith.cmpi ult, %select_n3A_750, %lt3A_759 : i32
            %ne3A_761 = vector.broadcast %lt3A_760 : i1 to vector<16xi1>
            %ne3A_762 = vector.broadcast %ne3A_761 : vector<16xi1> to vector<16xi1>
            %ne3A_763 = arith.xori %lt3A_758, %ne3A_762 : vector<16xi1>
            %and3A_764 = arith.andi %ne3A_763, %ne3A_755 : vector<16xi1>
            %add3A_765 = vector.broadcast %select_n3A_750 : i32 to vector<16xi32>
            %add3A_766 = arith.addi %rem3A_752, %add3A_765 : vector<16xi32>
            %select_n3A_767 = arith.select %and3A_764, %add3A_766, %rem3A_752 : vector<16xi1>, vector<16xi32>
            %gather3A_768 = tpu.vector_load_idx %arg11[%select_n3A_767] : memref<16400xf32, #tpu.memory_space<vmem>>[vector<16xi32>], vector<16xf32>,
            %add3A_769 = arith.constant 1.000000e+00 : f32
            %add3A_770 = vector.broadcast %add3A_769 : f32 to vector<16xf32>
            %add3A_771 = arith.addf %gather3A_768, %add3A_770 : vector<16xf32>
            %gt3A_772 = arith.cmpf ogt, %add3A_771, %get3A_231 : vector<16xf32>
            %eq3A_773 = arith.constant 0 : i32
            %eq3A_774 = vector.broadcast %eq3A_773 : i32 to vector<16xi32>
            %eq3A_775 = arith.cmpi eq, %select_n3A_687, %eq3A_774 : vector<16xi32>
            %and3A_776 = arith.andi %gt3A_772, %eq3A_775 : vector<16xi1>
            %lt3A_777 = arith.constant 50 : i32
            %lt3A_778 = arith.cmpi slt, %add3A_689, %lt3A_777 : i32
            %and3A_779 = vector.broadcast %lt3A_778 : i1 to vector<16xi1>
            %and3A_780 = arith.andi %and3A_776, %and3A_779 : vector<16xi1>
            %broadcast_in_dim3A_781 = vector.broadcast %add3A_689 : i32 to vector<16xi32>
            %select_n3A_782 = arith.select %and3A_780, %broadcast_in_dim3A_781, %select_n3A_685 : vector<16xi1>, vector<16xi32>
            %select_n3A_783 = arith.select %and3A_780, %gather3A_768, %select_n3A_686 : vector<16xi1>, vector<16xf32>
            %select_n3A_784 = arith.select %gt3A_772, %broadcast_in_dim3A_5, %select_n3A_687 : vector<16xi1>, vector<16xi32>
            %add3A_785 = arith.constant 5 : i32
            %add3A_786 = arith.addi %while3A_298, %add3A_785 : i32
            %mul3A_787 = arith.constant 16 : i32
            %mul3A_788 = arith.muli %add3A_786, %mul3A_787 : i32
            %add3A_789 = arith.addi %mul3A_237, %mul3A_788 : i32
            %get3A_790 = arith.index_cast %add3A_789 : i32 to index
            %get3A_791 = tpu.vector_load %arg14[%get3A_790] {strides = array<i32>} : memref<6528xi32, #tpu.memory_space<vmem>>, vector<16xi32>,
            %bitcast3A_792 = vector.bitcast %get3A_791 : vector<16xi32> to vector<16xi32>
            %mul3A_793 = arith.constant 16 : i32
            %mul3A_794 = arith.muli %add3A_786, %mul3A_793 : i32
            %add3A_795 = arith.addi %mul3A_237, %mul3A_794 : i32
            %get3A_796 = arith.index_cast %add3A_795 : i32 to index
            %get3A_797 = tpu.vector_load %arg15[%get3A_796] {strides = array<i32>} : memref<6528xi32, #tpu.memory_space<vmem>>, vector<16xi32>,
            %bitcast3A_798 = vector.bitcast %get3A_797 : vector<16xi32> to vector<16xi32>
            %eq3A_799 = arith.constant 0 : i32
            %eq3A_800 = arith.cmpi eq, %max3A_61, %eq3A_799 : i32
            %jit3A_801 = arith.constant 1 : i32
            %select_n3A_802 = arith.select %eq3A_800, %jit3A_801, %max3A_61 : i32
            %rem3A_803 = vector.broadcast %select_n3A_802 : i32 to vector<16xi32>
            %rem3A_804 = arith.remui %bitcast3A_792, %rem3A_803 : vector<16xi32>
            %ne3A_805 = arith.constant 0 : i32
            %ne3A_806 = vector.broadcast %ne3A_805 : i32 to vector<16xi32>
            %ne3A_807 = arith.cmpi ne, %rem3A_804, %ne3A_806 : vector<16xi32>
            %lt3A_808 = arith.constant 0 : i32
            %lt3A_809 = vector.broadcast %lt3A_808 : i32 to vector<16xi32>
            %lt3A_810 = arith.cmpi ult, %rem3A_804, %lt3A_809 : vector<16xi32>
            %lt3A_811 = arith.constant 0 : i32
            %lt3A_812 = arith.cmpi ult, %select_n3A_802, %lt3A_811 : i32
            %ne3A_813 = vector.broadcast %lt3A_812 : i1 to vector<16xi1>
            %ne3A_814 = vector.broadcast %ne3A_813 : vector<16xi1> to vector<16xi1>
            %ne3A_815 = arith.xori %lt3A_810, %ne3A_814 : vector<16xi1>
            %and3A_816 = arith.andi %ne3A_815, %ne3A_807 : vector<16xi1>
            %add3A_817 = vector.broadcast %select_n3A_802 : i32 to vector<16xi32>
            %add3A_818 = arith.addi %rem3A_804, %add3A_817 : vector<16xi32>
            %select_n3A_819 = arith.select %and3A_816, %add3A_818, %rem3A_804 : vector<16xi1>, vector<16xi32>
            %mul3A_820 = vector.broadcast %select_n3A_86 : i32 to vector<16xi32>
            %mul3A_821 = arith.muli %select_n3A_819, %mul3A_820 : vector<16xi32>
            %eq3A_822 = arith.constant 0 : i32
            %eq3A_823 = arith.cmpi eq, %max3A_61, %eq3A_822 : i32
            %jit3A_824 = arith.constant 1 : i32
            %select_n3A_825 = arith.select %eq3A_823, %jit3A_824, %max3A_61 : i32
            %rem3A_826 = vector.broadcast %select_n3A_825 : i32 to vector<16xi32>
            %rem3A_827 = arith.remui %bitcast3A_798, %rem3A_826 : vector<16xi32>
            %ne3A_828 = arith.constant 0 : i32
            %ne3A_829 = vector.broadcast %ne3A_828 : i32 to vector<16xi32>
            %ne3A_830 = arith.cmpi ne, %rem3A_827, %ne3A_829 : vector<16xi32>
            %lt3A_831 = arith.constant 0 : i32
            %lt3A_832 = vector.broadcast %lt3A_831 : i32 to vector<16xi32>
            %lt3A_833 = arith.cmpi ult, %rem3A_827, %lt3A_832 : vector<16xi32>
            %lt3A_834 = arith.constant 0 : i32
            %lt3A_835 = arith.cmpi ult, %select_n3A_825, %lt3A_834 : i32
            %ne3A_836 = vector.broadcast %lt3A_835 : i1 to vector<16xi1>
            %ne3A_837 = vector.broadcast %ne3A_836 : vector<16xi1> to vector<16xi1>
            %ne3A_838 = arith.xori %lt3A_833, %ne3A_837 : vector<16xi1>
            %and3A_839 = arith.andi %ne3A_838, %ne3A_830 : vector<16xi1>
            %add3A_840 = vector.broadcast %select_n3A_825 : i32 to vector<16xi32>
            %add3A_841 = arith.addi %rem3A_827, %add3A_840 : vector<16xi32>
            %select_n3A_842 = arith.select %and3A_839, %add3A_841, %rem3A_827 : vector<16xi1>, vector<16xi32>
            %add3A_843 = arith.addi %mul3A_821, %select_n3A_842 : vector<16xi32>
            %eq3A_844 = arith.constant 0 : i32
            %eq3A_845 = arith.cmpi eq, %max3A_61, %eq3A_844 : i32
            %jit3A_846 = arith.constant 1 : i32
            %select_n3A_847 = arith.select %eq3A_845, %jit3A_846, %max3A_61 : i32
            %rem3A_848 = vector.broadcast %select_n3A_847 : i32 to vector<16xi32>
            %rem3A_849 = arith.remui %add3A_843, %rem3A_848 : vector<16xi32>
            %ne3A_850 = arith.constant 0 : i32
            %ne3A_851 = vector.broadcast %ne3A_850 : i32 to vector<16xi32>
            %ne3A_852 = arith.cmpi ne, %rem3A_849, %ne3A_851 : vector<16xi32>
            %lt3A_853 = arith.constant 0 : i32
            %lt3A_854 = vector.broadcast %lt3A_853 : i32 to vector<16xi32>
            %lt3A_855 = arith.cmpi ult, %rem3A_849, %lt3A_854 : vector<16xi32>
            %lt3A_856 = arith.constant 0 : i32
            %lt3A_857 = arith.cmpi ult, %select_n3A_847, %lt3A_856 : i32
            %ne3A_858 = vector.broadcast %lt3A_857 : i1 to vector<16xi1>
            %ne3A_859 = vector.broadcast %ne3A_858 : vector<16xi1> to vector<16xi1>
            %ne3A_860 = arith.xori %lt3A_855, %ne3A_859 : vector<16xi1>
            %and3A_861 = arith.andi %ne3A_860, %ne3A_852 : vector<16xi1>
            %add3A_862 = vector.broadcast %select_n3A_847 : i32 to vector<16xi32>
            %add3A_863 = arith.addi %rem3A_849, %add3A_862 : vector<16xi32>
            %select_n3A_864 = arith.select %and3A_861, %add3A_863, %rem3A_849 : vector<16xi1>, vector<16xi32>
            %gather3A_865 = tpu.vector_load_idx %arg11[%select_n3A_864] : memref<16400xf32, #tpu.memory_space<vmem>>[vector<16xi32>], vector<16xf32>,
            %add3A_866 = arith.constant 1.000000e+00 : f32
            %add3A_867 = vector.broadcast %add3A_866 : f32 to vector<16xf32>
            %add3A_868 = arith.addf %gather3A_865, %add3A_867 : vector<16xf32>
            %gt3A_869 = arith.cmpf ogt, %add3A_868, %get3A_231 : vector<16xf32>
            %eq3A_870 = arith.constant 0 : i32
            %eq3A_871 = vector.broadcast %eq3A_870 : i32 to vector<16xi32>
            %eq3A_872 = arith.cmpi eq, %select_n3A_784, %eq3A_871 : vector<16xi32>
            %and3A_873 = arith.andi %gt3A_869, %eq3A_872 : vector<16xi1>
            %lt3A_874 = arith.constant 50 : i32
            %lt3A_875 = arith.cmpi slt, %add3A_786, %lt3A_874 : i32
            %and3A_876 = vector.broadcast %lt3A_875 : i1 to vector<16xi1>
            %and3A_877 = arith.andi %and3A_873, %and3A_876 : vector<16xi1>
            %broadcast_in_dim3A_878 = vector.broadcast %add3A_786 : i32 to vector<16xi32>
            %select_n3A_879 = arith.select %and3A_877, %broadcast_in_dim3A_878, %select_n3A_782 : vector<16xi1>, vector<16xi32>
            %select_n3A_880 = arith.select %and3A_877, %gather3A_865, %select_n3A_783 : vector<16xi1>, vector<16xf32>
            %select_n3A_881 = arith.select %gt3A_869, %broadcast_in_dim3A_5, %select_n3A_784 : vector<16xi1>, vector<16xi32>
            %add3A_882 = arith.constant 6 : i32
            %add3A_883 = arith.addi %while3A_298, %add3A_882 : i32
            %mul3A_884 = arith.constant 16 : i32
            %mul3A_885 = arith.muli %add3A_883, %mul3A_884 : i32
            %add3A_886 = arith.addi %mul3A_237, %mul3A_885 : i32
            %get3A_887 = arith.index_cast %add3A_886 : i32 to index
            %get3A_888 = tpu.vector_load %arg14[%get3A_887] {strides = array<i32>} : memref<6528xi32, #tpu.memory_space<vmem>>, vector<16xi32>,
            %bitcast3A_889 = vector.bitcast %get3A_888 : vector<16xi32> to vector<16xi32>
            %mul3A_890 = arith.constant 16 : i32
            %mul3A_891 = arith.muli %add3A_883, %mul3A_890 : i32
            %add3A_892 = arith.addi %mul3A_237, %mul3A_891 : i32
            %get3A_893 = arith.index_cast %add3A_892 : i32 to index
            %get3A_894 = tpu.vector_load %arg15[%get3A_893] {strides = array<i32>} : memref<6528xi32, #tpu.memory_space<vmem>>, vector<16xi32>,
            %bitcast3A_895 = vector.bitcast %get3A_894 : vector<16xi32> to vector<16xi32>
            %eq3A_896 = arith.constant 0 : i32
            %eq3A_897 = arith.cmpi eq, %max3A_61, %eq3A_896 : i32
            %jit3A_898 = arith.constant 1 : i32
            %select_n3A_899 = arith.select %eq3A_897, %jit3A_898, %max3A_61 : i32
            %rem3A_900 = vector.broadcast %select_n3A_899 : i32 to vector<16xi32>
            %rem3A_901 = arith.remui %bitcast3A_889, %rem3A_900 : vector<16xi32>
            %ne3A_902 = arith.constant 0 : i32
            %ne3A_903 = vector.broadcast %ne3A_902 : i32 to vector<16xi32>
            %ne3A_904 = arith.cmpi ne, %rem3A_901, %ne3A_903 : vector<16xi32>
            %lt3A_905 = arith.constant 0 : i32
            %lt3A_906 = vector.broadcast %lt3A_905 : i32 to vector<16xi32>
            %lt3A_907 = arith.cmpi ult, %rem3A_901, %lt3A_906 : vector<16xi32>
            %lt3A_908 = arith.constant 0 : i32
            %lt3A_909 = arith.cmpi ult, %select_n3A_899, %lt3A_908 : i32
            %ne3A_910 = vector.broadcast %lt3A_909 : i1 to vector<16xi1>
            %ne3A_911 = vector.broadcast %ne3A_910 : vector<16xi1> to vector<16xi1>
            %ne3A_912 = arith.xori %lt3A_907, %ne3A_911 : vector<16xi1>
            %and3A_913 = arith.andi %ne3A_912, %ne3A_904 : vector<16xi1>
            %add3A_914 = vector.broadcast %select_n3A_899 : i32 to vector<16xi32>
            %add3A_915 = arith.addi %rem3A_901, %add3A_914 : vector<16xi32>
            %select_n3A_916 = arith.select %and3A_913, %add3A_915, %rem3A_901 : vector<16xi1>, vector<16xi32>
            %mul3A_917 = vector.broadcast %select_n3A_86 : i32 to vector<16xi32>
            %mul3A_918 = arith.muli %select_n3A_916, %mul3A_917 : vector<16xi32>
            %eq3A_919 = arith.constant 0 : i32
            %eq3A_920 = arith.cmpi eq, %max3A_61, %eq3A_919 : i32
            %jit3A_921 = arith.constant 1 : i32
            %select_n3A_922 = arith.select %eq3A_920, %jit3A_921, %max3A_61 : i32
            %rem3A_923 = vector.broadcast %select_n3A_922 : i32 to vector<16xi32>
            %rem3A_924 = arith.remui %bitcast3A_895, %rem3A_923 : vector<16xi32>
            %ne3A_925 = arith.constant 0 : i32
            %ne3A_926 = vector.broadcast %ne3A_925 : i32 to vector<16xi32>
            %ne3A_927 = arith.cmpi ne, %rem3A_924, %ne3A_926 : vector<16xi32>
            %lt3A_928 = arith.constant 0 : i32
            %lt3A_929 = vector.broadcast %lt3A_928 : i32 to vector<16xi32>
            %lt3A_930 = arith.cmpi ult, %rem3A_924, %lt3A_929 : vector<16xi32>
            %lt3A_931 = arith.constant 0 : i32
            %lt3A_932 = arith.cmpi ult, %select_n3A_922, %lt3A_931 : i32
            %ne3A_933 = vector.broadcast %lt3A_932 : i1 to vector<16xi1>
            %ne3A_934 = vector.broadcast %ne3A_933 : vector<16xi1> to vector<16xi1>
            %ne3A_935 = arith.xori %lt3A_930, %ne3A_934 : vector<16xi1>
            %and3A_936 = arith.andi %ne3A_935, %ne3A_927 : vector<16xi1>
            %add3A_937 = vector.broadcast %select_n3A_922 : i32 to vector<16xi32>
            %add3A_938 = arith.addi %rem3A_924, %add3A_937 : vector<16xi32>
            %select_n3A_939 = arith.select %and3A_936, %add3A_938, %rem3A_924 : vector<16xi1>, vector<16xi32>
            %add3A_940 = arith.addi %mul3A_918, %select_n3A_939 : vector<16xi32>
            %eq3A_941 = arith.constant 0 : i32
            %eq3A_942 = arith.cmpi eq, %max3A_61, %eq3A_941 : i32
            %jit3A_943 = arith.constant 1 : i32
            %select_n3A_944 = arith.select %eq3A_942, %jit3A_943, %max3A_61 : i32
            %rem3A_945 = vector.broadcast %select_n3A_944 : i32 to vector<16xi32>
            %rem3A_946 = arith.remui %add3A_940, %rem3A_945 : vector<16xi32>
            %ne3A_947 = arith.constant 0 : i32
            %ne3A_948 = vector.broadcast %ne3A_947 : i32 to vector<16xi32>
            %ne3A_949 = arith.cmpi ne, %rem3A_946, %ne3A_948 : vector<16xi32>
            %lt3A_950 = arith.constant 0 : i32
            %lt3A_951 = vector.broadcast %lt3A_950 : i32 to vector<16xi32>
            %lt3A_952 = arith.cmpi ult, %rem3A_946, %lt3A_951 : vector<16xi32>
            %lt3A_953 = arith.constant 0 : i32
            %lt3A_954 = arith.cmpi ult, %select_n3A_944, %lt3A_953 : i32
            %ne3A_955 = vector.broadcast %lt3A_954 : i1 to vector<16xi1>
            %ne3A_956 = vector.broadcast %ne3A_955 : vector<16xi1> to vector<16xi1>
            %ne3A_957 = arith.xori %lt3A_952, %ne3A_956 : vector<16xi1>
            %and3A_958 = arith.andi %ne3A_957, %ne3A_949 : vector<16xi1>
            %add3A_959 = vector.broadcast %select_n3A_944 : i32 to vector<16xi32>
            %add3A_960 = arith.addi %rem3A_946, %add3A_959 : vector<16xi32>
            %select_n3A_961 = arith.select %and3A_958, %add3A_960, %rem3A_946 : vector<16xi1>, vector<16xi32>
            %gather3A_962 = tpu.vector_load_idx %arg11[%select_n3A_961] : memref<16400xf32, #tpu.memory_space<vmem>>[vector<16xi32>], vector<16xf32>,
            %add3A_963 = arith.constant 1.000000e+00 : f32
            %add3A_964 = vector.broadcast %add3A_963 : f32 to vector<16xf32>
            %add3A_965 = arith.addf %gather3A_962, %add3A_964 : vector<16xf32>
            %gt3A_966 = arith.cmpf ogt, %add3A_965, %get3A_231 : vector<16xf32>
            %eq3A_967 = arith.constant 0 : i32
            %eq3A_968 = vector.broadcast %eq3A_967 : i32 to vector<16xi32>
            %eq3A_969 = arith.cmpi eq, %select_n3A_881, %eq3A_968 : vector<16xi32>
            %and3A_970 = arith.andi %gt3A_966, %eq3A_969 : vector<16xi1>
            %lt3A_971 = arith.constant 50 : i32
            %lt3A_972 = arith.cmpi slt, %add3A_883, %lt3A_971 : i32
            %and3A_973 = vector.broadcast %lt3A_972 : i1 to vector<16xi1>
            %and3A_974 = arith.andi %and3A_970, %and3A_973 : vector<16xi1>
            %broadcast_in_dim3A_975 = vector.broadcast %add3A_883 : i32 to vector<16xi32>
            %select_n3A_976 = arith.select %and3A_974, %broadcast_in_dim3A_975, %select_n3A_879 : vector<16xi1>, vector<16xi32>
            %select_n3A_977 = arith.select %and3A_974, %gather3A_962, %select_n3A_880 : vector<16xi1>, vector<16xf32>
            %select_n3A_978 = arith.select %gt3A_966, %broadcast_in_dim3A_5, %select_n3A_881 : vector<16xi1>, vector<16xi32>
            %add3A_979 = arith.constant 7 : i32
            %add3A_980 = arith.addi %while3A_298, %add3A_979 : i32
            %mul3A_981 = arith.constant 16 : i32
            %mul3A_982 = arith.muli %add3A_980, %mul3A_981 : i32
            %add3A_983 = arith.addi %mul3A_237, %mul3A_982 : i32
            %get3A_984 = arith.index_cast %add3A_983 : i32 to index
            %get3A_985 = tpu.vector_load %arg14[%get3A_984] {strides = array<i32>} : memref<6528xi32, #tpu.memory_space<vmem>>, vector<16xi32>,
            %bitcast3A_986 = vector.bitcast %get3A_985 : vector<16xi32> to vector<16xi32>
            %mul3A_987 = arith.constant 16 : i32
            %mul3A_988 = arith.muli %add3A_980, %mul3A_987 : i32
            %add3A_989 = arith.addi %mul3A_237, %mul3A_988 : i32
            %get3A_990 = arith.index_cast %add3A_989 : i32 to index
            %get3A_991 = tpu.vector_load %arg15[%get3A_990] {strides = array<i32>} : memref<6528xi32, #tpu.memory_space<vmem>>, vector<16xi32>,
            %bitcast3A_992 = vector.bitcast %get3A_991 : vector<16xi32> to vector<16xi32>
            %eq3A_993 = arith.constant 0 : i32
            %eq3A_994 = arith.cmpi eq, %max3A_61, %eq3A_993 : i32
            %jit3A_995 = arith.constant 1 : i32
            %select_n3A_996 = arith.select %eq3A_994, %jit3A_995, %max3A_61 : i32
            %rem3A_997 = vector.broadcast %select_n3A_996 : i32 to vector<16xi32>
            %rem3A_998 = arith.remui %bitcast3A_986, %rem3A_997 : vector<16xi32>
            %ne3A_999 = arith.constant 0 : i32
            %ne3A_1000 = vector.broadcast %ne3A_999 : i32 to vector<16xi32>
            %ne3A_1001 = arith.cmpi ne, %rem3A_998, %ne3A_1000 : vector<16xi32>
            %lt3A_1002 = arith.constant 0 : i32
            %lt3A_1003 = vector.broadcast %lt3A_1002 : i32 to vector<16xi32>
            %lt3A_1004 = arith.cmpi ult, %rem3A_998, %lt3A_1003 : vector<16xi32>
            %lt3A_1005 = arith.constant 0 : i32
            %lt3A_1006 = arith.cmpi ult, %select_n3A_996, %lt3A_1005 : i32
            %ne3A_1007 = vector.broadcast %lt3A_1006 : i1 to vector<16xi1>
            %ne3A_1008 = vector.broadcast %ne3A_1007 : vector<16xi1> to vector<16xi1>
            %ne3A_1009 = arith.xori %lt3A_1004, %ne3A_1008 : vector<16xi1>
            %and3A_1010 = arith.andi %ne3A_1009, %ne3A_1001 : vector<16xi1>
            %add3A_1011 = vector.broadcast %select_n3A_996 : i32 to vector<16xi32>
            %add3A_1012 = arith.addi %rem3A_998, %add3A_1011 : vector<16xi32>
            %select_n3A_1013 = arith.select %and3A_1010, %add3A_1012, %rem3A_998 : vector<16xi1>, vector<16xi32>
            %mul3A_1014 = vector.broadcast %select_n3A_86 : i32 to vector<16xi32>
            %mul3A_1015 = arith.muli %select_n3A_1013, %mul3A_1014 : vector<16xi32>
            %eq3A_1016 = arith.constant 0 : i32
            %eq3A_1017 = arith.cmpi eq, %max3A_61, %eq3A_1016 : i32
            %jit3A_1018 = arith.constant 1 : i32
            %select_n3A_1019 = arith.select %eq3A_1017, %jit3A_1018, %max3A_61 : i32
            %rem3A_1020 = vector.broadcast %select_n3A_1019 : i32 to vector<16xi32>
            %rem3A_1021 = arith.remui %bitcast3A_992, %rem3A_1020 : vector<16xi32>
            %ne3A_1022 = arith.constant 0 : i32
            %ne3A_1023 = vector.broadcast %ne3A_1022 : i32 to vector<16xi32>
            %ne3A_1024 = arith.cmpi ne, %rem3A_1021, %ne3A_1023 : vector<16xi32>
            %lt3A_1025 = arith.constant 0 : i32
            %lt3A_1026 = vector.broadcast %lt3A_1025 : i32 to vector<16xi32>
            %lt3A_1027 = arith.cmpi ult, %rem3A_1021, %lt3A_1026 : vector<16xi32>
            %lt3A_1028 = arith.constant 0 : i32
            %lt3A_1029 = arith.cmpi ult, %select_n3A_1019, %lt3A_1028 : i32
            %ne3A_1030 = vector.broadcast %lt3A_1029 : i1 to vector<16xi1>
            %ne3A_1031 = vector.broadcast %ne3A_1030 : vector<16xi1> to vector<16xi1>
            %ne3A_1032 = arith.xori %lt3A_1027, %ne3A_1031 : vector<16xi1>
            %and3A_1033 = arith.andi %ne3A_1032, %ne3A_1024 : vector<16xi1>
            %add3A_1034 = vector.broadcast %select_n3A_1019 : i32 to vector<16xi32>
            %add3A_1035 = arith.addi %rem3A_1021, %add3A_1034 : vector<16xi32>
            %select_n3A_1036 = arith.select %and3A_1033, %add3A_1035, %rem3A_1021 : vector<16xi1>, vector<16xi32>
            %add3A_1037 = arith.addi %mul3A_1015, %select_n3A_1036 : vector<16xi32>
            %eq3A_1038 = arith.constant 0 : i32
            %eq3A_1039 = arith.cmpi eq, %max3A_61, %eq3A_1038 : i32
            %jit3A_1040 = arith.constant 1 : i32
            %select_n3A_1041 = arith.select %eq3A_1039, %jit3A_1040, %max3A_61 : i32
            %rem3A_1042 = vector.broadcast %select_n3A_1041 : i32 to vector<16xi32>
            %rem3A_1043 = arith.remui %add3A_1037, %rem3A_1042 : vector<16xi32>
            %ne3A_1044 = arith.constant 0 : i32
            %ne3A_1045 = vector.broadcast %ne3A_1044 : i32 to vector<16xi32>
            %ne3A_1046 = arith.cmpi ne, %rem3A_1043, %ne3A_1045 : vector<16xi32>
            %lt3A_1047 = arith.constant 0 : i32
            %lt3A_1048 = vector.broadcast %lt3A_1047 : i32 to vector<16xi32>
            %lt3A_1049 = arith.cmpi ult, %rem3A_1043, %lt3A_1048 : vector<16xi32>
            %lt3A_1050 = arith.constant 0 : i32
            %lt3A_1051 = arith.cmpi ult, %select_n3A_1041, %lt3A_1050 : i32
            %ne3A_1052 = vector.broadcast %lt3A_1051 : i1 to vector<16xi1>
            %ne3A_1053 = vector.broadcast %ne3A_1052 : vector<16xi1> to vector<16xi1>
            %ne3A_1054 = arith.xori %lt3A_1049, %ne3A_1053 : vector<16xi1>
            %and3A_1055 = arith.andi %ne3A_1054, %ne3A_1046 : vector<16xi1>
            %add3A_1056 = vector.broadcast %select_n3A_1041 : i32 to vector<16xi32>
            %add3A_1057 = arith.addi %rem3A_1043, %add3A_1056 : vector<16xi32>
            %select_n3A_1058 = arith.select %and3A_1055, %add3A_1057, %rem3A_1043 : vector<16xi1>, vector<16xi32>
            %gather3A_1059 = tpu.vector_load_idx %arg11[%select_n3A_1058] : memref<16400xf32, #tpu.memory_space<vmem>>[vector<16xi32>], vector<16xf32>,
            %add3A_1060 = arith.constant 1.000000e+00 : f32
            %add3A_1061 = vector.broadcast %add3A_1060 : f32 to vector<16xf32>
            %add3A_1062 = arith.addf %gather3A_1059, %add3A_1061 : vector<16xf32>
            %gt3A_1063 = arith.cmpf ogt, %add3A_1062, %get3A_231 : vector<16xf32>
            %eq3A_1064 = arith.constant 0 : i32
            %eq3A_1065 = vector.broadcast %eq3A_1064 : i32 to vector<16xi32>
            %eq3A_1066 = arith.cmpi eq, %select_n3A_978, %eq3A_1065 : vector<16xi32>
            %and3A_1067 = arith.andi %gt3A_1063, %eq3A_1066 : vector<16xi1>
            %lt3A_1068 = arith.constant 50 : i32
            %lt3A_1069 = arith.cmpi slt, %add3A_980, %lt3A_1068 : i32
            %and3A_1070 = vector.broadcast %lt3A_1069 : i1 to vector<16xi1>
            %and3A_1071 = arith.andi %and3A_1067, %and3A_1070 : vector<16xi1>
            %broadcast_in_dim3A_1072 = vector.broadcast %add3A_980 : i32 to vector<16xi32>
            %select_n3A_1073 = arith.select %and3A_1071, %broadcast_in_dim3A_1072, %select_n3A_976 : vector<16xi1>, vector<16xi32>
            %select_n3A_1074 = arith.select %and3A_1071, %gather3A_1059, %select_n3A_977 : vector<16xi1>, vector<16xf32>
            %select_n3A_1075 = arith.select %gt3A_1063, %broadcast_in_dim3A_5, %select_n3A_978 : vector<16xi1>, vector<16xi32>
            %add3A_1076 = arith.constant 8 : i32
            %add3A_1077 = arith.addi %while3A_298, %add3A_1076 : i32
            scf.yield %add3A_1077, %select_n3A_1075, %select_n3A_1073, %select_n3A_1074 : i32, vector<16xi32>, vector<16xi32>, vector<16xf32>
          }
          %max3A_243 = arith.constant 0 : i32
          %max3A_244 = vector.broadcast %max3A_243 : i32 to vector<16xi32>
          %max3A_245 = arith.maxsi %while3A_242#2, %max3A_244 : vector<16xi32>
          %add3A_246 = arith.constant 1 : i32
          %add3A_247 = vector.broadcast %add3A_246 : i32 to vector<16xi32>
          %add3A_248 = arith.addi %max3A_245, %add3A_247 : vector<16xi32>
          %jit3A_249 = arith.constant 50 : i32
          %div3A = vector.broadcast %jit3A_249 : i32 to vector<16xi32>
          %div3A_250 = arith.divsi %div3A, %add3A_248 : vector<16xi32>
          %sign3A = arith.constant 0 : i32
          %sign3A_251 = arith.cmpi sgt, %jit3A_249, %sign3A : i32
          %sign3A_252 = arith.extui %sign3A_251 : i1 to i32
          %sign3A_253 = arith.constant 0 : i32
          %sign3A_254 = arith.cmpi slt, %jit3A_249, %sign3A_253 : i32
          %sign3A_255 = arith.extui %sign3A_254 : i1 to i32
          %sign3A_256 = arith.subi %sign3A_252, %sign3A_255 : i32
          %sign3A_257 = arith.constant 0 : i32
          %sign3A_258 = vector.broadcast %sign3A_257 : i32 to vector<16xi32>
          %sign3A_259 = arith.cmpi sgt, %add3A_248, %sign3A_258 : vector<16xi32>
          %sign3A_260 = arith.extui %sign3A_259 : vector<16xi1> to vector<16xi32>
          %sign3A_261 = arith.constant 0 : i32
          %sign3A_262 = vector.broadcast %sign3A_261 : i32 to vector<16xi32>
          %sign3A_263 = arith.cmpi slt, %add3A_248, %sign3A_262 : vector<16xi32>
          %sign3A_264 = arith.extui %sign3A_263 : vector<16xi1> to vector<16xi32>
          %sign3A_265 = arith.subi %sign3A_260, %sign3A_264 : vector<16xi32>
          %ne3A_266 = vector.broadcast %sign3A_256 : i32 to vector<16xi32>
          %ne3A_267 = arith.cmpi ne, %ne3A_266, %sign3A_265 : vector<16xi32>
          %rem3A_268 = vector.broadcast %jit3A_249 : i32 to vector<16xi32>
          %rem3A_269 = arith.remsi %rem3A_268, %add3A_248 : vector<16xi32>
          %ne3A_270 = arith.constant 0 : i32
          %ne3A_271 = vector.broadcast %ne3A_270 : i32 to vector<16xi32>
          %ne3A_272 = arith.cmpi ne, %rem3A_269, %ne3A_271 : vector<16xi32>
          %and3A_273 = arith.andi %ne3A_267, %ne3A_272 : vector<16xi1>
          %sub3A = arith.constant 1 : i32
          %sub3A_274 = vector.broadcast %sub3A : i32 to vector<16xi32>
          %sub3A_275 = arith.subi %div3A_250, %sub3A_274 : vector<16xi32>
          %select_n3A_276 = arith.select %and3A_273, %sub3A_275, %div3A_250 : vector<16xi1>, vector<16xi32>
          %max3A_277 = arith.constant 1 : i32
          %max3A_278 = vector.broadcast %max3A_277 : i32 to vector<16xi32>
          %max3A_279 = arith.maxsi %max3A_278, %select_n3A_276 : vector<16xi32>
          %sub3A_280 = arith.constant 1 : i32
          %sub3A_281 = vector.broadcast %sub3A_280 : i32 to vector<16xi32>
          %sub3A_282 = arith.subi %max3A_279, %sub3A_281 : vector<16xi32>
          %gather3A = tpu.vector_load_idx %arg16[%sub3A_282] : memref<64xf32, #tpu.memory_space<vmem>>[vector<16xi32>], vector<16xf32>,
          %sub3A_283 = arith.subf %get3A_231, %while3A_242#3 : vector<16xf32>
          %sub3A_284 = arith.constant 1.000000e+00 : f32
          %sub3A_285 = vector.broadcast %sub3A_284 : f32 to vector<16xf32>
          %sub3A_286 = arith.subf %sub3A_285, %sub3A_283 : vector<16xf32>
          %max3A_287 = arith.constant 0.000000e+00 : f32
          %max3A_288 = vector.broadcast %max3A_287 : f32 to vector<16xf32>
          %max3A_289 = arith.maximumf %sub3A_286, %max3A_288 : vector<16xf32>
          %ge3A_290 = arith.constant 0 : i32
          %ge3A_291 = vector.broadcast %ge3A_290 : i32 to vector<16xi32>
          %ge3A_292 = arith.cmpi sge, %while3A_242#2, %ge3A_291 : vector<16xi32>
          %mul3A_293 = arith.mulf %gather3A, %max3A_289 : vector<16xf32>
          %jit3A_294 = arith.constant 0.000000e+00 : f32
          %broadcast_in_dim3A_295 = vector.broadcast %jit3A_294 : f32 to vector<16xf32>
          %select_n3A_296 = arith.select %ge3A_292, %mul3A_293, %broadcast_in_dim3A_295 : vector<16xi1>, vector<16xf32>
          %add3A_297 = arith.addf %scan3A_227, %select_n3A_296 : vector<16xf32>
          scf.yield %add3A_297 : vector<16xf32>
        }
        %scan3A_225 = arith.constant 8 : i32
        scf.yield %scan3A_224 : vector<16xf32>
      } else {
        scf.yield %cond3A_159 : vector<16xf32>
      }
      %add3A_204 = arith.constant 256 : i32
      %add3A_205 = arith.addi %add3A_198, %add3A_204 : i32
      %mul3A_206 = arith.constant 50 : i32
      %mul3A_207 = arith.muli %add3A_205, %mul3A_206 : i32
      %dma_start3A_208 = arith.constant 0 : i32
      %dma_start3A_209 = tpu.memref_slice %arg14[%dma_start3A_208] : memref<6528xi32, #tpu.memory_space<vmem>> -> memref<6400xi32, #tpu.memory_space<vmem>>
      %dma_start3A_210 = tpu.memref_slice %arg4[%mul3A_207] : memref<832000xi32, #tpu.memory_space<hbm>> -> memref<6400xi32, #tpu.memory_space<hbm>>
      %dma_start3A_211 = arith.constant 0 : i32
      %dma_start3A_212 = tpu.memref_slice %arg14[%dma_start3A_211] : memref<6528xi32, #tpu.memory_space<vmem>> -> memref<6400xi32, #tpu.memory_space<vmem>>
      %dma_start3A_213 = tpu.memref_slice %arg4[%mul3A_207] : memref<832000xi32, #tpu.memory_space<hbm>> -> memref<6400xi32, #tpu.memory_space<hbm>>
      tpu.enqueue_dma source(%dma_start3A_213 : memref<6400xi32, #tpu.memory_space<hbm>>) target(%dma_start3A_212 : memref<6400xi32, #tpu.memory_space<vmem>>) target_semaphore(%arg22 : memref<!tpu.dma_semaphore, #tpu.memory_space<semaphore_mem>>)
      %dma_start3A_214 = arith.constant 0 : i32
      %dma_start3A_215 = tpu.memref_slice %arg15[%dma_start3A_214] : memref<6528xi32, #tpu.memory_space<vmem>> -> memref<6400xi32, #tpu.memory_space<vmem>>
      %dma_start3A_216 = tpu.memref_slice %arg5[%mul3A_207] : memref<832000xi32, #tpu.memory_space<hbm>> -> memref<6400xi32, #tpu.memory_space<hbm>>
      %dma_start3A_217 = arith.constant 0 : i32
      %dma_start3A_218 = tpu.memref_slice %arg15[%dma_start3A_217] : memref<6528xi32, #tpu.memory_space<vmem>> -> memref<6400xi32, #tpu.memory_space<vmem>>
      %dma_start3A_219 = tpu.memref_slice %arg5[%mul3A_207] : memref<832000xi32, #tpu.memory_space<hbm>> -> memref<6400xi32, #tpu.memory_space<hbm>>
      tpu.enqueue_dma source(%dma_start3A_219 : memref<6400xi32, #tpu.memory_space<hbm>>) target(%dma_start3A_218 : memref<6400xi32, #tpu.memory_space<vmem>>) target_semaphore(%arg23 : memref<!tpu.dma_semaphore, #tpu.memory_space<semaphore_mem>>)
      scf.yield %cond3A_203 : vector<16xf32>
    }
    %scan3A_94 = arith.constant 2 : i32
    %dma_wait3A = arith.constant 0 : i32
    %dma_wait3A_95 = tpu.memref_slice %arg12[%dma_wait3A] : memref<6528xi32, #tpu.memory_space<vmem>> -> memref<6400xi32, #tpu.memory_space<vmem>>
    %dma_wait3A_96 = arith.constant 0 : i32
    %dma_wait3A_97 = tpu.memref_slice %arg4[%dma_wait3A_96] : memref<832000xi32, #tpu.memory_space<hbm>> -> memref<6400xi32, #tpu.memory_space<hbm>>
    %dma_wait3A_98 = arith.constant 0 : i32
    %dma_wait3A_99 = tpu.memref_slice %arg12[%dma_wait3A_98] : memref<6528xi32, #tpu.memory_space<vmem>> -> memref<6400xi32, #tpu.memory_space<vmem>>
    %dma_wait3A_100 = arith.constant 0 : i32
    %dma_wait3A_101 = tpu.memref_slice %arg4[%dma_wait3A_100] : memref<832000xi32, #tpu.memory_space<hbm>> -> memref<6400xi32, #tpu.memory_space<hbm>>
    tpu.wait_dma2 semaphore(%arg20 : memref<!tpu.dma_semaphore, #tpu.memory_space<semaphore_mem>>) src(%dma_wait3A_101 : memref<6400xi32, #tpu.memory_space<hbm>>) dst(%dma_wait3A_99 : memref<6400xi32, #tpu.memory_space<vmem>>)
    %dma_wait3A_102 = arith.constant 0 : i32
    %dma_wait3A_103 = tpu.memref_slice %arg13[%dma_wait3A_102] : memref<6528xi32, #tpu.memory_space<vmem>> -> memref<6400xi32, #tpu.memory_space<vmem>>
    %dma_wait3A_104 = arith.constant 0 : i32
    %dma_wait3A_105 = tpu.memref_slice %arg5[%dma_wait3A_104] : memref<832000xi32, #tpu.memory_space<hbm>> -> memref<6400xi32, #tpu.memory_space<hbm>>
    %dma_wait3A_106 = arith.constant 0 : i32
    %dma_wait3A_107 = tpu.memref_slice %arg13[%dma_wait3A_106] : memref<6528xi32, #tpu.memory_space<vmem>> -> memref<6400xi32, #tpu.memory_space<vmem>>
    %dma_wait3A_108 = arith.constant 0 : i32
    %dma_wait3A_109 = tpu.memref_slice %arg5[%dma_wait3A_108] : memref<832000xi32, #tpu.memory_space<hbm>> -> memref<6400xi32, #tpu.memory_space<hbm>>
    tpu.wait_dma2 semaphore(%arg21 : memref<!tpu.dma_semaphore, #tpu.memory_space<semaphore_mem>>) src(%dma_wait3A_109 : memref<6400xi32, #tpu.memory_space<hbm>>) dst(%dma_wait3A_107 : memref<6400xi32, #tpu.memory_space<vmem>>)
    %dma_wait3A_110 = arith.constant 0 : i32
    %dma_wait3A_111 = tpu.memref_slice %arg14[%dma_wait3A_110] : memref<6528xi32, #tpu.memory_space<vmem>> -> memref<6400xi32, #tpu.memory_space<vmem>>
    %dma_wait3A_112 = arith.constant 0 : i32
    %dma_wait3A_113 = tpu.memref_slice %arg4[%dma_wait3A_112] : memref<832000xi32, #tpu.memory_space<hbm>> -> memref<6400xi32, #tpu.memory_space<hbm>>
    %dma_wait3A_114 = arith.constant 0 : i32
    %dma_wait3A_115 = tpu.memref_slice %arg14[%dma_wait3A_114] : memref<6528xi32, #tpu.memory_space<vmem>> -> memref<6400xi32, #tpu.memory_space<vmem>>
    %dma_wait3A_116 = arith.constant 0 : i32
    %dma_wait3A_117 = tpu.memref_slice %arg4[%dma_wait3A_116] : memref<832000xi32, #tpu.memory_space<hbm>> -> memref<6400xi32, #tpu.memory_space<hbm>>
    tpu.wait_dma2 semaphore(%arg22 : memref<!tpu.dma_semaphore, #tpu.memory_space<semaphore_mem>>) src(%dma_wait3A_117 : memref<6400xi32, #tpu.memory_space<hbm>>) dst(%dma_wait3A_115 : memref<6400xi32, #tpu.memory_space<vmem>>)
    %dma_wait3A_118 = arith.constant 0 : i32
    %dma_wait3A_119 = tpu.memref_slice %arg15[%dma_wait3A_118] : memref<6528xi32, #tpu.memory_space<vmem>> -> memref<6400xi32, #tpu.memory_space<vmem>>
    %dma_wait3A_120 = arith.constant 0 : i32
    %dma_wait3A_121 = tpu.memref_slice %arg5[%dma_wait3A_120] : memref<832000xi32, #tpu.memory_space<hbm>> -> memref<6400xi32, #tpu.memory_space<hbm>>
    %dma_wait3A_122 = arith.constant 0 : i32
    %dma_wait3A_123 = tpu.memref_slice %arg15[%dma_wait3A_122] : memref<6528xi32, #tpu.memory_space<vmem>> -> memref<6400xi32, #tpu.memory_space<vmem>>
    %dma_wait3A_124 = arith.constant 0 : i32
    %dma_wait3A_125 = tpu.memref_slice %arg5[%dma_wait3A_124] : memref<832000xi32, #tpu.memory_space<hbm>> -> memref<6400xi32, #tpu.memory_space<hbm>>
    tpu.wait_dma2 semaphore(%arg23 : memref<!tpu.dma_semaphore, #tpu.memory_space<semaphore_mem>>) src(%dma_wait3A_125 : memref<6400xi32, #tpu.memory_space<hbm>>) dst(%dma_wait3A_123 : memref<6400xi32, #tpu.memory_space<vmem>>)
    %swap3A = arith.constant 0 : index
    %swap3A_126 = tpu.vector_load %arg17[%swap3A] {strides = array<i32>} : memref<16xf32, #tpu.memory_space<vmem>>, vector<16xf32>,
    tpu.vector_store %arg17[%swap3A], %scan3A_93 {strides = array<i32>} : memref<16xf32, #tpu.memory_space<vmem>>, vector<16xf32>,
    %mul3A_127 = arith.constant 16 : i32
    %mul3A_128 = arith.muli %arg1, %mul3A_127 : i32
    "tpu.region"() ({
      %run_scoped3A = tpu.sem_alloc : memref<!tpu.dma_semaphore, #tpu.memory_space<semaphore_mem>>
      %dma_start3A_132 = tpu.memref_slice %arg19[%mul3A_128] : memref<256xf32, #tpu.memory_space<vmem_shared>> -> memref<16xf32, #tpu.memory_space<vmem_shared>>
      %dma_start3A_133 = tpu.memref_slice %arg19[%mul3A_128] : memref<256xf32, #tpu.memory_space<vmem_shared>> -> memref<16xf32, #tpu.memory_space<vmem_shared>>
      tpu.enqueue_dma source(%arg17 : memref<16xf32, #tpu.memory_space<vmem>>) target(%dma_start3A_133 : memref<16xf32, #tpu.memory_space<vmem_shared>>) target_semaphore(%run_scoped3A : memref<!tpu.dma_semaphore, #tpu.memory_space<semaphore_mem>>)
      %dma_wait3A_134 = tpu.memref_slice %arg19[%mul3A_128] : memref<256xf32, #tpu.memory_space<vmem_shared>> -> memref<16xf32, #tpu.memory_space<vmem_shared>>
      %dma_wait3A_135 = tpu.memref_slice %arg19[%mul3A_128] : memref<256xf32, #tpu.memory_space<vmem_shared>> -> memref<16xf32, #tpu.memory_space<vmem_shared>>
      tpu.wait_dma2 semaphore(%run_scoped3A : memref<!tpu.dma_semaphore, #tpu.memory_space<semaphore_mem>>) src(%arg17 : memref<16xf32, #tpu.memory_space<vmem>>) dst(%dma_wait3A_135 : memref<16xf32, #tpu.memory_space<vmem_shared>>)
      tpu.yield
    }) : () -> ()
    %barrier3A = arith.constant 0 : index
    tpu.barrier barrier_id(%barrier3A)
    %eq3A_129 = arith.constant 0 : i32
    %eq3A_130 = arith.cmpi eq, %arg1, %eq3A_129 : i32
    %convert_element_type3A = arith.extui %eq3A_130 : i1 to i32
    %cond3A = arith.constant 0 : i32
    %cond3A_131 = arith.cmpi ne, %convert_element_type3A, %cond3A : i32
    scf.if %cond3A_131 {
      "tpu.region"() ({
        %run_scoped3A = tpu.sem_alloc : memref<!tpu.dma_semaphore, #tpu.memory_space<semaphore_mem>>
        tpu.enqueue_dma source(%arg19 : memref<256xf32, #tpu.memory_space<vmem_shared>>) target(%arg18 : memref<256xf32, #tpu.memory_space<vmem>>) target_semaphore(%run_scoped3A : memref<!tpu.dma_semaphore, #tpu.memory_space<semaphore_mem>>)
        tpu.wait_dma2 semaphore(%run_scoped3A : memref<!tpu.dma_semaphore, #tpu.memory_space<semaphore_mem>>) src(%arg19 : memref<256xf32, #tpu.memory_space<vmem_shared>>) dst(%arg18 : memref<256xf32, #tpu.memory_space<vmem>>)
        tpu.yield
      }) : () -> ()
      %broadcast_in_dim3A_132 = arith.constant 0.000000e+00 : f32
      %broadcast_in_dim3A_133 = vector.broadcast %broadcast_in_dim3A_132 : f32 to vector<16xf32>
      %get3A = arith.constant 0 : index
      %get3A_134 = tpu.vector_load %arg18[%get3A] {strides = array<i32>} : memref<256xf32, #tpu.memory_space<vmem>>, vector<16xf32>,
      %add3A_135 = arith.addf %broadcast_in_dim3A_133, %get3A_134 : vector<16xf32>
      %get3A_136 = arith.constant 16 : index
      %get3A_137 = tpu.vector_load %arg18[%get3A_136] {strides = array<i32>} : memref<256xf32, #tpu.memory_space<vmem>>, vector<16xf32>,
      %add3A_138 = arith.addf %add3A_135, %get3A_137 : vector<16xf32>
      %get3A_139 = arith.constant 32 : index
      %get3A_140 = tpu.vector_load %arg18[%get3A_139] {strides = array<i32>} : memref<256xf32, #tpu.memory_space<vmem>>, vector<16xf32>,
      %add3A_141 = arith.addf %add3A_138, %get3A_140 : vector<16xf32>
      %get3A_142 = arith.constant 48 : index
      %get3A_143 = tpu.vector_load %arg18[%get3A_142] {strides = array<i32>} : memref<256xf32, #tpu.memory_space<vmem>>, vector<16xf32>,
      %add3A_144 = arith.addf %add3A_141, %get3A_143 : vector<16xf32>
      %get3A_145 = arith.constant 64 : index
      %get3A_146 = tpu.vector_load %arg18[%get3A_145] {strides = array<i32>} : memref<256xf32, #tpu.memory_space<vmem>>, vector<16xf32>,
      %add3A_147 = arith.addf %add3A_144, %get3A_146 : vector<16xf32>
      %get3A_148 = arith.constant 80 : index
      %get3A_149 = tpu.vector_load %arg18[%get3A_148] {strides = array<i32>} : memref<256xf32, #tpu.memory_space<vmem>>, vector<16xf32>,
      %add3A_150 = arith.addf %add3A_147, %get3A_149 : vector<16xf32>
      %get3A_151 = arith.constant 96 : index
      %get3A_152 = tpu.vector_load %arg18[%get3A_151] {strides = array<i32>} : memref<256xf32, #tpu.memory_space<vmem>>, vector<16xf32>,
      %add3A_153 = arith.addf %add3A_150, %get3A_152 : vector<16xf32>
      %get3A_154 = arith.constant 112 : index
      %get3A_155 = tpu.vector_load %arg18[%get3A_154] {strides = array<i32>} : memref<256xf32, #tpu.memory_space<vmem>>, vector<16xf32>,
      %add3A_156 = arith.addf %add3A_153, %get3A_155 : vector<16xf32>
      %get3A_157 = arith.constant 128 : index
      %get3A_158 = tpu.vector_load %arg18[%get3A_157] {strides = array<i32>} : memref<256xf32, #tpu.memory_space<vmem>>, vector<16xf32>,
      %add3A_159 = arith.addf %add3A_156, %get3A_158 : vector<16xf32>
      %get3A_160 = arith.constant 144 : index
      %get3A_161 = tpu.vector_load %arg18[%get3A_160] {strides = array<i32>} : memref<256xf32, #tpu.memory_space<vmem>>, vector<16xf32>,
      %add3A_162 = arith.addf %add3A_159, %get3A_161 : vector<16xf32>
      %get3A_163 = arith.constant 160 : index
      %get3A_164 = tpu.vector_load %arg18[%get3A_163] {strides = array<i32>} : memref<256xf32, #tpu.memory_space<vmem>>, vector<16xf32>,
      %add3A_165 = arith.addf %add3A_162, %get3A_164 : vector<16xf32>
      %get3A_166 = arith.constant 176 : index
      %get3A_167 = tpu.vector_load %arg18[%get3A_166] {strides = array<i32>} : memref<256xf32, #tpu.memory_space<vmem>>, vector<16xf32>,
      %add3A_168 = arith.addf %add3A_165, %get3A_167 : vector<16xf32>
      %get3A_169 = arith.constant 192 : index
      %get3A_170 = tpu.vector_load %arg18[%get3A_169] {strides = array<i32>} : memref<256xf32, #tpu.memory_space<vmem>>, vector<16xf32>,
      %add3A_171 = arith.addf %add3A_168, %get3A_170 : vector<16xf32>
      %get3A_172 = arith.constant 208 : index
      %get3A_173 = tpu.vector_load %arg18[%get3A_172] {strides = array<i32>} : memref<256xf32, #tpu.memory_space<vmem>>, vector<16xf32>,
      %add3A_174 = arith.addf %add3A_171, %get3A_173 : vector<16xf32>
      %get3A_175 = arith.constant 224 : index
      %get3A_176 = tpu.vector_load %arg18[%get3A_175] {strides = array<i32>} : memref<256xf32, #tpu.memory_space<vmem>>, vector<16xf32>,
      %add3A_177 = arith.addf %add3A_174, %get3A_176 : vector<16xf32>
      %get3A_178 = arith.constant 240 : index
      %get3A_179 = tpu.vector_load %arg18[%get3A_178] {strides = array<i32>} : memref<256xf32, #tpu.memory_space<vmem>>, vector<16xf32>,
      %add3A_180 = arith.addf %add3A_177, %get3A_179 : vector<16xf32>
      %reduce_sum3A = arith.constant true
      %reduce_sum3A_181 = vector.broadcast %reduce_sum3A : i1 to vector<16xi1>
      %reduce_sum3A_182 = tpu.scan <sum>, %add3A_180 masked %reduce_sum3A_181 : vector<16xf32>, vector<16xi1> -> vector<16xf32>
      %reduce_sum3A_183 = vector.extract %reduce_sum3A_182[15] : f32 from vector<16xf32>
      %eq3A_184 = arith.constant 0 : i32
      %eq3A_185 = arith.cmpi eq, %reduce_max3A_52, %eq3A_184 : i32
      %eq3A_186 = arith.constant 0 : i32
      %eq3A_187 = arith.cmpi eq, %reduce_max3A_60, %eq3A_186 : i32
      %or3A = arith.ori %eq3A_185, %eq3A_187 : i1
      %max3A_188 = arith.constant 1 : i32
      %max3A_189 = arith.maxsi %reduce_max3A_52, %max3A_188 : i32
      %convert_element_type3A_190 = arith.sitofp %max3A_189 : i32 to f32
      %broadcast_in_dim3A_191 = arith.constant 0.000000e+00 : f32
      %broadcast_in_dim3A_192 = vector.broadcast %broadcast_in_dim3A_191 : f32 to vector<16xf32>
      %add3A_193 = vector.broadcast %convert_element_type3A_190 : f32 to vector<16xf32>
      %add3A_194 = arith.addf %broadcast_in_dim3A_192, %add3A_193 : vector<16xf32>
      %broadcast_in_dim3A_195 = arith.constant 0.000000e+00 : f32
      %broadcast_in_dim3A_196 = vector.broadcast %broadcast_in_dim3A_195 : f32 to vector<16xf32>
      %broadcast_in_dim3A_197 = arith.constant 0.000000e+00 : f32
      %broadcast_in_dim3A_198 = vector.broadcast %broadcast_in_dim3A_197 : f32 to vector<16xf32>
      %add3A_199 = vector.broadcast %reduce_sum3A_183 : f32 to vector<16xf32>
      %add3A_200 = arith.addf %broadcast_in_dim3A_198, %add3A_199 : vector<16xf32>
      %div3A = arith.divf %add3A_200, %add3A_194 : vector<16xf32>
      %select_n3A_201 = arith.select %or3A, %broadcast_in_dim3A_196, %div3A : vector<16xf32>
      %swap3A_202 = arith.constant 0 : index
      %swap3A_203 = tpu.vector_load %arg17[%swap3A_202] {strides = array<i32>} : memref<16xf32, #tpu.memory_space<vmem>>, vector<16xf32>,
      tpu.vector_store %arg17[%swap3A_202], %select_n3A_201 {strides = array<i32>} : memref<16xf32, #tpu.memory_space<vmem>>, vector<16xf32>,
      "tpu.region"() ({
        %run_scoped3A = tpu.sem_alloc : memref<!tpu.dma_semaphore, #tpu.memory_space<semaphore_mem>>
        %dma_start3A_204 = arith.constant 0 : i32
        %dma_start3A_205 = tpu.memref_slice %arg7[%arg0, %dma_start3A_204] : memref<2x16xf32, #tpu.memory_space<hbm>> -> memref<1x16xf32, #tpu.memory_space<hbm>>
        %dma_start3A_206 = tpu.memref_squeeze %dma_start3A_205 : memref<1x16xf32, #tpu.memory_space<hbm>> -> memref<16xf32, #tpu.memory_space<hbm>>
        %dma_start3A_207 = arith.constant 0 : i32
        %dma_start3A_208 = tpu.memref_slice %arg7[%arg0, %dma_start3A_207] : memref<2x16xf32, #tpu.memory_space<hbm>> -> memref<1x16xf32, #tpu.memory_space<hbm>>
        %dma_start3A_209 = tpu.memref_squeeze %dma_start3A_208 : memref<1x16xf32, #tpu.memory_space<hbm>> -> memref<16xf32, #tpu.memory_space<hbm>>
        tpu.enqueue_dma source(%arg17 : memref<16xf32, #tpu.memory_space<vmem>>) target(%dma_start3A_209 : memref<16xf32, #tpu.memory_space<hbm>>) target_semaphore(%run_scoped3A : memref<!tpu.dma_semaphore, #tpu.memory_space<semaphore_mem>>)
        %dma_wait3A_210 = arith.constant 0 : i32
        %dma_wait3A_211 = tpu.memref_slice %arg7[%arg0, %dma_wait3A_210] : memref<2x16xf32, #tpu.memory_space<hbm>> -> memref<1x16xf32, #tpu.memory_space<hbm>>
        %dma_wait3A_212 = tpu.memref_squeeze %dma_wait3A_211 : memref<1x16xf32, #tpu.memory_space<hbm>> -> memref<16xf32, #tpu.memory_space<hbm>>
        %dma_wait3A_213 = arith.constant 0 : i32
        %dma_wait3A_214 = tpu.memref_slice %arg7[%arg0, %dma_wait3A_213] : memref<2x16xf32, #tpu.memory_space<hbm>> -> memref<1x16xf32, #tpu.memory_space<hbm>>
        %dma_wait3A_215 = tpu.memref_squeeze %dma_wait3A_214 : memref<1x16xf32, #tpu.memory_space<hbm>> -> memref<16xf32, #tpu.memory_space<hbm>>
        tpu.wait_dma2 semaphore(%run_scoped3A : memref<!tpu.dma_semaphore, #tpu.memory_space<semaphore_mem>>) src(%arg17 : memref<16xf32, #tpu.memory_space<vmem>>) dst(%dma_wait3A_215 : memref<16xf32, #tpu.memory_space<hbm>>)
        tpu.yield
      }) : () -> ()
    } else {
    }
    return
  }
}

</mosaic_0001>

<sc_bundles>
// kernel: kernel.3.cloned.1.call-start
scs
__scs_entry_jumppad:
0x0: {  	(pc) =	sbr.rel $0x88, $3  }
0x1: {  	(tag) =	ssettag $0x0;
	lr =	simm.s32 $0x1  }
0x2: {  	[smem:$0x3F9F] =	sst lr;
	_ =	strace $0xD0000000  }
0x3: {  	_ = 	snop  }
0x4: {  	_ = 	snop  }
0x5: {  	_ = 	snop  }
0x6: {  	_ = 	snop  }
0x7: {  	_ = 	snop  }
__scs_overlays_trampoline_lowered:
0x8: {  	[smem:$0x3FAE] =	sst s0  }
0x9: {  	[smem:$0x3FAF] =	sst s1  }
0xa: {  	[smem:$0x3FB0] =	sst s2  }
0xb: {  	[smem:$0x3FB1] =	sst s3  }
0xc: {  	[smem:$0x3FB2] =	sst s4  }
0xd: {  	[smem:$0x3FB3] =	sst s5  }
0xe: {  	[smem:$0x3FB4] =	sst s6  }
0xf: {  	[smem:$0x3FB5] =	sst s7  }
0x10: {  	[smem:$0x3FB6] =	sst s8  }
0x11: {  	[smem:$0x3FB7] =	sst s9;
	s0 =	simm.s32 @!p0 $0x0  }
0x12: {  	s1 =	sld [smem:$0x3F9D];
	s0 =	simm.s32 @p0 $0x1  }
0x13: {  	[smem:$0x3FB8] =	sst s0;
	s0 =	simm.s32 @!p1 $0x0  }
0x14: {  	s2 =	sld [smem:$0x3F9C];
	s0 =	simm.s32 @p1 $0x1  }
0x15: {  	[smem:$0x3FB9] =	sst s0;
	s0 =	simm.s32 @!p2 $0x0  }
0x16: {  	s3 =	sld [smem:$0x3FDB];
	s0 =	simm.s32 @p2 $0x1  }
0x17: {  	s4 =	simm.s32 $0x1BF5;
	[smem:$0x3FBB] =	sst s0  }
0x18: {  	s0 =	sld [smem:$0x3F9E];
	_ =	swait.ge [sflag:s4], $0x0  }
0x19: {  	s7 =	sld [smem:$0x3F9F]  }
0x1a: {  	s8 =	sadd.s32 $0xFFFFE003, lr  }
0x1b: {  	s9 =	sadd.s32 $0xFFFFFEF7, lr;
	s5 =	simm.s32 $0xFFFFFFFF;
	p2 =	slt.u32 s8, $0xFFFFF086  }
0x1c: {  	p1 =	slt.u32 s9, $0xF7A;
	s5 =	simm.s32 @!p2 $0x0  }
0x1d: {  	s5 =	simm.s32 @p1 $0x1;
	p0 =	seq.s32 s7, s2  }
0x1e: {  	s7 =	smul.u32 @!p0 $0xF7A, s2;
	p2 =	seq.s32 @!p0 s5, $0x0  }
0x1f: {  	s9 =	smul.u32 $0xF7A, s1;
	s8 =	simm.s32 @!p0 $0x1BF5;
	p2 =	por !p2, p0  }
0x20: {  	[sflag:s8] =	ssyncset.s32 @!p0 $0xFFFFF086;
	s6 =	sadd.s32 @!p0 s3, s7;
	s7 =	simm.s32 @!p0 $0x108  }
0x21: {  	s3 =	sadd.s32 s3, s9;
	s6 =	sadd.s32 @!p0 $0x88, s6;
	s7 =	simm.s32 @p2 $0x1082  }
0x22: {  	[simem:s7], [sflag:s8] =	dma.local @!p0 [hbm:s6], $0xF7A  }
0x23: {  	s9 =	sor.u32 $0xD0000000, s2;
	s6 =	simm.s32 $0x108;
	_ =	swait.ge @!p0 [sflag:s8], $0x0  }
0x24: {  	s3 =	sadd.s32 $0x88, s3;
	s6 =	simm.s32 @!p1 $0x1082;
	[sflag:s4] =	ssyncset.s32 $0xFFFFF086  }
0x25: {  	[simem:s6], [sflag:s4] =	dma.local [hbm:s3], $0xF7A  }
0x26: {  	[smem:$0x3F9F] =	sst s1;
	(tag) =	ssettag s2;
	_ =	strace s9  }
0x27: {  	s1 =	sld [smem:$0x3FAF]  }
0x28: {  	s2 =	sld [smem:$0x3FB0]  }
0x29: {  	s4 =	sld [smem:$0x3FB2]  }
0x2a: {  	p0 =	seq.s32 s5, $0x0;
	s5 =	sld [smem:$0x3FB3]  }
0x2b: {  	s6 =	sld [smem:$0x3FB4]  }
0x2c: {  	s7 =	sld [smem:$0x3FB5]  }
0x2d: {  	s3 =	simm.s32 $0x108;
	s8 =	sld [smem:$0x3FB6]  }
0x2e: {  	s3 =	simm.s32 @!p0 $0x1082;
	s9 =	sld [smem:$0x3FB7]  }
0x2f: {  	lr =	sadd.s32 s0, s3;
	s0 =	sld [smem:$0x3FAE]  }
0x30: {  	s3 =	sld [smem:$0x3FB1]  }
0x31: {  	[smem:$0x3FBA] =	sst s10  }
0x32: {  	s10 =	sld [smem:$0x3FB8];
	_ =	sdelay $0x3  }
0x33: {  	p0 =	seq.s32 s10, $0x1;
	s10 =	sld [smem:$0x3FBA];
	_ =	sdelay $0x3  }
0x34: {  	[smem:$0x3FBA] =	sst s10  }
0x35: {  	s10 =	sld [smem:$0x3FB9];
	_ =	sdelay $0x3  }
0x36: {  	p1 =	seq.s32 s10, $0x1;
	s10 =	sld [smem:$0x3FBA];
	_ =	sdelay $0x3  }
0x37: {  	[smem:$0x3FBA] =	sst s10  }
0x38: {  	s10 =	sld [smem:$0x3FBB]  }
0x39: {  	_ = 	snop;
	(pc) =	sbr.ind lr, $3  }
0x3a: {  	_ = 	snop  }
0x3b: {  	_ = 	snop  }
0x3c: {  	p2 =	seq.s32 s10, $0x1;
	s10 =	sld [smem:$0x3FBA]  }
0x3d: {  	_ =	shalt  }
0x3e: {  	_ =	shalt  }
0x3f: {  	_ =	shalt  }
0x40: {  	_ =	shalt  }
0x41: {  	_ =	shalt  }
0x42: {  	_ =	shalt  }
0x43: {  	_ =	shalt  }
0x44: {  	_ =	shalt  }
0x45: {  	_ =	shalt  }
0x46: {  	_ =	shalt  }
0x47: {  	_ =	shalt  }
0x48: {  	_ =	shalt  }
0x49: {  	_ =	shalt  }
0x4a: {  	_ =	shalt  }
0x4b: {  	_ =	shalt  }
0x4c: {  	_ =	shalt  }
0x4d: {  	_ =	shalt  }
0x4e: {  	_ =	shalt  }
0x4f: {  	_ =	shalt  }
0x50: {  	_ =	shalt  }
0x51: {  	_ =	shalt  }
0x52: {  	_ =	shalt  }
0x53: {  	_ =	shalt  }
0x54: {  	_ =	shalt  }
0x55: {  	_ =	shalt  }
0x56: {  	_ =	shalt  }
0x57: {  	_ =	shalt  }
0x58: {  	_ =	shalt  }
0x59: {  	_ =	shalt  }
0x5a: {  	_ =	shalt  }
0x5b: {  	_ =	shalt  }
0x5c: {  	_ =	shalt  }
0x5d: {  	_ =	shalt  }
0x5e: {  	_ =	shalt  }
0x5f: {  	_ =	shalt  }
0x60: {  	_ =	shalt  }
0x61: {  	_ =	shalt  }
0x62: {  	_ =	shalt  }
0x63: {  	_ =	shalt  }
0x64: {  	_ =	shalt  }
0x65: {  	_ =	shalt  }
0x66: {  	_ =	shalt  }
0x67: {  	_ =	shalt  }
0x68: {  	_ =	shalt  }
0x69: {  	_ =	shalt  }
0x6a: {  	_ =	shalt  }
0x6b: {  	_ =	shalt  }
0x6c: {  	_ =	shalt  }
0x6d: {  	_ =	shalt  }
0x6e: {  	_ =	shalt  }
0x6f: {  	_ =	shalt  }
0x70: {  	_ =	shalt  }
0x71: {  	_ =	shalt  }
0x72: {  	_ =	shalt  }
0x73: {  	_ =	shalt  }
0x74: {  	_ =	shalt  }
0x75: {  	_ =	shalt  }
0x76: {  	_ =	shalt  }
0x77: {  	_ =	shalt  }
0x78: {  	_ =	shalt  }
0x79: {  	_ =	shalt  }
0x7a: {  	_ =	shalt  }
0x7b: {  	_ =	shalt  }
0x7c: {  	_ =	shalt  }
0x7d: {  	_ =	shalt  }
0x7e: {  	_ =	shalt  }
0x7f: {  	_ =	shalt  }
0x80: {  	_ =	shalt  }
0x81: {  	_ =	shalt  }
0x82: {  	_ =	shalt  }
0x83: {  	_ =	shalt  }
0x84: {  	_ =	shalt  }
0x85: {  	_ =	shalt  }
0x86: {  	_ =	shalt  }
0x87: {  	_ =	shalt  }
.Lfunc_end0:
.L_simem_size_0:
called_computation_lowered:
.L_overlay_start_0:
0x88: {  	s2 =	sld [smem:$0x3FD9]  }
0x89: {  	s3 =	sld [smem:$0x3FFE];
	_ =	sdelay $0x1  }
0x8a: {  	s1 =	srdreg.scid  }
0x8b: {  	s0 =	sand.u32 $0x1, s1  }
0x8c: {  	s17 =	sshll.u32 s0, $0xA;
	s2 =	sadd.s32 s3, s2  }
0x8d: {  	s2 =	sadd.s32 s2, s17  }
0x8e: {  	[smem:$0x3FC6] =	sst s2  }
0x8f: {  	_ = 	snop  }
0x90: {  	s2 =	sld [smem:$0x3FC9]  }
0x91: {  	s18 =	sld [smem:$0x3FC8]  }
0x92: {  	s4 =	sld [smem:$0x3FD0];
	(tm) =	ssettm $0x1  }
0x93: {  	s5 =	sld [smem:$0x3FFB];
	_ =	sdelay $0x3  }
0x94: {  	_ =	strace s5  }
0x95: {  	s5 =	sld [smem:$0x3FFC];
	_ =	sdelay $0x3  }
0x96: {  	_ =	strace s5  }
0x97: {  	s5 =	sld [smem:$0x3FFD];
	_ =	sdelay $0x3  }
0x98: {  	_ =	strace s5  }
0x99: {  	_ =	strace $0x8FFFFFFF  }
0x9a: {  	s19 =	sld [smem:$0x3FDB];
	_ =	sdelay $0x1  }
0x9b: {  	s6 =	simm.s32 $_scs_section_size  }
0x9c: {  	s7 =	simm.s32 $_size__tile_overlayer_lowered;
	s8 =	simm.s32 $_tile_overlayer_lowered  }
0x9d: {  	s22 =	simm.s32 $0x1BFF;
	s21 =	sshll.u32 s8, $0x1;
	s5 =	sadd.s32 s6, s19  }
0x9e: {  	s9 =	simm.s32 $0x0;
	s20 =	sshll.u32 s7, $0x1;
	s7 =	sadd.s32 s21, s5  }
0x9f: {  	[timem:s9], [sflag:s22] =	dma.local [hbm:s7], s20  }
0xa0: {  	_ =	swait.ge [sflag:s22], s20  }
0xa1: {  	s6 =	ssub.s32 $0x0, s20;
	[sflag:s22] =	ssyncset.done $0x0  }
0xa2: {  	[sflag:s22] =	ssyncadd.s32 s6;
	_ =	sdelay $0x1  }
0xa3: {  	s23 =	simm.s32 $0x1B8B  }
0xa4: {  	_ =	swait.ge [sflag:s23], $0x1  }
0xa5: {  	[sflag:s23] =	ssyncset.done $0x0  }
0xa6: {  	s25 =	simm.s32 $0x1B8E;
	s24 =	sld [smem:$0x3FFE];
	[sflag:s23] =	ssyncadd.s32 $0xFFFFFFFF  }
0xa7: {  	s26 =	simm.s32 $execute0_lowered;
	[smem:$0x3FD2] =	sst s25  }
0xa8: {  	s7 =	sshll.u32 s26, $0x1;
	_ =	strace $0x80000046;
	[dreg:$0x1] =	wrdreg $0xFFFFFFFF  }
0xa9: {  	s28 =	simm.s32 $_size_execute0_lowered;
	s5 =	sadd.s32 s5, s7;
	[dreg:$0x0] =	wrdreg $0x0  }
0xaa: {  	s7 =	sshll.u32 s28, $0x1;
	[dreg:$0x2] =	wrdreg s5  }
0xab: {  	[dreg:$0x3] =	wrdreg s7  }
0xac: {  	[dreg:$0x4] =	wrdreg $0xC0  }
0xad: {  	_ =	task [dreg:s9], $0x5FFFF  }
0xae: {  	[dreg:$0x1] =	wrdreg $0xFFFFFFFF  }
0xaf: {  	[dreg:$0x0] =	wrdreg $0x60  }
0xb0: {  	[dreg:$0x2] =	wrdreg s2  }
0xb1: {  	[dreg:$0x3] =	wrdreg s18  }
0xb2: {  	[dreg:$0x4] =	wrdreg s24  }
0xb3: {  	[dreg:$0x5] =	wrdreg s4  }
0xb4: {  	[dreg:$0x6] =	wrdreg $0x169000  }
0xb5: {  	[dreg:$0x7] =	wrdreg $0x9  }
0xb6: {  	_ =	task.clear_ibuf [dreg:s9], $0x8FFFF;
	_ =	strace $0x90000046  }
0xb7: {  	s29 =	simm.s32 $0x9;
	_ =	strace $0x80000048  }
0xb8: {  	_ =	swait.ge [sflag:s29], $0x1  }
0xb9: {  	[sflag:s29] =	ssyncadd.s32 $0xFFFFFFFF  }
0xba: {  	_ =	strace $0x90000048  }
0xbb: {  	_ =	sfence  }
0xbc: {  	s30 =	sld [smem:$0x0];
	_ =	sdelay $0x2  }
0xbd: {  	s31 =	sshll.u32 s1, $0xD;
	s1 =	sshrl.u32 s1, $0x2  }
0xbe: {  	s3 =	sand.u32 $0x4000, s31;
	s1 =	sadd.s32 s1, s30  }
0xbf: {  	s0 =	sor.u32 s3, s0;
	s1 =	sshll.u32 s1, $0x11  }
0xc0: {  	s0 =	sor.u32 s1, s0  }
0xc1: {  	s0 =	sadd.s32 $0x8F2B, s0  }
0xc2: {  	[sflag:s0] =	ssyncadd.remote.s32 $0x1  }
0xc3: {  	_ =	sfence.sel $0xFFFF  }
0xc4: {  	[dreg:$0x0] =	wrdreg $0xFFFFFFFF;
	(pc) =	sbr.abs _section_cstart, $3  }
0xc5: {  	[dreg:$0x1] =	wrdreg $0xFFFFFFFF  }
0xc6: {  	_ =	task.clear_ibuf [dreg:s9], $0x2FFFF;
	_ =	strace $0x9FFFFFFF  }
0xc7: {  	(tm) =	ssettm $0x7FFFFFFF  }
tec
execute0_lowered:
.L_overlay_start_1:
0x0: {  	(tag) =	ssettag $0x1  }
0x1: {  	s0 =	rddreg [dreg:$0x2]  }
0x2: {  	s7 =	rddreg [dreg:$0x4]  }
0x3: {  	s1 =	simm.s32 $0x0;
	s23 =	srdreg.scid;
	s2 =	stileid.u32  }
0x4: {  	s18 =	simm.s32 $0x16700;
	s19 =	simm.s32 $0x32;
	[smem:$0x7FF] =	sst s1  }
0x5: {  	s1 =	sand.u32 $0x1, s23;
	s3 =	sshll.u32 s2, $0x1;
	s8 =	sadd.s32 $0x1A000, s0  }
0x6: {  	s9 =	sadd.s32 $0x800, s0;
	_ =	strace $0x80000047;
	s3 =	sor.u32 s1, s3  }
0x7: {  	s4 =	sshll.u32 s1, $0x4;
	s1 =	ssub.s32 $0x2, s1;
	[dreg:$0x6] =	wrdreg s8  }
0x8: {  	[dreg:$0x7] =	wrdreg s9;
	s5 =	smul.u32 $0x6400, s3;
	s0 =	sadd.s32 s4, s0  }
0x9: {  	s24 =	sshrl.u32 s1, $0x1;
	s6 =	smul.u32 $0xC80, s3;
	s3 =	sshll.u32 s3, $0x9  }
0xa: {  	v0 =	vimm.s32 $0x0;
	v1 =	vlaneseq.u32;
	s1 =	ssub.s32 s1, s24;
	[dreg:$0x8] =	wrdreg s3;
	s0 =	sadd.s32 $0x33800, s0  }
0xb: {  	vm2 =	vcmask $0x300;
	vm3 =	vcmask $0x704;
	vm4 =	vcmask $0xB08;
	s25 =	sshrl.u32 s5, $0x3;
	s26 =	sadd.s32 s8, s6;
	[dreg:$0xe] =	wrdreg s0  }
0xc: {  	vm5 =	vcmask $0xF0C;
	vm6 =	vcmask $0x1310;
	vm7 =	vcmask $0x1714;
	s28 =	sadd.s32 s9, s6;
	s31 =	smax.u32 s1, $0x1;
	[dreg:$0x9] =	wrdreg s26  }
.Ltmp0:
0xd: {  	vm8 =	vcmask $0x1B18;
	vm9 =	vcmask $0x1F1C;
	vm15 =	vcmask $0x2320;
	[dreg:$0xa] =	wrdreg s28;
	s3 =	sadd.s32 $0x320, s25;
	(pc) =	sbr.rel .LBB2_1-.Ltmp0, $4  }
0xe: {  	vm11 =	vcmask $0x2F2C;
	vm12 =	vcmask $0x3330;
	vm13 =	vcmask $0x3734;
	s30 =	sshll.u32 s2, $0x4;
	[dreg:$0xf] =	wrdreg s31;
	s29 =	sadd.s32 s8, s3  }
0xf: {  	vm14 =	vcmask $0x3B38;
	v2 =	vor.u32 $0x4000, v1;
	v3 =	vor.u32 $0x10, v1;
	p0 =	sne.s32 s2, $0x0;
	s3 =	sadd.s32 s9, s3;
	[dreg:$0xb] =	wrdreg s29  }
0x10: {  	v4 =	vor.u32 $0x20, v1;
	v5 =	vor.u32 $0x30, v1;
	v6 =	vor.u32 $0x40, v1;
	s2 =	simm.s32 $0x0;
	[dreg:$0xc] =	wrdreg s3;
	s3 =	sadd.s32 s30, s7  }
0x11: {  	v7 =	vor.u32 $0x50, v1;
	v8 =	vor.u32 $0x60, v1;
	v9 =	vor.u32 $0x70, v1;
	s4 =	simm.s32 $0x5;
	[dreg:$0xd] =	wrdreg s3;
	s3 =	simm.s32 $0x8000  }
.LBB2_21:
0x12: {  	s0 =	simm.s32 $0x1  }
0x13: {  	_ =	swait.ge [sflag:s0], $0x1900  }
0x14: {  	[sflag:s0] =	ssyncset.done $0x0  }
0x15: {  	s25 =	simm.s32 $0x2;
	[sflag:s0] =	ssyncadd.s32 $0xFFFFE700  }
0x16: {  	_ =	swait.ge [sflag:s25], $0x1900  }
0x17: {  	[sflag:s25] =	ssyncset.done $0x0  }
0x18: {  	s26 =	simm.s32 $0x3;
	[sflag:s25] =	ssyncadd.s32 $0xFFFFE700  }
0x19: {  	_ =	swait.ge [sflag:s26], $0x1900  }
0x1a: {  	[sflag:s26] =	ssyncset.done $0x0  }
0x1b: {  	s28 =	simm.s32 $0x4;
	[sflag:s26] =	ssyncadd.s32 $0xFFFFE700  }
0x1c: {  	_ =	swait.ge [sflag:s28], $0x1900  }
0x1d: {  	[sflag:s28] =	ssyncset.done $0x0  }
0x1e: {  	[sflag:s28] =	ssyncadd.s32 $0xFFFFE700  }
0x1f: {  	s1 =	simm.s32 $0x16780;
	s4 =	simm.s32 $0x5;
	s29 =	rddreg [dreg:$0xd];
	[tilespmem:$0x16780] =	vst v10  }
0x20: {  	[spmem:s29] =	stream.linear.scatter [tilespmem:s1], [sflag:$0x5], $0x10, $0x38;
	[tilespmem:$0x16910] =	vst v63  }
0x21: {  	_ =	swait.ge [sflag:s4], $0x10  }
0x22: {  	[sflag:s4] =	ssyncset.done $0x0  }
0x23: {  	[sflag:s4] =	ssyncadd.s32 $0xFFFFFFF0  }
0x24: {  	[bflag:$0x0] =	sbarrier.arrive $0xFFFF  }
0x25: {  	s0 =	simm.s32 @!p0 $0x16800;
	s1 =	rddreg [dreg:$0x4]  }
0x26: {  	[tilespmem:s0], [sflag:$0x5] =	stream.linear.gather @!p0 [spmem:s1], $0x100, $0x38;
	[tilespmem:$0x16910] =	vst v63  }
0x27: {  	s0 =	simm.s32 @!p0 $0x5  }
0x28: {  	_ =	swait.ge @!p0 [sflag:s0], $0x100  }
0x29: {  	[sflag:s0] =	ssyncset.done @!p0 $0x0  }
0x2a: {  	[sflag:s0] =	ssyncadd.s32 @!p0 $0xFFFFFF00  }
0x2b: {  	v10 =	vld @!p0 [tilespmem:$0x16800];
	_ =	sdelay $0x1  }
0x2c: {  	v11 =	vld @!p0 [tilespmem:$0x16810];
	_ =	sdelay $0x1  }
0x2d: {  	v12 =	vld @!p0 [tilespmem:$0x16820]  }
0x2e: {  	v10 =	vadd.f32 @!p0 $0.0e+00, v10  }
0x2f: {  	v13 =	vld @!p0 [tilespmem:$0x16830]  }
0x30: {  	v10 =	vadd.f32 @!p0 v11, v10  }
0x31: {  	v11 =	vld @!p0 [tilespmem:$0x16840]  }
0x32: {  	v10 =	vadd.f32 @!p0 v12, v10  }
0x33: {  	v12 =	vld @!p0 [tilespmem:$0x16850]  }
0x34: {  	v10 =	vadd.f32 @!p0 v13, v10  }
0x35: {  	v13 =	vld @!p0 [tilespmem:$0x16860]  }
0x36: {  	v10 =	vadd.f32 @!p0 v11, v10  }
0x37: {  	v11 =	vld @!p0 [tilespmem:$0x16870]  }
0x38: {  	v10 =	vadd.f32 @!p0 v12, v10  }
0x39: {  	v12 =	vld @!p0 [tilespmem:$0x16880]  }
0x3a: {  	v10 =	vadd.f32 @!p0 v13, v10  }
0x3b: {  	v13 =	vld @!p0 [tilespmem:$0x16890]  }
0x3c: {  	v10 =	vadd.f32 @!p0 v11, v10  }
0x3d: {  	v11 =	vld @!p0 [tilespmem:$0x168A0]  }
0x3e: {  	v10 =	vadd.f32 @!p0 v12, v10  }
0x3f: {  	v12 =	vld @!p0 [tilespmem:$0x168B0]  }
0x40: {  	v10 =	vadd.f32 @!p0 v13, v10  }
0x41: {  	v13 =	vld @!p0 [tilespmem:$0x168C0]  }
0x42: {  	v10 =	vadd.f32 @!p0 v11, v10  }
0x43: {  	v11 =	vld @!p0 [tilespmem:$0x168D0]  }
0x44: {  	v10 =	vadd.f32 @!p0 v12, v10  }
0x45: {  	v12 =	vld @!p0 [tilespmem:$0x168E0]  }
0x46: {  	v10 =	vadd.f32 @!p0 v13, v10  }
0x47: {  	v13 =	vld @!p0 [tilespmem:$0x168F0]  }
0x48: {  	v10 =	vadd.f32 @!p0 v11, v10;
	_ =	sdelay $0x1  }
0x49: {  	v10 =	vadd.f32 @!p0 v12, v10;
	_ =	sdelay $0x1  }
0x4a: {  	s1 =	rddreg [dreg:$0x13];
	v10 =	vadd.f32 @!p0 v13, v10  }
0x4b: {  	p1 =	sgt.s32 @!p0 s1, $0x1  }
0x4c: {  	p1 =	por !p1, p0;
	(xrf2) =	vadd.scan.msk.f32 @!p0 $0xffff, v10  }
0x4d: {  	s1 =	simm.s32 @p1 $0x1  }
0x4e: {  	s1 =	scvt.s32.f32 @!p0 s1;
	_ =	sdelay $0x1  }
0x4f: {  	v10 =	vmov @!p0 s1  }
0x50: {  	(erf) = vrcp.f32 @!p0 v10;
	_ =	sdelay $0x4  }
0x51: {  	v10, _, _ =	vpop @!p0 (xrf2)  }
0x52: {  	v10 =	vadd.f32 @!p0 $0.0e+00, v10;
	_ =	sdelay $0x1  }
0x53: {  	v10 =	vbroadcast @!p0 v10, $0xF  }
0x54: {  	s1 =	rddreg [dreg:$0x12];
	v11 =	vpop @!p0 (erf)  }
0x55: {  	p1 =	seq.s32 @!p0 s1, $0x80000000;
	s1 =	rddreg [dreg:$0x11];
	v10 =	vmul.f32 @!p0 v10, v11  }
0x56: {  	p2 =	seq.s32 @!p0 s1, $0x80000000;
	p1 =	por !p1, p0  }
0x57: {  	p6 =	por !p2, p0;
	v10 =	vpsel !p1, $0x0, v10  }
0x58: {  	v10 =	vpsel !p6, $0x0, v10  }
0x59: {  	s2 =	simm.s32 @!p0 $0x16780;
	s3 =	rddreg [dreg:$0xe];
	s1 =	simm.s32 @!p0 $0x0;
	[tilespmem:$0x16780] =	vst @!p0 v10  }
0x5a: {  	[hbm4b:s3+s1] =	stream.linear.scatter @!p0 [tilespmem:s2], [sflag:$0x5], $0x80, $0x38;
	[tilespmem:$0x16910] =	vst v63  }
0x5b: {  	_ =	swait.ge @!p0 [sflag:s0], $0x80  }
0x5c: {  	s30 =	rddreg [dreg:$0x10]  }
0x5d: {  	s31 =	rddreg [dreg:$0xf];
	s2 =	sadd.s32 $0x1, s30  }
0x5e: {  	p1 =	sne.s32 s2, s31  }
.Ltmp1:
0x5f: {  	_ = 	snop;
	(pc) =	sbr.rel @!p1 .LBB2_22-.Ltmp1, $3  }
0x60: {  	_ =	sdelay $0x1  }
0x61: {  	[sflag:s0] =	ssyncset.done @!p0 $0x0  }
0x62: {  	s3 =	simm.s32 $0x8000;
	[sflag:s0] =	ssyncadd.s32 @!p0 $0xFFFFFF80  }
.LBB2_1:
0x63: {  	[dreg:$0x10] =	wrdreg s2  }
0x64: {  	s1 =	simm.s32 $0x0;
	s0 =	rddreg [dreg:$0x9];
	s20 =	simm.s32 $0x10100  }
0x65: {  	[tilespmem:s20], [sflag:$0x1] =	stream.linear.gather [hbm4b:s0+s1], $0x1900, $0x38;
	[tilespmem:$0x16910] =	vst v63  }
0x66: {  	s21 =	rddreg [dreg:$0xa];
	s22 =	simm.s32 $0x11A80  }
0x67: {  	[tilespmem:s22], [sflag:$0x2] =	stream.linear.gather [hbm4b:s21+s1], $0x1900, $0x38;
	[tilespmem:$0x16910] =	vst v63  }
0x68: {  	s23 =	rddreg [dreg:$0xb];
	s24 =	simm.s32 $0x13400  }
0x69: {  	[tilespmem:s24], [sflag:$0x3] =	stream.linear.gather [hbm4b:s23+s1], $0x1900, $0x38;
	[tilespmem:$0x16910] =	vst v63  }
0x6a: {  	s25 =	rddreg [dreg:$0xc];
	s26 =	simm.s32 $0x14D80  }
0x6b: {  	[tilespmem:s26], [sflag:$0x4] =	stream.linear.gather [hbm4b:s25+s1], $0x1900, $0x38;
	[tilespmem:$0x16910] =	vst v63  }
0x6c: {  	s28 =	rddreg [dreg:$0x0]  }
0x6d: {  	[tilespmem:s1], [sflag:$0x5] =	stream.linear.gather [hbm4b:s28+s1], $0x4000, $0x38;
	[tilespmem:$0x16910] =	vst v63  }
0x6e: {  	_ =	swait.ge [sflag:s4], $0x4000  }
0x6f: {  	[sflag:s4] =	ssyncset.done $0x0  }
0x70: {  	[sflag:s4] =	ssyncadd.s32 $0xFFFFC000  }
0x71: {  	s30 =	simm.s32 $0x4000;
	s29 =	rddreg [dreg:$0x1]  }
0x72: {  	[tilespmem:s30], [sflag:$0x5] =	stream.linear.gather [hbm4b:s29+s1], $0x4000, $0x38;
	[tilespmem:$0x16910] =	vst v63  }
0x73: {  	_ =	swait.ge [sflag:s4], $0x4000  }
0x74: {  	[sflag:s4] =	ssyncset.done $0x0  }
0x75: {  	[sflag:s4] =	ssyncadd.s32 $0xFFFFC000  }
0x76: {  	s31 =	rddreg [dreg:$0x3]  }
0x77: {  	[tilespmem:s18], [sflag:$0x5] =	stream.linear.gather [hbm4b:s31+s1], $0x80, $0x38;
	[tilespmem:$0x16910] =	vst v63  }
0x78: {  	_ =	swait.ge [sflag:s4], $0x80  }
0x79: {  	[sflag:s4] =	ssyncset.done $0x0  }
0x7a: {  	v10 =	vimm.s32 $0x0;
	v11 =	vimm.s32 $0x0;
	s2 =	simm.s32 $0xC080;
	s0 =	simm.s32 $0x0;
	[sflag:s4] =	ssyncadd.s32 $0xFFFFFF80  }
.LBB2_2:
0x7b: {  	s1 =	sshra.s32 s0, $0x2  }
0x7c: {  	v12 =	vld [tilespmem:s1+$0x4000];
	_ =	sdelay $0x4  }
0x7d: {  	vm0 =	veq.s32 v12, $0x1  }
0x7e: {  	v12 =	vsel vm0, $0x1, v0  }
0x7f: {  	(xrf0) =	vadd.scan.msk.s32 $0xffff, v12;
	_ =	sdelay $0x5  }
0x80: {  	v13, _, _ =	vpop (xrf0)  }
0x81: {  	v12 =	vsub.s32 v13, v12  }
0x82: {  	v13 =	vadd.s32 v11, v12;
	v12 =	vsub.s32 v10, v12  }
0x83: {  	v14 =	vld [tilespmem:s1+$0x0];
	v13 =	vsel vm0, v13, v2;
	v12 =	vadd.s32 v1, v12  }
0x84: {  	v12 =	vsel vm0, v2, v12;
	_ =	sdelay $0x3  }
0x85: {  	[tilespmem:v13+s3+$0x0] =	vst.idx.msk $0xffff, v14  }
0x86: {  	[tilespmem:v12+s2+$0x0] =	vst.idx.msk $0xffff, v14  }
0x87: {  	v12 =	vld [tilespmem:s1+$0x4010];
	_ =	sdelay $0x4  }
0x88: {  	vm1 =	veq.s32 v12, $0x1  }
0x89: {  	v12 =	vsel vm1, $0x1, v0  }
0x8a: {  	(xrf0) =	vadd.scan.msk.s32 $0xffff, v12;
	_ =	sdelay $0x4  }
0x8b: {  	v36 =	vmpcnt.ones.xlane vm0  }
0x8c: {  	v37, _, _ =	vpop (xrf0)  }
0x8d: {  	v11 =	vadd.s32 v11, v36;
	v10 =	vsub.s32 v10, v36;
	v12 =	vsub.s32 v37, v12  }
0x8e: {  	v38 =	vadd.s32 v11, v12;
	v12 =	vsub.s32 v10, v12  }
0x8f: {  	v39 =	vld [tilespmem:s1+$0x10];
	v13 =	vsel vm1, v38, v2;
	v12 =	vadd.s32 v3, v12  }
0x90: {  	v12 =	vsel vm1, v2, v12;
	_ =	sdelay $0x3  }
0x91: {  	[tilespmem:v13+s3+$0x0] =	vst.idx.msk $0xffff, v39  }
0x92: {  	[tilespmem:v12+s2+$0x0] =	vst.idx.msk $0xffff, v39  }
0x93: {  	v12 =	vld [tilespmem:s1+$0x4020];
	_ =	sdelay $0x4  }
0x94: {  	vm0 =	veq.s32 v12, $0x1  }
0x95: {  	v12 =	vsel vm0, $0x1, v0  }
0x96: {  	(xrf0) =	vadd.scan.msk.s32 $0xffff, v12;
	_ =	sdelay $0x4  }
0x97: {  	v40 =	vmpcnt.ones.xlane vm1  }
0x98: {  	v41, _, _ =	vpop (xrf0)  }
0x99: {  	v11 =	vadd.s32 v11, v40;
	v10 =	vsub.s32 v10, v40;
	v12 =	vsub.s32 v41, v12  }
0x9a: {  	v42 =	vadd.s32 v11, v12;
	v12 =	vsub.s32 v10, v12  }
0x9b: {  	v43 =	vld [tilespmem:s1+$0x20];
	v13 =	vsel vm0, v42, v2;
	v12 =	vadd.s32 v4, v12  }
0x9c: {  	v12 =	vsel vm0, v2, v12;
	_ =	sdelay $0x3  }
0x9d: {  	[tilespmem:v13+s3+$0x0] =	vst.idx.msk $0xffff, v43  }
0x9e: {  	[tilespmem:v12+s2+$0x0] =	vst.idx.msk $0xffff, v43  }
0x9f: {  	v12 =	vld [tilespmem:s1+$0x4030];
	_ =	sdelay $0x4  }
0xa0: {  	vm1 =	veq.s32 v12, $0x1  }
0xa1: {  	v12 =	vsel vm1, $0x1, v0  }
0xa2: {  	(xrf0) =	vadd.scan.msk.s32 $0xffff, v12;
	_ =	sdelay $0x4  }
0xa3: {  	v44 =	vmpcnt.ones.xlane vm0  }
0xa4: {  	v45, _, _ =	vpop (xrf0)  }
0xa5: {  	v11 =	vadd.s32 v11, v44;
	v10 =	vsub.s32 v10, v44;
	v12 =	vsub.s32 v45, v12  }
0xa6: {  	v46 =	vadd.s32 v11, v12;
	v12 =	vsub.s32 v10, v12  }
0xa7: {  	v47 =	vld [tilespmem:s1+$0x30];
	v13 =	vsel vm1, v46, v2;
	v12 =	vadd.s32 v5, v12  }
0xa8: {  	v12 =	vsel vm1, v2, v12;
	_ =	sdelay $0x3  }
0xa9: {  	[tilespmem:v13+s3+$0x0] =	vst.idx.msk $0xffff, v47  }
0xaa: {  	[tilespmem:v12+s2+$0x0] =	vst.idx.msk $0xffff, v47  }
0xab: {  	v12 =	vld [tilespmem:s1+$0x4040];
	_ =	sdelay $0x4  }
0xac: {  	vm0 =	veq.s32 v12, $0x1  }
0xad: {  	v12 =	vsel vm0, $0x1, v0  }
0xae: {  	(xrf0) =	vadd.scan.msk.s32 $0xffff, v12;
	_ =	sdelay $0x4  }
0xaf: {  	v48 =	vmpcnt.ones.xlane vm1  }
0xb0: {  	v49, _, _ =	vpop (xrf0)  }
0xb1: {  	v11 =	vadd.s32 v11, v48;
	v10 =	vsub.s32 v10, v48;
	v12 =	vsub.s32 v49, v12  }
0xb2: {  	v50 =	vadd.s32 v11, v12;
	v12 =	vsub.s32 v10, v12  }
0xb3: {  	v51 =	vld [tilespmem:s1+$0x40];
	v13 =	vsel vm0, v50, v2;
	v12 =	vadd.s32 v6, v12  }
0xb4: {  	v12 =	vsel vm0, v2, v12;
	_ =	sdelay $0x3  }
0xb5: {  	[tilespmem:v13+s3+$0x0] =	vst.idx.msk $0xffff, v51  }
0xb6: {  	[tilespmem:v12+s2+$0x0] =	vst.idx.msk $0xffff, v51  }
0xb7: {  	v12 =	vld [tilespmem:s1+$0x4050];
	_ =	sdelay $0x4  }
0xb8: {  	vm1 =	veq.s32 v12, $0x1  }
0xb9: {  	v12 =	vsel vm1, $0x1, v0  }
0xba: {  	(xrf0) =	vadd.scan.msk.s32 $0xffff, v12;
	_ =	sdelay $0x4  }
0xbb: {  	v52 =	vmpcnt.ones.xlane vm0  }
0xbc: {  	v53, _, _ =	vpop (xrf0)  }
0xbd: {  	v11 =	vadd.s32 v11, v52;
	v10 =	vsub.s32 v10, v52;
	v12 =	vsub.s32 v53, v12  }
0xbe: {  	v54 =	vadd.s32 v11, v12;
	v12 =	vsub.s32 v10, v12  }
0xbf: {  	v55 =	vld [tilespmem:s1+$0x50];
	v13 =	vsel vm1, v54, v2;
	v12 =	vadd.s32 v7, v12  }
0xc0: {  	v12 =	vsel vm1, v2, v12;
	_ =	sdelay $0x3  }
0xc1: {  	[tilespmem:v13+s3+$0x0] =	vst.idx.msk $0xffff, v55  }
0xc2: {  	[tilespmem:v12+s2+$0x0] =	vst.idx.msk $0xffff, v55  }
0xc3: {  	v12 =	vld [tilespmem:s1+$0x4060];
	_ =	sdelay $0x4  }
0xc4: {  	vm0 =	veq.s32 v12, $0x1  }
0xc5: {  	v12 =	vsel vm0, $0x1, v0  }
0xc6: {  	(xrf0) =	vadd.scan.msk.s32 $0xffff, v12;
	_ =	sdelay $0x4  }
0xc7: {  	v56 =	vmpcnt.ones.xlane vm1  }
0xc8: {  	v57, _, _ =	vpop (xrf0)  }
0xc9: {  	v11 =	vadd.s32 v11, v56;
	v10 =	vsub.s32 v10, v56;
	v12 =	vsub.s32 v57, v12  }
0xca: {  	v58 =	vadd.s32 v11, v12;
	v12 =	vsub.s32 v10, v12  }
0xcb: {  	v59 =	vld [tilespmem:s1+$0x60];
	v13 =	vsel vm0, v58, v2;
	v12 =	vadd.s32 v8, v12  }
0xcc: {  	v12 =	vsel vm0, v2, v12;
	_ =	sdelay $0x3  }
0xcd: {  	[tilespmem:v13+s3+$0x0] =	vst.idx.msk $0xffff, v59  }
0xce: {  	[tilespmem:v12+s2+$0x0] =	vst.idx.msk $0xffff, v59  }
0xcf: {  	v12 =	vld [tilespmem:s1+$0x4070];
	_ =	sdelay $0x4  }
0xd0: {  	vm1 =	veq.s32 v12, $0x1  }
0xd1: {  	v12 =	vsel vm1, $0x1, v0  }
0xd2: {  	(xrf0) =	vadd.scan.msk.s32 $0xffff, v12;
	_ =	sdelay $0x4  }
0xd3: {  	v60 =	vmpcnt.ones.xlane vm0  }
0xd4: {  	v61, _, _ =	vpop (xrf0)  }
0xd5: {  	v11 =	vadd.s32 v11, v60;
	v10 =	vsub.s32 v10, v60;
	v12 =	vsub.s32 v61, v12  }
0xd6: {  	v62 =	vadd.s32 v11, v12;
	v12 =	vsub.s32 v10, v12  }
0xd7: {  	v63 =	vld [tilespmem:s1+$0x70];
	v13 =	vsel vm1, v62, v2;
	v12 =	vadd.s32 v9, v12  }
0xd8: {  	p1 =	sne.s32 s0, $0xFE00;
	v12 =	vsel vm1, v2, v12  }
.Ltmp2:
0xd9: {  	_ = 	snop;
	(pc) =	sbr.rel @p1 .LBB2_2-.Ltmp2, $3  }
0xda: {  	v15 =	vmpcnt.ones.xlane vm1;
	_ =	sdelay $0x1  }
0xdb: {  	v10 =	vsub.s32 v10, v15;
	[tilespmem:v13+s3+$0x0] =	vst.idx.msk $0xffff, v63  }
0xdc: {  	s0 =	sadd.s32 $0x200, s0;
	v11 =	vadd.s32 v11, v15;
	v10 =	vadd.s32 $0x80, v10;
	[tilespmem:v12+s2+$0x0] =	vst.idx.msk $0xffff, v63  }
0xdd: {  	v11 =	vxor.u32 $0x80000000, v11  }
0xde: {  	v10 =	vxor.u32 $0x80000000, v10;
	(xrf0) =	vmax.scan.msk.u32 $0xffff, v11  }
0xdf: {  	(xrf0) =	vmax.scan.msk.u32 $0xffff, v10;
	_ =	sdelay $0x4  }
0xe0: {  	v10, _, _ =	vpop (xrf0)  }
0xe1: {  	(v2sf) =	vpush v10, $0xF;
	v10, _, _ =	vpop (xrf0)  }
0xe2: {  	(v2sf) =	vpush v10, $0xF;
	_ =	sdelay $0xd  }
0xe3: {  	s2 =	spop (v2sf)  }
0xe4: {  	s0 =	spop (v2sf)  }
0xe5: {  	[dreg:$0x12] =	wrdreg s0;
	s0 =	sxor.u32 $0x80000000, s0  }
0xe6: {  	p1 =	sgt.s32 s0, $0x1  }
0xe7: {  	s1 =	simm.s32 $0x10000;
	s0 =	simm.s32 @!p1 $0x1  }
0xe8: {  	(drf) =	srem.u32 s1, s0;
	_ =	sdelay $0x8  }
0xe9: {  	s1 =	spop (drf)  }
0xea: {  	s1 =	smul.u32 s1, s1;
	_ =	sdelay $0x1  }
0xeb: {  	(drf) =	srem.u32 s1, s0;
	_ =	sdelay $0x5  }
.Ltmp3:
0xec: {  	_ = 	snop;
	(pc) =	sbr.rel .LBB2_4-.Ltmp3, $3  }
0xed: {  	_ =	sdelay $0x1  }
0xee: {  	v10 =	vimm.f32 $0.0e+00;
	[dreg:$0x11] =	wrdreg s2;
	s2 =	sxor.u32 $0x80000000, s2;
	s1 =	spop (drf)  }
0xef: {  	p2 =	por $0x1, $0x1;
	[dreg:$0x13] =	wrdreg s2;
	v11 =	vmov s2;
	v12 =	vmov s0;
	s0 =	simm.s32 $0x0;
	v13 =	vmov s1  }
.LBB2_20:
0xf0: {  	s0 =	smul.u32 $0x32, s20;
	_ =	sdelay $0x1  }
0xf1: {  	s1 =	rddreg [dreg:$0x6];
	s0 =	sshrl.u32 s0, $0x3  }
0xf2: {  	s2 =	simm.s32 $0x0;
	s3 =	simm.s32 $0x13400;
	s0 =	sadd.s32 $0x640, s0  }
.Ltmp4:
0xf3: {  	s30 =	rddreg [dreg:$0x7];
	s1 =	sadd.s32 s1, s0;
	(pc) =	sbr.rel @!p1 .LBB2_21-.Ltmp4, $4  }
0xf4: {  	[tilespmem:s3], [sflag:$0x3] =	stream.linear.gather [hbm4b:s1+s2], $0x1900, $0x38;
	[tilespmem:$0x16910] =	vst v63  }
0xf5: {  	s31 =	simm.s32 $0x14D80;
	s0 =	sadd.s32 s30, s0  }
0xf6: {  	[tilespmem:s31], [sflag:$0x4] =	stream.linear.gather [hbm4b:s0+s2], $0x1900, $0x38;
	[tilespmem:$0x16910] =	vst v63  }
0xf7: {  	p2 =	por $0x0, $0x0;
	s0 =	simm.s32 $0x100  }
.LBB2_4:
0xf8: {  	s1 =	simm.s32 $0x1  }
0xf9: {  	_ =	swait.ge [sflag:s1], $0x1900  }
0xfa: {  	[sflag:s1] =	ssyncset.done $0x0  }
0xfb: {  	s2 =	simm.s32 $0x2;
	[sflag:s1] =	ssyncadd.s32 $0xFFFFE700  }
0xfc: {  	_ =	swait.ge [sflag:s2], $0x1900  }
0xfd: {  	s30 =	rddreg [dreg:$0x8]  }
0xfe: {  	s31 =	rddreg [dreg:$0x13];
	s20 =	sor.u32 s30, s0  }
0xff: {  	p3 =	sge.s32 s20, s31  }
.Ltmp5:
0x100: {  	_ = 	snop;
	(pc) =	sbr.rel @p3 .LBB2_12-.Ltmp5, $3  }
0x101: {  	_ =	sdelay $0x1  }
0x102: {  	[sflag:s2] =	ssyncset.done $0x0  }
0x103: {  	p1 =	por p2, p2;
	[sflag:s2] =	ssyncadd.s32 $0xFFFFE700  }
.Ltmp6:
0x104: {  	(pc) =	sbr.rel .LBB2_6-.Ltmp6, $3  }
0x105: {  	_ =	sdelay $0x1  }
0x106: {  	s0 =	sadd.s32 $0x8000, s20;
	s21 =	simm.s32 $0x0;
	s22 =	simm.s32 $0x100  }
0x107: {  	s23 =	simm.s32 $0x0;
	s24 =	simm.s32 $0x0;
	[dreg:$0x14] =	wrdreg s20;
	v14 =	vmov s0  }
.LBB2_7:
0x108: {  	vm1 =	vcmask $0x2724  }
.LBB2_11:
0x109: {  	vm0 =	vgt.s32 v16, $0x0  }
0x10a: {  	v18 =	vnsel vm0, $0x0, v16  }
0x10b: {  	v18 =	vadd.s32 $0x1, v18  }
0x10c: {  	(v2sf) =	vpush v18, $0x0  }
0x10d: {  	(v2sf) =	vpush v18, $0xF  }
0x10e: {  	(v2sf) =	vpush v18, $0x1  }
0x10f: {  	(v2sf) =	vpush v18, $0x2;
	_ =	sdelay $0x1  }
0x110: {  	(v2sf) =	vpush v18, $0x3  }
0x111: {  	(v2sf) =	vpush v18, $0x4  }
0x112: {  	(v2sf) =	vpush v18, $0x5  }
0x113: {  	(v2sf) =	vpush v18, $0x6  }
0x114: {  	(v2sf) =	vpush v18, $0x7  }
0x115: {  	(v2sf) =	vpush v18, $0x8  }
0x116: {  	(v2sf) =	vpush v18, $0x9  }
0x117: {  	(v2sf) =	vpush v18, $0xA;
	_ =	sdelay $0x2  }
0x118: {  	s0 =	spop (v2sf);
	(v2sf) =	vpush v18, $0xB  }
0x119: {  	s1 =	spop (v2sf);
	s5 =	sshra.s32 s0, $0x1F  }
0x11a: {  	(v2sf) =	vpush v18, $0xC;
	s2 =	spop (v2sf);
	s0 =	sxor.u32 s5, s0;
	s7 =	sshra.s32 s1, $0x1F  }
0x11b: {  	s3 =	spop (v2sf);
	s0 =	ssub.s32 s0, s5;
	s16 =	sxor.u32 s7, s1  }
0x11c: {  	s1 =	sshra.s32 s2, $0x1F;
	(drf) =	sdiv.u32 s19, s0;
	s0 =	ssub.s32 s16, s7  }
0x11d: {  	(v2sf) =	vpush v18, $0xD;
	s4 =	spop (v2sf);
	s2 =	sxor.u32 s1, s2;
	(drf) =	sdiv.u32 s19, s0  }
0x11e: {  	s9 =	sshra.s32 s3, $0x1F;
	s6 =	spop (v2sf);
	s17 =	ssub.s32 s2, s1  }
0x11f: {  	s25 =	sxor.u32 s9, s3;
	s8 =	spop (v2sf);
	(drf) =	sdiv.u32 s19, s17  }
0x120: {  	s26 =	ssub.s32 s25, s9;
	s3 =	spop (v2sf)  }
0x121: {  	(drf) =	sdiv.u32 s19, s26;
	s28 =	spop (v2sf)  }
0x122: {  	s29 =	spop (v2sf)  }
0x123: {  	s10 =	spop (v2sf)  }
0x124: {  	s11 =	spop (v2sf)  }
0x125: {  	s14 =	spop (drf)  }
0x126: {  	s15 =	spop (drf)  }
0x127: {  	s12 =	spop (v2sf)  }
0x128: {  	s16 =	spop (drf)  }
0x129: {  	s14 =	sxor.u32 s5, s14;
	s15 =	sxor.u32 s7, s15;
	s13 =	spop (v2sf)  }
0x12a: {  	s5 =	ssub.s32 s14, s5;
	s7 =	ssub.s32 s15, s7;
	s30 =	spop (drf)  }
0x12b: {  	(v2sf) =	vpush v18, $0xE;
	s31 =	sxor.u32 s1, s16;
	s16 =	sshra.s32 s4, $0x1F;
	s15 =	sshra.s32 s3, $0x1F  }
0x12c: {  	s17 =	spop (v2sf);
	s14 =	sxor.u32 s9, s30;
	s4 =	sxor.u32 s16, s4  }
0x12d: {  	s9 =	ssub.s32 s14, s9;
	s4 =	ssub.s32 s4, s16;
	s14 =	sshra.s32 s6, $0x1F  }
0x12e: {  	s1 =	ssub.s32 s31, s1;
	(drf) =	sdiv.u32 s19, s4;
	s25 =	sxor.u32 s14, s6  }
0x12f: {  	s3 =	sxor.u32 s15, s3;
	s6 =	sshra.s32 s8, $0x1F;
	s4 =	ssub.s32 s25, s14  }
0x130: {  	s3 =	ssub.s32 s3, s15;
	s8 =	sxor.u32 s6, s8;
	(drf) =	sdiv.u32 s19, s4  }
0x131: {  	s26 =	ssub.s32 s8, s6;
	s4 =	sshra.s32 s28, $0x1F;
	s8 =	sshra.s32 s10, $0x1F  }
0x132: {  	(drf) =	sdiv.u32 s19, s26;
	s2 =	sxor.u32 s4, s28;
	s28 =	sxor.u32 s8, s10  }
0x133: {  	s10 =	sshra.s32 s12, $0x1F;
	(drf) =	sdiv.u32 s19, s3;
	s3 =	sshra.s32 s29, $0x1F  }
0x134: {  	s2 =	ssub.s32 s2, s4;
	s12 =	sxor.u32 s10, s12;
	s0 =	sxor.u32 s3, s29  }
0x135: {  	(drf) =	sdiv.u32 s19, s2;
	s2 =	sshra.s32 s11, $0x1F;
	s0 =	ssub.s32 s0, s3  }
0x136: {  	s29 =	ssub.s32 s28, s8;
	s30 =	sxor.u32 s2, s11;
	(drf) =	sdiv.u32 s19, s0  }
0x137: {  	s0 =	ssub.s32 s30, s2;
	(drf) =	sdiv.u32 s19, s29;
	s31 =	spop (drf)  }
0x138: {  	s12 =	ssub.s32 s12, s10;
	(drf) =	sdiv.u32 s19, s0;
	s11 =	sxor.u32 s16, s31  }
0x139: {  	s0 =	sshra.s32 s13, $0x1F;
	(drf) =	sdiv.u32 s19, s12;
	s11 =	ssub.s32 s11, s16  }
0x13a: {  	s16 =	sxor.u32 s0, s13;
	s13 =	sshra.s32 s17, $0x1F;
	s25 =	spop (v2sf)  }
0x13b: {  	v19 =	vmov s7;
	s26 =	ssub.s32 s16, s0;
	s28 =	sxor.u32 s13, s17;
	s17 =	sshra.s32 s25, $0x1F  }
0x13c: {  	v19 =	vsel vm2, s5, v19;
	(drf) =	sdiv.u32 s19, s26;
	s29 =	ssub.s32 s28, s13;
	s30 =	sxor.u32 s17, s25  }
0x13d: {  	v19 =	vsel vm3, s1, v19;
	s31 =	spop (drf);
	(drf) =	sdiv.u32 s19, s29;
	s7 =	ssub.s32 s30, s17  }
0x13e: {  	v19 =	vsel vm4, s9, v19;
	s9 =	spop (drf);
	s1 =	sxor.u32 s14, s31;
	(drf) =	sdiv.u32 s19, s7  }
0x13f: {  	v19 =	vsel vm5, s11, v19;
	s1 =	ssub.s32 s1, s14;
	s12 =	spop (drf);
	s5 =	sxor.u32 s6, s9  }
0x140: {  	v19 =	vsel vm6, s1, v19;
	s14 =	ssub.s32 s5, s6;
	s16 =	spop (drf);
	s25 =	sxor.u32 s15, s12  }
0x141: {  	v19 =	vsel vm7, s14, v19;
	s26 =	ssub.s32 s25, s15;
	s5 =	sxor.u32 s4, s16;
	s28 =	spop (drf)  }
0x142: {  	v19 =	vsel vm8, s26, v19;
	s29 =	ssub.s32 s5, s4;
	s30 =	spop (drf);
	s31 =	sxor.u32 s3, s28  }
0x143: {  	v19 =	vsel vm9, s29, v19;
	s6 =	ssub.s32 s31, s3;
	s7 =	spop (drf);
	s4 =	sxor.u32 s8, s30  }
0x144: {  	v19 =	vsel vm15, s6, v19;
	s9 =	ssub.s32 s4, s8;
	s11 =	spop (drf);
	s3 =	sxor.u32 s2, s7  }
0x145: {  	vm0 =	vcmask $0x2B28;
	v19 =	vsel vm1, s9, v19;
	s12 =	ssub.s32 s3, s2;
	s15 =	sxor.u32 s10, s11;
	s14 =	spop (drf)  }
0x146: {  	v19 =	vsel vm0, s12, v19;
	s16 =	ssub.s32 s15, s10;
	s25 =	spop (drf);
	s2 =	sxor.u32 s0, s14  }
0x147: {  	v19 =	vsel vm11, s16, v19;
	s0 =	ssub.s32 s2, s0;
	s26 =	sxor.u32 s13, s25;
	s28 =	spop (drf)  }
0x148: {  	v19 =	vsel vm12, s0, v19;
	s29 =	ssub.s32 s26, s13;
	s30 =	sxor.u32 s17, s28  }
0x149: {  	v19 =	vsel vm13, s29, v19;
	s31 =	ssub.s32 s30, s17  }
0x14a: {  	vm0 =	vne.s32 v16, $0x7FFFFFFF;
	v19 =	vsel vm14, s31, v19  }
0x14b: {  	v21 =	vshra.s32 v18, $0x1F;
	v20 =	vsel vm0, $0x1, v0;
	v18 =	vmul.u32 v18, v19  }
0x14c: {  	v20 =	vadd.s32 v20, v21  }
0x14d: {  	vm0 =	vne.s32 v20, $0x1;
	vm1 =	vne.s32 v18, $0x32  }
0x14e: {  	vm0 =	vmand vm0, vm1  }
0x14f: {  	v63 =	vsel vm0, $0xFFFFFFFF, v0  }
0x150: {  	v18 =	vadd.s32 v63, v19  }
0x151: {  	vm0 =	vgt.s32 v18, $0x1  }
0x152: {  	v18 =	vnsel vm0, $0x1, v18  }
0x153: {  	v18 =	vadd.s32 $0xFFFFFFFF, v18;
	_ =	sdelay $0x4  }
0x154: {  	v15 =	vsub.f32 v17, v15;
	v18 =	vld.idx.msk [tilespmem:v18+s18+$0x0], $0xffff;
	_ =	sdelay $0x1  }
0x155: {  	s24 =	sadd.s32 $0x1, s24;
	v15 =	vadd.f32 $1.000000000e+00, v15  }
0x156: {  	p2 =	sne.s32 s24, $0x8  }
.Ltmp7:
0x157: {  	v15 =	vmax.f32 v15, $0.0e+00;
	(pc) =	sbr.rel @!p2 .LBB2_12-.Ltmp7, $4  }
0x158: {  	v15 =	vmul.f32 v18, v15  }
0x159: {  	vm0 =	vgt.s32 v16, $0xFFFFFFFF  }
0x15a: {  	v15 =	vnsel vm0, $0x0, v15  }
0x15b: {  	s23 =	sadd.s32 $0x320, s23;
	s21 =	sadd.s32 $0x1, s21;
	s22 =	sadd.s32 $0xC80, s22;
	v10 =	vadd.f32 v15, v10  }
.LBB2_6:
0x15c: {  	s0 =	sshll.u32 s24, $0x4  }
0x15d: {  	s1 =	sor.u32 s20, s0  }
0x15e: {  	v15 =	vor.u32 s1, v1  }
0x15f: {  	vm0 =	vge.s32 v15, v11  }
0x160: {  	v18 =	vsel vm0, $0x1, v0  }
0x161: {  	v15 =	vor.u32 $0x80000000, v18  }
0x162: {  	(xrf0) =	vmin.scan.msk.u32 $0xffff, v15;
	_ =	sdelay $0x5  }
0x163: {  	v15, _, _ =	vpop (xrf0)  }
0x164: {  	(v2sf) =	vpush v15, $0xF;
	_ =	sdelay $0xe  }
0x165: {  	s31 =	spop (v2sf)  }
0x166: {  	p2 =	sne.s32 s31, $0x80000000  }
.Ltmp8:
0x167: {  	_ = 	snop;
	(pc) =	sbr.rel @p2 .LBB2_7-.Ltmp8, $2  }
0x168: {  	_ =	sdelay $0x2  }
0x169: {  	v16 =	vimm.s32 $0xFFFFFFFF;
	v17 =	vimm.f32 $0.0e+00;
	v15 =	vld.idx.msk [tilespmem:v14+s0+$0x0 ss:$0x1], $0xffff  }
0x16a: {  	[dreg:$0x1a] =	wrdreg s24  }
0x16b: {  	[dreg:$0x18] =	wrdreg s23;
	s0 =	sshll.u32 s23, $0x2;
	s1 =	sand.u32 $0x3, s21  }
0x16c: {  	[dreg:$0x16] =	wrdreg s21;
	s0 =	sand.u32 $0xFFFFFE00, s0;
	s1 =	sshll.u32 s1, $0x7  }
0x16d: {  	s15 =	simm.s32 $0x11A80;
	[smem:$0x7FD] =	sst s22;
	s0 =	sor.u32 s1, s0  }
0x16e: {  	s3 =	simm.s32 $0x0;
	vm1 =	vcmask $0x2724;
	s1 =	simm.s32 $0x10100;
	[dreg:$0x1c] =	wrdreg s0  }
.LBB2_9:
0x16f: {  	s0 =	rddreg [dreg:$0x1c]  }
0x170: {  	s5 =	sshra.s32 s0, $0x2  }
0x171: {  	s0 =	sadd.s32 s5, s1  }
0x172: {  	v19 =	vld [tilespmem:s0+$0x0];
	_ =	sdelay $0x4  }
0x173: {  	(v2sf) =	vpush v19, $0x0  }
0x174: {  	(v2sf) =	vpush v12, $0x0  }
0x175: {  	(v2sf) =	vpush v19, $0xF  }
0x176: {  	(v2sf) =	vpush v12, $0xF  }
0x177: {  	(v2sf) =	vpush v19, $0x1  }
0x178: {  	(v2sf) =	vpush v12, $0x1  }
0x179: {  	(v2sf) =	vpush v19, $0x2  }
0x17a: {  	(v2sf) =	vpush v12, $0x2  }
0x17b: {  	(v2sf) =	vpush v19, $0x3  }
0x17c: {  	(v2sf) =	vpush v12, $0x3;
	_ =	sdelay $0x5  }
0x17d: {  	s26 =	spop (v2sf)  }
0x17e: {  	s23 =	spop (v2sf)  }
0x17f: {  	s29 =	spop (v2sf)  }
0x180: {  	s20 =	spop (v2sf)  }
0x181: {  	s2 =	spop (v2sf)  }
0x182: {  	(v2sf) =	vpush v19, $0x4;
	s28 =	spop (v2sf)  }
0x183: {  	(v2sf) =	vpush v12, $0x4;
	(drf) =	srem.u32 s26, s23;
	s30 =	spop (v2sf)  }
0x184: {  	(v2sf) =	vpush v19, $0x5;
	(drf) =	srem.u32 s29, s20;
	s25 =	spop (v2sf)  }
0x185: {  	(v2sf) =	vpush v12, $0x5;
	(drf) =	srem.u32 s2, s28;
	s31 =	spop (v2sf)  }
0x186: {  	(v2sf) =	vpush v19, $0x6;
	(drf) =	srem.u32 s30, s25;
	s26 =	spop (v2sf)  }
0x187: {  	(v2sf) =	vpush v12, $0x6;
	(drf) =	srem.u32 s31, s26  }
0x188: {  	(v2sf) =	vpush v19, $0x7  }
0x189: {  	(v2sf) =	vpush v12, $0x7  }
0x18a: {  	(v2sf) =	vpush v19, $0x8  }
0x18b: {  	(v2sf) =	vpush v12, $0x8  }
0x18c: {  	[dreg:$0x1e] =	wrdreg s1;
	(v2sf) =	vpush v19, $0x9;
	s1 =	spop (drf)  }
0x18d: {  	(v2sf) =	vpush v12, $0x9;
	s4 =	spop (drf)  }
0x18e: {  	(v2sf) =	vpush v19, $0xA;
	s2 =	spop (drf)  }
0x18f: {  	[smem:$0x7E9] =	sst s3;
	(v2sf) =	vpush v12, $0xA;
	s3 =	spop (drf)  }
0x190: {  	(v2sf) =	vpush v19, $0xB;
	s6 =	spop (drf)  }
0x191: {  	[smem:$0x76D] =	sst s6;
	s6 =	spop (v2sf)  }
0x192: {  	(v2sf) =	vpush v12, $0xB;
	s19 =	spop (v2sf)  }
0x193: {  	s7 =	spop (v2sf)  }
0x194: {  	[smem:$0x76B] =	sst s2;
	(v2sf) =	vpush v19, $0xC;
	s2 =	spop (v2sf)  }
0x195: {  	s8 =	spop (v2sf)  }
0x196: {  	[smem:$0x76A] =	sst s1;
	(v2sf) =	vpush v12, $0xC;
	s1 =	spop (v2sf)  }
0x197: {  	(drf) =	srem.u32 s6, s19;
	s9 =	spop (v2sf)  }
0x198: {  	[smem:$0x76C] =	sst s3;
	(v2sf) =	vpush v19, $0xD;
	s3 =	spop (v2sf)  }
0x199: {  	(v2sf) =	vpush v12, $0xD;
	(drf) =	srem.u32 s7, s2;
	s10 =	spop (v2sf)  }
0x19a: {  	s14 =	spop (v2sf)  }
0x19b: {  	s5 =	sadd.s32 s5, s15;
	(drf) =	srem.u32 s8, s1;
	s11 =	spop (v2sf)  }
0x19c: {  	(v2sf) =	vpush v19, $0xE;
	v19 =	vld [tilespmem:s5+$0x0];
	s13 =	spop (v2sf)  }
0x19d: {  	(drf) =	srem.u32 s9, s3;
	s7 =	spop (v2sf)  }
0x19e: {  	(v2sf) =	vpush v12, $0xE;
	(drf) =	srem.u32 s10, s14;
	s12 =	spop (v2sf)  }
0x19f: {  	(drf) =	srem.u32 s11, s13;
	s8 =	spop (v2sf)  }
0x1a0: {  	(drf) =	srem.u32 s7, s12;
	s7 =	spop (drf)  }
0x1a1: {  	(v2sf) =	vpush v19, $0x0;
	s10 =	spop (v2sf)  }
0x1a2: {  	(v2sf) =	vpush v19, $0xF;
	s6 =	spop (drf)  }
0x1a3: {  	s11 =	spop (v2sf)  }
0x1a4: {  	(v2sf) =	vpush v19, $0x1;
	s21 =	spop (drf)  }
0x1a5: {  	(v2sf) =	vpush v19, $0x2;
	(drf) =	srem.u32 s8, s10;
	s9 =	spop (v2sf)  }
0x1a6: {  	(v2sf) =	vpush v19, $0x3;
	s22 =	spop (drf);
	(drf) =	srem.u32 s11, s9  }
0x1a7: {  	(v2sf) =	vpush v19, $0x4;
	s16 =	spop (v2sf)  }
0x1a8: {  	s11 =	spop (v2sf)  }
0x1a9: {  	(v2sf) =	vpush v19, $0x5;
	s29 =	spop (drf);
	(drf) =	srem.u32 s16, s11  }
0x1aa: {  	(v2sf) =	vpush v19, $0x6;
	s30 =	spop (drf)  }
0x1ab: {  	s5 =	spop (v2sf)  }
0x1ac: {  	(v2sf) =	vpush v19, $0x7;
	s31 =	spop (drf)  }
0x1ad: {  	[smem:$0x7D2] =	sst s15;
	s8 =	spop (v2sf)  }
0x1ae: {  	(v2sf) =	vpush v19, $0x8;
	(drf) =	srem.u32 s5, s8;
	s17 =	spop (drf)  }
0x1af: {  	[smem:$0x7D7] =	sst s20;
	s18 =	spop (drf)  }
0x1b0: {  	[smem:$0x76E] =	sst s17;
	s16 =	spop (v2sf)  }
0x1b1: {  	(drf) =	srem.u32 s16, s23;
	s17 =	spop (v2sf)  }
0x1b2: {  	(v2sf) =	vpush v19, $0x9;
	[smem:$0x76F] =	sst s18;
	s24 =	spop (drf)  }
0x1b3: {  	(drf) =	srem.u32 s17, s20;
	s18 =	spop (v2sf)  }
0x1b4: {  	[smem:$0x770] =	sst s24;
	s20 =	spop (v2sf)  }
0x1b5: {  	(v2sf) =	vpush v19, $0xA;
	(drf) =	srem.u32 s18, s28;
	s24 =	spop (v2sf)  }
0x1b6: {  	(v2sf) =	vpush v19, $0xB;
	(drf) =	srem.u32 s20, s25;
	s0 =	spop (v2sf)  }
0x1b7: {  	(v2sf) =	vpush v19, $0xC;
	(drf) =	srem.u32 s24, s26;
	s15 =	spop (drf)  }
0x1b8: {  	[smem:$0x7DB] =	sst s19;
	(v2sf) =	vpush v19, $0xD;
	s24 =	spop (v2sf)  }
0x1b9: {  	[smem:$0x7C0] =	sst s2;
	(v2sf) =	vpush v19, $0xE;
	s5 =	spop (v2sf)  }
0x1ba: {  	(drf) =	srem.u32 s0, s19;
	s16 =	spop (drf)  }
0x1bb: {  	(drf) =	srem.u32 s24, s2;
	s2 =	spop (v2sf)  }
0x1bc: {  	[smem:$0x7C2] =	sst s3;
	s17 =	spop (drf)  }
0x1bd: {  	(drf) =	srem.u32 s5, s1;
	s24 =	spop (v2sf)  }
0x1be: {  	(drf) =	srem.u32 s2, s3;
	s18 =	spop (drf)  }
0x1bf: {  	s2 =	sld [smem:$0x76A];
	s19 =	spop (drf)  }
0x1c0: {  	(drf) =	srem.u32 s24, s14;
	s20 =	spop (drf)  }
0x1c1: {  	s24 =	sld [smem:$0x76B];
	s3 =	spop (v2sf)  }
0x1c2: {  	v19 =	vmov s4;
	s4 =	smov.u32 s13;
	(drf) =	srem.u32 s3, s13;
	s13 =	sld [smem:$0x76C]  }
0x1c3: {  	v20 =	vmov s17;
	s17 =	sld [smem:$0x76D];
	v19 =	vsel vm2, s2, v19;
	s0 =	spop (drf)  }
0x1c4: {  	v19 =	vsel vm3, s24, v19;
	s3 =	spop (v2sf)  }
0x1c5: {  	v20 =	vsel vm2, s16, v20;
	(drf) =	srem.u32 s3, s12;
	s16 =	spop (v2sf);
	v19 =	vsel vm4, s13, v19  }
0x1c6: {  	v20 =	vsel vm3, s18, v20;
	(drf) =	srem.u32 s16, s10;
	s24 =	spop (v2sf);
	v19 =	vsel vm5, s17, v19  }
0x1c7: {  	v20 =	vsel vm4, s19, v20;
	(drf) =	srem.u32 s24, s9;
	s2 =	spop (v2sf);
	v19 =	vsel vm6, s7, v19  }
0x1c8: {  	v20 =	vsel vm5, s20, v20;
	(drf) =	srem.u32 s2, s11;
	s3 =	spop (v2sf);
	v19 =	vsel vm7, s6, v19  }
0x1c9: {  	v20 =	vsel vm6, s0, v20;
	s6 =	spop (drf);
	(drf) =	srem.u32 s3, s8;
	v19 =	vsel vm8, s21, v19  }
0x1ca: {  	v20 =	vsel vm7, s6, v20;
	s7 =	spop (drf);
	v19 =	vsel vm9, s22, v19  }
0x1cb: {  	s19 =	sld [smem:$0x76E];
	v20 =	vsel vm8, s7, v20;
	s16 =	spop (drf);
	v19 =	vsel vm15, s29, v19  }
0x1cc: {  	vm0 =	vcmask $0x2B28;
	s21 =	sld [smem:$0x76F];
	v20 =	vsel vm9, s16, v20;
	s17 =	spop (drf);
	v19 =	vsel vm1, s30, v19  }
0x1cd: {  	s24 =	sld [smem:$0x770];
	v20 =	vsel vm15, s17, v20;
	s18 =	spop (drf);
	v19 =	vsel vm0, s31, v19  }
0x1ce: {  	v20 =	vsel vm1, s18, v20;
	s20 =	spop (drf);
	v19 =	vsel vm11, s19, v19  }
0x1cf: {  	v20 =	vsel vm0, s20, v20;
	s22 =	spop (drf);
	v19 =	vsel vm12, s21, v19  }
0x1d0: {  	v20 =	vsel vm11, s22, v20;
	s29 =	spop (drf);
	v19 =	vsel vm13, s24, v19  }
0x1d1: {  	v20 =	vsel vm12, s29, v20;
	s30 =	spop (drf);
	v19 =	vsel vm14, s15, v19  }
0x1d2: {  	v20 =	vsel vm13, s30, v20;
	s31 =	spop (drf);
	v19 =	vmul.u32 v13, v19  }
0x1d3: {  	v20 =	vsel vm14, s31, v20  }
0x1d4: {  	v19 =	vadd.s32 v20, v19  }
0x1d5: {  	(v2sf) =	vpush v19, $0x0  }
0x1d6: {  	(v2sf) =	vpush v19, $0xF  }
0x1d7: {  	(v2sf) =	vpush v19, $0x1  }
0x1d8: {  	(v2sf) =	vpush v19, $0x2  }
0x1d9: {  	(v2sf) =	vpush v19, $0x3  }
0x1da: {  	(v2sf) =	vpush v19, $0x4  }
0x1db: {  	(v2sf) =	vpush v19, $0x5  }
0x1dc: {  	(v2sf) =	vpush v19, $0x6  }
0x1dd: {  	(v2sf) =	vpush v19, $0x7  }
0x1de: {  	(v2sf) =	vpush v19, $0x8;
	_ =	sdelay $0x1  }
0x1df: {  	[smem:$0x7D6] =	sst s23;
	(v2sf) =	vpush v19, $0x9  }
0x1e0: {  	[smem:$0x7D8] =	sst s28  }
0x1e1: {  	s17 =	rddreg [dreg:$0x1e]  }
0x1e2: {  	s19 =	sld [smem:$0x7D7]  }
0x1e3: {  	s5 =	smov.u32 s1;
	s15 =	sld [smem:$0x7FD];
	s1 =	spop (v2sf)  }
0x1e4: {  	(drf) =	srem.u32 s1, s23;
	s2 =	spop (v2sf)  }
0x1e5: {  	s20 =	sld [smem:$0x7DB];
	s3 =	spop (v2sf)  }
0x1e6: {  	(drf) =	srem.u32 s2, s19;
	s6 =	spop (v2sf)  }
0x1e7: {  	(v2sf) =	vpush v19, $0xA;
	s2 =	sshra.s32 s15, $0x2;
	(drf) =	srem.u32 s3, s28;
	s7 =	spop (v2sf)  }
0x1e8: {  	s1 =	sadd.s32 s2, s17;
	(drf) =	srem.u32 s6, s25;
	s16 =	spop (v2sf)  }
0x1e9: {  	(v2sf) =	vpush v19, $0xB;
	v20 =	vld [tilespmem:s1+$0xFFFFFFD0];
	(drf) =	srem.u32 s7, s26;
	s18 =	spop (v2sf)  }
0x1ea: {  	[smem:$0x7D9] =	sst s25;
	s21 =	spop (v2sf)  }
0x1eb: {  	(v2sf) =	vpush v19, $0xC;
	s7 =	sld [smem:$0x7C0];
	s15 =	spop (v2sf)  }
0x1ec: {  	(v2sf) =	vpush v19, $0xD;
	(drf) =	srem.u32 s16, s20;
	s16 =	spop (v2sf)  }
0x1ed: {  	[smem:$0x7DA] =	sst s26;
	(v2sf) =	vpush v19, $0xE;
	s22 =	spop (drf)  }
0x1ee: {  	(drf) =	srem.u32 s18, s7;
	(v2sf) =	vpush v20, $0x0;
	s17 =	spop (v2sf)  }
0x1ef: {  	[smem:$0x7D0] =	sst s1;
	(v2sf) =	vpush v20, $0xF;
	s24 =	spop (drf)  }
0x1f0: {  	(drf) =	srem.u32 s21, s5;
	(v2sf) =	vpush v20, $0x1;
	s29 =	spop (drf)  }
0x1f1: {  	[smem:$0x779] =	sst s22;
	s30 =	spop (drf)  }
0x1f2: {  	[smem:$0x778] =	sst s24;
	(v2sf) =	vpush v20, $0x2;
	s31 =	spop (drf)  }
0x1f3: {  	[smem:$0x77F] =	sst s31  }
0x1f4: {  	(v2sf) =	vpush v20, $0x3;
	s31 =	sld [smem:$0x7C2]  }
0x1f5: {  	[smem:$0x77D] =	sst s30;
	s1 =	spop (drf)  }
0x1f6: {  	(v2sf) =	vpush v20, $0x4;
	[smem:$0x781] =	sst s1;
	s18 =	spop (v2sf)  }
0x1f7: {  	s3 =	spop (drf);
	(drf) =	srem.u32 s15, s31  }
0x1f8: {  	s22 =	spop (v2sf);
	[smem:$0x783] =	sst s3  }
0x1f9: {  	(v2sf) =	vpush v20, $0x5;
	s6 =	spop (drf);
	(drf) =	srem.u32 s16, s14  }
0x1fa: {  	s24 =	spop (v2sf);
	[smem:$0x785] =	sst s6  }
0x1fb: {  	s30 =	spop (v2sf);
	(drf) =	srem.u32 s17, s4  }
0x1fc: {  	(v2sf) =	vpush v20, $0x6;
	s1 =	spop (v2sf);
	(drf) =	srem.u32 s18, s12  }
0x1fd: {  	(drf) =	srem.u32 s22, s10;
	s3 =	spop (v2sf)  }
0x1fe: {  	(drf) =	srem.u32 s24, s9;
	s6 =	spop (v2sf)  }
0x1ff: {  	s21 =	smov.u32 s14;
	(v2sf) =	vpush v20, $0x7;
	(drf) =	srem.u32 s30, s11;
	s30 =	spop (v2sf)  }
0x200: {  	s14 =	smov.u32 s8;
	(drf) =	srem.u32 s1, s8;
	s8 =	spop (drf)  }
0x201: {  	[smem:$0x77B] =	sst s29;
	(v2sf) =	vpush v20, $0x8;
	s0 =	spop (v2sf)  }
0x202: {  	s29 =	smov.u32 s9;
	(drf) =	srem.u32 s3, s23;
	s9 =	spop (drf)  }
0x203: {  	(drf) =	srem.u32 s6, s19;
	s6 =	spop (v2sf)  }
0x204: {  	s13 =	smov.u32 s10;
	(v2sf) =	vpush v20, $0x9;
	[smem:$0x787] =	sst s8;
	s10 =	spop (drf)  }
0x205: {  	[smem:$0x789] =	sst s9;
	s9 =	spop (v2sf)  }
0x206: {  	s24 =	smov.u32 s11;
	(v2sf) =	vpush v20, $0xA;
	(drf) =	srem.u32 s30, s28;
	s11 =	spop (drf)  }
0x207: {  	s8 =	sld [smem:$0x7D2];
	s15 =	spop (drf)  }
0x208: {  	[smem:$0x78B] =	sst s10;
	s10 =	spop (v2sf)  }
0x209: {  	(v2sf) =	vpush v20, $0xB;
	(drf) =	srem.u32 s0, s25;
	s16 =	spop (drf)  }
0x20a: {  	(v2sf) =	vpush v20, $0xC;
	(drf) =	srem.u32 s6, s26;
	s17 =	spop (drf)  }
0x20b: {  	[smem:$0x78D] =	sst s11;
	s11 =	spop (v2sf)  }
0x20c: {  	(v2sf) =	vpush v20, $0xD;
	s3 =	sadd.s32 s2, s8;
	(drf) =	srem.u32 s9, s20;
	s22 =	spop (drf)  }
0x20d: {  	s18 =	smov.u32 s23;
	(v2sf) =	vpush v20, $0xE;
	v19 =	vld [tilespmem:s3+$0xFFFFFFD0];
	(drf) =	srem.u32 s10, s7;
	s23 =	spop (drf)  }
0x20e: {  	[smem:$0x795] =	sst s22;
	s22 =	spop (v2sf)  }
0x20f: {  	[smem:$0x78F] =	sst s15;
	s1 =	spop (drf)  }
0x210: {  	[smem:$0x771] =	sst s23;
	s23 =	spop (v2sf)  }
0x211: {  	(drf) =	srem.u32 s11, s5;
	s11 =	spop (drf)  }
0x212: {  	[smem:$0x791] =	sst s16;
	(v2sf) =	vpush v19, $0x0;
	s10 =	spop (drf)  }
0x213: {  	[smem:$0x793] =	sst s17;
	s17 =	smov.u32 s25;
	(v2sf) =	vpush v19, $0xF;
	s25 =	spop (v2sf)  }
0x214: {  	s30 =	smov.u32 s5;
	(drf) =	srem.u32 s22, s31;
	(v2sf) =	vpush v19, $0x1;
	s9 =	spop (drf)  }
0x215: {  	s15 =	smov.u32 s26;
	(drf) =	srem.u32 s23, s21;
	s26 =	spop (v2sf)  }
0x216: {  	s16 =	smov.u32 s28;
	(drf) =	srem.u32 s25, s4;
	(v2sf) =	vpush v19, $0x2;
	s5 =	spop (drf)  }
0x217: {  	s28 =	smov.u32 s7;
	(drf) =	srem.u32 s26, s12;
	(v2sf) =	vpush v19, $0x3;
	s7 =	spop (drf)  }
0x218: {  	[smem:$0x7D1] =	sst s3;
	s3 =	spop (v2sf);
	(v2sf) =	vpush v19, $0x4  }
0x219: {  	s8 =	spop (v2sf)  }
0x21a: {  	(drf) =	srem.u32 s3, s13;
	s22 =	spop (drf)  }
0x21b: {  	s0 =	smov.u32 s21;
	(drf) =	srem.u32 s8, s29;
	s21 =	spop (v2sf);
	(v2sf) =	vpush v19, $0x5  }
0x21c: {  	s8 =	smov.u32 s24;
	(drf) =	srem.u32 s21, s24;
	s24 =	spop (v2sf)  }
0x21d: {  	(v2sf) =	vpush v19, $0x6;
	s23 =	spop (drf)  }
0x21e: {  	(v2sf) =	vpush v19, $0x7;
	s25 =	spop (drf)  }
0x21f: {  	(v2sf) =	vpush v19, $0x8;
	s26 =	spop (drf)  }
0x220: {  	s2 =	spop (drf)  }
0x221: {  	[smem:$0x772] =	sst s2;
	s2 =	spop (v2sf)  }
0x222: {  	s3 =	smov.u32 s14;
	(drf) =	srem.u32 s24, s14;
	s14 =	spop (v2sf)  }
0x223: {  	(drf) =	srem.u32 s2, s18;
	s18 =	spop (v2sf)  }
0x224: {  	(drf) =	srem.u32 s14, s19;
	s14 =	spop (drf)  }
0x225: {  	s19 =	spop (v2sf)  }
0x226: {  	(v2sf) =	vpush v19, $0x9;
	(drf) =	srem.u32 s18, s16;
	s21 =	spop (v2sf)  }
0x227: {  	(v2sf) =	vpush v19, $0xA;
	(drf) =	srem.u32 s19, s17;
	s24 =	spop (v2sf)  }
0x228: {  	(v2sf) =	vpush v19, $0xB;
	(drf) =	srem.u32 s21, s15;
	s15 =	spop (drf)  }
0x229: {  	(v2sf) =	vpush v19, $0xC;
	s2 =	spop (drf)  }
0x22a: {  	(v2sf) =	vpush v19, $0xD;
	(drf) =	srem.u32 s24, s20;
	s24 =	spop (v2sf)  }
0x22b: {  	s6 =	smov.u32 s12;
	(v2sf) =	vpush v19, $0xE;
	s12 =	spop (drf)  }
0x22c: {  	(drf) =	srem.u32 s24, s28;
	s24 =	spop (v2sf)  }
0x22d: {  	(drf) =	srem.u32 s24, s30;
	s24 =	spop (v2sf)  }
0x22e: {  	v19 =	vmov s1;
	s1 =	spop (v2sf)  }
0x22f: {  	s16 =	spop (drf)  }
0x230: {  	s17 =	spop (drf)  }
0x231: {  	(drf) =	srem.u32 s24, s31;
	s18 =	spop (drf)  }
0x232: {  	s24 =	smov.u32 s31;
	s31 =	sld [smem:$0x771];
	s19 =	spop (drf)  }
0x233: {  	s20 =	spop (drf)  }
0x234: {  	s21 =	spop (drf)  }
0x235: {  	(drf) =	srem.u32 s1, s0;
	v19 =	vsel vm2, s31, v19;
	s1 =	spop (v2sf)  }
0x236: {  	v20 =	vmov s17;
	v19 =	vsel vm3, s11, v19;
	(drf) =	srem.u32 s1, s4;
	s17 =	spop (v2sf)  }
0x237: {  	v20 =	vsel vm2, s16, v20;
	v19 =	vsel vm4, s10, v19;
	(drf) =	srem.u32 s17, s6;
	s1 =	spop (v2sf)  }
0x238: {  	s11 =	smov.u32 s4;
	v20 =	vsel vm3, s18, v20;
	v19 =	vsel vm5, s9, v19;
	(drf) =	srem.u32 s1, s13;
	s4 =	spop (v2sf)  }
0x239: {  	s16 =	smov.u32 s6;
	v20 =	vsel vm4, s19, v20;
	v19 =	vsel vm6, s5, v19;
	(drf) =	srem.u32 s4, s29;
	s6 =	spop (v2sf)  }
0x23a: {  	v20 =	vsel vm5, s20, v20;
	v19 =	vsel vm7, s7, v19;
	(drf) =	srem.u32 s6, s8;
	s9 =	spop (v2sf)  }
0x23b: {  	s10 =	spop (drf);
	v20 =	vsel vm6, s21, v20;
	v19 =	vsel vm8, s22, v19;
	(drf) =	srem.u32 s9, s3  }
0x23c: {  	s20 =	sld [smem:$0x772];
	s17 =	spop (drf);
	v20 =	vsel vm7, s10, v20;
	v19 =	vsel vm9, s23, v19  }
0x23d: {  	s18 =	spop (drf);
	v20 =	vsel vm8, s17, v20;
	v19 =	vsel vm15, s25, v19  }
0x23e: {  	s19 =	spop (drf);
	v20 =	vsel vm9, s18, v20;
	v19 =	vsel vm1, s26, v19  }
0x23f: {  	v20 =	vsel vm15, s19, v20;
	v19 =	vsel vm0, s20, v19;
	s22 =	spop (drf)  }
0x240: {  	v19 =	vsel vm11, s14, v19;
	v20 =	vsel vm1, s22, v20;
	s23 =	spop (drf)  }
0x241: {  	v19 =	vsel vm12, s15, v19;
	v20 =	vsel vm0, s23, v20;
	s25 =	spop (drf)  }
0x242: {  	v19 =	vsel vm13, s2, v19;
	v20 =	vsel vm11, s25, v20;
	s26 =	spop (drf)  }
0x243: {  	v19 =	vsel vm14, s12, v19;
	v20 =	vsel vm12, s26, v20;
	s1 =	spop (drf)  }
0x244: {  	v19 =	vmul.u32 v13, v19;
	v20 =	vsel vm13, s1, v20;
	s2 =	spop (drf)  }
0x245: {  	v20 =	vsel vm14, s2, v20  }
0x246: {  	v19 =	vadd.s32 v20, v19  }
0x247: {  	(v2sf) =	vpush v19, $0x0  }
0x248: {  	(v2sf) =	vpush v19, $0xF  }
0x249: {  	(v2sf) =	vpush v19, $0x1  }
0x24a: {  	(v2sf) =	vpush v19, $0x2  }
0x24b: {  	(v2sf) =	vpush v19, $0x3  }
0x24c: {  	(v2sf) =	vpush v19, $0x4;
	_ =	sdelay $0x1  }
0x24d: {  	(v2sf) =	vpush v19, $0x5;
	_ =	sdelay $0x1  }
0x24e: {  	s6 =	sld [smem:$0x7D8];
	(v2sf) =	vpush v19, $0x6  }
0x24f: {  	s14 =	sld [smem:$0x7D0];
	(v2sf) =	vpush v19, $0x7  }
0x250: {  	s22 =	sld [smem:$0x7D6]  }
0x251: {  	s12 =	sld [smem:$0x7DB];
	(v2sf) =	vpush v19, $0x8  }
0x252: {  	s23 =	sld [smem:$0x7D7]  }
0x253: {  	s25 =	sld [smem:$0x7D9]  }
0x254: {  	s21 =	smov.u32 s3;
	s26 =	sld [smem:$0x7DA];
	s3 =	spop (v2sf)  }
0x255: {  	(drf) =	srem.u32 s3, s22;
	s4 =	spop (v2sf)  }
0x256: {  	(drf) =	srem.u32 s4, s23;
	s5 =	spop (v2sf)  }
0x257: {  	(v2sf) =	vpush v19, $0x9;
	(drf) =	srem.u32 s5, s6;
	s7 =	spop (v2sf)  }
0x258: {  	(drf) =	srem.u32 s7, s25;
	s9 =	spop (v2sf)  }
0x259: {  	(v2sf) =	vpush v19, $0xA;
	(drf) =	srem.u32 s9, s26;
	s10 =	spop (v2sf)  }
0x25a: {  	(drf) =	srem.u32 s10, s12  }
0x25b: {  	s31 =	smov.u32 s0;
	v20 =	vld [tilespmem:s14+$0xFFFFFFE0];
	s0 =	spop (v2sf)  }
0x25c: {  	(v2sf) =	vpush v19, $0xB  }
0x25d: {  	s15 =	spop (v2sf);
	(v2sf) =	vpush v19, $0xC  }
0x25e: {  	(drf) =	srem.u32 s0, s28;
	s3 =	spop (v2sf);
	(v2sf) =	vpush v19, $0xD  }
0x25f: {  	s17 =	spop (drf);
	(v2sf) =	vpush v19, $0xE  }
0x260: {  	(drf) =	srem.u32 s15, s30;
	s7 =	spop (v2sf);
	(v2sf) =	vpush v20, $0x0  }
0x261: {  	(drf) =	srem.u32 s3, s24;
	s18 =	spop (drf);
	(v2sf) =	vpush v20, $0xF  }
0x262: {  	s19 =	spop (drf)  }
0x263: {  	s20 =	spop (drf);
	(v2sf) =	vpush v20, $0x1  }
0x264: {  	s5 =	smov.u32 s28;
	[smem:$0x77C] =	sst s17;
	s28 =	spop (drf)  }
0x265: {  	s4 =	smov.u32 s30;
	(drf) =	srem.u32 s7, s31;
	s30 =	spop (drf);
	(v2sf) =	vpush v20, $0x2  }
0x266: {  	[smem:$0x77A] =	sst s18;
	s9 =	spop (v2sf)  }
0x267: {  	[smem:$0x77E] =	sst s19;
	s1 =	spop (drf)  }
0x268: {  	[smem:$0x780] =	sst s20;
	s10 =	spop (v2sf)  }
0x269: {  	[smem:$0x782] =	sst s28;
	s2 =	spop (drf)  }
0x26a: {  	(drf) =	srem.u32 s9, s11;
	s20 =	spop (drf)  }
0x26b: {  	s3 =	smov.u32 s11;
	[smem:$0x786] =	sst s1;
	s11 =	spop (v2sf)  }
0x26c: {  	(drf) =	srem.u32 s10, s16;
	s14 =	spop (v2sf)  }
0x26d: {  	(drf) =	srem.u32 s11, s13;
	s15 =	spop (v2sf)  }
0x26e: {  	s19 =	smov.u32 s16;
	(drf) =	srem.u32 s14, s29;
	(v2sf) =	vpush v20, $0x3;
	s16 =	spop (v2sf)  }
0x26f: {  	(drf) =	srem.u32 s15, s8;
	s17 =	spop (v2sf)  }
0x270: {  	s1 =	smov.u32 s24;
	(v2sf) =	vpush v20, $0x4;
	(drf) =	srem.u32 s16, s21;
	s18 =	spop (v2sf)  }
0x271: {  	s24 =	smov.u32 s22;
	(v2sf) =	vpush v20, $0x5;
	(drf) =	srem.u32 s17, s22;
	s22 =	spop (drf)  }
0x272: {  	s14 =	smov.u32 s8;
	(v2sf) =	vpush v20, $0x6;
	(drf) =	srem.u32 s18, s23;
	s15 =	spop (v2sf)  }
0x273: {  	s8 =	smov.u32 s23;
	(v2sf) =	vpush v20, $0x7;
	s23 =	spop (drf);
	(drf) =	srem.u32 s15, s6  }
0x274: {  	[smem:$0x784] =	sst s30;
	(v2sf) =	vpush v20, $0x8;
	s16 =	spop (v2sf)  }
0x275: {  	s28 =	spop (drf);
	(v2sf) =	vpush v20, $0x9;
	(drf) =	srem.u32 s16, s25  }
0x276: {  	s30 =	smov.u32 s29;
	[smem:$0x788] =	sst s2;
	(v2sf) =	vpush v20, $0xA;
	s29 =	spop (drf)  }
0x277: {  	[smem:$0x78A] =	sst s20;
	(v2sf) =	vpush v20, $0xB;
	s2 =	spop (drf)  }
0x278: {  	s20 =	sld [smem:$0x7D1];
	(v2sf) =	vpush v20, $0xC;
	s9 =	spop (drf)  }
0x279: {  	[smem:$0x78C] =	sst s22;
	s10 =	spop (drf)  }
0x27a: {  	[smem:$0x78E] =	sst s23;
	s11 =	spop (drf)  }
0x27b: {  	s7 =	smov.u32 s13;
	[smem:$0x792] =	sst s29;
	s13 =	spop (drf)  }
0x27c: {  	[smem:$0x773] =	sst s13;
	s13 =	spop (drf)  }
0x27d: {  	[smem:$0x794] =	sst s2;
	s17 =	spop (v2sf)  }
0x27e: {  	v19 =	vld [tilespmem:s20+$0xFFFFFFE0];
	[smem:$0x797] =	sst s10;
	s15 =	spop (drf)  }
0x27f: {  	(v2sf) =	vpush v20, $0xD;
	(drf) =	srem.u32 s17, s26;
	s18 =	spop (v2sf)  }
0x280: {  	(drf) =	srem.u32 s18, s12;
	s22 =	spop (v2sf)  }
0x281: {  	(v2sf) =	vpush v20, $0xE;
	(drf) =	srem.u32 s22, s5;
	s23 =	spop (v2sf)  }
0x282: {  	(drf) =	srem.u32 s23, s4;
	s29 =	spop (v2sf)  }
0x283: {  	s10 =	smov.u32 s1;
	(v2sf) =	vpush v19, $0x0;
	(drf) =	srem.u32 s29, s1;
	s1 =	spop (v2sf)  }
0x284: {  	(v2sf) =	vpush v19, $0xF;
	(drf) =	srem.u32 s1, s31;
	s2 =	spop (v2sf)  }
0x285: {  	s16 =	smov.u32 s3;
	(v2sf) =	vpush v19, $0x1;
	(drf) =	srem.u32 s2, s3;
	s3 =	spop (v2sf)  }
0x286: {  	[smem:$0x796] =	sst s9;
	s9 =	smov.u32 s31;
	(v2sf) =	vpush v19, $0x2;
	s31 =	spop (v2sf)  }
0x287: {  	(v2sf) =	vpush v19, $0x3;
	s1 =	spop (v2sf)  }
0x288: {  	(v2sf) =	vpush v19, $0x4;
	(drf) =	srem.u32 s3, s19;
	s17 =	spop (drf)  }
0x289: {  	s18 =	spop (drf)  }
0x28a: {  	s20 =	spop (drf)  }
0x28b: {  	[smem:$0x790] =	sst s28;
	(v2sf) =	vpush v19, $0x5;
	s22 =	spop (drf)  }
0x28c: {  	s28 =	smov.u32 s6;
	[smem:$0x774] =	sst s11;
	(v2sf) =	vpush v19, $0x6;
	s29 =	spop (drf)  }
0x28d: {  	s11 =	smov.u32 s4;
	(drf) =	srem.u32 s31, s7;
	s4 =	spop (drf)  }
0x28e: {  	s6 =	smov.u32 s12;
	(drf) =	srem.u32 s1, s30;
	s2 =	spop (v2sf)  }
0x28f: {  	s12 =	smov.u32 s5;
	[smem:$0x775] =	sst s4;
	s5 =	spop (drf)  }
0x290: {  	(drf) =	srem.u32 s2, s14;
	s3 =	spop (v2sf)  }
0x291: {  	[smem:$0x776] =	sst s5;
	s23 =	spop (drf)  }
0x292: {  	(drf) =	srem.u32 s3, s21;
	s4 =	spop (v2sf)  }
0x293: {  	(v2sf) =	vpush v19, $0x7;
	(drf) =	srem.u32 s4, s24;
	s5 =	spop (v2sf)  }
0x294: {  	s31 =	smov.u32 s14;
	(drf) =	srem.u32 s5, s8;
	s8 =	spop (v2sf)  }
0x295: {  	(v2sf) =	vpush v19, $0x8;
	[smem:$0x777] =	sst s23;
	s23 =	smov.u32 s30;
	s14 =	spop (v2sf)  }
0x296: {  	(v2sf) =	vpush v19, $0x9;
	s30 =	smov.u32 s21;
	(drf) =	srem.u32 s8, s28;
	s21 =	spop (v2sf)  }
0x297: {  	(drf) =	srem.u32 s14, s25;
	s24 =	spop (v2sf)  }
0x298: {  	(v2sf) =	vpush v19, $0xA;
	(drf) =	srem.u32 s21, s26;
	s21 =	spop (drf)  }
0x299: {  	(v2sf) =	vpush v19, $0xB;
	(drf) =	srem.u32 s24, s6;
	s24 =	spop (drf)  }
0x29a: {  	(v2sf) =	vpush v19, $0xC;
	s25 =	spop (v2sf)  }
0x29b: {  	s28 =	sld [smem:$0x773];
	(v2sf) =	vpush v19, $0xD;
	s26 =	spop (v2sf)  }
0x29c: {  	(v2sf) =	vpush v19, $0xE;
	s6 =	spop (drf)  }
0x29d: {  	s8 =	spop (drf)  }
0x29e: {  	v19 =	vmov s28;
	s28 =	sld [smem:$0x774];
	s1 =	spop (drf)  }
0x29f: {  	s0 =	spop (drf)  }
0x2a0: {  	s2 =	spop (drf)  }
0x2a1: {  	(drf) =	srem.u32 s25, s12;
	v19 =	vsel vm2, s28, v19;
	s3 =	spop (drf)  }
0x2a2: {  	(drf) =	srem.u32 s26, s11;
	v19 =	vsel vm3, s13, v19;
	s14 =	spop (v2sf)  }
0x2a3: {  	v19 =	vsel vm4, s15, v19;
	s15 =	sld [smem:$0x776];
	s4 =	spop (drf)  }
0x2a4: {  	(drf) =	srem.u32 s14, s10;
	s14 =	spop (v2sf)  }
0x2a5: {  	s26 =	smov.u32 s11;
	(drf) =	srem.u32 s14, s9;
	s11 =	spop (v2sf)  }
0x2a6: {  	s5 =	spop (drf);
	(drf) =	srem.u32 s11, s16  }
0x2a7: {  	v20 =	vmov s0;
	s14 =	spop (v2sf);
	s11 =	sld [smem:$0x775]  }
0x2a8: {  	v20 =	vsel vm2, s1, v20;
	(drf) =	srem.u32 s14, s19;
	s28 =	spop (v2sf)  }
0x2a9: {  	v19 =	vsel vm5, s17, v19;
	v20 =	vsel vm3, s2, v20;
	(drf) =	srem.u32 s28, s7;
	s1 =	spop (v2sf)  }
0x2aa: {  	v19 =	vsel vm6, s18, v19;
	v20 =	vsel vm4, s3, v20;
	(drf) =	srem.u32 s1, s23;
	s2 =	spop (v2sf)  }
0x2ab: {  	v19 =	vsel vm7, s20, v19;
	v20 =	vsel vm5, s4, v20;
	(drf) =	srem.u32 s2, s31;
	s3 =	spop (v2sf)  }
0x2ac: {  	v19 =	vsel vm8, s22, v19;
	s4 =	spop (drf);
	v20 =	vsel vm6, s5, v20;
	(drf) =	srem.u32 s3, s30  }
0x2ad: {  	s18 =	sld [smem:$0x777];
	v19 =	vsel vm9, s29, v19;
	s5 =	spop (drf);
	v20 =	vsel vm7, s4, v20  }
0x2ae: {  	v19 =	vsel vm15, s11, v19;
	v20 =	vsel vm8, s5, v20;
	s14 =	spop (drf)  }
0x2af: {  	v19 =	vsel vm1, s15, v19;
	v20 =	vsel vm9, s14, v20;
	s17 =	spop (drf)  }
0x2b0: {  	v19 =	vsel vm0, s18, v19;
	v20 =	vsel vm15, s17, v20;
	s20 =	spop (drf)  }
0x2b1: {  	v19 =	vsel vm11, s21, v19;
	v20 =	vsel vm1, s20, v20;
	s22 =	spop (drf)  }
0x2b2: {  	v19 =	vsel vm12, s24, v19;
	v20 =	vsel vm0, s22, v20;
	s28 =	spop (drf)  }
0x2b3: {  	v19 =	vsel vm13, s6, v19;
	v20 =	vsel vm11, s28, v20;
	s29 =	spop (drf)  }
0x2b4: {  	v19 =	vsel vm14, s8, v19;
	v20 =	vsel vm12, s29, v20;
	s1 =	spop (drf)  }
0x2b5: {  	v19 =	vmul.u32 v13, v19;
	v20 =	vsel vm13, s1, v20;
	s2 =	spop (drf)  }
0x2b6: {  	v20 =	vsel vm14, s2, v20  }
0x2b7: {  	v21 =	vadd.s32 v20, v19  }
0x2b8: {  	s4 =	sld [smem:$0x778];
	(v2sf) =	vpush v21, $0x0  }
0x2b9: {  	s5 =	sld [smem:$0x779]  }
0x2ba: {  	s11 =	sld [smem:$0x77B]  }
0x2bb: {  	s18 =	sld [smem:$0x77E]  }
0x2bc: {  	s21 =	sld [smem:$0x77F]  }
0x2bd: {  	s24 =	sld [smem:$0x780]  }
0x2be: {  	s6 =	sld [smem:$0x77A]  }
0x2bf: {  	s14 =	sld [smem:$0x77C];
	(v2sf) =	vpush v21, $0xF  }
0x2c0: {  	s17 =	sld [smem:$0x77D];
	(v2sf) =	vpush v21, $0x1  }
0x2c1: {  	s22 =	sld [smem:$0x7D6];
	(v2sf) =	vpush v21, $0x2  }
0x2c2: {  	s29 =	sld [smem:$0x781]  }
0x2c3: {  	s2 =	sld [smem:$0x782];
	(v2sf) =	vpush v21, $0x3  }
0x2c4: {  	v19 =	vmov s4;
	v20 =	vmov s6;
	s4 =	sld [smem:$0x783];
	(v2sf) =	vpush v21, $0x4  }
0x2c5: {  	v20 =	vsel vm2, s14, v20;
	s14 =	sld [smem:$0x7D7];
	(v2sf) =	vpush v21, $0x5  }
0x2c6: {  	v19 =	vsel vm2, s5, v19;
	s5 =	sld [smem:$0x784]  }
0x2c7: {  	v20 =	vsel vm3, s18, v20;
	s18 =	sld [smem:$0x7D8];
	(v2sf) =	vpush v21, $0x6;
	s3 =	spop (v2sf)  }
0x2c8: {  	v19 =	vsel vm3, s11, v19;
	s11 =	sld [smem:$0x785];
	(v2sf) =	vpush v21, $0x7;
	(drf) =	srem.u32 s3, s22  }
0x2c9: {  	v19 =	vsel vm4, s17, v19;
	s17 =	sld [smem:$0x7D9]  }
0x2ca: {  	v20 =	vsel vm4, s24, v20;
	s24 =	sld [smem:$0x788];
	(v2sf) =	vpush v21, $0x8  }
0x2cb: {  	v19 =	vsel vm5, s21, v19;
	s21 =	sld [smem:$0x787];
	(v2sf) =	vpush v21, $0x9  }
0x2cc: {  	v20 =	vsel vm5, s2, v20;
	s2 =	sld [smem:$0x789];
	v19 =	vsel vm6, s29, v19  }
0x2cd: {  	v20 =	vsel vm6, s5, v20;
	s5 =	sld [smem:$0x78B];
	v19 =	vsel vm7, s4, v19  }
0x2ce: {  	v19 =	vsel vm8, s11, v19;
	s11 =	sld [smem:$0x78C];
	s15 =	spop (v2sf)  }
0x2cf: {  	(drf) =	srem.u32 s15, s14;
	s20 =	spop (v2sf)  }
0x2d0: {  	s15 =	sld [smem:$0x786];
	s28 =	spop (v2sf)  }
0x2d1: {  	(drf) =	srem.u32 s20, s18;
	s8 =	spop (drf)  }
0x2d2: {  	s3 =	spop (v2sf);
	[smem:$0x79E] =	sst s8  }
0x2d3: {  	s6 =	spop (v2sf);
	s8 =	sld [smem:$0x7DA]  }
0x2d4: {  	v20 =	vsel vm7, s15, v20;
	s15 =	sld [smem:$0x7DB];
	s20 =	spop (v2sf)  }
0x2d5: {  	v20 =	vsel vm8, s24, v20;
	s24 =	sld [smem:$0x78E];
	(drf) =	srem.u32 s28, s17  }
0x2d6: {  	s28 =	spop (v2sf);
	(drf) =	srem.u32 s3, s8  }
0x2d7: {  	s25 =	smov.u32 s12;
	s4 =	spop (v2sf);
	(drf) =	srem.u32 s6, s15  }
0x2d8: {  	s3 =	sld [smem:$0x78A];
	(drf) =	srem.u32 s20, s25  }
0x2d9: {  	s20 =	spop (v2sf);
	(drf) =	srem.u32 s28, s26  }
0x2da: {  	v19 =	vsel vm9, s21, v19;
	s25 =	spop (v2sf);
	(drf) =	srem.u32 s4, s10  }
0x2db: {  	v19 =	vsel vm15, s2, v19;
	v20 =	vsel vm9, s3, v20;
	s28 =	sld [smem:$0x790];
	(drf) =	srem.u32 s20, s9  }
0x2dc: {  	v19 =	vsel vm1, s5, v19;
	s5 =	smov.u32 s16;
	(v2sf) =	vpush v21, $0xA;
	v20 =	vsel vm15, s11, v20;
	(drf) =	srem.u32 s25, s16;
	s16 =	sld [smem:$0x792]  }
0x2dd: {  	(v2sf) =	vpush v21, $0xB;
	v20 =	vsel vm1, s24, v20;
	s24 =	sld [smem:$0x794]  }
0x2de: {  	(v2sf) =	vpush v21, $0xC;
	v20 =	vsel vm0, s28, v20;
	s28 =	sld [smem:$0x796]  }
0x2df: {  	v20 =	vsel vm11, s16, v20  }
0x2e0: {  	s21 =	sld [smem:$0x78D];
	v20 =	vsel vm12, s24, v20  }
0x2e1: {  	(v2sf) =	vpush v21, $0xD;
	v20 =	vsel vm13, s28, v20;
	s28 =	sld [smem:$0x7D0];
	_ =	sdelay $0x1  }
0x2e2: {  	v19 =	vsel vm0, s21, v19;
	s21 =	sld [smem:$0x793];
	s2 =	spop (drf);
	(v2sf) =	vpush v21, $0xE  }
0x2e3: {  	[smem:$0x79D] =	sst s2;
	v32 =	vld [tilespmem:s28+$0xFFFFFFF0]  }
0x2e4: {  	s2 =	sld [smem:$0x797]  }
0x2e5: {  	s6 =	smov.u32 s26;
	s26 =	sld [smem:$0x78F]  }
0x2e6: {  	s11 =	sld [smem:$0x791];
	s20 =	spop (drf)  }
0x2e7: {  	[smem:$0x7A0] =	sst s20;
	s25 =	spop (drf)  }
0x2e8: {  	v19 =	vsel vm11, s26, v19;
	s26 =	sld [smem:$0x795];
	s1 =	spop (drf);
	(v2sf) =	vpush v32, $0x0  }
0x2e9: {  	v19 =	vsel vm12, s11, v19;
	[smem:$0x7A4] =	sst s1;
	s11 =	spop (drf);
	(v2sf) =	vpush v32, $0xF  }
0x2ea: {  	s1 =	spop (v2sf);
	[smem:$0x7A6] =	sst s11  }
0x2eb: {  	(drf) =	srem.u32 s1, s19;
	v22 =	vsel vm14, s2, v20;
	s2 =	spop (v2sf)  }
0x2ec: {  	s13 =	smov.u32 s23;
	(drf) =	srem.u32 s2, s7;
	s11 =	spop (v2sf)  }
0x2ed: {  	s16 =	spop (drf);
	(drf) =	srem.u32 s11, s13;
	(v2sf) =	vpush v32, $0x1  }
0x2ee: {  	[smem:$0x7A2] =	sst s25;
	s20 =	spop (drf);
	(v2sf) =	vpush v32, $0x2  }
0x2ef: {  	s23 =	smov.u32 s31;
	[smem:$0x7A8] =	sst s16;
	s16 =	spop (v2sf);
	(v2sf) =	vpush v32, $0x3  }
0x2f0: {  	v19 =	vsel vm13, s21, v19;
	s21 =	spop (drf);
	(drf) =	srem.u32 s16, s23;
	(v2sf) =	vpush v32, $0x4  }
0x2f1: {  	[smem:$0x7AA] =	sst s20;
	s20 =	spop (v2sf);
	(v2sf) =	vpush v32, $0x5  }
0x2f2: {  	v19 =	vsel vm14, s26, v19;
	s25 =	spop (drf);
	(drf) =	srem.u32 s20, s30;
	(v2sf) =	vpush v32, $0x6  }
0x2f3: {  	s26 =	spop (drf);
	(v2sf) =	vpush v32, $0x7  }
0x2f4: {  	s31 =	smov.u32 s30;
	s30 =	spop (drf);
	(v2sf) =	vpush v32, $0x8  }
0x2f5: {  	s1 =	spop (drf)  }
0x2f6: {  	s24 =	simm.s32 $0xC080;
	[smem:$0x7AC] =	sst s21;
	s2 =	spop (drf)  }
0x2f7: {  	v20 =	vld.idx.msk [tilespmem:v19+s24+$0x0], $0xffff;
	[smem:$0x7AF] =	sst s25;
	s21 =	spop (v2sf);
	(v2sf) =	vpush v32, $0x9  }
0x2f8: {  	[smem:$0x7B2] =	sst s26;
	v19 =	vld.idx.msk [tilespmem:v22+s24+$0x0], $0xffff;
	s24 =	spop (v2sf);
	(v2sf) =	vpush v32, $0xA  }
0x2f9: {  	s26 =	smov.u32 s7;
	[smem:$0x7B4] =	sst s30;
	s7 =	spop (drf)  }
0x2fa: {  	[smem:$0x7BA] =	sst s7;
	(drf) =	srem.u32 s21, s22  }
0x2fb: {  	s11 =	spop (drf);
	(drf) =	srem.u32 s24, s14;
	(v2sf) =	vpush v32, $0xB  }
0x2fc: {  	s16 =	spop (v2sf);
	s24 =	sld [smem:$0x7D1]  }
0x2fd: {  	(drf) =	srem.u32 s16, s18;
	s20 =	spop (v2sf);
	(v2sf) =	vpush v32, $0xC  }
0x2fe: {  	s25 =	smov.u32 s13;
	(drf) =	srem.u32 s20, s17;
	s21 =	spop (v2sf)  }
0x2ff: {  	s13 =	smov.u32 s22;
	(drf) =	srem.u32 s21, s8;
	s22 =	spop (v2sf)  }
0x300: {  	(drf) =	srem.u32 s22, s15;
	s30 =	spop (v2sf)  }
0x301: {  	(drf) =	srem.u32 s30, s12;
	s7 =	spop (v2sf)  }
0x302: {  	s16 =	smov.u32 s8;
	v33 =	vld [tilespmem:s24+$0xFFFFFFF0];
	(drf) =	srem.u32 s7, s6;
	s8 =	spop (v2sf)  }
0x303: {  	s3 =	smov.u32 s10;
	(drf) =	srem.u32 s8, s10;
	s10 =	spop (v2sf)  }
0x304: {  	s0 =	spop (drf)  }
0x305: {  	[smem:$0x7B6] =	sst s1;
	(v2sf) =	vpush v32, $0xD;
	s1 =	spop (drf)  }
0x306: {  	[smem:$0x7BC] =	sst s11;
	(v2sf) =	vpush v32, $0xE;
	s11 =	spop (v2sf)  }
0x307: {  	s29 =	smov.u32 s12;
	(drf) =	srem.u32 s10, s9;
	(v2sf) =	vpush v33, $0x0;
	s12 =	spop (v2sf)  }
0x308: {  	(v2sf) =	vpush v33, $0xF;
	(drf) =	srem.u32 s11, s5;
	s11 =	spop (drf)  }
0x309: {  	(v2sf) =	vpush v33, $0x1;
	s10 =	spop (drf)  }
0x30a: {  	(drf) =	srem.u32 s12, s19;
	s24 =	spop (v2sf)  }
0x30b: {  	s4 =	smov.u32 s9;
	(v2sf) =	vpush v33, $0x2;
	s9 =	spop (drf)  }
0x30c: {  	s28 =	smov.u32 s19;
	(v2sf) =	vpush v33, $0x3;
	s19 =	spop (v2sf)  }
0x30d: {  	(v2sf) =	vpush v33, $0x4;
	s8 =	spop (drf)  }
0x30e: {  	s7 =	spop (drf)  }
0x30f: {  	[smem:$0x7B8] =	sst s2;
	(v2sf) =	vpush v33, $0x5;
	s2 =	spop (drf)  }
0x310: {  	(drf) =	srem.u32 s24, s26;
	(v2sf) =	vpush v33, $0x6;
	s22 =	spop (drf)  }
0x311: {  	s30 =	spop (drf)  }
0x312: {  	(drf) =	srem.u32 s19, s25;
	s20 =	spop (drf)  }
0x313: {  	[smem:$0x798] =	sst s20;
	s21 =	spop (drf)  }
0x314: {  	s20 =	spop (v2sf);
	[smem:$0x799] =	sst s21  }
0x315: {  	(drf) =	srem.u32 s20, s23;
	s21 =	spop (v2sf)  }
0x316: {  	(drf) =	srem.u32 s21, s31;
	s24 =	spop (v2sf)  }
0x317: {  	(v2sf) =	vpush v33, $0x7;
	(drf) =	srem.u32 s24, s13;
	s13 =	spop (v2sf)  }
0x318: {  	s19 =	spop (v2sf)  }
0x319: {  	(v2sf) =	vpush v33, $0x8;
	(drf) =	srem.u32 s13, s14;
	s14 =	spop (drf)  }
0x31a: {  	(drf) =	srem.u32 s19, s18;
	s20 =	spop (v2sf)  }
0x31b: {  	(v2sf) =	vpush v33, $0x9;
	(drf) =	srem.u32 s20, s17;
	s21 =	spop (v2sf)  }
0x31c: {  	(v2sf) =	vpush v33, $0xA;
	(drf) =	srem.u32 s21, s16;
	s24 =	spop (v2sf)  }
0x31d: {  	(v2sf) =	vpush v33, $0xB;
	(drf) =	srem.u32 s24, s15;
	s15 =	spop (drf)  }
0x31e: {  	(v2sf) =	vpush v33, $0xC;
	s24 =	spop (v2sf)  }
0x31f: {  	(v2sf) =	vpush v33, $0xD;
	(drf) =	srem.u32 s24, s29;
	s29 =	spop (v2sf)  }
0x320: {  	(v2sf) =	vpush v33, $0xE;
	s13 =	spop (drf)  }
0x321: {  	s12 =	spop (drf)  }
0x322: {  	s16 =	spop (drf)  }
0x323: {  	s17 =	spop (drf)  }
0x324: {  	v34 =	vmov s1;
	s18 =	spop (drf)  }
0x325: {  	v21 =	vsel vm2, s0, v34;
	s19 =	spop (drf)  }
0x326: {  	v21 =	vsel vm3, s11, v21;
	(drf) =	srem.u32 s29, s6;
	s29 =	spop (v2sf)  }
0x327: {  	[smem:$0x79A] =	sst s6;
	v21 =	vsel vm4, s10, v21;
	s20 =	spop (drf)  }
0x328: {  	v21 =	vsel vm5, s9, v21;
	(drf) =	srem.u32 s29, s3;
	s29 =	smov.u32 s3;
	s3 =	spop (v2sf)  }
0x329: {  	v21 =	vsel vm6, s8, v21;
	s8 =	sld [smem:$0x798];
	s21 =	spop (drf)  }
0x32a: {  	(drf) =	srem.u32 s3, s4;
	s6 =	spop (v2sf)  }
0x32b: {  	v35 =	vmov s17;
	(drf) =	srem.u32 s6, s5;
	s11 =	spop (v2sf)  }
0x32c: {  	v22 =	vsel vm2, s16, v35;
	(drf) =	srem.u32 s11, s28;
	s17 =	spop (v2sf)  }
0x32d: {  	v22 =	vsel vm3, s18, v22;
	(drf) =	srem.u32 s17, s26;
	s18 =	spop (v2sf)  }
0x32e: {  	v22 =	vsel vm4, s19, v22;
	(drf) =	srem.u32 s18, s25;
	s24 =	spop (v2sf)  }
0x32f: {  	v21 =	vsel vm7, s7, v21;
	v22 =	vsel vm5, s20, v22;
	(drf) =	srem.u32 s24, s23;
	s1 =	spop (v2sf)  }
0x330: {  	v21 =	vsel vm8, s2, v21;
	s3 =	spop (drf);
	v22 =	vsel vm6, s21, v22;
	(drf) =	srem.u32 s1, s31  }
0x331: {  	v21 =	vsel vm9, s22, v21;
	s6 =	spop (drf);
	s11 =	sld [smem:$0x799];
	v22 =	vsel vm7, s3, v22  }
0x332: {  	v21 =	vsel vm15, s30, v21;
	v22 =	vsel vm8, s6, v22;
	s7 =	spop (drf)  }
0x333: {  	v21 =	vsel vm1, s8, v21;
	v22 =	vsel vm9, s7, v22;
	s9 =	spop (drf)  }
0x334: {  	v21 =	vsel vm0, s11, v21;
	v22 =	vsel vm15, s9, v22;
	s18 =	spop (drf)  }
0x335: {  	v21 =	vsel vm11, s14, v21;
	v22 =	vsel vm1, s18, v22;
	s19 =	spop (drf)  }
0x336: {  	v21 =	vsel vm12, s15, v21;
	v22 =	vsel vm0, s19, v22;
	s20 =	spop (drf)  }
0x337: {  	v21 =	vsel vm13, s13, v21;
	v22 =	vsel vm11, s20, v22;
	s21 =	spop (drf)  }
0x338: {  	v21 =	vsel vm14, s12, v21;
	v22 =	vsel vm12, s21, v22;
	s22 =	spop (drf)  }
0x339: {  	v21 =	vmul.u32 v13, v21;
	v22 =	vsel vm13, s22, v22;
	s24 =	spop (drf)  }
0x33a: {  	v22 =	vsel vm14, s24, v22  }
0x33b: {  	v21 =	vadd.s32 v22, v21  }
0x33c: {  	(v2sf) =	vpush v21, $0x0  }
0x33d: {  	(v2sf) =	vpush v21, $0xF;
	_ =	sdelay $0x1  }
0x33e: {  	(v2sf) =	vpush v21, $0x1  }
0x33f: {  	(v2sf) =	vpush v21, $0x2  }
0x340: {  	(v2sf) =	vpush v21, $0x3;
	_ =	sdelay $0x1  }
0x341: {  	(v2sf) =	vpush v21, $0x4  }
0x342: {  	(v2sf) =	vpush v21, $0x5  }
0x343: {  	(v2sf) =	vpush v21, $0x6;
	_ =	sdelay $0x2  }
0x344: {  	s8 =	sld [smem:$0x7D0]  }
0x345: {  	s14 =	sld [smem:$0x7D6]  }
0x346: {  	s15 =	sld [smem:$0x7D7]  }
0x347: {  	s24 =	sld [smem:$0x7D8];
	(v2sf) =	vpush v21, $0x7;
	s30 =	spop (v2sf)  }
0x348: {  	s1 =	smov.u32 s31;
	(drf) =	srem.u32 s30, s14;
	s31 =	spop (v2sf)  }
0x349: {  	s21 =	sld [smem:$0x7D9];
	(v2sf) =	vpush v21, $0x8;
	(drf) =	srem.u32 s31, s15  }
0x34a: {  	s20 =	sld [smem:$0x7DA];
	s2 =	spop (v2sf)  }
0x34b: {  	(v2sf) =	vpush v21, $0x9;
	(drf) =	srem.u32 s2, s24;
	s3 =	spop (v2sf)  }
0x34c: {  	(drf) =	srem.u32 s3, s21;
	s6 =	spop (v2sf)  }
0x34d: {  	s19 =	sld [smem:$0x7DB];
	(v2sf) =	vpush v21, $0xA;
	(drf) =	srem.u32 s6, s20  }
0x34e: {  	v36 =	vld [tilespmem:s8+$0x0];
	s7 =	spop (v2sf);
	s6 =	sld [smem:$0x7C0]  }
0x34f: {  	(v2sf) =	vpush v21, $0xB;
	s3 =	sld [smem:$0x79A];
	s9 =	spop (v2sf)  }
0x350: {  	(v2sf) =	vpush v21, $0xC;
	(drf) =	srem.u32 s7, s19;
	s11 =	spop (v2sf)  }
0x351: {  	(v2sf) =	vpush v21, $0xD;
	(drf) =	srem.u32 s9, s6;
	s12 =	spop (drf)  }
0x352: {  	(v2sf) =	vpush v21, $0xE;
	[smem:$0x7A1] =	sst s12;
	s13 =	spop (drf)  }
0x353: {  	(v2sf) =	vpush v36, $0x0;
	(drf) =	srem.u32 s11, s3;
	[smem:$0x79F] =	sst s13  }
0x354: {  	(v2sf) =	vpush v36, $0xF  }
0x355: {  	s18 =	spop (drf)  }
0x356: {  	s8 =	spop (v2sf)  }
0x357: {  	s22 =	spop (drf)  }
0x358: {  	s9 =	spop (v2sf)  }
0x359: {  	[smem:$0x7A3] =	sst s18;
	s30 =	spop (drf)  }
0x35a: {  	(drf) =	srem.u32 s8, s29;
	s11 =	spop (v2sf)  }
0x35b: {  	[smem:$0x7A5] =	sst s22;
	s31 =	spop (drf)  }
0x35c: {  	(drf) =	srem.u32 s9, s4;
	s12 =	spop (v2sf)  }
0x35d: {  	s10 =	smov.u32 s28;
	(drf) =	srem.u32 s11, s5;
	s2 =	spop (drf)  }
0x35e: {  	(v2sf) =	vpush v36, $0x1;
	(drf) =	srem.u32 s12, s10;
	s13 =	spop (v2sf)  }
0x35f: {  	s7 =	spop (drf);
	(drf) =	srem.u32 s13, s26  }
0x360: {  	(v2sf) =	vpush v36, $0x2;
	s18 =	spop (v2sf);
	[smem:$0x7AD] =	sst s7  }
0x361: {  	(v2sf) =	vpush v36, $0x3;
	(drf) =	srem.u32 s18, s25;
	s22 =	spop (v2sf)  }
0x362: {  	s17 =	smov.u32 s25;
	(v2sf) =	vpush v36, $0x4;
	(drf) =	srem.u32 s22, s23;
	s25 =	spop (v2sf)  }
0x363: {  	s7 =	smov.u32 s28;
	(v2sf) =	vpush v36, $0x5;
	(drf) =	srem.u32 s25, s1;
	s28 =	spop (v2sf)  }
0x364: {  	[smem:$0x7AB] =	sst s2;
	(v2sf) =	vpush v36, $0x6;
	s2 =	spop (drf)  }
0x365: {  	(v2sf) =	vpush v36, $0x7;
	(drf) =	srem.u32 s28, s14;
	s8 =	spop (drf)  }
0x366: {  	s9 =	spop (drf)  }
0x367: {  	(v2sf) =	vpush v36, $0x8;
	[smem:$0x7B3] =	sst s8;
	s11 =	spop (drf)  }
0x368: {  	s13 =	smov.u32 s1;
	(v2sf) =	vpush v36, $0x9;
	[smem:$0x7B5] =	sst s9;
	s1 =	spop (v2sf)  }
0x369: {  	(v2sf) =	vpush v36, $0xA;
	[smem:$0x7B7] =	sst s11;
	s12 =	spop (drf)  }
0x36a: {  	s11 =	sld [smem:$0x7D1];
	s18 =	spop (drf)  }
0x36b: {  	(drf) =	srem.u32 s1, s15;
	s22 =	spop (drf)  }
0x36c: {  	s16 =	smov.u32 s23;
	[smem:$0x7B9] =	sst s12;
	s23 =	spop (drf)  }
0x36d: {  	[smem:$0x7BB] =	sst s18;
	s28 =	spop (v2sf)  }
0x36e: {  	[smem:$0x7BD] =	sst s22;
	s25 =	spop (drf)  }
0x36f: {  	[smem:$0x7BE] =	sst s23;
	s0 =	spop (v2sf)  }
0x370: {  	(v2sf) =	vpush v36, $0xB;
	(drf) =	srem.u32 s28, s24;
	s8 =	spop (v2sf)  }
0x371: {  	(drf) =	srem.u32 s0, s21;
	s9 =	spop (v2sf)  }
0x372: {  	(drf) =	srem.u32 s8, s20;
	s12 =	spop (v2sf)  }
0x373: {  	v37 =	vld [tilespmem:s11+$0x0];
	(drf) =	srem.u32 s9, s19;
	s18 =	spop (v2sf)  }
0x374: {  	(drf) =	srem.u32 s12, s6;
	s22 =	spop (v2sf)  }
0x375: {  	(v2sf) =	vpush v36, $0xC;
	(drf) =	srem.u32 s18, s3;
	s1 =	spop (drf)  }
0x376: {  	[smem:$0x79B] =	sst s25;
	(v2sf) =	vpush v36, $0xD;
	s23 =	spop (v2sf)  }
0x377: {  	(v2sf) =	vpush v36, $0xE;
	(drf) =	srem.u32 s22, s29;
	s25 =	spop (v2sf)  }
0x378: {  	(v2sf) =	vpush v37, $0x0;
	(drf) =	srem.u32 s23, s4;
	s28 =	spop (v2sf)  }
0x379: {  	(v2sf) =	vpush v37, $0xF;
	(drf) =	srem.u32 s25, s5;
	s11 =	spop (drf)  }
0x37a: {  	(v2sf) =	vpush v37, $0x1;
	(drf) =	srem.u32 s28, s10;
	s10 =	spop (drf)  }
0x37b: {  	s9 =	spop (drf)  }
0x37c: {  	(v2sf) =	vpush v37, $0x2;
	s8 =	spop (drf)  }
0x37d: {  	[smem:$0x7A7] =	sst s30;
	s30 =	smov.u32 s4;
	(v2sf) =	vpush v37, $0x3;
	s4 =	spop (drf)  }
0x37e: {  	[smem:$0x7A9] =	sst s31;
	s31 =	smov.u32 s5;
	(v2sf) =	vpush v37, $0x4;
	s5 =	spop (drf)  }
0x37f: {  	s0 =	smov.u32 s29;
	s29 =	spop (v2sf)  }
0x380: {  	(v2sf) =	vpush v37, $0x5;
	s23 =	spop (drf)  }
0x381: {  	(drf) =	srem.u32 s29, s26;
	s25 =	spop (drf)  }
0x382: {  	s28 =	spop (drf)  }
0x383: {  	[smem:$0x7B0] =	sst s2;
	s2 =	spop (drf)  }
0x384: {  	[smem:$0x79C] =	sst s2;
	s2 =	spop (v2sf)  }
0x385: {  	(drf) =	srem.u32 s2, s17;
	s18 =	spop (v2sf)  }
0x386: {  	(v2sf) =	vpush v37, $0x6;
	(drf) =	srem.u32 s18, s16;
	s2 =	spop (v2sf)  }
0x387: {  	(drf) =	srem.u32 s2, s13;
	s2 =	smov.u32 s13;
	s13 =	spop (v2sf)  }
0x388: {  	s29 =	smov.u32 s16;
	(v2sf) =	vpush v37, $0x7;
	s16 =	spop (v2sf)  }
0x389: {  	s22 =	smov.u32 s17;
	(drf) =	srem.u32 s13, s14;
	s17 =	spop (v2sf)  }
0x38a: {  	(v2sf) =	vpush v37, $0x8;
	(drf) =	srem.u32 s16, s15;
	s14 =	spop (drf)  }
0x38b: {  	(drf) =	srem.u32 s17, s24;
	s18 =	spop (v2sf)  }
0x38c: {  	(v2sf) =	vpush v37, $0x9;
	(drf) =	srem.u32 s18, s21;
	s21 =	spop (v2sf)  }
0x38d: {  	(v2sf) =	vpush v37, $0xA;
	s24 =	spop (v2sf)  }
0x38e: {  	(v2sf) =	vpush v37, $0xB;
	(drf) =	srem.u32 s21, s20;
	s15 =	spop (drf)  }
0x38f: {  	(v2sf) =	vpush v37, $0xC;
	(drf) =	srem.u32 s24, s19;
	s24 =	spop (v2sf)  }
0x390: {  	(v2sf) =	vpush v37, $0xD;
	s13 =	spop (drf)  }
0x391: {  	(v2sf) =	vpush v37, $0xE;
	s12 =	spop (drf)  }
0x392: {  	s16 =	spop (drf)  }
0x393: {  	s17 =	spop (drf)  }
0x394: {  	s18 =	spop (drf)  }
0x395: {  	(drf) =	srem.u32 s24, s6;
	s6 =	spop (v2sf)  }
0x396: {  	s19 =	spop (drf)  }
0x397: {  	(drf) =	srem.u32 s6, s3;
	s6 =	spop (v2sf)  }
0x398: {  	s24 =	sld [smem:$0x79B];
	s20 =	spop (drf)  }
0x399: {  	(drf) =	srem.u32 s6, s0;
	s6 =	spop (v2sf)  }
0x39a: {  	v38 =	vmov s1;
	s21 =	spop (drf)  }
0x39b: {  	v21 =	vsel vm2, s24, v38;
	(drf) =	srem.u32 s6, s30;
	s6 =	spop (v2sf)  }
0x39c: {  	v21 =	vsel vm3, s11, v21;
	v39 =	vmov s17;
	(drf) =	srem.u32 s6, s31;
	s11 =	spop (v2sf)  }
0x39d: {  	v21 =	vsel vm4, s10, v21;
	v22 =	vsel vm2, s16, v39;
	(drf) =	srem.u32 s11, s7;
	s16 =	spop (v2sf)  }
0x39e: {  	v21 =	vsel vm5, s9, v21;
	v22 =	vsel vm3, s18, v22;
	(drf) =	srem.u32 s16, s26;
	s18 =	spop (v2sf)  }
0x39f: {  	v21 =	vsel vm6, s8, v21;
	v22 =	vsel vm4, s19, v22;
	s16 =	smov.u32 s26;
	(drf) =	srem.u32 s18, s22;
	s26 =	spop (v2sf)  }
0x3a0: {  	s9 =	smov.u32 s29;
	v21 =	vsel vm7, s4, v21;
	v22 =	vsel vm5, s20, v22;
	(drf) =	srem.u32 s26, s29;
	s29 =	spop (v2sf)  }
0x3a1: {  	s17 =	smov.u32 s31;
	v21 =	vsel vm8, s5, v21;
	v22 =	vsel vm6, s21, v22;
	s31 =	spop (drf);
	(drf) =	srem.u32 s29, s2  }
0x3a2: {  	s6 =	sld [smem:$0x79C];
	v21 =	vsel vm9, s23, v21;
	v22 =	vsel vm7, s31, v22;
	s1 =	spop (drf)  }
0x3a3: {  	v21 =	vsel vm15, s25, v21;
	v22 =	vsel vm8, s1, v22;
	s4 =	spop (drf)  }
0x3a4: {  	v21 =	vsel vm1, s28, v21;
	v22 =	vsel vm9, s4, v22;
	s5 =	spop (drf)  }
0x3a5: {  	s24 =	smov.u32 s30;
	s30 =	smov.u32 s7;
	v21 =	vsel vm0, s6, v21;
	v22 =	vsel vm15, s5, v22;
	s7 =	spop (drf)  }
0x3a6: {  	v21 =	vsel vm11, s14, v21;
	v22 =	vsel vm1, s7, v22;
	s8 =	spop (drf)  }
0x3a7: {  	v21 =	vsel vm12, s15, v21;
	v22 =	vsel vm0, s8, v22;
	s10 =	spop (drf)  }
0x3a8: {  	v21 =	vsel vm13, s13, v21;
	v22 =	vsel vm11, s10, v22;
	s11 =	spop (drf)  }
0x3a9: {  	v21 =	vsel vm14, s12, v21;
	v22 =	vsel vm12, s11, v22;
	s13 =	spop (drf)  }
0x3aa: {  	v21 =	vmul.u32 v13, v21;
	v22 =	vsel vm13, s13, v22;
	s14 =	spop (drf)  }
0x3ab: {  	v22 =	vsel vm14, s14, v22  }
0x3ac: {  	v21 =	vadd.s32 v22, v21  }
0x3ad: {  	(v2sf) =	vpush v21, $0x0  }
0x3ae: {  	(v2sf) =	vpush v21, $0xF  }
0x3af: {  	(v2sf) =	vpush v21, $0x1  }
0x3b0: {  	(v2sf) =	vpush v21, $0x2  }
0x3b1: {  	(v2sf) =	vpush v21, $0x3  }
0x3b2: {  	(v2sf) =	vpush v21, $0x4  }
0x3b3: {  	(v2sf) =	vpush v21, $0x5  }
0x3b4: {  	(v2sf) =	vpush v21, $0x6  }
0x3b5: {  	(v2sf) =	vpush v21, $0x7  }
0x3b6: {  	s31 =	sld [smem:$0x7D8];
	(v2sf) =	vpush v21, $0x8  }
0x3b7: {  	s25 =	sld [smem:$0x7DB]  }
0x3b8: {  	s28 =	sld [smem:$0x7DA];
	(v2sf) =	vpush v21, $0x9  }
0x3b9: {  	s26 =	sld [smem:$0x7D0]  }
0x3ba: {  	s5 =	sld [smem:$0x7D6]  }
0x3bb: {  	s29 =	sld [smem:$0x7D9]  }
0x3bc: {  	s7 =	sld [smem:$0x7D7];
	s15 =	spop (v2sf)  }
0x3bd: {  	(drf) =	srem.u32 s15, s5;
	s18 =	spop (v2sf)  }
0x3be: {  	v40 =	vld [tilespmem:s26+$0x10];
	s26 =	sld [smem:$0x7C0];
	s19 =	spop (v2sf)  }
0x3bf: {  	(v2sf) =	vpush v21, $0xA;
	(drf) =	srem.u32 s18, s7;
	s20 =	spop (v2sf)  }
0x3c0: {  	(drf) =	srem.u32 s19, s31;
	s21 =	spop (v2sf)  }
0x3c1: {  	(v2sf) =	vpush v21, $0xB;
	(drf) =	srem.u32 s20, s29;
	s23 =	spop (v2sf)  }
0x3c2: {  	(v2sf) =	vpush v21, $0xC;
	(drf) =	srem.u32 s21, s28;
	s1 =	spop (v2sf)  }
0x3c3: {  	(drf) =	srem.u32 s23, s25;
	s4 =	spop (v2sf)  }
0x3c4: {  	(v2sf) =	vpush v21, $0xD;
	(drf) =	srem.u32 s1, s26;
	s13 =	spop (v2sf)  }
0x3c5: {  	s19 =	sld [smem:$0x7C2];
	(v2sf) =	vpush v21, $0xE;
	s15 =	spop (v2sf)  }
0x3c6: {  	s18 =	smov.u32 s3;
	(drf) =	srem.u32 s4, s3;
	s3 =	spop (drf)  }
0x3c7: {  	(v2sf) =	vpush v40, $0x0;
	s21 =	spop (v2sf)  }
0x3c8: {  	s0 =	spop (drf)  }
0x3c9: {  	(v2sf) =	vpush v40, $0xF;
	(drf) =	srem.u32 s13, s19;
	s8 =	spop (drf)  }
0x3ca: {  	(v2sf) =	vpush v40, $0x1;
	s10 =	spop (drf)  }
0x3cb: {  	s11 =	spop (drf)  }
0x3cc: {  	(drf) =	srem.u32 s15, s24;
	(v2sf) =	vpush v40, $0x2;
	s14 =	spop (drf)  }
0x3cd: {  	[smem:$0x7C4] =	sst s17;
	s6 =	spop (drf)  }
0x3ce: {  	s20 =	smov.u32 s24;
	(drf) =	srem.u32 s21, s17;
	(v2sf) =	vpush v40, $0x3;
	s24 =	spop (v2sf)  }
0x3cf: {  	[smem:$0x7C5] =	sst s30;
	s23 =	smov.u32 s17;
	s12 =	spop (drf)  }
0x3d0: {  	s17 =	smov.u32 s30;
	(v2sf) =	vpush v40, $0x4;
	(drf) =	srem.u32 s24, s30;
	s30 =	spop (v2sf)  }
0x3d1: {  	[smem:$0x7AE] =	sst s6;
	s4 =	spop (v2sf)  }
0x3d2: {  	(drf) =	srem.u32 s30, s16;
	s1 =	spop (drf)  }
0x3d3: {  	s24 =	smov.u32 s16;
	(drf) =	srem.u32 s4, s22;
	s6 =	spop (v2sf)  }
0x3d4: {  	s16 =	smov.u32 s9;
	(drf) =	srem.u32 s6, s9;
	s9 =	spop (v2sf)  }
0x3d5: {  	(v2sf) =	vpush v40, $0x5;
	s6 =	spop (drf)  }
0x3d6: {  	[smem:$0x7B1] =	sst s12;
	s12 =	spop (v2sf)  }
0x3d7: {  	v23 =	vmov s0;
	(v2sf) =	vpush v40, $0x6;
	(drf) =	srem.u32 s9, s2;
	s9 =	spop (drf)  }
0x3d8: {  	v23 =	vsel vm2, s3, v23;
	s3 =	sld [smem:$0x7B9];
	(v2sf) =	vpush v40, $0x7;
	s13 =	spop (v2sf)  }
0x3d9: {  	(v2sf) =	vpush v40, $0x8;
	(drf) =	srem.u32 s12, s5;
	s4 =	spop (v2sf)  }
0x3da: {  	(v2sf) =	vpush v40, $0x9;
	(drf) =	srem.u32 s13, s7;
	s12 =	spop (drf)  }
0x3db: {  	(v2sf) =	vpush v40, $0xA;
	(drf) =	srem.u32 s4, s31;
	s4 =	spop (v2sf)  }
0x3dc: {  	v23 =	vsel vm3, s8, v23;
	s8 =	sld [smem:$0x7A6];
	s13 =	spop (drf)  }
0x3dd: {  	(drf) =	srem.u32 s4, s29;
	s4 =	spop (v2sf)  }
0x3de: {  	v23 =	vsel vm4, s10, v23;
	s10 =	sld [smem:$0x7AA];
	s21 =	spop (drf)  }
0x3df: {  	(drf) =	srem.u32 s4, s28;
	s4 =	spop (v2sf)  }
0x3e0: {  	s30 =	spop (drf);
	(drf) =	srem.u32 s4, s25  }
0x3e1: {  	s4 =	smov.u32 s25;
	s25 =	sld [smem:$0x7D1];
	s15 =	spop (drf)  }
0x3e2: {  	[smem:$0x7BF] =	sst s15;
	s15 =	spop (drf)  }
0x3e3: {  	[smem:$0x7C3] =	sst s15;
	s15 =	spop (drf)  }
0x3e4: {  	v23 =	vsel vm5, s11, v23;
	s11 =	sld [smem:$0x7AB];
	v24 =	vld [tilespmem:s25+$0x10];
	s25 =	spop (v2sf)  }
0x3e5: {  	[smem:$0x7C1] =	sst s15;
	(drf) =	srem.u32 s25, s26  }
0x3e6: {  	s26 =	spop (v2sf);
	s15 =	sld [smem:$0x79F]  }
0x3e7: {  	(drf) =	srem.u32 s26, s18;
	s25 =	spop (v2sf)  }
0x3e8: {  	(drf) =	srem.u32 s25, s19;
	s26 =	spop (v2sf)  }
0x3e9: {  	(drf) =	srem.u32 s26, s20;
	s19 =	spop (v2sf)  }
0x3ea: {  	(drf) =	srem.u32 s19, s23;
	s25 =	spop (v2sf)  }
0x3eb: {  	(drf) =	srem.u32 s25, s17;
	s17 =	spop (drf)  }
0x3ec: {  	v23 =	vsel vm6, s14, v23;
	s14 =	sld [smem:$0x7AF];
	s19 =	spop (drf)  }
0x3ed: {  	v42 =	vmov s15;
	s15 =	sld [smem:$0x7A1];
	s26 =	spop (drf)  }
0x3ee: {  	(v2sf) =	vpush v40, $0xB;
	[smem:$0x7C6] =	sst s26;
	s23 =	spop (drf)  }
0x3ef: {  	[smem:$0x7C7] =	sst s23  }
0x3f0: {  	(v2sf) =	vpush v40, $0xC;
	s25 =	spop (drf);
	s23 =	sld [smem:$0x79D]  }
0x3f1: {  	(v2sf) =	vpush v40, $0xD;
	[smem:$0x7C8] =	sst s25;
	s26 =	spop (drf)  }
0x3f2: {  	[smem:$0x7C9] =	sst s26  }
0x3f3: {  	s25 =	spop (drf);
	s26 =	sld [smem:$0x79E]  }
0x3f4: {  	(v2sf) =	vpush v40, $0xE;
	[smem:$0x7CA] =	sst s25;
	s25 =	spop (drf)  }
0x3f5: {  	[smem:$0x7CB] =	sst s25  }
0x3f6: {  	(v2sf) =	vpush v24, $0x0;
	v41 =	vmov s23;
	s25 =	sld [smem:$0x7A2]  }
0x3f7: {  	s23 =	spop (drf);
	v21 =	vsel vm2, s26, v41;
	s26 =	sld [smem:$0x7A0]  }
0x3f8: {  	[smem:$0x7CC] =	sst s23  }
0x3f9: {  	s23 =	sld [smem:$0x7A4]  }
0x3fa: {  	(v2sf) =	vpush v24, $0xF;
	v21 =	vsel vm3, s26, v21;
	s26 =	sld [smem:$0x7A3]  }
0x3fb: {  	v22 =	vsel vm2, s15, v42;
	s15 =	spop (drf);
	v21 =	vsel vm4, s25, v21;
	s25 =	sld [smem:$0x7A5]  }
0x3fc: {  	(v2sf) =	vpush v24, $0x1;
	[smem:$0x7CD] =	sst s15  }
0x3fd: {  	s15 =	sld [smem:$0x7A7];
	v22 =	vsel vm3, s26, v22;
	s26 =	spop (v2sf)  }
0x3fe: {  	(v2sf) =	vpush v24, $0x2;
	v22 =	vsel vm4, s25, v22;
	(drf) =	srem.u32 s26, s24;
	s25 =	sld [smem:$0x7A8]  }
0x3ff: {  	v21 =	vsel vm5, s23, v21;
	s23 =	spop (v2sf);
	s26 =	sld [smem:$0x7A9]  }
0x400: {  	v21 =	vsel vm6, s8, v21;
	(drf) =	srem.u32 s23, s22;
	s8 =	spop (v2sf)  }
0x401: {  	(v2sf) =	vpush v24, $0x3;
	(drf) =	srem.u32 s8, s16;
	s8 =	sld [smem:$0x7AE]  }
0x402: {  	(v2sf) =	vpush v24, $0x4;
	v22 =	vsel vm5, s15, v22;
	v21 =	vsel vm7, s25, v21;
	s25 =	sld [smem:$0x7AC]  }
0x403: {  	s15 =	spop (v2sf);
	v22 =	vsel vm6, s26, v22;
	s26 =	sld [smem:$0x7AD]  }
0x404: {  	(drf) =	srem.u32 s15, s2;
	s15 =	sld [smem:$0x7B0]  }
0x405: {  	s23 =	smov.u32 s2;
	s2 =	sld [smem:$0x7B2];
	v21 =	vsel vm8, s10, v21;
	s10 =	spop (v2sf)  }
0x406: {  	(v2sf) =	vpush v24, $0x5;
	v22 =	vsel vm7, s11, v22;
	s11 =	smov.u32 s5;
	(drf) =	srem.u32 s10, s5;
	s5 =	sld [smem:$0x7B3]  }
0x407: {  	v23 =	vsel vm7, s8, v23;
	s8 =	sld [smem:$0x7B4]  }
0x408: {  	(v2sf) =	vpush v24, $0x6;
	s10 =	sld [smem:$0x7B5]  }
0x409: {  	v21 =	vsel vm9, s25, v21;
	v22 =	vsel vm8, s26, v22;
	s25 =	sld [smem:$0x7B1];
	s26 =	spop (v2sf)  }
0x40a: {  	(v2sf) =	vpush v24, $0x7;
	v21 =	vsel vm15, s14, v21;
	(drf) =	srem.u32 s26, s7;
	s26 =	sld [smem:$0x7B7]  }
0x40b: {  	s14 =	smov.u32 s7;
	s7 =	spop (v2sf);
	v21 =	vsel vm1, s2, v21;
	s2 =	sld [smem:$0x7B8]  }
0x40c: {  	(v2sf) =	vpush v24, $0x8;
	(drf) =	srem.u32 s7, s31;
	s7 =	sld [smem:$0x7BB]  }
0x40d: {  	(v2sf) =	vpush v24, $0x9;
	v22 =	vsel vm9, s15, v22;
	s15 =	spop (v2sf);
	v23 =	vsel vm8, s25, v23;
	s25 =	sld [smem:$0x7B6]  }
0x40e: {  	v22 =	vsel vm15, s5, v22;
	v21 =	vsel vm0, s8, v21;
	(drf) =	srem.u32 s15, s29;
	s8 =	sld [smem:$0x7BC];
	v23 =	vsel vm9, s1, v23  }
0x40f: {  	(v2sf) =	vpush v24, $0xA;
	v22 =	vsel vm1, s10, v22;
	s0 =	spop (drf);
	v23 =	vsel vm15, s6, v23;
	s6 =	sld [smem:$0x7BA]  }
0x410: {  	v22 =	vsel vm0, s26, v22;
	s26 =	smov.u32 s29;
	s29 =	spop (v2sf);
	v21 =	vsel vm11, s25, v21;
	v23 =	vsel vm1, s9, v23;
	s9 =	sld [smem:$0x7BD]  }
0x411: {  	s10 =	sld [smem:$0x7BE];
	v22 =	vsel vm11, s3, v22;
	s5 =	spop (v2sf);
	v21 =	vsel vm12, s2, v21;
	v23 =	vsel vm0, s12, v23  }
0x412: {  	v22 =	vsel vm12, s7, v22;
	s2 =	spop (drf);
	s12 =	sld [smem:$0x7BF];
	v21 =	vsel vm13, s6, v21;
	v23 =	vsel vm11, s13, v23  }
0x413: {  	(drf) =	srem.u32 s29, s28;
	s3 =	spop (drf);
	v21 =	vsel vm14, s8, v21;
	v22 =	vsel vm13, s9, v22;
	v23 =	vsel vm12, s21, v23  }
0x414: {  	(drf) =	srem.u32 s5, s4;
	s1 =	spop (drf);
	v22 =	vsel vm14, s10, v22;
	v23 =	vsel vm13, s30, v23  }
0x415: {  	(v2sf) =	vpush v24, $0xB;
	s21 =	spop (v2sf);
	v25 =	vsel vm14, s12, v23  }
0x416: {  	(v2sf) =	vpush v24, $0xC;
	s15 =	smov.u32 s4;
	s4 =	spop (drf)  }
0x417: {  	(v2sf) =	vpush v24, $0xD;
	s13 =	simm.s32 $0xC080;
	s25 =	spop (v2sf)  }
0x418: {  	s5 =	spop (drf);
	v43 =	vld.idx.msk [tilespmem:v21+s13+$0x0], $0xffff  }
0x419: {  	s29 =	smov.u32 s28;
	s28 =	spop (v2sf);
	v22 =	vld.idx.msk [tilespmem:v22+s13+$0x0], $0xffff  }
0x41a: {  	(v2sf) =	vpush v24, $0xE;
	s6 =	spop (drf);
	v44 =	vld.idx.msk [tilespmem:v25+s13+$0x0], $0xffff;
	s13 =	sld [smem:$0x7C0]  }
0x41b: {  	s7 =	spop (drf)  }
0x41c: {  	s30 =	sld [smem:$0x7C2];
	s8 =	spop (drf)  }
0x41d: {  	s9 =	spop (drf);
	(drf) =	srem.u32 s21, s13  }
0x41e: {  	s21 =	sld [smem:$0x7C1];
	(drf) =	srem.u32 s25, s18  }
0x41f: {  	s25 =	spop (v2sf);
	(drf) =	srem.u32 s28, s30  }
0x420: {  	(drf) =	srem.u32 s25, s20;
	s25 =	sld [smem:$0x7C4]  }
0x421: {  	s12 =	smov.u32 s20;
	s28 =	sld [smem:$0x7C3];
	s20 =	spop (v2sf)  }
0x422: {  	v45 =	vmov s21;
	s21 =	spop (v2sf)  }
0x423: {  	(drf) =	srem.u32 s20, s25;
	s20 =	sld [smem:$0x7C5]  }
0x424: {  	s10 =	sld [smem:$0x7C6];
	v24 =	vsel vm2, s28, v45;
	s28 =	spop (v2sf)  }
0x425: {  	v46 =	vmov s5;
	v24 =	vsel vm3, s17, v24;
	s17 =	spop (v2sf)  }
0x426: {  	v25 =	vsel vm2, s4, v46;
	v24 =	vsel vm4, s19, v24;
	(drf) =	srem.u32 s21, s20;
	s21 =	spop (v2sf)  }
0x427: {  	v25 =	vsel vm3, s6, v25;
	s19 =	sld [smem:$0x7C7];
	v24 =	vsel vm5, s10, v24;
	s10 =	spop (drf)  }
0x428: {  	v25 =	vsel vm4, s7, v25;
	(drf) =	srem.u32 s28, s24;
	s28 =	sld [smem:$0x7C8]  }
0x429: {  	v25 =	vsel vm5, s8, v25;
	s8 =	sld [smem:$0x7C9];
	s6 =	spop (v2sf)  }
0x42a: {  	v24 =	vsel vm6, s19, v24;
	(drf) =	srem.u32 s17, s22;
	s17 =	sld [smem:$0x7CA]  }
0x42b: {  	(drf) =	srem.u32 s21, s16;
	s21 =	sld [smem:$0x7CB];
	v24 =	vsel vm7, s28, v24  }
0x42c: {  	v25 =	vsel vm6, s9, v25;
	(drf) =	srem.u32 s6, s23;
	s6 =	sld [smem:$0x7CC];
	v24 =	vsel vm8, s8, v24  }
0x42d: {  	v25 =	vsel vm7, s10, v25;
	s19 =	spop (drf);
	s10 =	sld [smem:$0x7CD];
	v24 =	vsel vm9, s17, v24  }
0x42e: {  	v25 =	vsel vm8, s19, v25;
	s28 =	spop (drf);
	v24 =	vsel vm15, s21, v24  }
0x42f: {  	v25 =	vsel vm9, s28, v25;
	s9 =	spop (drf);
	v24 =	vsel vm1, s6, v24  }
0x430: {  	v25 =	vsel vm15, s9, v25;
	s17 =	spop (drf);
	v24 =	vsel vm0, s10, v24  }
0x431: {  	v25 =	vsel vm1, s17, v25;
	s19 =	spop (drf);
	v24 =	vsel vm11, s0, v24  }
0x432: {  	v25 =	vsel vm0, s19, v25;
	s21 =	spop (drf);
	v24 =	vsel vm12, s2, v24  }
0x433: {  	v25 =	vsel vm11, s21, v25;
	s28 =	spop (drf);
	v24 =	vsel vm13, s3, v24  }
0x434: {  	v25 =	vsel vm12, s28, v25;
	v24 =	vsel vm14, s1, v24;
	s1 =	spop (drf)  }
0x435: {  	v24 =	vmul.u32 v13, v24;
	v25 =	vsel vm13, s1, v25;
	s2 =	spop (drf)  }
0x436: {  	v25 =	vsel vm14, s2, v25  }
0x437: {  	v24 =	vadd.s32 v25, v24  }
0x438: {  	(v2sf) =	vpush v24, $0x0  }
0x439: {  	(v2sf) =	vpush v24, $0xF  }
0x43a: {  	(v2sf) =	vpush v24, $0x1  }
0x43b: {  	(v2sf) =	vpush v24, $0x2  }
0x43c: {  	(v2sf) =	vpush v24, $0x3  }
0x43d: {  	(v2sf) =	vpush v24, $0x4  }
0x43e: {  	(v2sf) =	vpush v24, $0x5  }
0x43f: {  	(v2sf) =	vpush v24, $0x6;
	_ =	sdelay $0x7  }
0x440: {  	s17 =	sld [smem:$0x7D0];
	s3 =	spop (v2sf)  }
0x441: {  	(drf) =	srem.u32 s3, s11;
	s4 =	spop (v2sf)  }
0x442: {  	(drf) =	srem.u32 s4, s14;
	s5 =	spop (v2sf)  }
0x443: {  	(drf) =	srem.u32 s5, s31;
	s6 =	spop (v2sf)  }
0x444: {  	(v2sf) =	vpush v24, $0x7;
	(drf) =	srem.u32 s6, s26;
	s9 =	spop (v2sf)  }
0x445: {  	(v2sf) =	vpush v24, $0x8;
	(drf) =	srem.u32 s9, s29;
	s10 =	spop (v2sf)  }
0x446: {  	(v2sf) =	vpush v24, $0x9;
	s6 =	smov.u32 s15;
	(drf) =	srem.u32 s10, s15;
	s15 =	spop (v2sf)  }
0x447: {  	v47 =	vld [tilespmem:s17+$0x20];
	(v2sf) =	vpush v24, $0xA;
	(drf) =	srem.u32 s15, s13;
	s19 =	spop (v2sf)  }
0x448: {  	(v2sf) =	vpush v24, $0xB;
	(drf) =	srem.u32 s19, s18  }
0x449: {  	(v2sf) =	vpush v24, $0xC  }
0x44a: {  	(v2sf) =	vpush v24, $0xD;
	s21 =	spop (drf)  }
0x44b: {  	(v2sf) =	vpush v24, $0xE;
	[smem:$0x7DD] =	sst s21;
	s1 =	spop (drf)  }
0x44c: {  	(v2sf) =	vpush v47, $0x0;
	[smem:$0x7DC] =	sst s1;
	s2 =	spop (drf)  }
0x44d: {  	(v2sf) =	vpush v47, $0xF;
	[smem:$0x7DF] =	sst s2;
	s3 =	spop (drf)  }
0x44e: {  	[smem:$0x7E1] =	sst s3;
	s4 =	spop (drf)  }
0x44f: {  	[smem:$0x7E3] =	sst s4;
	s9 =	spop (drf)  }
0x450: {  	[smem:$0x7E5] =	sst s9;
	s10 =	spop (drf)  }
0x451: {  	s5 =	smov.u32 s13;
	[smem:$0x7E7] =	sst s10;
	s13 =	spop (drf)  }
0x452: {  	[smem:$0x7EA] =	sst s13  }
0x453: {  	s0 =	spop (v2sf)  }
0x454: {  	(drf) =	srem.u32 s0, s30;
	s15 =	spop (v2sf)  }
0x455: {  	s28 =	smov.u32 s31;
	(v2sf) =	vpush v47, $0x1;
	(drf) =	srem.u32 s15, s12;
	s17 =	spop (v2sf)  }
0x456: {  	s31 =	smov.u32 s18;
	(drf) =	srem.u32 s17, s25;
	s18 =	spop (v2sf)  }
0x457: {  	(v2sf) =	vpush v47, $0x2;
	(drf) =	srem.u32 s18, s20;
	s19 =	spop (v2sf)  }
0x458: {  	s7 =	smov.u32 s22;
	(drf) =	srem.u32 s19, s24;
	s21 =	spop (v2sf)  }
0x459: {  	(v2sf) =	vpush v47, $0x3;
	(drf) =	srem.u32 s21, s7;
	s1 =	spop (v2sf)  }
0x45a: {  	(drf) =	srem.u32 s1, s16;
	s2 =	spop (v2sf)  }
0x45b: {  	(v2sf) =	vpush v47, $0x4;
	s3 =	spop (v2sf)  }
0x45c: {  	(v2sf) =	vpush v47, $0x5;
	(drf) =	srem.u32 s2, s23;
	s7 =	spop (v2sf)  }
0x45d: {  	(v2sf) =	vpush v47, $0x6;
	s9 =	spop (drf)  }
0x45e: {  	(v2sf) =	vpush v47, $0x7;
	(drf) =	srem.u32 s3, s11;
	s10 =	spop (drf)  }
0x45f: {  	s17 =	smov.u32 s11;
	(v2sf) =	vpush v47, $0x8;
	s11 =	spop (drf)  }
0x460: {  	s18 =	smov.u32 s14;
	(v2sf) =	vpush v47, $0x9;
	(drf) =	srem.u32 s7, s14;
	s14 =	spop (drf)  }
0x461: {  	(v2sf) =	vpush v47, $0xA;
	[smem:$0x7EC] =	sst s9;
	s15 =	spop (drf)  }
0x462: {  	[smem:$0x7EE] =	sst s10;
	s19 =	spop (drf)  }
0x463: {  	(v2sf) =	vpush v47, $0xB;
	s10 =	sld [smem:$0x7D1];
	s21 =	spop (drf)  }
0x464: {  	[smem:$0x7F0] =	sst s11;
	s0 =	spop (v2sf)  }
0x465: {  	s13 =	smov.u32 s22;
	[smem:$0x7F2] =	sst s14;
	s22 =	spop (drf)  }
0x466: {  	[smem:$0x7F8] =	sst s21;
	s3 =	spop (v2sf)  }
0x467: {  	s8 =	smov.u32 s23;
	(drf) =	srem.u32 s0, s28;
	s23 =	spop (drf)  }
0x468: {  	[smem:$0x7FA] =	sst s22;
	s7 =	spop (v2sf)  }
0x469: {  	(drf) =	srem.u32 s3, s26;
	s1 =	spop (drf)  }
0x46a: {  	(v2sf) =	vpush v47, $0xC;
	[smem:$0x7CE] =	sst s23;
	s9 =	spop (v2sf)  }
0x46b: {  	v48 =	vld [tilespmem:s10+$0x20];
	(drf) =	srem.u32 s7, s29;
	s11 =	spop (v2sf)  }
0x46c: {  	(v2sf) =	vpush v47, $0xD;
	(drf) =	srem.u32 s9, s6;
	s21 =	spop (v2sf)  }
0x46d: {  	(drf) =	srem.u32 s11, s5;
	s22 =	spop (v2sf)  }
0x46e: {  	(v2sf) =	vpush v47, $0xE;
	(drf) =	srem.u32 s21, s31;
	s23 =	spop (v2sf)  }
0x46f: {  	s14 =	smov.u32 s26;
	(drf) =	srem.u32 s22, s30;
	s26 =	spop (v2sf)  }
0x470: {  	[smem:$0x7F6] =	sst s19;
	s19 =	smov.u32 s28;
	(v2sf) =	vpush v48, $0x0;
	s28 =	spop (v2sf)  }
0x471: {  	(v2sf) =	vpush v48, $0xF;
	(drf) =	srem.u32 s23, s12;
	s11 =	spop (drf)  }
0x472: {  	(v2sf) =	vpush v48, $0x1;
	s3 =	spop (v2sf)  }
0x473: {  	(v2sf) =	vpush v48, $0x2;
	(drf) =	srem.u32 s26, s25;
	s10 =	spop (drf)  }
0x474: {  	[smem:$0x7F4] =	sst s15;
	s15 =	smov.u32 s29;
	(v2sf) =	vpush v48, $0x3;
	s9 =	spop (drf)  }
0x475: {  	s29 =	smov.u32 s5;
	(drf) =	srem.u32 s28, s20;
	s5 =	spop (drf)  }
0x476: {  	(v2sf) =	vpush v48, $0x4;
	s7 =	spop (drf)  }
0x477: {  	s22 =	spop (drf)  }
0x478: {  	(v2sf) =	vpush v48, $0x5;
	s23 =	spop (drf)  }
0x479: {  	s4 =	smov.u32 s20;
	s20 =	spop (v2sf)  }
0x47a: {  	s26 =	spop (drf)  }
0x47b: {  	(drf) =	srem.u32 s3, s24;
	s21 =	spop (v2sf)  }
0x47c: {  	(drf) =	srem.u32 s20, s13;
	s28 =	spop (drf)  }
0x47d: {  	s3 =	smov.u32 s24;
	(v2sf) =	vpush v48, $0x6;
	(drf) =	srem.u32 s21, s16;
	s24 =	spop (v2sf)  }
0x47e: {  	s2 =	spop (drf);
	(drf) =	srem.u32 s24, s8  }
0x47f: {  	(v2sf) =	vpush v48, $0x7;
	[smem:$0x7CF] =	sst s2;
	s2 =	spop (v2sf)  }
0x480: {  	(drf) =	srem.u32 s2, s17;
	s17 =	spop (v2sf)  }
0x481: {  	(v2sf) =	vpush v48, $0x8;
	(drf) =	srem.u32 s17, s18;
	s18 =	spop (v2sf)  }
0x482: {  	s20 =	spop (v2sf)  }
0x483: {  	(drf) =	srem.u32 s18, s19;
	s21 =	spop (v2sf)  }
0x484: {  	(v2sf) =	vpush v48, $0x9;
	(drf) =	srem.u32 s20, s14;
	s14 =	spop (drf)  }
0x485: {  	(v2sf) =	vpush v48, $0xA;
	s24 =	spop (v2sf)  }
0x486: {  	(v2sf) =	vpush v48, $0xB;
	(drf) =	srem.u32 s21, s15;
	s15 =	spop (drf)  }
0x487: {  	(v2sf) =	vpush v48, $0xC;
	(drf) =	srem.u32 s24, s6;
	s24 =	spop (v2sf)  }
0x488: {  	(v2sf) =	vpush v48, $0xD;
	s6 =	spop (drf)  }
0x489: {  	s0 =	smov.u32 s12;
	(v2sf) =	vpush v48, $0xE;
	s12 =	spop (drf)  }
0x48a: {  	s2 =	spop (drf)  }
0x48b: {  	s17 =	spop (drf)  }
0x48c: {  	(drf) =	srem.u32 s24, s29;
	s24 =	spop (v2sf)  }
0x48d: {  	s18 =	spop (drf)  }
0x48e: {  	(drf) =	srem.u32 s24, s31;
	s24 =	spop (v2sf)  }
0x48f: {  	s19 =	spop (drf);
	(drf) =	srem.u32 s24, s30  }
0x490: {  	v49 =	vmov s1;
	s24 =	smov.u32 s30;
	s1 =	spop (v2sf);
	s30 =	sld [smem:$0x7CE]  }
0x491: {  	s20 =	spop (drf)  }
0x492: {  	s21 =	spop (drf)  }
0x493: {  	(drf) =	srem.u32 s1, s0;
	s1 =	spop (v2sf);
	v24 =	vsel vm2, s30, v49  }
0x494: {  	v50 =	vmov s17;
	(drf) =	srem.u32 s1, s25;
	s1 =	spop (v2sf);
	v24 =	vsel vm3, s11, v24  }
0x495: {  	v25 =	vsel vm2, s2, v50;
	(drf) =	srem.u32 s1, s4;
	s11 =	spop (v2sf);
	v24 =	vsel vm4, s10, v24  }
0x496: {  	v25 =	vsel vm3, s18, v25;
	(drf) =	srem.u32 s11, s3;
	s17 =	spop (v2sf);
	v24 =	vsel vm5, s9, v24  }
0x497: {  	v25 =	vsel vm4, s19, v25;
	(drf) =	srem.u32 s17, s13;
	s19 =	spop (v2sf);
	v24 =	vsel vm6, s5, v24  }
0x498: {  	v25 =	vsel vm5, s20, v25;
	(drf) =	srem.u32 s19, s16;
	s20 =	spop (v2sf);
	v24 =	vsel vm7, s7, v24  }
0x499: {  	v25 =	vsel vm6, s21, v25;
	(drf) =	srem.u32 s20, s8;
	v24 =	vsel vm8, s22, v24;
	s22 =	spop (drf)  }
0x49a: {  	s5 =	sld [smem:$0x7CF];
	v24 =	vsel vm9, s23, v24;
	v25 =	vsel vm7, s22, v25;
	s23 =	spop (drf)  }
0x49b: {  	v24 =	vsel vm15, s26, v24;
	v25 =	vsel vm8, s23, v25;
	s1 =	spop (drf)  }
0x49c: {  	v24 =	vsel vm1, s28, v24;
	v25 =	vsel vm9, s1, v25;
	s2 =	spop (drf)  }
0x49d: {  	v24 =	vsel vm0, s5, v24;
	v25 =	vsel vm15, s2, v25;
	s7 =	spop (drf)  }
0x49e: {  	v24 =	vsel vm11, s14, v24;
	v25 =	vsel vm1, s7, v25;
	s9 =	spop (drf)  }
0x49f: {  	v24 =	vsel vm12, s15, v24;
	v25 =	vsel vm0, s9, v25;
	s10 =	spop (drf)  }
0x4a0: {  	v24 =	vsel vm13, s6, v24;
	v25 =	vsel vm11, s10, v25;
	s11 =	spop (drf)  }
0x4a1: {  	v24 =	vsel vm14, s12, v24;
	v25 =	vsel vm12, s11, v25;
	s12 =	spop (drf)  }
0x4a2: {  	v25 =	vsel vm13, s12, v25;
	v24 =	vmul.u32 v13, v24;
	s14 =	spop (drf)  }
0x4a3: {  	v25 =	vsel vm14, s14, v25  }
0x4a4: {  	v24 =	vadd.s32 v25, v24  }
0x4a5: {  	(v2sf) =	vpush v24, $0x0  }
0x4a6: {  	(v2sf) =	vpush v24, $0xF  }
0x4a7: {  	(v2sf) =	vpush v24, $0x1  }
0x4a8: {  	(v2sf) =	vpush v24, $0x2;
	_ =	sdelay $0x1  }
0x4a9: {  	(v2sf) =	vpush v24, $0x3  }
0x4aa: {  	(v2sf) =	vpush v24, $0x4  }
0x4ab: {  	(v2sf) =	vpush v24, $0x5  }
0x4ac: {  	(v2sf) =	vpush v24, $0x6  }
0x4ad: {  	(v2sf) =	vpush v24, $0x7  }
0x4ae: {  	s21 =	sld [smem:$0x7D7]  }
0x4af: {  	s23 =	sld [smem:$0x7D6]  }
0x4b0: {  	s1 =	sld [smem:$0x7DA]  }
0x4b1: {  	s28 =	sld [smem:$0x7D0]  }
0x4b2: {  	s11 =	sld [smem:$0x7D8];
	(v2sf) =	vpush v24, $0x8  }
0x4b3: {  	s12 =	sld [smem:$0x7D9];
	s15 =	spop (v2sf)  }
0x4b4: {  	(v2sf) =	vpush v24, $0x9;
	(drf) =	srem.u32 s15, s23;
	s17 =	spop (v2sf)  }
0x4b5: {  	(drf) =	srem.u32 s17, s21;
	s19 =	spop (v2sf)  }
0x4b6: {  	(drf) =	srem.u32 s19, s11;
	s20 =	spop (v2sf)  }
0x4b7: {  	(v2sf) =	vpush v24, $0xA;
	(drf) =	srem.u32 s20, s12  }
0x4b8: {  	s9 =	sld [smem:$0x7DB];
	s22 =	spop (v2sf)  }
0x4b9: {  	v51 =	vld [tilespmem:s28+$0x30];
	(v2sf) =	vpush v24, $0xB;
	(drf) =	srem.u32 s22, s1;
	s26 =	spop (v2sf)  }
0x4ba: {  	(v2sf) =	vpush v24, $0xC;
	s2 =	spop (v2sf)  }
0x4bb: {  	(v2sf) =	vpush v24, $0xD;
	(drf) =	srem.u32 s26, s9;
	s5 =	spop (v2sf)  }
0x4bc: {  	(drf) =	srem.u32 s2, s29;
	s22 =	spop (v2sf)  }
0x4bd: {  	(v2sf) =	vpush v24, $0xE;
	s6 =	spop (drf)  }
0x4be: {  	(v2sf) =	vpush v51, $0x0;
	(drf) =	srem.u32 s5, s31;
	s7 =	spop (drf)  }
0x4bf: {  	(v2sf) =	vpush v51, $0xF;
	s10 =	spop (drf)  }
0x4c0: {  	(drf) =	srem.u32 s22, s24;
	s14 =	spop (drf)  }
0x4c1: {  	[smem:$0x7E2] =	sst s10;
	s10 =	smov.u32 s24;
	s24 =	spop (v2sf)  }
0x4c2: {  	s15 =	spop (drf)  }
0x4c3: {  	[smem:$0x7E0] =	sst s6;
	s26 =	spop (v2sf)  }
0x4c4: {  	s30 =	smov.u32 s0;
	[smem:$0x7E4] =	sst s14;
	s17 =	spop (drf)  }
0x4c5: {  	(drf) =	srem.u32 s24, s30;
	s19 =	spop (drf)  }
0x4c6: {  	(v2sf) =	vpush v51, $0x1;
	[smem:$0x7E6] =	sst s15;
	s28 =	spop (v2sf)  }
0x4c7: {  	(drf) =	srem.u32 s26, s25;
	s20 =	spop (drf)  }
0x4c8: {  	s18 =	smov.u32 s3;
	(v2sf) =	vpush v51, $0x2;
	(drf) =	srem.u32 s28, s4;
	s2 =	spop (v2sf)  }
0x4c9: {  	(drf) =	srem.u32 s2, s18;
	s5 =	spop (v2sf)  }
0x4ca: {  	s6 =	smov.u32 s13;
	(v2sf) =	vpush v51, $0x3;
	(drf) =	srem.u32 s5, s13;
	s13 =	spop (v2sf)  }
0x4cb: {  	s18 =	spop (drf);
	(drf) =	srem.u32 s13, s16  }
0x4cc: {  	[smem:$0x7E8] =	sst s17;
	(v2sf) =	vpush v51, $0x4;
	s14 =	spop (v2sf)  }
0x4cd: {  	(v2sf) =	vpush v51, $0x5;
	(drf) =	srem.u32 s14, s8;
	s15 =	spop (v2sf)  }
0x4ce: {  	[smem:$0x7EB] =	sst s19;
	(v2sf) =	vpush v51, $0x6;
	s17 =	spop (v2sf)  }
0x4cf: {  	(v2sf) =	vpush v51, $0x7;
	(drf) =	srem.u32 s15, s23;
	s19 =	spop (drf)  }
0x4d0: {  	[smem:$0x7ED] =	sst s20;
	(v2sf) =	vpush v51, $0x8;
	s20 =	spop (drf)  }
0x4d1: {  	(v2sf) =	vpush v51, $0x9;
	(drf) =	srem.u32 s17, s21;
	s22 =	spop (drf)  }
0x4d2: {  	s24 =	smov.u32 s23;
	[smem:$0x7EF] =	sst s18;
	(v2sf) =	vpush v51, $0xA;
	s23 =	spop (drf)  }
0x4d3: {  	[smem:$0x7F1] =	sst s19;
	s26 =	spop (drf)  }
0x4d4: {  	s19 =	sld [smem:$0x7D1];
	s28 =	spop (drf)  }
0x4d5: {  	s13 =	smov.u32 s8;
	[smem:$0x7F3] =	sst s20;
	s8 =	spop (v2sf)  }
0x4d6: {  	[smem:$0x7F5] =	sst s22;
	s2 =	spop (drf)  }
0x4d7: {  	[smem:$0x7F9] =	sst s26;
	s14 =	spop (v2sf)  }
0x4d8: {  	[smem:$0x7FB] =	sst s28;
	s5 =	spop (drf)  }
0x4d9: {  	(v2sf) =	vpush v51, $0xB;
	(drf) =	srem.u32 s8, s11;
	s17 =	spop (v2sf)  }
0x4da: {  	(drf) =	srem.u32 s14, s12;
	s15 =	spop (drf)  }
0x4db: {  	(v2sf) =	vpush v51, $0xC;
	(drf) =	srem.u32 s17, s1;
	s18 =	spop (v2sf)  }
0x4dc: {  	v52 =	vld [tilespmem:s19+$0x30];
	(drf) =	srem.u32 s18, s9;
	s20 =	spop (v2sf)  }
0x4dd: {  	(drf) =	srem.u32 s20, s29;
	s22 =	spop (v2sf)  }
0x4de: {  	(drf) =	srem.u32 s22, s31;
	s26 =	spop (v2sf)  }
0x4df: {  	s28 =	smov.u32 s29;
	[smem:$0x7FC] =	sst s2;
	(v2sf) =	vpush v51, $0xD;
	s29 =	spop (v2sf)  }
0x4e0: {  	(v2sf) =	vpush v51, $0xE;
	(drf) =	srem.u32 s26, s10;
	s2 =	spop (v2sf)  }
0x4e1: {  	[smem:$0x7D3] =	sst s5;
	(v2sf) =	vpush v52, $0x0;
	s5 =	spop (v2sf)  }
0x4e2: {  	(v2sf) =	vpush v52, $0xF;
	(drf) =	srem.u32 s29, s30;
	s17 =	spop (drf)  }
0x4e3: {  	(v2sf) =	vpush v52, $0x1;
	(drf) =	srem.u32 s2, s25;
	s18 =	spop (drf)  }
0x4e4: {  	(v2sf) =	vpush v52, $0x2;
	(drf) =	srem.u32 s5, s4;
	s19 =	spop (drf)  }
0x4e5: {  	(v2sf) =	vpush v52, $0x3;
	s20 =	spop (drf)  }
0x4e6: {  	s14 =	smov.u32 s25;
	(v2sf) =	vpush v52, $0x4;
	s25 =	spop (drf)  }
0x4e7: {  	s26 =	spop (drf)  }
0x4e8: {  	s22 =	smov.u32 s4;
	s4 =	spop (v2sf)  }
0x4e9: {  	[smem:$0x7DE] =	sst s7;
	s29 =	spop (drf)  }
0x4ea: {  	[smem:$0x7F7] =	sst s23;
	s5 =	spop (v2sf)  }
0x4eb: {  	s8 =	smov.u32 s30;
	(v2sf) =	vpush v52, $0x5;
	(drf) =	srem.u32 s4, s3;
	s30 =	spop (drf)  }
0x4ec: {  	s23 =	smov.u32 s12;
	(drf) =	srem.u32 s5, s6;
	s12 =	spop (drf)  }
0x4ed: {  	(v2sf) =	vpush v52, $0x6;
	[smem:$0x7D4] =	sst s12;
	s2 =	spop (drf)  }
0x4ee: {  	s12 =	spop (v2sf);
	[smem:$0x7D5] =	sst s2  }
0x4ef: {  	(drf) =	srem.u32 s12, s16;
	s2 =	spop (v2sf)  }
0x4f0: {  	s7 =	smov.u32 s3;
	(drf) =	srem.u32 s2, s13;
	s3 =	spop (v2sf)  }
0x4f1: {  	(v2sf) =	vpush v52, $0x7;
	(drf) =	srem.u32 s3, s24;
	s4 =	spop (v2sf)  }
0x4f2: {  	(drf) =	srem.u32 s4, s21;
	s5 =	spop (v2sf)  }
0x4f3: {  	s12 =	smov.u32 s16;
	(drf) =	srem.u32 s5, s11;
	s11 =	spop (v2sf)  }
0x4f4: {  	s16 =	smov.u32 s13;
	(v2sf) =	vpush v52, $0x8;
	(drf) =	srem.u32 s11, s23;
	s13 =	spop (v2sf)  }
0x4f5: {  	(v2sf) =	vpush v52, $0x9;
	(drf) =	srem.u32 s13, s1;
	s21 =	spop (v2sf)  }
0x4f6: {  	(v2sf) =	vpush v52, $0xA;
	(drf) =	srem.u32 s21, s9;
	s21 =	spop (drf)  }
0x4f7: {  	(v2sf) =	vpush v52, $0xB;
	s24 =	spop (drf)  }
0x4f8: {  	s9 =	spop (drf)  }
0x4f9: {  	(v2sf) =	vpush v52, $0xC;
	s11 =	spop (drf)  }
0x4fa: {  	(v2sf) =	vpush v52, $0xD;
	s23 =	spop (v2sf)  }
0x4fb: {  	(v2sf) =	vpush v52, $0xE;
	s1 =	spop (drf)  }
0x4fc: {  	(drf) =	srem.u32 s23, s28;
	s23 =	spop (v2sf)  }
0x4fd: {  	s0 =	spop (drf)  }
0x4fe: {  	s2 =	spop (drf)  }
0x4ff: {  	s3 =	spop (drf)  }
0x500: {  	(drf) =	srem.u32 s23, s31;
	s23 =	spop (v2sf)  }
0x501: {  	(drf) =	srem.u32 s23, s10;
	s23 =	sld [smem:$0x7D3]  }
0x502: {  	s4 =	spop (drf)  }
0x503: {  	v53 =	vmov s15;
	s13 =	spop (v2sf)  }
0x504: {  	(drf) =	srem.u32 s13, s8;
	v24 =	vsel vm2, s23, v53;
	s23 =	spop (v2sf)  }
0x505: {  	v54 =	vmov s0;
	(drf) =	srem.u32 s23, s14;
	s23 =	spop (v2sf)  }
0x506: {  	v25 =	vsel vm2, s1, v54;
	v24 =	vsel vm3, s17, v24;
	(drf) =	srem.u32 s23, s22;
	s1 =	spop (v2sf)  }
0x507: {  	s5 =	spop (drf);
	v24 =	vsel vm4, s18, v24;
	(drf) =	srem.u32 s1, s7  }
0x508: {  	v25 =	vsel vm3, s2, v25;
	v24 =	vsel vm5, s19, v24;
	s2 =	spop (v2sf);
	s19 =	sld [smem:$0x7D4]  }
0x509: {  	v25 =	vsel vm4, s3, v25;
	v24 =	vsel vm6, s20, v24;
	(drf) =	srem.u32 s2, s6;
	s3 =	spop (v2sf)  }
0x50a: {  	v25 =	vsel vm5, s4, v25;
	v24 =	vsel vm7, s25, v24;
	(drf) =	srem.u32 s3, s12;
	s4 =	spop (v2sf)  }
0x50b: {  	v25 =	vsel vm6, s5, v25;
	s17 =	smov.u32 s6;
	s6 =	spop (drf);
	v24 =	vsel vm8, s26, v24;
	(drf) =	srem.u32 s4, s16  }
0x50c: {  	s23 =	sld [smem:$0x7D5];
	v25 =	vsel vm7, s6, v25;
	s13 =	spop (drf);
	v24 =	vsel vm9, s29, v24  }
0x50d: {  	v25 =	vsel vm8, s13, v25;
	s18 =	spop (drf);
	v24 =	vsel vm15, s30, v24  }
0x50e: {  	v25 =	vsel vm9, s18, v25;
	s20 =	spop (drf);
	v24 =	vsel vm1, s19, v24  }
0x50f: {  	v25 =	vsel vm15, s20, v25;
	v24 =	vsel vm0, s23, v24;
	s25 =	spop (drf)  }
0x510: {  	v24 =	vsel vm11, s21, v24;
	v25 =	vsel vm1, s25, v25;
	s26 =	spop (drf)  }
0x511: {  	v24 =	vsel vm12, s24, v24;
	v25 =	vsel vm0, s26, v25;
	s29 =	spop (drf)  }
0x512: {  	v24 =	vsel vm13, s9, v24;
	v25 =	vsel vm11, s29, v25;
	s30 =	spop (drf)  }
0x513: {  	v24 =	vsel vm14, s11, v24;
	v25 =	vsel vm12, s30, v25;
	s1 =	spop (drf)  }
0x514: {  	v25 =	vsel vm13, s1, v25;
	v24 =	vmul.u32 v13, v24;
	s2 =	spop (drf)  }
0x515: {  	v25 =	vsel vm14, s2, v25  }
0x516: {  	v24 =	vadd.s32 v25, v24  }
0x517: {  	(v2sf) =	vpush v24, $0x0  }
0x518: {  	(v2sf) =	vpush v24, $0xF  }
0x519: {  	(v2sf) =	vpush v24, $0x1;
	_ =	sdelay $0x1  }
0x51a: {  	(v2sf) =	vpush v24, $0x2;
	_ =	sdelay $0x1  }
0x51b: {  	(v2sf) =	vpush v24, $0x3  }
0x51c: {  	(v2sf) =	vpush v24, $0x4  }
0x51d: {  	(v2sf) =	vpush v24, $0x5  }
0x51e: {  	(v2sf) =	vpush v24, $0x6;
	_ =	sdelay $0x1  }
0x51f: {  	s6 =	sld [smem:$0x7E3];
	(v2sf) =	vpush v24, $0x7  }
0x520: {  	s18 =	sld [smem:$0x7D6];
	(v2sf) =	vpush v24, $0x8  }
0x521: {  	s20 =	sld [smem:$0x7D7]  }
0x522: {  	s23 =	sld [smem:$0x7D8];
	(v2sf) =	vpush v24, $0x9  }
0x523: {  	s25 =	sld [smem:$0x7D9];
	s3 =	spop (v2sf)  }
0x524: {  	s29 =	sld [smem:$0x7DA];
	(v2sf) =	vpush v24, $0xA;
	s4 =	spop (v2sf)  }
0x525: {  	(drf) =	srem.u32 s3, s18;
	s5 =	spop (v2sf)  }
0x526: {  	(v2sf) =	vpush v24, $0xB;
	(drf) =	srem.u32 s4, s20;
	s20 =	sld [smem:$0x7DC]  }
0x527: {  	s4 =	sld [smem:$0x7F2];
	s9 =	spop (v2sf)  }
0x528: {  	(drf) =	srem.u32 s5, s23;
	s23 =	sld [smem:$0x7DD]  }
0x529: {  	s11 =	spop (v2sf);
	(drf) =	srem.u32 s9, s25  }
0x52a: {  	(v2sf) =	vpush v24, $0xC;
	s9 =	sld [smem:$0x7DB];
	s13 =	spop (v2sf)  }
0x52b: {  	(v2sf) =	vpush v24, $0xD;
	(drf) =	srem.u32 s11, s29;
	v55 =	vmov s20;
	s19 =	spop (v2sf)  }
0x52c: {  	(v2sf) =	vpush v24, $0xE;
	v24 =	vsel vm2, s23, v55;
	s23 =	sld [smem:$0x7ED];
	s21 =	spop (v2sf)  }
0x52d: {  	(drf) =	srem.u32 s13, s9;
	s9 =	sld [smem:$0x7E5]  }
0x52e: {  	s24 =	spop (v2sf);
	(drf) =	srem.u32 s19, s28  }
0x52f: {  	s28 =	sld [smem:$0x7E0];
	s26 =	spop (v2sf)  }
0x530: {  	(drf) =	srem.u32 s21, s31;
	s31 =	sld [smem:$0x7E2]  }
0x531: {  	s30 =	spop (v2sf);
	(drf) =	srem.u32 s24, s10  }
0x532: {  	s21 =	spop (drf);
	s24 =	sld [smem:$0x7DE]  }
0x533: {  	s10 =	sld [smem:$0x7E6];
	s11 =	spop (v2sf)  }
0x534: {  	(drf) =	srem.u32 s26, s8;
	s25 =	spop (drf)  }
0x535: {  	s26 =	sld [smem:$0x7DF];
	s13 =	spop (v2sf)  }
0x536: {  	(drf) =	srem.u32 s30, s14;
	s30 =	sld [smem:$0x7E1]  }
0x537: {  	s29 =	spop (drf);
	s14 =	sld [smem:$0x7E8]  }
0x538: {  	v26 =	vmov s25;
	s25 =	sld [smem:$0x7EE];
	(drf) =	srem.u32 s11, s22  }
0x539: {  	s5 =	spop (drf);
	s22 =	sld [smem:$0x7EC]  }
0x53a: {  	(drf) =	srem.u32 s13, s7;
	s7 =	sld [smem:$0x7E4]  }
0x53b: {  	s13 =	sld [smem:$0x7E7]  }
0x53c: {  	s18 =	spop (v2sf);
	v26 =	vsel vm2, s21, v26;
	v24 =	vsel vm3, s26, v24;
	s26 =	sld [smem:$0x7EF]  }
0x53d: {  	v26 =	vsel vm3, s29, v26;
	s8 =	spop (drf);
	s29 =	sld [smem:$0x7F0]  }
0x53e: {  	v56 =	vmov s24;
	(drf) =	srem.u32 s18, s17;
	s18 =	sld [smem:$0x7EA]  }
0x53f: {  	s19 =	spop (v2sf);
	v25 =	vsel vm2, s28, v56;
	v24 =	vsel vm4, s30, v24;
	s30 =	sld [smem:$0x7F1]  }
0x540: {  	v25 =	vsel vm3, s31, v25;
	v26 =	vsel vm4, s5, v26;
	s5 =	sld [smem:$0x7F3];
	s11 =	spop (drf)  }
0x541: {  	v24 =	vsel vm5, s6, v24;
	(drf) =	srem.u32 s19, s12;
	s19 =	sld [smem:$0x7EB];
	v25 =	vsel vm4, s7, v25  }
0x542: {  	s17 =	spop (v2sf);
	v26 =	vsel vm5, s8, v26;
	s8 =	sld [smem:$0x7F5];
	v24 =	vsel vm6, s9, v24;
	v25 =	vsel vm5, s10, v25  }
0x543: {  	s20 =	spop (drf);
	s7 =	sld [smem:$0x7F4];
	v24 =	vsel vm7, s13, v24;
	v25 =	vsel vm6, s14, v25  }
0x544: {  	v26 =	vsel vm6, s11, v26;
	(drf) =	srem.u32 s17, s16;
	s11 =	sld [smem:$0x7F7];
	v24 =	vsel vm8, s18, v24;
	v25 =	vsel vm7, s19, v25  }
0x545: {  	s17 =	sld [smem:$0x7FA];
	s21 =	spop (drf);
	v26 =	vsel vm7, s20, v26;
	v24 =	vsel vm9, s22, v24;
	v25 =	vsel vm8, s23, v25  }
0x546: {  	s10 =	sld [smem:$0x7F6];
	s24 =	spop (drf);
	v26 =	vsel vm8, s21, v26;
	v24 =	vsel vm15, s25, v24;
	v25 =	vsel vm9, s26, v25  }
0x547: {  	s13 =	sld [smem:$0x7F8];
	s28 =	spop (drf);
	v26 =	vsel vm9, s24, v26;
	v24 =	vsel vm1, s29, v24;
	v25 =	vsel vm15, s30, v25  }
0x548: {  	s14 =	sld [smem:$0x7F9];
	s31 =	spop (drf);
	v26 =	vsel vm15, s28, v26;
	v24 =	vsel vm0, s4, v24;
	v25 =	vsel vm1, s5, v25  }
0x549: {  	s18 =	sld [smem:$0x7FB];
	s6 =	spop (drf);
	v26 =	vsel vm1, s31, v26;
	v24 =	vsel vm11, s7, v24;
	v25 =	vsel vm0, s8, v25  }
0x54a: {  	s19 =	sld [smem:$0x7FC];
	s9 =	spop (drf);
	v26 =	vsel vm0, s6, v26;
	v24 =	vsel vm12, s10, v24;
	v25 =	vsel vm11, s11, v25  }
0x54b: {  	s12 =	spop (drf);
	v26 =	vsel vm11, s9, v26;
	v24 =	vsel vm13, s13, v24;
	v25 =	vsel vm12, s14, v25  }
0x54c: {  	s16 =	spop (drf);
	v26 =	vsel vm12, s12, v26;
	v24 =	vsel vm14, s17, v24;
	v25 =	vsel vm13, s18, v25  }
0x54d: {  	v26 =	vsel vm13, s16, v26;
	s20 =	spop (drf);
	v25 =	vsel vm14, s19, v25  }
0x54e: {  	v26 =	vsel vm14, s20, v26;
	_ =	sdelay $0x1  }
0x54f: {  	s21 =	simm.s32 $0xC080  }
0x550: {  	v27 =	vadd.f32 $1.000000000e+00, v20;
	v24 =	vld.idx.msk [tilespmem:v24+s21+$0x0], $0xffff  }
0x551: {  	v28 =	vadd.f32 $1.000000000e+00, v19;
	s22 =	simm.s32 $0xC080;
	v25 =	vld.idx.msk [tilespmem:v25+s21+$0x0], $0xffff  }
0x552: {  	v57 =	vadd.f32 $1.000000000e+00, v43;
	vm6 =	vgt.f32 v27, v15;
	v26 =	vld.idx.msk [tilespmem:v26+s22+$0x0], $0xffff  }
0x553: {  	v58 =	vadd.f32 $1.000000000e+00, v22;
	vm5 =	vgt.f32 v28, v15;
	v29 =	vsel vm6, $0x1, v18  }
0x554: {  	v59 =	vadd.f32 $1.000000000e+00, v44;
	vm4 =	vgt.f32 v57, v15;
	v30 =	vsel vm5, $0x1, v29  }
0x555: {  	vm3 =	vgt.f32 v58, v15;
	v31 =	vsel vm4, $0x1, v30;
	v60 =	vadd.f32 $1.000000000e+00, v24  }
0x556: {  	vm2 =	vgt.f32 v59, v15;
	v32 =	vsel vm3, $0x1, v31;
	v61 =	vadd.f32 $1.000000000e+00, v25  }
0x557: {  	v33 =	vsel vm2, $0x1, v32;
	v62 =	vadd.f32 $1.000000000e+00, v26;
	vm1 =	vgt.f32 v60, v15  }
0x558: {  	v34 =	vsel vm1, $0x1, v33;
	vm0 =	vgt.f32 v61, v15  }
0x559: {  	vm15 =	vgt.f32 v62, v15;
	v27 =	vsel vm0, $0x1, v34  }
0x55a: {  	vm7 =	veq.s32 v18, $0x0;
	v18 =	vsel vm15, $0x1, v27  }
0x55b: {  	v63 =	vxor.u32 $0x80000000, v18  }
0x55c: {  	(xrf0) =	vmin.scan.msk.u32 $0xffff, v63;
	_ =	sdelay $0x5  }
0x55d: {  	v28, _, _ =	vpop (xrf0)  }
0x55e: {  	s3 =	sld [smem:$0x7E9];
	(v2sf) =	vpush v28, $0xF;
	_ =	sdelay $0x1  }
0x55f: {  	vm10 =	vmxor vm10, vm10;
	vm8 =	veq.s32 v29, $0x0  }
0x560: {  	s23 =	sadd.s32 $0x2, s3;
	vm6 =	vmand vm7, vm6;
	vm7 =	vmmov vm10;
	vm9 =	veq.s32 v30, $0x0  }
0x561: {  	s25 =	sadd.s32 $0x1, s3;
	p2 =	slt.u32 s23, $0x32;
	v16 =	vsel vm6, s3, v16;
	v17 =	vsel vm6, v20, v17;
	vm5 =	vmand vm8, vm5  }
0x562: {  	s24 =	sadd.s32 $0x3, s3;
	vm7 =	vmneg @p2 vm7;
	vm8 =	veq.s32 v31, $0x0;
	v16 =	vsel vm5, s25, v16  }
0x563: {  	p2 =	slt.u32 s24, $0x32;
	v17 =	vsel vm5, v19, v17;
	vm6 =	vmand vm7, vm9;
	vm7 =	vmmov vm10  }
0x564: {  	s26 =	sadd.s32 $0x4, s3;
	vm9 =	vcmask $0x1F1C;
	vm7 =	vmneg @p2 vm7;
	vm4 =	vmand vm6, vm4  }
0x565: {  	p2 =	slt.u32 s26, $0x32;
	vm6 =	vmmov vm10;
	vm5 =	vmand vm7, vm8;
	vm8 =	vcmask $0x1B18  }
0x566: {  	vm7 =	veq.s32 v32, $0x0;
	v16 =	vsel vm4, s23, v16;
	vm6 =	vmneg @p2 vm6  }
0x567: {  	s28 =	sadd.s32 $0x5, s3;
	v17 =	vsel vm4, v43, v17;
	vm3 =	vmand vm5, vm3;
	vm4 =	vmand vm6, vm7  }
0x568: {  	p2 =	slt.u32 s28, $0x32;
	vm7 =	vcmask $0x1714;
	vm5 =	vmmov vm10;
	vm6 =	veq.s32 v33, $0x0  }
0x569: {  	s29 =	sadd.s32 $0x6, s3;
	v16 =	vsel vm3, s24, v16;
	vm5 =	vmneg @p2 vm5;
	v17 =	vsel vm3, v22, v17  }
0x56a: {  	s30 =	sadd.s32 $0x7, s3;
	vm2 =	vmand vm4, vm2;
	p2 =	slt.u32 s29, $0x32;
	vm4 =	vmmov vm10;
	vm14 =	vmmov vm13  }
0x56b: {  	vm3 =	vmand vm5, vm6;
	vm6 =	vcmask $0x1310;
	vm4 =	vmneg @p2 vm4;
	p2 =	slt.u32 s30, $0x32  }
0x56c: {  	v16 =	vsel vm2, s26, v16;
	v17 =	vsel vm2, v44, v17;
	vm10 =	vmneg @p2 vm10;
	p2 =	sgt.u32 s3, $0x29;
	s0 =	spop (v2sf)  }
0x56d: {  	vm13 =	vmmov vm14;
	vm14 =	vcmask $0x3B38;
	vm1 =	vmand vm3, vm1;
	p3 =	seq.s32 @!p2 s0, $0x80000000  }
0x56e: {  	vm3 =	vcmask $0x704;
	vm5 =	veq.s32 v34, $0x0;
	v16 =	vsel vm1, s28, v16;
	p3 =	por p2, !p3  }
.Ltmp9:
0x56f: {  	v17 =	vsel vm1, v24, v17;
	vm2 =	vmand vm4, vm5;
	vm5 =	vcmask $0xF0C;
	(pc) =	sbr.rel @!p3 .LBB2_9-.Ltmp9, $4  }
0x570: {  	s15 =	sld [smem:$0x7D2];
	vm4 =	veq.s32 v27, $0x0;
	vm0 =	vmand vm2, vm0;
	vm2 =	vcmask $0x300  }
0x571: {  	vm1 =	vmand vm10, vm4;
	vm4 =	vcmask $0xB08;
	v17 =	vsel vm0, v25, v17  }
0x572: {  	s31 =	rddreg [dreg:$0x1e];
	v16 =	vsel vm0, s29, v16;
	vm0 =	vmand vm1, vm15;
	vm1 =	vcmask $0x2724  }
0x573: {  	s15 =	sadd.s32 $0x80, s15;
	s1 =	sadd.s32 $0x80, s31;
	s3 =	sadd.s32 $0x8, s3;
	vm15 =	vcmask $0x2320;
	v16 =	vsel vm0, s30, v16;
	v17 =	vsel vm0, v26, v17  }
.Ltmp10:
0x574: {  	s20 =	rddreg [dreg:$0x14];
	(pc) =	sbr.rel .LBB2_11-.Ltmp10, $4  }
0x575: {  	s21 =	rddreg [dreg:$0x16]  }
0x576: {  	s22 =	sld [smem:$0x7FD]  }
0x577: {  	s23 =	rddreg [dreg:$0x18]  }
0x578: {  	v16 =	vpsel p2, v16, v16;
	v17 =	vpsel p2, v17, v17;
	s18 =	simm.s32 $0x16700;
	s19 =	simm.s32 $0x32;
	s24 =	rddreg [dreg:$0x1a]  }
.LBB2_12:
0x579: {  	s0 =	smul.u32 $0x32, s20;
	_ =	sdelay $0x1  }
0x57a: {  	s0 =	sshrl.u32 s0, $0x3  }
0x57b: {  	s1 =	rddreg [dreg:$0x6];
	s2 =	simm.s32 $0x0;
	s0 =	sadd.s32 $0x640, s0  }
0x57c: {  	s3 =	simm.s32 $0x10100;
	s26 =	rddreg [dreg:$0x7];
	s1 =	sadd.s32 s1, s0  }
0x57d: {  	[tilespmem:s3], [sflag:$0x1] =	stream.linear.gather [hbm4b:s1+s2], $0x1900, $0x38;
	[tilespmem:$0x16910] =	vst v63  }
0x57e: {  	s28 =	simm.s32 $0x11A80;
	s29 =	simm.s32 $0x3;
	s0 =	sadd.s32 s26, s0  }
0x57f: {  	[tilespmem:s28], [sflag:$0x2] =	stream.linear.gather [hbm4b:s0+s2], $0x1900, $0x38;
	[tilespmem:$0x16910] =	vst v63  }
0x580: {  	_ =	swait.ge [sflag:s29], $0x1900  }
0x581: {  	[sflag:s29] =	ssyncset.done $0x0  }
0x582: {  	s30 =	simm.s32 $0x4;
	[sflag:s29] =	ssyncadd.s32 $0xFFFFE700  }
0x583: {  	_ =	swait.ge [sflag:s30], $0x1900  }
0x584: {  	s20 =	sor.u32 $0x80, s20;
	s31 =	rddreg [dreg:$0x13]  }
0x585: {  	p2 =	sge.s32 s20, s31  }
.Ltmp11:
0x586: {  	_ = 	snop;
	(pc) =	sbr.rel @p2 .LBB2_20-.Ltmp11, $3  }
0x587: {  	_ =	sdelay $0x1  }
0x588: {  	[sflag:s30] =	ssyncset.done $0x0  }
0x589: {  	[sflag:s30] =	ssyncadd.s32 $0xFFFFE700  }
.Ltmp12:
0x58a: {  	(pc) =	sbr.rel .LBB2_14-.Ltmp12, $3  }
0x58b: {  	_ =	sdelay $0x1  }
0x58c: {  	s0 =	sadd.s32 $0x8000, s20;
	s21 =	simm.s32 $0x0;
	s22 =	simm.s32 $0x100  }
0x58d: {  	s23 =	simm.s32 $0x0;
	s24 =	simm.s32 $0x0;
	[dreg:$0x15] =	wrdreg s20;
	v14 =	vmov s0  }
.LBB2_15:
0x58e: {  	vm1 =	vcmask $0x2724  }
.LBB2_19:
0x58f: {  	vm0 =	vgt.s32 v16, $0x0  }
0x590: {  	v18 =	vnsel vm0, $0x0, v16  }
0x591: {  	v18 =	vadd.s32 $0x1, v18  }
0x592: {  	(v2sf) =	vpush v18, $0x0  }
0x593: {  	(v2sf) =	vpush v18, $0xF  }
0x594: {  	(v2sf) =	vpush v18, $0x1  }
0x595: {  	(v2sf) =	vpush v18, $0x2;
	_ =	sdelay $0x1  }
0x596: {  	(v2sf) =	vpush v18, $0x3  }
0x597: {  	(v2sf) =	vpush v18, $0x4  }
0x598: {  	(v2sf) =	vpush v18, $0x5  }
0x599: {  	(v2sf) =	vpush v18, $0x6  }
0x59a: {  	(v2sf) =	vpush v18, $0x7  }
0x59b: {  	(v2sf) =	vpush v18, $0x8  }
0x59c: {  	(v2sf) =	vpush v18, $0x9  }
0x59d: {  	(v2sf) =	vpush v18, $0xA;
	_ =	sdelay $0x2  }
0x59e: {  	s0 =	spop (v2sf);
	(v2sf) =	vpush v18, $0xB  }
0x59f: {  	s1 =	spop (v2sf);
	s5 =	sshra.s32 s0, $0x1F  }
0x5a0: {  	(v2sf) =	vpush v18, $0xC;
	s2 =	spop (v2sf);
	s0 =	sxor.u32 s5, s0;
	s7 =	sshra.s32 s1, $0x1F  }
0x5a1: {  	s3 =	spop (v2sf);
	s0 =	ssub.s32 s0, s5;
	s16 =	sxor.u32 s7, s1  }
0x5a2: {  	s1 =	sshra.s32 s2, $0x1F;
	(drf) =	sdiv.u32 s19, s0;
	s0 =	ssub.s32 s16, s7  }
0x5a3: {  	(v2sf) =	vpush v18, $0xD;
	s4 =	spop (v2sf);
	s2 =	sxor.u32 s1, s2;
	(drf) =	sdiv.u32 s19, s0  }
0x5a4: {  	s9 =	sshra.s32 s3, $0x1F;
	s6 =	spop (v2sf);
	s17 =	ssub.s32 s2, s1  }
0x5a5: {  	s25 =	sxor.u32 s9, s3;
	s8 =	spop (v2sf);
	(drf) =	sdiv.u32 s19, s17  }
0x5a6: {  	s26 =	ssub.s32 s25, s9;
	s3 =	spop (v2sf)  }
0x5a7: {  	(drf) =	sdiv.u32 s19, s26;
	s28 =	spop (v2sf)  }
0x5a8: {  	s29 =	spop (v2sf)  }
0x5a9: {  	s10 =	spop (v2sf)  }
0x5aa: {  	s11 =	spop (v2sf)  }
0x5ab: {  	s14 =	spop (drf)  }
0x5ac: {  	s15 =	spop (drf)  }
0x5ad: {  	s12 =	spop (v2sf)  }
0x5ae: {  	s16 =	spop (drf)  }
0x5af: {  	s14 =	sxor.u32 s5, s14;
	s15 =	sxor.u32 s7, s15;
	s13 =	spop (v2sf)  }
0x5b0: {  	s5 =	ssub.s32 s14, s5;
	s7 =	ssub.s32 s15, s7;
	s30 =	spop (drf)  }
0x5b1: {  	(v2sf) =	vpush v18, $0xE;
	s31 =	sxor.u32 s1, s16;
	s16 =	sshra.s32 s4, $0x1F;
	s15 =	sshra.s32 s3, $0x1F  }
0x5b2: {  	s17 =	spop (v2sf);
	s14 =	sxor.u32 s9, s30;
	s4 =	sxor.u32 s16, s4  }
0x5b3: {  	s9 =	ssub.s32 s14, s9;
	s4 =	ssub.s32 s4, s16;
	s14 =	sshra.s32 s6, $0x1F  }
0x5b4: {  	s1 =	ssub.s32 s31, s1;
	(drf) =	sdiv.u32 s19, s4;
	s25 =	sxor.u32 s14, s6  }
0x5b5: {  	s3 =	sxor.u32 s15, s3;
	s6 =	sshra.s32 s8, $0x1F;
	s4 =	ssub.s32 s25, s14  }
0x5b6: {  	s3 =	ssub.s32 s3, s15;
	s8 =	sxor.u32 s6, s8;
	(drf) =	sdiv.u32 s19, s4  }
0x5b7: {  	s26 =	ssub.s32 s8, s6;
	s4 =	sshra.s32 s28, $0x1F;
	s8 =	sshra.s32 s10, $0x1F  }
0x5b8: {  	(drf) =	sdiv.u32 s19, s26;
	s2 =	sxor.u32 s4, s28;
	s28 =	sxor.u32 s8, s10  }
0x5b9: {  	s10 =	sshra.s32 s12, $0x1F;
	(drf) =	sdiv.u32 s19, s3;
	s3 =	sshra.s32 s29, $0x1F  }
0x5ba: {  	s2 =	ssub.s32 s2, s4;
	s12 =	sxor.u32 s10, s12;
	s0 =	sxor.u32 s3, s29  }
0x5bb: {  	(drf) =	sdiv.u32 s19, s2;
	s2 =	sshra.s32 s11, $0x1F;
	s0 =	ssub.s32 s0, s3  }
0x5bc: {  	s29 =	ssub.s32 s28, s8;
	s30 =	sxor.u32 s2, s11;
	(drf) =	sdiv.u32 s19, s0  }
0x5bd: {  	s0 =	ssub.s32 s30, s2;
	(drf) =	sdiv.u32 s19, s29;
	s31 =	spop (drf)  }
0x5be: {  	s12 =	ssub.s32 s12, s10;
	(drf) =	sdiv.u32 s19, s0;
	s11 =	sxor.u32 s16, s31  }
0x5bf: {  	s0 =	sshra.s32 s13, $0x1F;
	(drf) =	sdiv.u32 s19, s12;
	s11 =	ssub.s32 s11, s16  }
0x5c0: {  	s16 =	sxor.u32 s0, s13;
	s13 =	sshra.s32 s17, $0x1F;
	s25 =	spop (v2sf)  }
0x5c1: {  	v19 =	vmov s7;
	s26 =	ssub.s32 s16, s0;
	s28 =	sxor.u32 s13, s17;
	s17 =	sshra.s32 s25, $0x1F  }
0x5c2: {  	v19 =	vsel vm2, s5, v19;
	(drf) =	sdiv.u32 s19, s26;
	s29 =	ssub.s32 s28, s13;
	s30 =	sxor.u32 s17, s25  }
0x5c3: {  	v19 =	vsel vm3, s1, v19;
	s31 =	spop (drf);
	(drf) =	sdiv.u32 s19, s29;
	s7 =	ssub.s32 s30, s17  }
0x5c4: {  	v19 =	vsel vm4, s9, v19;
	s9 =	spop (drf);
	s1 =	sxor.u32 s14, s31;
	(drf) =	sdiv.u32 s19, s7  }
0x5c5: {  	v19 =	vsel vm5, s11, v19;
	s1 =	ssub.s32 s1, s14;
	s12 =	spop (drf);
	s5 =	sxor.u32 s6, s9  }
0x5c6: {  	v19 =	vsel vm6, s1, v19;
	s14 =	ssub.s32 s5, s6;
	s16 =	spop (drf);
	s25 =	sxor.u32 s15, s12  }
0x5c7: {  	v19 =	vsel vm7, s14, v19;
	s26 =	ssub.s32 s25, s15;
	s5 =	sxor.u32 s4, s16;
	s28 =	spop (drf)  }
0x5c8: {  	v19 =	vsel vm8, s26, v19;
	s29 =	ssub.s32 s5, s4;
	s30 =	spop (drf);
	s31 =	sxor.u32 s3, s28  }
0x5c9: {  	v19 =	vsel vm9, s29, v19;
	s6 =	ssub.s32 s31, s3;
	s7 =	spop (drf);
	s4 =	sxor.u32 s8, s30  }
0x5ca: {  	v19 =	vsel vm15, s6, v19;
	s9 =	ssub.s32 s4, s8;
	s11 =	spop (drf);
	s3 =	sxor.u32 s2, s7  }
0x5cb: {  	vm0 =	vcmask $0x2B28;
	v19 =	vsel vm1, s9, v19;
	s12 =	ssub.s32 s3, s2;
	s15 =	sxor.u32 s10, s11;
	s14 =	spop (drf)  }
0x5cc: {  	v19 =	vsel vm0, s12, v19;
	s16 =	ssub.s32 s15, s10;
	s25 =	spop (drf);
	s2 =	sxor.u32 s0, s14  }
0x5cd: {  	v19 =	vsel vm11, s16, v19;
	s0 =	ssub.s32 s2, s0;
	s26 =	sxor.u32 s13, s25;
	s28 =	spop (drf)  }
0x5ce: {  	v19 =	vsel vm12, s0, v19;
	s29 =	ssub.s32 s26, s13;
	s30 =	sxor.u32 s17, s28  }
0x5cf: {  	v19 =	vsel vm13, s29, v19;
	s31 =	ssub.s32 s30, s17  }
0x5d0: {  	vm0 =	vne.s32 v16, $0x7FFFFFFF;
	v19 =	vsel vm14, s31, v19  }
0x5d1: {  	v21 =	vshra.s32 v18, $0x1F;
	v20 =	vsel vm0, $0x1, v0;
	v18 =	vmul.u32 v18, v19  }
0x5d2: {  	v20 =	vadd.s32 v20, v21  }
0x5d3: {  	vm0 =	vne.s32 v20, $0x1;
	vm1 =	vne.s32 v18, $0x32  }
0x5d4: {  	vm0 =	vmand vm0, vm1  }
0x5d5: {  	v63 =	vsel vm0, $0xFFFFFFFF, v0  }
0x5d6: {  	v18 =	vadd.s32 v63, v19  }
0x5d7: {  	vm0 =	vgt.s32 v18, $0x1  }
0x5d8: {  	v18 =	vnsel vm0, $0x1, v18  }
0x5d9: {  	v18 =	vadd.s32 $0xFFFFFFFF, v18;
	_ =	sdelay $0x4  }
0x5da: {  	v15 =	vsub.f32 v17, v15;
	v18 =	vld.idx.msk [tilespmem:v18+s18+$0x0], $0xffff;
	_ =	sdelay $0x1  }
0x5db: {  	s24 =	sadd.s32 $0x1, s24;
	v15 =	vadd.f32 $1.000000000e+00, v15  }
0x5dc: {  	p2 =	sne.s32 s24, $0x8  }
.Ltmp13:
0x5dd: {  	v15 =	vmax.f32 v15, $0.0e+00;
	(pc) =	sbr.rel @!p2 .LBB2_20-.Ltmp13, $4  }
0x5de: {  	v15 =	vmul.f32 v18, v15  }
0x5df: {  	vm0 =	vgt.s32 v16, $0xFFFFFFFF  }
0x5e0: {  	v15 =	vnsel vm0, $0x0, v15  }
0x5e1: {  	s23 =	sadd.s32 $0x320, s23;
	s21 =	sadd.s32 $0x1, s21;
	s22 =	sadd.s32 $0xC80, s22;
	v10 =	vadd.f32 v15, v10  }
.LBB2_14:
0x5e2: {  	s0 =	sshll.u32 s24, $0x4  }
0x5e3: {  	s1 =	sor.u32 s20, s0  }
0x5e4: {  	v15 =	vor.u32 s1, v1  }
0x5e5: {  	vm0 =	vge.s32 v15, v11  }
0x5e6: {  	v18 =	vsel vm0, $0x1, v0  }
0x5e7: {  	v15 =	vor.u32 $0x80000000, v18  }
0x5e8: {  	(xrf0) =	vmin.scan.msk.u32 $0xffff, v15;
	_ =	sdelay $0x5  }
0x5e9: {  	v15, _, _ =	vpop (xrf0)  }
0x5ea: {  	(v2sf) =	vpush v15, $0xF;
	_ =	sdelay $0xe  }
0x5eb: {  	s31 =	spop (v2sf)  }
0x5ec: {  	p2 =	sne.s32 s31, $0x80000000  }
.Ltmp14:
0x5ed: {  	_ = 	snop;
	(pc) =	sbr.rel @p2 .LBB2_15-.Ltmp14, $2  }
0x5ee: {  	_ =	sdelay $0x2  }
0x5ef: {  	v16 =	vimm.s32 $0xFFFFFFFF;
	v17 =	vimm.f32 $0.0e+00;
	v15 =	vld.idx.msk [tilespmem:v14+s0+$0x0 ss:$0x1], $0xffff  }
0x5f0: {  	[dreg:$0x1b] =	wrdreg s24  }
0x5f1: {  	[dreg:$0x19] =	wrdreg s23;
	s0 =	sshll.u32 s23, $0x2;
	s1 =	sand.u32 $0x3, s21  }
0x5f2: {  	[dreg:$0x17] =	wrdreg s21;
	s0 =	sand.u32 $0xFFFFFE00, s0;
	s1 =	sshll.u32 s1, $0x7  }
0x5f3: {  	s15 =	simm.s32 $0x14D80;
	[smem:$0x769] =	sst s22;
	s0 =	sor.u32 s1, s0  }
0x5f4: {  	s3 =	simm.s32 $0x0;
	vm1 =	vcmask $0x2724;
	s1 =	simm.s32 $0x13400;
	[dreg:$0x1d] =	wrdreg s0  }
.LBB2_17:
0x5f5: {  	s0 =	rddreg [dreg:$0x1d]  }
0x5f6: {  	s5 =	sshra.s32 s0, $0x2  }
0x5f7: {  	s0 =	sadd.s32 s5, s1  }
0x5f8: {  	v19 =	vld [tilespmem:s0+$0x0];
	_ =	sdelay $0x4  }
0x5f9: {  	(v2sf) =	vpush v19, $0x0  }
0x5fa: {  	(v2sf) =	vpush v12, $0x0  }
0x5fb: {  	(v2sf) =	vpush v19, $0xF  }
0x5fc: {  	(v2sf) =	vpush v12, $0xF  }
0x5fd: {  	(v2sf) =	vpush v19, $0x1  }
0x5fe: {  	(v2sf) =	vpush v12, $0x1  }
0x5ff: {  	(v2sf) =	vpush v19, $0x2  }
0x600: {  	(v2sf) =	vpush v12, $0x2  }
0x601: {  	(v2sf) =	vpush v19, $0x3  }
0x602: {  	(v2sf) =	vpush v12, $0x3;
	_ =	sdelay $0x5  }
0x603: {  	s26 =	spop (v2sf)  }
0x604: {  	s23 =	spop (v2sf)  }
0x605: {  	s29 =	spop (v2sf)  }
0x606: {  	s20 =	spop (v2sf)  }
0x607: {  	s2 =	spop (v2sf)  }
0x608: {  	(v2sf) =	vpush v19, $0x4;
	s28 =	spop (v2sf)  }
0x609: {  	(v2sf) =	vpush v12, $0x4;
	(drf) =	srem.u32 s26, s23;
	s30 =	spop (v2sf)  }
0x60a: {  	(v2sf) =	vpush v19, $0x5;
	(drf) =	srem.u32 s29, s20;
	s25 =	spop (v2sf)  }
0x60b: {  	(v2sf) =	vpush v12, $0x5;
	(drf) =	srem.u32 s2, s28;
	s31 =	spop (v2sf)  }
0x60c: {  	(v2sf) =	vpush v19, $0x6;
	(drf) =	srem.u32 s30, s25;
	s26 =	spop (v2sf)  }
0x60d: {  	(v2sf) =	vpush v12, $0x6;
	(drf) =	srem.u32 s31, s26  }
0x60e: {  	(v2sf) =	vpush v19, $0x7  }
0x60f: {  	(v2sf) =	vpush v12, $0x7  }
0x610: {  	(v2sf) =	vpush v19, $0x8  }
0x611: {  	(v2sf) =	vpush v12, $0x8  }
0x612: {  	[dreg:$0x1f] =	wrdreg s1;
	(v2sf) =	vpush v19, $0x9;
	s1 =	spop (drf)  }
0x613: {  	(v2sf) =	vpush v12, $0x9;
	s4 =	spop (drf)  }
0x614: {  	(v2sf) =	vpush v19, $0xA;
	s2 =	spop (drf)  }
0x615: {  	[smem:$0x755] =	sst s3;
	(v2sf) =	vpush v12, $0xA;
	s3 =	spop (drf)  }
0x616: {  	(v2sf) =	vpush v19, $0xB;
	s6 =	spop (drf)  }
0x617: {  	[smem:$0x6D6] =	sst s6;
	s6 =	spop (v2sf)  }
0x618: {  	(v2sf) =	vpush v12, $0xB;
	s19 =	spop (v2sf)  }
0x619: {  	s7 =	spop (v2sf)  }
0x61a: {  	[smem:$0x6D4] =	sst s2;
	(v2sf) =	vpush v19, $0xC;
	s2 =	spop (v2sf)  }
0x61b: {  	s8 =	spop (v2sf)  }
0x61c: {  	[smem:$0x6D3] =	sst s1;
	(v2sf) =	vpush v12, $0xC;
	s1 =	spop (v2sf)  }
0x61d: {  	(drf) =	srem.u32 s6, s19;
	s9 =	spop (v2sf)  }
0x61e: {  	[smem:$0x6D5] =	sst s3;
	(v2sf) =	vpush v19, $0xD;
	s3 =	spop (v2sf)  }
0x61f: {  	(v2sf) =	vpush v12, $0xD;
	(drf) =	srem.u32 s7, s2;
	s10 =	spop (v2sf)  }
0x620: {  	s14 =	spop (v2sf)  }
0x621: {  	s5 =	sadd.s32 s5, s15;
	(drf) =	srem.u32 s8, s1;
	s11 =	spop (v2sf)  }
0x622: {  	(v2sf) =	vpush v19, $0xE;
	v19 =	vld [tilespmem:s5+$0x0];
	s13 =	spop (v2sf)  }
0x623: {  	(drf) =	srem.u32 s9, s3;
	s7 =	spop (v2sf)  }
0x624: {  	(v2sf) =	vpush v12, $0xE;
	(drf) =	srem.u32 s10, s14;
	s12 =	spop (v2sf)  }
0x625: {  	(drf) =	srem.u32 s11, s13;
	s8 =	spop (v2sf)  }
0x626: {  	(drf) =	srem.u32 s7, s12;
	s7 =	spop (drf)  }
0x627: {  	(v2sf) =	vpush v19, $0x0;
	s10 =	spop (v2sf)  }
0x628: {  	(v2sf) =	vpush v19, $0xF;
	s6 =	spop (drf)  }
0x629: {  	s9 =	spop (v2sf)  }
0x62a: {  	(v2sf) =	vpush v19, $0x1;
	s21 =	spop (drf)  }
0x62b: {  	(v2sf) =	vpush v19, $0x2;
	(drf) =	srem.u32 s8, s10;
	s11 =	spop (v2sf)  }
0x62c: {  	(v2sf) =	vpush v19, $0x3;
	s22 =	spop (drf);
	(drf) =	srem.u32 s9, s11  }
0x62d: {  	(v2sf) =	vpush v19, $0x4;
	s16 =	spop (v2sf)  }
0x62e: {  	s8 =	smov.u32 s11;
	s11 =	spop (v2sf)  }
0x62f: {  	(v2sf) =	vpush v19, $0x5;
	s29 =	spop (drf);
	(drf) =	srem.u32 s16, s11  }
0x630: {  	(v2sf) =	vpush v19, $0x6;
	s30 =	spop (drf)  }
0x631: {  	s5 =	spop (v2sf)  }
0x632: {  	(v2sf) =	vpush v19, $0x7;
	s31 =	spop (drf)  }
0x633: {  	[smem:$0x73D] =	sst s15;
	s9 =	spop (v2sf)  }
0x634: {  	(v2sf) =	vpush v19, $0x8;
	(drf) =	srem.u32 s5, s9;
	s17 =	spop (drf)  }
0x635: {  	[smem:$0x743] =	sst s20;
	s18 =	spop (drf)  }
0x636: {  	[smem:$0x6D7] =	sst s17;
	s16 =	spop (v2sf)  }
0x637: {  	(drf) =	srem.u32 s16, s23;
	s17 =	spop (v2sf)  }
0x638: {  	(v2sf) =	vpush v19, $0x9;
	[smem:$0x6D8] =	sst s18;
	s24 =	spop (drf)  }
0x639: {  	(drf) =	srem.u32 s17, s20;
	s18 =	spop (v2sf)  }
0x63a: {  	[smem:$0x6D9] =	sst s24;
	s20 =	spop (v2sf)  }
0x63b: {  	(v2sf) =	vpush v19, $0xA;
	(drf) =	srem.u32 s18, s28;
	s24 =	spop (v2sf)  }
0x63c: {  	(v2sf) =	vpush v19, $0xB;
	(drf) =	srem.u32 s20, s25;
	s0 =	spop (v2sf)  }
0x63d: {  	(v2sf) =	vpush v19, $0xC;
	(drf) =	srem.u32 s24, s26;
	s15 =	spop (drf)  }
0x63e: {  	(v2sf) =	vpush v19, $0xD;
	(drf) =	srem.u32 s0, s19;
	s24 =	spop (v2sf)  }
0x63f: {  	s5 =	smov.u32 s2;
	(v2sf) =	vpush v19, $0xE;
	(drf) =	srem.u32 s24, s2;
	s2 =	spop (v2sf)  }
0x640: {  	[smem:$0x72B] =	sst s1;
	s16 =	spop (drf)  }
0x641: {  	(drf) =	srem.u32 s2, s1;
	s1 =	spop (v2sf)  }
0x642: {  	[smem:$0x747] =	sst s19;
	s17 =	spop (drf)  }
0x643: {  	[smem:$0x72D] =	sst s3;
	s2 =	spop (v2sf)  }
0x644: {  	s24 =	sld [smem:$0x6D4];
	s18 =	spop (drf)  }
0x645: {  	(drf) =	srem.u32 s1, s3;
	s19 =	spop (drf)  }
0x646: {  	s3 =	sld [smem:$0x6D3];
	s20 =	spop (drf)  }
0x647: {  	v19 =	vmov s4;
	s4 =	smov.u32 s14;
	(drf) =	srem.u32 s2, s14;
	s14 =	spop (v2sf)  }
0x648: {  	(drf) =	srem.u32 s14, s13;
	s14 =	sld [smem:$0x6D5]  }
0x649: {  	v20 =	vmov s17;
	s17 =	sld [smem:$0x6D6];
	v19 =	vsel vm2, s3, v19;
	s0 =	spop (drf)  }
0x64a: {  	v19 =	vsel vm3, s24, v19;
	s3 =	spop (v2sf)  }
0x64b: {  	v20 =	vsel vm2, s16, v20;
	(drf) =	srem.u32 s3, s12;
	s16 =	spop (v2sf);
	v19 =	vsel vm4, s14, v19  }
0x64c: {  	v20 =	vsel vm3, s18, v20;
	(drf) =	srem.u32 s16, s10;
	s18 =	spop (v2sf);
	v19 =	vsel vm5, s17, v19  }
0x64d: {  	v20 =	vsel vm4, s19, v20;
	(drf) =	srem.u32 s18, s8;
	s19 =	spop (v2sf);
	v19 =	vsel vm6, s7, v19  }
0x64e: {  	v20 =	vsel vm5, s20, v20;
	(drf) =	srem.u32 s19, s11;
	s20 =	spop (v2sf);
	v19 =	vsel vm7, s6, v19  }
0x64f: {  	s24 =	spop (drf);
	v20 =	vsel vm6, s0, v20;
	(drf) =	srem.u32 s20, s9;
	v19 =	vsel vm8, s21, v19  }
0x650: {  	s1 =	spop (drf);
	v20 =	vsel vm7, s24, v20;
	v19 =	vsel vm9, s22, v19  }
0x651: {  	v20 =	vsel vm8, s1, v20;
	s2 =	spop (drf);
	s7 =	sld [smem:$0x6D7];
	v19 =	vsel vm15, s29, v19  }
0x652: {  	vm0 =	vcmask $0x2B28;
	s16 =	sld [smem:$0x6D8];
	v20 =	vsel vm9, s2, v20;
	s3 =	spop (drf);
	v19 =	vsel vm1, s30, v19  }
0x653: {  	s18 =	sld [smem:$0x6D9];
	v20 =	vsel vm15, s3, v20;
	s6 =	spop (drf);
	v19 =	vsel vm0, s31, v19  }
0x654: {  	s14 =	smov.u32 s8;
	v20 =	vsel vm1, s6, v20;
	s8 =	spop (drf);
	v19 =	vsel vm11, s7, v19  }
0x655: {  	v20 =	vsel vm0, s8, v20;
	s17 =	spop (drf);
	v19 =	vsel vm12, s16, v19  }
0x656: {  	v20 =	vsel vm11, s17, v20;
	s19 =	spop (drf);
	v19 =	vsel vm13, s18, v19  }
0x657: {  	v20 =	vsel vm12, s19, v20;
	s20 =	spop (drf);
	v19 =	vsel vm14, s15, v19  }
0x658: {  	v20 =	vsel vm13, s20, v20;
	s21 =	spop (drf);
	v19 =	vmul.u32 v13, v19  }
0x659: {  	v20 =	vsel vm14, s21, v20  }
0x65a: {  	v19 =	vadd.s32 v20, v19  }
0x65b: {  	(v2sf) =	vpush v19, $0x0  }
0x65c: {  	(v2sf) =	vpush v19, $0xF  }
0x65d: {  	(v2sf) =	vpush v19, $0x1  }
0x65e: {  	(v2sf) =	vpush v19, $0x2  }
0x65f: {  	(v2sf) =	vpush v19, $0x3  }
0x660: {  	(v2sf) =	vpush v19, $0x4  }
0x661: {  	(v2sf) =	vpush v19, $0x5  }
0x662: {  	(v2sf) =	vpush v19, $0x6  }
0x663: {  	(v2sf) =	vpush v19, $0x7  }
0x664: {  	(v2sf) =	vpush v19, $0x8;
	_ =	sdelay $0x1  }
0x665: {  	(v2sf) =	vpush v19, $0x9  }
0x666: {  	s2 =	sld [smem:$0x769]  }
0x667: {  	s6 =	rddreg [dreg:$0x1f]  }
0x668: {  	s17 =	sld [smem:$0x743]  }
0x669: {  	s19 =	sld [smem:$0x747];
	s22 =	spop (v2sf)  }
0x66a: {  	(drf) =	srem.u32 s22, s23;
	s24 =	spop (v2sf)  }
0x66b: {  	(drf) =	srem.u32 s24, s17;
	s29 =	spop (v2sf)  }
0x66c: {  	s2 =	sshra.s32 s2, $0x2;
	(drf) =	srem.u32 s29, s28;
	s30 =	spop (v2sf)  }
0x66d: {  	s1 =	sadd.s32 s2, s6;
	(v2sf) =	vpush v19, $0xA;
	(drf) =	srem.u32 s30, s25;
	s31 =	spop (v2sf)  }
0x66e: {  	v20 =	vld [tilespmem:s1+$0xFFFFFFD0];
	(drf) =	srem.u32 s31, s26;
	s3 =	spop (v2sf)  }
0x66f: {  	(v2sf) =	vpush v19, $0xB;
	(drf) =	srem.u32 s3, s19;
	s7 =	spop (v2sf)  }
0x670: {  	(v2sf) =	vpush v19, $0xC;
	(drf) =	srem.u32 s7, s5;
	s15 =	spop (v2sf)  }
0x671: {  	(v2sf) =	vpush v19, $0xD;
	s7 =	sld [smem:$0x72B];
	s31 =	spop (v2sf)  }
0x672: {  	[smem:$0x73B] =	sst s1;
	(v2sf) =	vpush v19, $0xE;
	s1 =	spop (v2sf)  }
0x673: {  	[smem:$0x742] =	sst s23;
	(v2sf) =	vpush v20, $0x0;
	s16 =	spop (drf)  }
0x674: {  	(v2sf) =	vpush v20, $0xF;
	(drf) =	srem.u32 s15, s7;
	s3 =	spop (v2sf)  }
0x675: {  	[smem:$0x744] =	sst s28;
	(v2sf) =	vpush v20, $0x1;
	s18 =	spop (drf)  }
0x676: {  	[smem:$0x745] =	sst s25;
	s20 =	spop (drf)  }
0x677: {  	(v2sf) =	vpush v20, $0x2;
	[smem:$0x6E3] =	sst s16;
	s21 =	spop (drf)  }
0x678: {  	[smem:$0x6E7] =	sst s21  }
0x679: {  	s22 =	spop (drf);
	s21 =	sld [smem:$0x72D]  }
0x67a: {  	[smem:$0x6E2] =	sst s18;
	s24 =	spop (drf)  }
0x67b: {  	[smem:$0x6EB] =	sst s24;
	s29 =	spop (drf)  }
0x67c: {  	s6 =	spop (v2sf);
	(drf) =	srem.u32 s31, s21  }
0x67d: {  	s8 =	smov.u32 s5;
	(drf) =	srem.u32 s1, s4;
	s30 =	spop (drf)  }
0x67e: {  	s5 =	smov.u32 s13;
	(drf) =	srem.u32 s3, s13;
	s13 =	spop (v2sf)  }
0x67f: {  	(drf) =	srem.u32 s6, s12;
	s15 =	spop (v2sf)  }
0x680: {  	(drf) =	srem.u32 s13, s10;
	s16 =	spop (v2sf)  }
0x681: {  	(drf) =	srem.u32 s15, s14;
	s18 =	spop (v2sf)  }
0x682: {  	(v2sf) =	vpush v20, $0x3;
	(drf) =	srem.u32 s16, s11;
	s24 =	spop (v2sf)  }
0x683: {  	(v2sf) =	vpush v20, $0x4;
	(drf) =	srem.u32 s18, s9;
	s31 =	spop (v2sf)  }
0x684: {  	(v2sf) =	vpush v20, $0x5;
	s16 =	smov.u32 s23;
	(drf) =	srem.u32 s24, s23;
	s23 =	spop (v2sf)  }
0x685: {  	[smem:$0x6E5] =	sst s20;
	s1 =	spop (drf)  }
0x686: {  	[smem:$0x6ED] =	sst s29;
	(v2sf) =	vpush v20, $0x6;
	s24 =	spop (v2sf)  }
0x687: {  	[smem:$0x6EF] =	sst s30;
	(v2sf) =	vpush v20, $0x7;
	s3 =	spop (drf)  }
0x688: {  	(v2sf) =	vpush v20, $0x8;
	(drf) =	srem.u32 s31, s17;
	s6 =	spop (drf)  }
0x689: {  	s13 =	smov.u32 s9;
	(v2sf) =	vpush v20, $0x9;
	[smem:$0x6F1] =	sst s1;
	s9 =	spop (drf)  }
0x68a: {  	s30 =	smov.u32 s10;
	(v2sf) =	vpush v20, $0xA;
	[smem:$0x6F3] =	sst s3;
	s10 =	spop (drf)  }
0x68b: {  	s20 =	smov.u32 s11;
	[smem:$0x6F5] =	sst s6;
	s11 =	spop (drf)  }
0x68c: {  	s29 =	smov.u32 s14;
	(v2sf) =	vpush v20, $0xB;
	[smem:$0x6F7] =	sst s9;
	s14 =	spop (drf)  }
0x68d: {  	[smem:$0x6F9] =	sst s10;
	s15 =	spop (drf)  }
0x68e: {  	(v2sf) =	vpush v20, $0xC;
	[smem:$0x6FB] =	sst s11;
	s18 =	spop (drf)  }
0x68f: {  	(drf) =	srem.u32 s23, s28;
	[smem:$0x6DA] =	sst s18  }
0x690: {  	(drf) =	srem.u32 s24, s25;
	s18 =	smov.u32 s28;
	s28 =	sld [smem:$0x73D]  }
0x691: {  	[smem:$0x6FF] =	sst s15;
	s15 =	smov.u32 s25;
	s25 =	spop (v2sf)  }
0x692: {  	(drf) =	srem.u32 s25, s26;
	s31 =	spop (v2sf)  }
0x693: {  	(drf) =	srem.u32 s31, s19;
	s0 =	spop (v2sf);
	s3 =	sadd.s32 s2, s28  }
0x694: {  	s1 =	spop (drf);
	(drf) =	srem.u32 s0, s8;
	v19 =	vld [tilespmem:s3+$0xFFFFFFD0]  }
0x695: {  	[smem:$0x73C] =	sst s3;
	s3 =	spop (v2sf)  }
0x696: {  	(drf) =	srem.u32 s3, s7;
	s6 =	spop (v2sf)  }
0x697: {  	(v2sf) =	vpush v20, $0xD;
	(drf) =	srem.u32 s6, s21;
	s9 =	spop (v2sf)  }
0x698: {  	(v2sf) =	vpush v20, $0xE;
	(drf) =	srem.u32 s9, s4;
	s10 =	spop (v2sf)  }
0x699: {  	(drf) =	srem.u32 s10, s5;
	s11 =	spop (v2sf);
	(v2sf) =	vpush v19, $0x0  }
0x69a: {  	(drf) =	srem.u32 s11, s12;
	s11 =	spop (drf);
	(v2sf) =	vpush v19, $0xF  }
0x69b: {  	s0 =	smov.u32 s21;
	s21 =	spop (v2sf);
	(v2sf) =	vpush v19, $0x1  }
0x69c: {  	s10 =	spop (drf);
	(v2sf) =	vpush v19, $0x2  }
0x69d: {  	s24 =	spop (v2sf);
	(v2sf) =	vpush v19, $0x3  }
0x69e: {  	s9 =	spop (drf);
	(v2sf) =	vpush v19, $0x4  }
0x69f: {  	s6 =	spop (drf)  }
0x6a0: {  	s23 =	spop (drf)  }
0x6a1: {  	[smem:$0x746] =	sst s26;
	s25 =	spop (drf);
	(v2sf) =	vpush v19, $0x5  }
0x6a2: {  	[smem:$0x6FD] =	sst s14;
	s14 =	smov.u32 s26;
	s26 =	spop (drf)  }
0x6a3: {  	s28 =	spop (drf);
	(v2sf) =	vpush v19, $0x6  }
0x6a4: {  	(drf) =	srem.u32 s21, s30;
	s31 =	spop (drf)  }
0x6a5: {  	(drf) =	srem.u32 s24, s29;
	s2 =	spop (drf)  }
0x6a6: {  	[smem:$0x6DB] =	sst s2;
	s2 =	spop (v2sf);
	(v2sf) =	vpush v19, $0x7  }
0x6a7: {  	(drf) =	srem.u32 s2, s20;
	s3 =	spop (v2sf)  }
0x6a8: {  	(v2sf) =	vpush v19, $0x8;
	(drf) =	srem.u32 s3, s13;
	s3 =	smov.u32 s13;
	s13 =	spop (v2sf)  }
0x6a9: {  	(drf) =	srem.u32 s13, s16;
	s16 =	spop (v2sf)  }
0x6aa: {  	(drf) =	srem.u32 s16, s17;
	s17 =	spop (v2sf)  }
0x6ab: {  	s2 =	smov.u32 s20;
	s20 =	spop (v2sf)  }
0x6ac: {  	(drf) =	srem.u32 s17, s18;
	s21 =	spop (v2sf)  }
0x6ad: {  	(v2sf) =	vpush v19, $0x9;
	(drf) =	srem.u32 s20, s15;
	s24 =	spop (v2sf)  }
0x6ae: {  	(v2sf) =	vpush v19, $0xA;
	(drf) =	srem.u32 s21, s14;
	s14 =	spop (drf)  }
0x6af: {  	(v2sf) =	vpush v19, $0xB;
	s15 =	spop (drf)  }
0x6b0: {  	(v2sf) =	vpush v19, $0xC;
	(drf) =	srem.u32 s24, s19;
	s24 =	spop (v2sf)  }
0x6b1: {  	[smem:$0x72A] =	sst s8;
	(v2sf) =	vpush v19, $0xD;
	s13 =	spop (drf)  }
0x6b2: {  	(v2sf) =	vpush v19, $0xE;
	(drf) =	srem.u32 s24, s8;
	s8 =	spop (v2sf)  }
0x6b3: {  	[smem:$0x6E9] =	sst s22;
	s22 =	smov.u32 s12;
	s12 =	spop (drf)  }
0x6b4: {  	s16 =	spop (drf)  }
0x6b5: {  	(drf) =	srem.u32 s8, s7;
	s8 =	spop (v2sf)  }
0x6b6: {  	s17 =	spop (drf)  }
0x6b7: {  	(drf) =	srem.u32 s8, s0;
	s8 =	spop (v2sf)  }
0x6b8: {  	s18 =	spop (drf)  }
0x6b9: {  	s24 =	sld [smem:$0x6DA];
	s19 =	spop (drf)  }
0x6ba: {  	s20 =	spop (drf)  }
0x6bb: {  	v19 =	vmov s1;
	s21 =	spop (drf)  }
0x6bc: {  	v19 =	vsel vm2, s24, v19;
	(drf) =	srem.u32 s8, s4;
	s8 =	spop (v2sf)  }
0x6bd: {  	v19 =	vsel vm3, s11, v19;
	v20 =	vmov s17;
	(drf) =	srem.u32 s8, s5;
	s11 =	spop (v2sf)  }
0x6be: {  	v19 =	vsel vm4, s10, v19;
	v20 =	vsel vm2, s16, v20;
	(drf) =	srem.u32 s11, s22;
	s17 =	spop (v2sf)  }
0x6bf: {  	v19 =	vsel vm5, s9, v19;
	v20 =	vsel vm3, s18, v20;
	(drf) =	srem.u32 s17, s30;
	s18 =	spop (v2sf)  }
0x6c0: {  	v19 =	vsel vm6, s6, v19;
	v20 =	vsel vm4, s19, v20;
	(drf) =	srem.u32 s18, s29;
	s19 =	spop (v2sf)  }
0x6c1: {  	v19 =	vsel vm7, s23, v19;
	v20 =	vsel vm5, s20, v20;
	(drf) =	srem.u32 s19, s2;
	s24 =	spop (v2sf)  }
0x6c2: {  	v19 =	vsel vm8, s25, v19;
	s25 =	spop (drf);
	v20 =	vsel vm6, s21, v20;
	(drf) =	srem.u32 s24, s3  }
0x6c3: {  	s6 =	sld [smem:$0x6DB];
	v19 =	vsel vm9, s26, v19;
	s26 =	spop (drf);
	v20 =	vsel vm7, s25, v20  }
0x6c4: {  	v19 =	vsel vm15, s28, v19;
	v20 =	vsel vm8, s26, v20;
	s28 =	spop (drf)  }
0x6c5: {  	v19 =	vsel vm1, s31, v19;
	v20 =	vsel vm9, s28, v20;
	s31 =	spop (drf)  }
0x6c6: {  	v19 =	vsel vm0, s6, v19;
	v20 =	vsel vm15, s31, v20;
	s8 =	spop (drf)  }
0x6c7: {  	v19 =	vsel vm11, s14, v19;
	v20 =	vsel vm1, s8, v20;
	s9 =	spop (drf)  }
0x6c8: {  	v19 =	vsel vm12, s15, v19;
	v20 =	vsel vm0, s9, v20;
	s11 =	spop (drf)  }
0x6c9: {  	v19 =	vsel vm13, s13, v19;
	v20 =	vsel vm11, s11, v20;
	s13 =	spop (drf)  }
0x6ca: {  	v19 =	vsel vm14, s12, v19;
	v20 =	vsel vm12, s13, v20;
	s14 =	spop (drf)  }
0x6cb: {  	v19 =	vmul.u32 v13, v19;
	v20 =	vsel vm13, s14, v20;
	s15 =	spop (drf)  }
0x6cc: {  	v20 =	vsel vm14, s15, v20  }
0x6cd: {  	v19 =	vadd.s32 v20, v19  }
0x6ce: {  	(v2sf) =	vpush v19, $0x0  }
0x6cf: {  	(v2sf) =	vpush v19, $0xF  }
0x6d0: {  	(v2sf) =	vpush v19, $0x1  }
0x6d1: {  	(v2sf) =	vpush v19, $0x2  }
0x6d2: {  	(v2sf) =	vpush v19, $0x3  }
0x6d3: {  	(v2sf) =	vpush v19, $0x4  }
0x6d4: {  	(v2sf) =	vpush v19, $0x5  }
0x6d5: {  	(v2sf) =	vpush v19, $0x6  }
0x6d6: {  	s23 =	sld [smem:$0x743]  }
0x6d7: {  	s25 =	sld [smem:$0x745];
	(v2sf) =	vpush v19, $0x7  }
0x6d8: {  	s26 =	sld [smem:$0x746]  }
0x6d9: {  	s24 =	sld [smem:$0x742];
	(v2sf) =	vpush v19, $0x8  }
0x6da: {  	s28 =	sld [smem:$0x744]  }
0x6db: {  	s31 =	sld [smem:$0x73B];
	(v2sf) =	vpush v19, $0x9  }
0x6dc: {  	s9 =	sld [smem:$0x747]  }
0x6dd: {  	s13 =	sld [smem:$0x72A];
	s16 =	spop (v2sf)  }
0x6de: {  	(drf) =	srem.u32 s16, s24;
	s17 =	spop (v2sf)  }
0x6df: {  	(drf) =	srem.u32 s17, s23;
	s18 =	spop (v2sf)  }
0x6e0: {  	(v2sf) =	vpush v19, $0xA;
	(drf) =	srem.u32 s18, s28;
	s19 =	spop (v2sf)  }
0x6e1: {  	(drf) =	srem.u32 s19, s25;
	s20 =	spop (v2sf)  }
0x6e2: {  	(v2sf) =	vpush v19, $0xB;
	(drf) =	srem.u32 s20, s26;
	s21 =	spop (v2sf)  }
0x6e3: {  	(drf) =	srem.u32 s21, s9;
	s1 =	spop (v2sf)  }
0x6e4: {  	(drf) =	srem.u32 s1, s13;
	s6 =	spop (v2sf)  }
0x6e5: {  	v20 =	vld [tilespmem:s31+$0xFFFFFFE0];
	(drf) =	srem.u32 s6, s7  }
0x6e6: {  	s18 =	spop (v2sf)  }
0x6e7: {  	(v2sf) =	vpush v19, $0xC;
	s1 =	sld [smem:$0x72D];
	s0 =	spop (drf)  }
0x6e8: {  	(v2sf) =	vpush v19, $0xD;
	s19 =	spop (v2sf)  }
0x6e9: {  	(v2sf) =	vpush v19, $0xE;
	s8 =	spop (drf)  }
0x6ea: {  	s20 =	spop (v2sf);
	(drf) =	srem.u32 s18, s1  }
0x6eb: {  	(v2sf) =	vpush v20, $0x0;
	s11 =	spop (drf);
	(drf) =	srem.u32 s19, s4  }
0x6ec: {  	s12 =	spop (drf);
	(drf) =	srem.u32 s20, s5  }
0x6ed: {  	(v2sf) =	vpush v20, $0xF;
	s14 =	spop (drf)  }
0x6ee: {  	(v2sf) =	vpush v20, $0x1;
	s15 =	spop (drf)  }
0x6ef: {  	s10 =	smov.u32 s22;
	[smem:$0x6E4] =	sst s8;
	(v2sf) =	vpush v20, $0x2;
	s21 =	spop (v2sf)  }
0x6f0: {  	s16 =	spop (drf);
	(v2sf) =	vpush v20, $0x3;
	(drf) =	srem.u32 s21, s10  }
0x6f1: {  	[smem:$0x6E8] =	sst s11;
	s31 =	spop (v2sf);
	(v2sf) =	vpush v20, $0x4  }
0x6f2: {  	s17 =	spop (drf);
	(drf) =	srem.u32 s31, s30;
	(v2sf) =	vpush v20, $0x5  }
0x6f3: {  	[smem:$0x6EE] =	sst s15;
	s15 =	spop (drf)  }
0x6f4: {  	[smem:$0x6F0] =	sst s16;
	s16 =	spop (drf)  }
0x6f5: {  	[smem:$0x6F2] =	sst s17;
	s17 =	spop (drf)  }
0x6f6: {  	[smem:$0x6EA] =	sst s12;
	s6 =	spop (v2sf)  }
0x6f7: {  	[smem:$0x6F4] =	sst s15;
	s8 =	spop (v2sf)  }
0x6f8: {  	[smem:$0x6F6] =	sst s16;
	(v2sf) =	vpush v20, $0x6;
	s10 =	spop (v2sf)  }
0x6f9: {  	(drf) =	srem.u32 s6, s29;
	s18 =	spop (drf)  }
0x6fa: {  	(v2sf) =	vpush v20, $0x7;
	(drf) =	srem.u32 s8, s2;
	s11 =	spop (v2sf)  }
0x6fb: {  	(drf) =	srem.u32 s10, s3;
	s20 =	spop (drf)  }
0x6fc: {  	(v2sf) =	vpush v20, $0x8;
	(drf) =	srem.u32 s11, s24;
	s12 =	spop (v2sf)  }
0x6fd: {  	(drf) =	srem.u32 s12, s23;
	s11 =	spop (v2sf)  }
0x6fe: {  	[smem:$0x6F8] =	sst s17;
	(v2sf) =	vpush v20, $0x9;
	s12 =	spop (v2sf)  }
0x6ff: {  	(drf) =	srem.u32 s11, s28;
	s15 =	spop (v2sf)  }
0x700: {  	[smem:$0x6FA] =	sst s18;
	(v2sf) =	vpush v20, $0xA;
	s16 =	spop (v2sf)  }
0x701: {  	(drf) =	srem.u32 s12, s25;
	s18 =	spop (v2sf)  }
0x702: {  	s17 =	sld [smem:$0x73C];
	(v2sf) =	vpush v20, $0xB;
	s21 =	spop (drf)  }
0x703: {  	s8 =	smov.u32 s23;
	(v2sf) =	vpush v20, $0xC;
	(drf) =	srem.u32 s15, s26;
	s23 =	spop (drf)  }
0x704: {  	s31 =	smov.u32 s29;
	(v2sf) =	vpush v20, $0xD;
	s29 =	spop (drf)  }
0x705: {  	v19 =	vld [tilespmem:s17+$0xFFFFFFE0];
	(drf) =	srem.u32 s16, s9;
	s6 =	spop (drf)  }
0x706: {  	[smem:$0x6FC] =	sst s20;
	s10 =	spop (drf)  }
0x707: {  	(drf) =	srem.u32 s18, s13;
	s20 =	spop (v2sf)  }
0x708: {  	(v2sf) =	vpush v20, $0xE;
	[smem:$0x6FE] =	sst s21;
	s15 =	spop (drf)  }
0x709: {  	[smem:$0x700] =	sst s23;
	s21 =	spop (v2sf)  }
0x70a: {  	(v2sf) =	vpush v19, $0x0;
	[smem:$0x701] =	sst s29;
	s16 =	spop (drf)  }
0x70b: {  	(drf) =	srem.u32 s20, s7;
	s23 =	spop (v2sf)  }
0x70c: {  	(v2sf) =	vpush v19, $0xF;
	(drf) =	srem.u32 s21, s1;
	s17 =	spop (drf)  }
0x70d: {  	(v2sf) =	vpush v19, $0x1;
	(drf) =	srem.u32 s23, s4;
	s29 =	spop (v2sf)  }
0x70e: {  	[smem:$0x6DC] =	sst s10;
	(v2sf) =	vpush v19, $0x2;
	s18 =	spop (drf)  }
0x70f: {  	s10 =	smov.u32 s1;
	(v2sf) =	vpush v19, $0x3;
	(drf) =	srem.u32 s29, s5;
	s1 =	spop (v2sf)  }
0x710: {  	s20 =	spop (drf)  }
0x711: {  	s19 =	smov.u32 s22;
	(v2sf) =	vpush v19, $0x4;
	(drf) =	srem.u32 s1, s22;
	s22 =	spop (v2sf)  }
0x712: {  	s23 =	smov.u32 s30;
	(drf) =	srem.u32 s22, s30;
	s30 =	spop (v2sf)  }
0x713: {  	[smem:$0x6EC] =	sst s14;
	s14 =	smov.u32 s2;
	s1 =	spop (v2sf)  }
0x714: {  	[smem:$0x6DD] =	sst s6;
	s6 =	smov.u32 s9;
	(v2sf) =	vpush v19, $0x5;
	s29 =	spop (drf)  }
0x715: {  	s9 =	smov.u32 s4;
	(v2sf) =	vpush v19, $0x6;
	(drf) =	srem.u32 s30, s31;
	s4 =	spop (drf)  }
0x716: {  	s12 =	smov.u32 s5;
	(drf) =	srem.u32 s1, s14;
	s5 =	spop (drf)  }
0x717: {  	(v2sf) =	vpush v19, $0x7;
	[smem:$0x6DE] =	sst s4;
	s4 =	spop (v2sf)  }
0x718: {  	s11 =	smov.u32 s7;
	[smem:$0x6DF] =	sst s5;
	s7 =	spop (drf)  }
0x719: {  	(drf) =	srem.u32 s4, s3;
	s5 =	spop (v2sf)  }
0x71a: {  	[smem:$0x6E0] =	sst s7;
	s21 =	spop (drf)  }
0x71b: {  	(drf) =	srem.u32 s5, s24;
	s7 =	spop (v2sf)  }
0x71c: {  	(v2sf) =	vpush v19, $0x8;
	[smem:$0x6E1] =	sst s21;
	s14 =	spop (v2sf)  }
0x71d: {  	(drf) =	srem.u32 s7, s8;
	s21 =	spop (v2sf)  }
0x71e: {  	(v2sf) =	vpush v19, $0x9;
	(drf) =	srem.u32 s14, s28;
	s24 =	spop (v2sf)  }
0x71f: {  	(drf) =	srem.u32 s21, s25;
	s21 =	spop (drf)  }
0x720: {  	(v2sf) =	vpush v19, $0xA;
	s25 =	spop (v2sf)  }
0x721: {  	(v2sf) =	vpush v19, $0xB;
	(drf) =	srem.u32 s24, s26;
	s24 =	spop (drf)  }
0x722: {  	(v2sf) =	vpush v19, $0xC;
	(drf) =	srem.u32 s25, s6;
	s6 =	spop (drf)  }
0x723: {  	(v2sf) =	vpush v19, $0xD;
	s26 =	spop (v2sf)  }
0x724: {  	[smem:$0x6E6] =	sst s0;
	(v2sf) =	vpush v19, $0xE;
	s28 =	spop (v2sf)  }
0x725: {  	(drf) =	srem.u32 s26, s13;
	s7 =	spop (drf)  }
0x726: {  	s8 =	smov.u32 s13;
	s26 =	sld [smem:$0x6DC];
	s13 =	spop (v2sf)  }
0x727: {  	(drf) =	srem.u32 s28, s11;
	s1 =	spop (drf)  }
0x728: {  	s22 =	smov.u32 s31;
	(drf) =	srem.u32 s13, s10;
	s0 =	spop (drf)  }
0x729: {  	s31 =	smov.u32 s2;
	s13 =	sld [smem:$0x6DD];
	s2 =	spop (drf)  }
0x72a: {  	s30 =	smov.u32 s3;
	s3 =	spop (drf)  }
0x72b: {  	s25 =	smov.u32 s11;
	s11 =	sld [smem:$0x6DE];
	v19 =	vmov s26;
	s28 =	spop (v2sf)  }
0x72c: {  	v19 =	vsel vm2, s13, v19;
	s13 =	sld [smem:$0x6DF];
	s4 =	spop (drf)  }
0x72d: {  	v19 =	vsel vm3, s15, v19;
	(drf) =	srem.u32 s28, s9;
	s26 =	spop (v2sf)  }
0x72e: {  	v19 =	vsel vm4, s16, v19;
	s16 =	sld [smem:$0x6E0];
	s5 =	spop (drf)  }
0x72f: {  	v20 =	vmov s0;
	(drf) =	srem.u32 s26, s12;
	s28 =	spop (v2sf)  }
0x730: {  	v20 =	vsel vm2, s1, v20;
	(drf) =	srem.u32 s28, s19;
	s1 =	spop (v2sf)  }
0x731: {  	v20 =	vsel vm3, s2, v20;
	v19 =	vsel vm5, s17, v19;
	(drf) =	srem.u32 s1, s23;
	s2 =	spop (v2sf)  }
0x732: {  	v20 =	vsel vm4, s3, v20;
	v19 =	vsel vm6, s18, v19;
	(drf) =	srem.u32 s2, s22;
	s3 =	spop (v2sf)  }
0x733: {  	v20 =	vsel vm5, s4, v20;
	v19 =	vsel vm7, s20, v19;
	(drf) =	srem.u32 s3, s31;
	s4 =	spop (v2sf)  }
0x734: {  	v20 =	vsel vm6, s5, v20;
	s5 =	spop (drf);
	v19 =	vsel vm8, s29, v19;
	(drf) =	srem.u32 s4, s30  }
0x735: {  	s26 =	smov.u32 s12;
	s18 =	sld [smem:$0x6E1];
	v20 =	vsel vm7, s5, v20;
	s12 =	spop (drf);
	v19 =	vsel vm9, s11, v19  }
0x736: {  	v20 =	vsel vm8, s12, v20;
	s14 =	spop (drf);
	v19 =	vsel vm15, s13, v19  }
0x737: {  	v20 =	vsel vm9, s14, v20;
	v19 =	vsel vm1, s16, v19;
	s17 =	spop (drf)  }
0x738: {  	v19 =	vsel vm0, s18, v19;
	v20 =	vsel vm15, s17, v20;
	s20 =	spop (drf)  }
0x739: {  	v19 =	vsel vm11, s21, v19;
	v20 =	vsel vm1, s20, v20;
	s21 =	spop (drf)  }
0x73a: {  	s2 =	sld [smem:$0x6E2];
	v19 =	vsel vm12, s24, v19;
	v20 =	vsel vm0, s21, v20;
	s24 =	spop (drf)  }
0x73b: {  	s15 =	smov.u32 s23;
	s12 =	sld [smem:$0x6E7];
	v19 =	vsel vm13, s6, v19;
	v20 =	vsel vm11, s24, v20;
	s28 =	spop (drf)  }
0x73c: {  	s23 =	smov.u32 s31;
	s13 =	sld [smem:$0x742];
	v19 =	vsel vm14, s7, v19;
	v20 =	vsel vm12, s28, v20;
	s29 =	spop (drf)  }
0x73d: {  	s31 =	smov.u32 s30;
	s3 =	sld [smem:$0x6E3];
	v19 =	vmul.u32 v13, v19;
	v20 =	vsel vm13, s29, v20;
	s30 =	spop (drf)  }
0x73e: {  	s14 =	sld [smem:$0x6E8];
	v20 =	vsel vm14, s30, v20  }
0x73f: {  	s4 =	sld [smem:$0x6E4];
	v21 =	vadd.s32 v20, v19  }
0x740: {  	s18 =	sld [smem:$0x6EA];
	(v2sf) =	vpush v21, $0x0  }
0x741: {  	s17 =	sld [smem:$0x6E9]  }
0x742: {  	s6 =	sld [smem:$0x6E5]  }
0x743: {  	s7 =	sld [smem:$0x6E6]  }
0x744: {  	s21 =	sld [smem:$0x6EB];
	(v2sf) =	vpush v21, $0xF  }
0x745: {  	s24 =	sld [smem:$0x6EC]  }
0x746: {  	s29 =	sld [smem:$0x6ED];
	(v2sf) =	vpush v21, $0x1  }
0x747: {  	s30 =	sld [smem:$0x6EE];
	(v2sf) =	vpush v21, $0x2  }
0x748: {  	v19 =	vmov s2;
	v20 =	vmov s4;
	s4 =	sld [smem:$0x6F0];
	(v2sf) =	vpush v21, $0x3  }
0x749: {  	v19 =	vsel vm2, s3, v19;
	s3 =	sld [smem:$0x6EF];
	(v2sf) =	vpush v21, $0x4  }
0x74a: {  	v20 =	vsel vm2, s7, v20;
	s7 =	sld [smem:$0x6F1]  }
0x74b: {  	v20 =	vsel vm3, s14, v20;
	s14 =	sld [smem:$0x743]  }
0x74c: {  	v19 =	vsel vm3, s6, v19;
	v20 =	vsel vm4, s18, v20;
	s18 =	sld [smem:$0x744];
	(v2sf) =	vpush v21, $0x5  }
0x74d: {  	v19 =	vsel vm4, s12, v19;
	s12 =	sld [smem:$0x747];
	(v2sf) =	vpush v21, $0x6  }
0x74e: {  	v19 =	vsel vm5, s17, v19;
	s17 =	sld [smem:$0x745];
	(v2sf) =	vpush v21, $0x7  }
0x74f: {  	v20 =	vsel vm5, s24, v20;
	s24 =	sld [smem:$0x6F4];
	(v2sf) =	vpush v21, $0x8;
	s1 =	spop (v2sf)  }
0x750: {  	v19 =	vsel vm6, s21, v19;
	s21 =	sld [smem:$0x6F3];
	(drf) =	srem.u32 s1, s13  }
0x751: {  	v20 =	vsel vm6, s30, v20;
	s30 =	sld [smem:$0x6F6]  }
0x752: {  	v19 =	vsel vm7, s29, v19;
	s29 =	sld [smem:$0x6F5]  }
0x753: {  	v20 =	vsel vm7, s4, v20;
	s4 =	sld [smem:$0x6F8];
	s11 =	spop (v2sf)  }
0x754: {  	v19 =	vsel vm8, s3, v19;
	s3 =	sld [smem:$0x6F7];
	(drf) =	srem.u32 s11, s14  }
0x755: {  	(v2sf) =	vpush v21, $0x9;
	s16 =	spop (v2sf);
	s11 =	sld [smem:$0x6F2]  }
0x756: {  	(drf) =	srem.u32 s16, s18;
	s20 =	spop (v2sf)  }
0x757: {  	s16 =	sld [smem:$0x746];
	s28 =	spop (v2sf)  }
0x758: {  	s2 =	spop (v2sf);
	v20 =	vsel vm8, s11, v20;
	s11 =	sld [smem:$0x6F9]  }
0x759: {  	v20 =	vsel vm9, s24, v20;
	s24 =	sld [smem:$0x6FB];
	s5 =	spop (drf)  }
0x75a: {  	(v2sf) =	vpush v21, $0xA;
	(drf) =	srem.u32 s20, s17;
	[smem:$0x707] =	sst s5  }
0x75b: {  	(drf) =	srem.u32 s28, s16;
	s5 =	spop (v2sf)  }
0x75c: {  	v19 =	vsel vm9, s7, v19;
	(v2sf) =	vpush v21, $0xB;
	(drf) =	srem.u32 s2, s12;
	s20 =	spop (v2sf)  }
0x75d: {  	v19 =	vsel vm15, s21, v19;
	(drf) =	srem.u32 s5, s8;
	s28 =	spop (v2sf)  }
0x75e: {  	v19 =	vsel vm1, s29, v19;
	(drf) =	srem.u32 s20, s25;
	s2 =	spop (v2sf)  }
0x75f: {  	v19 =	vsel vm0, s3, v19;
	(drf) =	srem.u32 s28, s10;
	s28 =	sld [smem:$0x6FD]  }
0x760: {  	v19 =	vsel vm11, s11, v19;
	(v2sf) =	vpush v21, $0xC;
	(drf) =	srem.u32 s2, s9;
	s2 =	sld [smem:$0x6FF]  }
0x761: {  	s29 =	sld [smem:$0x6FE];
	v19 =	vsel vm12, s24, v19  }
0x762: {  	s20 =	sld [smem:$0x6FA];
	v19 =	vsel vm13, s28, v19  }
0x763: {  	(v2sf) =	vpush v21, $0xD;
	v19 =	vsel vm14, s2, v19;
	s2 =	sld [smem:$0x73B]  }
0x764: {  	v20 =	vsel vm15, s30, v20;
	s5 =	smov.u32 s25;
	s25 =	sld [smem:$0x6FC];
	s7 =	spop (v2sf)  }
0x765: {  	v20 =	vsel vm1, s4, v20;
	s21 =	spop (drf);
	(v2sf) =	vpush v21, $0xE;
	(drf) =	srem.u32 s7, s26  }
0x766: {  	s4 =	smov.u32 s26;
	v20 =	vsel vm0, s20, v20;
	s26 =	spop (drf);
	s7 =	sld [smem:$0x700];
	v32 =	vld [tilespmem:s2+$0xFFFFFFF0]  }
0x767: {  	v20 =	vsel vm11, s25, v20;
	s1 =	spop (drf)  }
0x768: {  	v20 =	vsel vm12, s29, v20;
	s11 =	spop (drf)  }
0x769: {  	[smem:$0x706] =	sst s21;
	v20 =	vsel vm13, s7, v20;
	s7 =	spop (v2sf)  }
0x76a: {  	s20 =	sld [smem:$0x701];
	s21 =	spop (drf)  }
0x76b: {  	[smem:$0x70D] =	sst s11;
	s11 =	spop (v2sf);
	(v2sf) =	vpush v32, $0x0  }
0x76c: {  	[smem:$0x709] =	sst s26;
	s24 =	spop (drf);
	(v2sf) =	vpush v32, $0xF  }
0x76d: {  	(drf) =	srem.u32 s7, s19;
	s25 =	spop (drf)  }
0x76e: {  	(drf) =	srem.u32 s11, s15;
	s26 =	spop (drf)  }
0x76f: {  	[smem:$0x715] =	sst s26;
	s26 =	smov.u32 s15;
	s15 =	spop (v2sf)  }
0x770: {  	(drf) =	srem.u32 s15, s22;
	(v2sf) =	vpush v32, $0x1  }
0x771: {  	(v2sf) =	vpush v32, $0x2  }
0x772: {  	v22 =	vsel vm14, s20, v20;
	s20 =	spop (v2sf);
	(v2sf) =	vpush v32, $0x3  }
0x773: {  	(drf) =	srem.u32 s20, s23;
	(v2sf) =	vpush v32, $0x4  }
0x774: {  	[smem:$0x70F] =	sst s21;
	s21 =	spop (v2sf);
	(v2sf) =	vpush v32, $0x5  }
0x775: {  	s29 =	spop (drf);
	(drf) =	srem.u32 s21, s31;
	(v2sf) =	vpush v32, $0x6  }
0x776: {  	[smem:$0x70B] =	sst s1;
	s1 =	spop (drf);
	(v2sf) =	vpush v32, $0x7  }
0x777: {  	[smem:$0x718] =	sst s29;
	s29 =	spop (drf);
	(v2sf) =	vpush v32, $0x8  }
0x778: {  	[smem:$0x71B] =	sst s1;
	s1 =	spop (drf)  }
0x779: {  	s2 =	spop (drf)  }
0x77a: {  	[smem:$0x713] =	sst s25;
	s25 =	smov.u32 s22;
	s22 =	spop (v2sf);
	(v2sf) =	vpush v32, $0x9  }
0x77b: {  	[smem:$0x711] =	sst s24;
	s24 =	spop (v2sf);
	(v2sf) =	vpush v32, $0xA  }
0x77c: {  	[smem:$0x71D] =	sst s29;
	s7 =	spop (drf)  }
0x77d: {  	[smem:$0x723] =	sst s7;
	(drf) =	srem.u32 s22, s13  }
0x77e: {  	s11 =	spop (drf);
	(drf) =	srem.u32 s24, s14;
	(v2sf) =	vpush v32, $0xB  }
0x77f: {  	s15 =	spop (v2sf);
	s24 =	sld [smem:$0x73C]  }
0x780: {  	(drf) =	srem.u32 s15, s18;
	s20 =	spop (v2sf);
	(v2sf) =	vpush v32, $0xC  }
0x781: {  	(drf) =	srem.u32 s20, s17;
	s21 =	spop (v2sf)  }
0x782: {  	(drf) =	srem.u32 s21, s16;
	s22 =	spop (v2sf)  }
0x783: {  	(drf) =	srem.u32 s22, s12;
	s29 =	spop (v2sf)  }
0x784: {  	(drf) =	srem.u32 s29, s8;
	s7 =	spop (v2sf)  }
0x785: {  	s6 =	smov.u32 s8;
	v33 =	vld [tilespmem:s24+$0xFFFFFFF0];
	(drf) =	srem.u32 s7, s5;
	s8 =	spop (v2sf)  }
0x786: {  	s30 =	smov.u32 s10;
	(drf) =	srem.u32 s8, s10;
	s10 =	spop (v2sf)  }
0x787: {  	s0 =	spop (drf)  }
0x788: {  	[smem:$0x71F] =	sst s1;
	(v2sf) =	vpush v32, $0xD;
	s1 =	spop (drf)  }
0x789: {  	[smem:$0x725] =	sst s11;
	(v2sf) =	vpush v32, $0xE;
	s11 =	spop (v2sf)  }
0x78a: {  	s15 =	smov.u32 s12;
	(drf) =	srem.u32 s10, s9;
	(v2sf) =	vpush v33, $0x0;
	s12 =	spop (v2sf)  }
0x78b: {  	(v2sf) =	vpush v33, $0xF;
	(drf) =	srem.u32 s11, s4;
	s11 =	spop (drf)  }
0x78c: {  	(v2sf) =	vpush v33, $0x1;
	s10 =	spop (drf)  }
0x78d: {  	s28 =	simm.s32 $0xC080;
	(drf) =	srem.u32 s12, s19;
	s24 =	spop (v2sf)  }
0x78e: {  	s3 =	smov.u32 s9;
	v20 =	vld.idx.msk [tilespmem:v19+s28+$0x0], $0xffff;
	(v2sf) =	vpush v33, $0x2;
	s9 =	spop (drf)  }
0x78f: {  	v19 =	vld.idx.msk [tilespmem:v22+s28+$0x0], $0xffff;
	s28 =	smov.u32 s19;
	(v2sf) =	vpush v33, $0x3;
	s19 =	spop (v2sf)  }
0x790: {  	(v2sf) =	vpush v33, $0x4;
	s8 =	spop (drf)  }
0x791: {  	s7 =	spop (drf)  }
0x792: {  	[smem:$0x721] =	sst s2;
	(v2sf) =	vpush v33, $0x5;
	s2 =	spop (drf)  }
0x793: {  	(drf) =	srem.u32 s24, s26;
	(v2sf) =	vpush v33, $0x6;
	s22 =	spop (drf)  }
0x794: {  	s29 =	spop (drf)  }
0x795: {  	(drf) =	srem.u32 s19, s25;
	s20 =	spop (drf)  }
0x796: {  	[smem:$0x702] =	sst s20;
	s21 =	spop (drf)  }
0x797: {  	s20 =	spop (v2sf);
	[smem:$0x703] =	sst s21  }
0x798: {  	(drf) =	srem.u32 s20, s23;
	s21 =	spop (v2sf)  }
0x799: {  	(drf) =	srem.u32 s21, s31;
	s24 =	spop (v2sf)  }
0x79a: {  	(v2sf) =	vpush v33, $0x7;
	(drf) =	srem.u32 s24, s13;
	s13 =	spop (v2sf)  }
0x79b: {  	s19 =	spop (v2sf)  }
0x79c: {  	(v2sf) =	vpush v33, $0x8;
	(drf) =	srem.u32 s13, s14;
	s14 =	spop (drf)  }
0x79d: {  	(drf) =	srem.u32 s19, s18;
	s20 =	spop (v2sf)  }
0x79e: {  	(v2sf) =	vpush v33, $0x9;
	(drf) =	srem.u32 s20, s17;
	s21 =	spop (v2sf)  }
0x79f: {  	(v2sf) =	vpush v33, $0xA;
	(drf) =	srem.u32 s21, s16;
	s24 =	spop (v2sf)  }
0x7a0: {  	(drf) =	srem.u32 s24, s15;
	s15 =	spop (drf)  }
0x7a1: {  	(v2sf) =	vpush v33, $0xB;
	s24 =	spop (v2sf)  }
0x7a2: {  	(v2sf) =	vpush v33, $0xC;
	(drf) =	srem.u32 s24, s6;
	s24 =	spop (v2sf)  }
0x7a3: {  	(v2sf) =	vpush v33, $0xD;
	s13 =	spop (drf)  }
0x7a4: {  	(v2sf) =	vpush v33, $0xE;
	s12 =	spop (drf)  }
0x7a5: {  	s16 =	spop (drf)  }
0x7a6: {  	s17 =	spop (drf)  }
0x7a7: {  	s18 =	spop (drf)  }
0x7a8: {  	s19 =	spop (drf)  }
0x7a9: {  	(drf) =	srem.u32 s24, s5;
	s24 =	spop (v2sf)  }
0x7aa: {  	s20 =	spop (drf)  }
0x7ab: {  	v34 =	vmov s1;
	s1 =	spop (v2sf)  }
0x7ac: {  	v21 =	vsel vm2, s0, v34;
	(drf) =	srem.u32 s24, s30;
	s21 =	spop (drf)  }
0x7ad: {  	v21 =	vsel vm3, s11, v21;
	(drf) =	srem.u32 s1, s3;
	s1 =	spop (v2sf)  }
0x7ae: {  	v21 =	vsel vm4, s10, v21;
	(drf) =	srem.u32 s1, s4;
	s1 =	spop (v2sf)  }
0x7af: {  	v21 =	vsel vm5, s9, v21;
	v35 =	vmov s17;
	s9 =	spop (drf)  }
0x7b0: {  	v22 =	vsel vm2, s16, v35;
	(drf) =	srem.u32 s1, s28;
	s17 =	spop (v2sf)  }
0x7b1: {  	v22 =	vsel vm3, s18, v22;
	(drf) =	srem.u32 s17, s26;
	s18 =	spop (v2sf)  }
0x7b2: {  	v21 =	vsel vm6, s8, v21;
	v22 =	vsel vm4, s19, v22;
	(drf) =	srem.u32 s18, s25;
	s1 =	spop (v2sf)  }
0x7b3: {  	v21 =	vsel vm7, s7, v21;
	v22 =	vsel vm5, s20, v22;
	(drf) =	srem.u32 s1, s23;
	s8 =	spop (v2sf)  }
0x7b4: {  	v21 =	vsel vm8, s2, v21;
	v22 =	vsel vm6, s21, v22;
	s17 =	sld [smem:$0x702];
	(drf) =	srem.u32 s8, s31  }
0x7b5: {  	v21 =	vsel vm9, s22, v21;
	s19 =	sld [smem:$0x703];
	s10 =	spop (drf);
	v22 =	vsel vm7, s9, v22  }
0x7b6: {  	v21 =	vsel vm15, s29, v21;
	v22 =	vsel vm8, s10, v22;
	s16 =	spop (drf)  }
0x7b7: {  	v21 =	vsel vm1, s17, v21;
	v22 =	vsel vm9, s16, v22;
	s18 =	spop (drf)  }
0x7b8: {  	v21 =	vsel vm0, s19, v21;
	v22 =	vsel vm15, s18, v22;
	s20 =	spop (drf)  }
0x7b9: {  	v21 =	vsel vm11, s14, v21;
	v22 =	vsel vm1, s20, v22;
	s21 =	spop (drf)  }
0x7ba: {  	v21 =	vsel vm12, s15, v21;
	v22 =	vsel vm0, s21, v22;
	s22 =	spop (drf)  }
0x7bb: {  	v21 =	vsel vm13, s13, v21;
	v22 =	vsel vm11, s22, v22;
	s29 =	spop (drf)  }
0x7bc: {  	s1 =	smov.u32 s31;
	v21 =	vsel vm14, s12, v21;
	v22 =	vsel vm12, s29, v22;
	s31 =	spop (drf)  }
0x7bd: {  	v21 =	vmul.u32 v13, v21;
	v22 =	vsel vm13, s31, v22;
	s2 =	spop (drf)  }
0x7be: {  	v22 =	vsel vm14, s2, v22  }
0x7bf: {  	v21 =	vadd.s32 v22, v21  }
0x7c0: {  	(v2sf) =	vpush v21, $0x0  }
0x7c1: {  	(v2sf) =	vpush v21, $0xF  }
0x7c2: {  	(v2sf) =	vpush v21, $0x1  }
0x7c3: {  	(v2sf) =	vpush v21, $0x2;
	_ =	sdelay $0x1  }
0x7c4: {  	(v2sf) =	vpush v21, $0x3;
	_ =	sdelay $0x1  }
0x7c5: {  	(v2sf) =	vpush v21, $0x4  }
0x7c6: {  	(v2sf) =	vpush v21, $0x5  }
0x7c7: {  	(v2sf) =	vpush v21, $0x6;
	_ =	sdelay $0x1  }
0x7c8: {  	s17 =	sld [smem:$0x743]  }
0x7c9: {  	s19 =	sld [smem:$0x746]  }
0x7ca: {  	s16 =	sld [smem:$0x742]  }
0x7cb: {  	s20 =	sld [smem:$0x745]  }
0x7cc: {  	s21 =	sld [smem:$0x744];
	s8 =	spop (v2sf)  }
0x7cd: {  	(v2sf) =	vpush v21, $0x7;
	(drf) =	srem.u32 s8, s16;
	s9 =	spop (v2sf)  }
0x7ce: {  	(drf) =	srem.u32 s9, s17;
	s10 =	spop (v2sf)  }
0x7cf: {  	(v2sf) =	vpush v21, $0x8;
	(drf) =	srem.u32 s10, s21;
	s12 =	spop (v2sf)  }
0x7d0: {  	s15 =	sld [smem:$0x73B];
	(drf) =	srem.u32 s12, s20  }
0x7d1: {  	s18 =	sld [smem:$0x747];
	(v2sf) =	vpush v21, $0x9;
	s13 =	spop (v2sf)  }
0x7d2: {  	(drf) =	srem.u32 s13, s19  }
0x7d3: {  	v36 =	vld [tilespmem:s15+$0x0];
	(v2sf) =	vpush v21, $0xA;
	s14 =	spop (v2sf)  }
0x7d4: {  	(v2sf) =	vpush v21, $0xB;
	(drf) =	srem.u32 s14, s18;
	s22 =	spop (v2sf)  }
0x7d5: {  	(v2sf) =	vpush v21, $0xC;
	(drf) =	srem.u32 s22, s6;
	s29 =	spop (v2sf)  }
0x7d6: {  	(v2sf) =	vpush v21, $0xD;
	(drf) =	srem.u32 s29, s5;
	s2 =	spop (drf)  }
0x7d7: {  	(v2sf) =	vpush v21, $0xE;
	s22 =	smov.u32 s5;
	[smem:$0x70A] =	sst s2;
	s5 =	spop (drf)  }
0x7d8: {  	s31 =	smov.u32 s6;
	(v2sf) =	vpush v36, $0x0;
	[smem:$0x708] =	sst s5;
	s6 =	spop (drf)  }
0x7d9: {  	(v2sf) =	vpush v36, $0xF;
	[smem:$0x70C] =	sst s6;
	s8 =	spop (drf)  }
0x7da: {  	[smem:$0x70E] =	sst s8  }
0x7db: {  	s0 =	spop (drf)  }
0x7dc: {  	s24 =	smov.u32 s30;
	s13 =	spop (v2sf)  }
0x7dd: {  	s9 =	spop (drf);
	(drf) =	srem.u32 s13, s24  }
0x7de: {  	s14 =	spop (v2sf);
	[smem:$0x712] =	sst s9  }
0x7df: {  	s10 =	spop (drf);
	(drf) =	srem.u32 s14, s3  }
0x7e0: {  	s15 =	spop (v2sf);
	[smem:$0x714] =	sst s10  }
0x7e1: {  	s12 =	spop (drf);
	(drf) =	srem.u32 s15, s4  }
0x7e2: {  	s29 =	smov.u32 s30;
	(v2sf) =	vpush v36, $0x1;
	s30 =	spop (v2sf);
	[smem:$0x716] =	sst s12  }
0x7e3: {  	(drf) =	srem.u32 s30, s28;
	s2 =	spop (v2sf)  }
0x7e4: {  	(v2sf) =	vpush v36, $0x2;
	(drf) =	srem.u32 s2, s26;
	s8 =	spop (v2sf)  }
0x7e5: {  	(drf) =	srem.u32 s8, s25;
	s9 =	spop (v2sf)  }
0x7e6: {  	(v2sf) =	vpush v36, $0x3;
	(drf) =	srem.u32 s9, s23;
	s10 =	spop (v2sf)  }
0x7e7: {  	(v2sf) =	vpush v36, $0x4;
	(drf) =	srem.u32 s10, s1;
	s12 =	spop (v2sf)  }
0x7e8: {  	s7 =	smov.u32 s23;
	(v2sf) =	vpush v36, $0x5;
	s23 =	spop (v2sf)  }
0x7e9: {  	s14 =	smov.u32 s25;
	(v2sf) =	vpush v36, $0x6;
	(drf) =	srem.u32 s12, s16;
	s25 =	spop (drf)  }
0x7ea: {  	[smem:$0x710] =	sst s0;
	s15 =	smov.u32 s26;
	(v2sf) =	vpush v36, $0x7;
	s26 =	spop (drf)  }
0x7eb: {  	(v2sf) =	vpush v36, $0x8;
	(drf) =	srem.u32 s23, s17;
	s30 =	spop (drf)  }
0x7ec: {  	s13 =	smov.u32 s1;
	s0 =	sld [smem:$0x73C];
	(v2sf) =	vpush v36, $0x9;
	s1 =	spop (drf)  }
0x7ed: {  	[smem:$0x719] =	sst s25;
	(v2sf) =	vpush v36, $0xA;
	s2 =	spop (drf)  }
0x7ee: {  	[smem:$0x71C] =	sst s26;
	s8 =	spop (drf)  }
0x7ef: {  	[smem:$0x71E] =	sst s30;
	s9 =	spop (drf)  }
0x7f0: {  	[smem:$0x720] =	sst s1;
	s10 =	spop (drf)  }
0x7f1: {  	[smem:$0x724] =	sst s8;
	s23 =	spop (v2sf)  }
0x7f2: {  	[smem:$0x726] =	sst s9;
	s12 =	spop (drf)  }
0x7f3: {  	[smem:$0x727] =	sst s10;
	s25 =	spop (v2sf)  }
0x7f4: {  	(v2sf) =	vpush v36, $0xB;
	(drf) =	srem.u32 s23, s21;
	s1 =	spop (drf)  }
0x7f5: {  	(drf) =	srem.u32 s25, s20;
	s26 =	spop (v2sf)  }
0x7f6: {  	(v2sf) =	vpush v36, $0xC;
	(drf) =	srem.u32 s26, s19;
	s30 =	spop (v2sf)  }
0x7f7: {  	v37 =	vld [tilespmem:s0+$0x0];
	(drf) =	srem.u32 s30, s18;
	s8 =	spop (v2sf)  }
0x7f8: {  	(drf) =	srem.u32 s8, s31;
	s9 =	spop (v2sf)  }
0x7f9: {  	(drf) =	srem.u32 s9, s22;
	s10 =	spop (v2sf)  }
0x7fa: {  	[smem:$0x704] =	sst s12;
	(v2sf) =	vpush v36, $0xD;
	s12 =	spop (v2sf)  }
0x7fb: {  	s0 =	smov.u32 s22;
	(v2sf) =	vpush v36, $0xE;
	(drf) =	srem.u32 s10, s24;
	s22 =	spop (v2sf)  }
0x7fc: {  	(v2sf) =	vpush v37, $0x0;
	s23 =	spop (v2sf)  }
0x7fd: {  	s5 =	smov.u32 s3;
	(v2sf) =	vpush v37, $0xF;
	(drf) =	srem.u32 s12, s3;
	s3 =	spop (drf)  }
0x7fe: {  	(v2sf) =	vpush v37, $0x1;
	(drf) =	srem.u32 s22, s4;
	s10 =	spop (drf)  }
0x7ff: {  	(v2sf) =	vpush v37, $0x2;
	(drf) =	srem.u32 s23, s28;
	s9 =	spop (drf)  }
0x800: {  	s8 =	spop (drf)  }
0x801: {  	s11 =	smov.u32 s4;
	(v2sf) =	vpush v37, $0x3;
	s4 =	spop (drf)  }
0x802: {  	s23 =	spop (drf)  }
0x803: {  	(v2sf) =	vpush v37, $0x4;
	s24 =	spop (v2sf)  }
0x804: {  	s25 =	spop (drf)  }
0x805: {  	(v2sf) =	vpush v37, $0x5;
	s30 =	spop (v2sf)  }
0x806: {  	(drf) =	srem.u32 s24, s15;
	s26 =	spop (drf)  }
0x807: {  	s6 =	smov.u32 s28;
	[smem:$0x722] =	sst s2;
	(v2sf) =	vpush v37, $0x6;
	s28 =	spop (drf)  }
0x808: {  	(drf) =	srem.u32 s30, s14;
	s2 =	spop (drf)  }
0x809: {  	[smem:$0x705] =	sst s2;
	s2 =	spop (v2sf)  }
0x80a: {  	s22 =	smov.u32 s7;
	(drf) =	srem.u32 s2, s7;
	s7 =	spop (v2sf)  }
0x80b: {  	(drf) =	srem.u32 s7, s13;
	s7 =	smov.u32 s13;
	s13 =	spop (v2sf)  }
0x80c: {  	s30 =	smov.u32 s14;
	(v2sf) =	vpush v37, $0x7;
	s14 =	spop (v2sf)  }
0x80d: {  	(drf) =	srem.u32 s13, s16;
	s16 =	spop (v2sf)  }
0x80e: {  	(drf) =	srem.u32 s14, s17;
	s17 =	spop (v2sf)  }
0x80f: {  	(v2sf) =	vpush v37, $0x8;
	s14 =	spop (drf)  }
0x810: {  	(drf) =	srem.u32 s16, s21;
	s21 =	spop (v2sf)  }
0x811: {  	(v2sf) =	vpush v37, $0x9;
	(drf) =	srem.u32 s17, s20;
	s2 =	spop (drf)  }
0x812: {  	(v2sf) =	vpush v37, $0xA;
	s24 =	spop (v2sf)  }
0x813: {  	(v2sf) =	vpush v37, $0xB;
	(drf) =	srem.u32 s21, s19;
	s13 =	spop (drf)  }
0x814: {  	(v2sf) =	vpush v37, $0xC;
	(drf) =	srem.u32 s24, s18;
	s24 =	spop (v2sf)  }
0x815: {  	(v2sf) =	vpush v37, $0xD;
	s12 =	spop (drf)  }
0x816: {  	(v2sf) =	vpush v37, $0xE;
	(drf) =	srem.u32 s24, s31;
	s24 =	spop (v2sf)  }
0x817: {  	s16 =	spop (drf)  }
0x818: {  	s17 =	spop (drf)  }
0x819: {  	s18 =	spop (drf)  }
0x81a: {  	s19 =	spop (drf)  }
0x81b: {  	s31 =	smov.u32 s0;
	(drf) =	srem.u32 s24, s0;
	s0 =	spop (v2sf)  }
0x81c: {  	s20 =	spop (drf)  }
0x81d: {  	s24 =	smov.u32 s29;
	(drf) =	srem.u32 s0, s29;
	s29 =	sld [smem:$0x704]  }
0x81e: {  	v38 =	vmov s1;
	s1 =	spop (v2sf)  }
0x81f: {  	s21 =	spop (drf)  }
0x820: {  	(drf) =	srem.u32 s1, s5;
	s1 =	spop (v2sf);
	v21 =	vsel vm2, s29, v38  }
0x821: {  	v39 =	vmov s17;
	(drf) =	srem.u32 s1, s11;
	s29 =	smov.u32 s5;
	s5 =	spop (v2sf);
	v21 =	vsel vm3, s3, v21  }
0x822: {  	v22 =	vsel vm2, s16, v39;
	(drf) =	srem.u32 s5, s6;
	s17 =	spop (v2sf);
	v21 =	vsel vm4, s10, v21  }
0x823: {  	v22 =	vsel vm3, s18, v22;
	(drf) =	srem.u32 s17, s15;
	s18 =	spop (v2sf);
	v21 =	vsel vm5, s9, v21  }
0x824: {  	v22 =	vsel vm4, s19, v22;
	(drf) =	srem.u32 s18, s30;
	s19 =	spop (v2sf);
	v21 =	vsel vm6, s8, v21  }
0x825: {  	v22 =	vsel vm5, s20, v22;
	(drf) =	srem.u32 s19, s22;
	s20 =	spop (v2sf);
	v21 =	vsel vm7, s4, v21  }
0x826: {  	v22 =	vsel vm6, s21, v22;
	(drf) =	srem.u32 s20, s7;
	v21 =	vsel vm8, s23, v21;
	s23 =	spop (drf)  }
0x827: {  	s9 =	smov.u32 s30;
	s4 =	sld [smem:$0x705];
	v21 =	vsel vm9, s25, v21;
	v22 =	vsel vm7, s23, v22;
	s30 =	spop (drf)  }
0x828: {  	v21 =	vsel vm15, s26, v21;
	v22 =	vsel vm8, s30, v22;
	s1 =	spop (drf)  }
0x829: {  	v21 =	vsel vm1, s28, v21;
	v22 =	vsel vm9, s1, v22;
	s3 =	spop (drf)  }
0x82a: {  	v21 =	vsel vm0, s4, v21;
	v22 =	vsel vm15, s3, v22;
	s5 =	spop (drf)  }
0x82b: {  	s16 =	smov.u32 s6;
	v21 =	vsel vm11, s14, v21;
	v22 =	vsel vm1, s5, v22;
	s6 =	spop (drf)  }
0x82c: {  	v21 =	vsel vm12, s2, v21;
	v22 =	vsel vm0, s6, v22;
	s8 =	spop (drf)  }
0x82d: {  	v21 =	vsel vm13, s13, v21;
	v22 =	vsel vm11, s8, v22;
	s10 =	spop (drf)  }
0x82e: {  	v21 =	vsel vm14, s12, v21;
	v22 =	vsel vm12, s10, v22;
	s12 =	spop (drf)  }
0x82f: {  	v22 =	vsel vm13, s12, v22;
	v21 =	vmul.u32 v13, v21;
	s13 =	spop (drf)  }
0x830: {  	v22 =	vsel vm14, s13, v22  }
0x831: {  	v21 =	vadd.s32 v22, v21  }
0x832: {  	(v2sf) =	vpush v21, $0x0  }
0x833: {  	(v2sf) =	vpush v21, $0xF  }
0x834: {  	(v2sf) =	vpush v21, $0x1  }
0x835: {  	(v2sf) =	vpush v21, $0x2  }
0x836: {  	(v2sf) =	vpush v21, $0x3  }
0x837: {  	(v2sf) =	vpush v21, $0x4  }
0x838: {  	(v2sf) =	vpush v21, $0x5  }
0x839: {  	(v2sf) =	vpush v21, $0x6  }
0x83a: {  	(v2sf) =	vpush v21, $0x7  }
0x83b: {  	s20 =	sld [smem:$0x744];
	(v2sf) =	vpush v21, $0x8  }
0x83c: {  	s25 =	sld [smem:$0x746]  }
0x83d: {  	s30 =	sld [smem:$0x745];
	(v2sf) =	vpush v21, $0x9  }
0x83e: {  	s26 =	sld [smem:$0x73B]  }
0x83f: {  	s6 =	sld [smem:$0x742]  }
0x840: {  	s5 =	sld [smem:$0x747]  }
0x841: {  	s13 =	sld [smem:$0x743];
	s14 =	spop (v2sf)  }
0x842: {  	(drf) =	srem.u32 s14, s6;
	s17 =	spop (v2sf)  }
0x843: {  	v40 =	vld [tilespmem:s26+$0x10];
	s26 =	sld [smem:$0x72A];
	s18 =	spop (v2sf)  }
0x844: {  	(v2sf) =	vpush v21, $0xA;
	(drf) =	srem.u32 s17, s13;
	s19 =	spop (v2sf)  }
0x845: {  	(drf) =	srem.u32 s18, s20;
	s21 =	spop (v2sf)  }
0x846: {  	(v2sf) =	vpush v21, $0xB;
	(drf) =	srem.u32 s19, s30;
	s23 =	spop (v2sf)  }
0x847: {  	(v2sf) =	vpush v21, $0xC;
	(drf) =	srem.u32 s21, s25;
	s28 =	spop (v2sf)  }
0x848: {  	(v2sf) =	vpush v21, $0xD;
	(drf) =	srem.u32 s23, s5;
	s1 =	spop (v2sf)  }
0x849: {  	(v2sf) =	vpush v21, $0xE;
	(drf) =	srem.u32 s28, s26;
	s12 =	spop (v2sf)  }
0x84a: {  	(v2sf) =	vpush v40, $0x0;
	s18 =	spop (v2sf)  }
0x84b: {  	(v2sf) =	vpush v40, $0xF;
	(drf) =	srem.u32 s1, s31;
	s3 =	spop (drf)  }
0x84c: {  	s23 =	spop (v2sf)  }
0x84d: {  	s0 =	spop (drf)  }
0x84e: {  	[smem:$0x72F] =	sst s11;
	s8 =	spop (drf)  }
0x84f: {  	[smem:$0x730] =	sst s16;
	s10 =	spop (drf)  }
0x850: {  	(drf) =	srem.u32 s12, s24;
	s14 =	spop (drf)  }
0x851: {  	(drf) =	srem.u32 s18, s29;
	s21 =	spop (drf)  }
0x852: {  	(drf) =	srem.u32 s23, s11;
	s2 =	spop (drf)  }
0x853: {  	s17 =	smov.u32 s24;
	s24 =	spop (v2sf);
	[smem:$0x717] =	sst s2  }
0x854: {  	s4 =	spop (drf);
	(drf) =	srem.u32 s24, s16  }
0x855: {  	s19 =	smov.u32 s31;
	s31 =	spop (v2sf);
	[smem:$0x71A] =	sst s4  }
0x856: {  	s28 =	smov.u32 s29;
	(v2sf) =	vpush v40, $0x1;
	(drf) =	srem.u32 s31, s15;
	s2 =	spop (v2sf)  }
0x857: {  	s29 =	smov.u32 s11;
	(v2sf) =	vpush v40, $0x2;
	(drf) =	srem.u32 s2, s9;
	s11 =	spop (v2sf)  }
0x858: {  	(v2sf) =	vpush v40, $0x3;
	(drf) =	srem.u32 s11, s22;
	s12 =	spop (v2sf)  }
0x859: {  	s4 =	smov.u32 s15;
	(drf) =	srem.u32 s12, s7;
	s15 =	spop (v2sf)  }
0x85a: {  	s18 =	smov.u32 s16;
	v23 =	vmov s0;
	(v2sf) =	vpush v40, $0x4;
	(drf) =	srem.u32 s15, s6;
	s16 =	spop (v2sf)  }
0x85b: {  	v23 =	vsel vm2, s3, v23;
	(v2sf) =	vpush v40, $0x5;
	s1 =	spop (drf);
	(drf) =	srem.u32 s16, s13  }
0x85c: {  	v23 =	vsel vm3, s8, v23;
	(v2sf) =	vpush v40, $0x6;
	s12 =	smov.u32 s7;
	s7 =	spop (drf)  }
0x85d: {  	v23 =	vsel vm4, s10, v23;
	s24 =	smov.u32 s9;
	(v2sf) =	vpush v40, $0x7;
	s9 =	spop (drf)  }
0x85e: {  	v23 =	vsel vm5, s14, v23;
	(v2sf) =	vpush v40, $0x8;
	s11 =	spop (drf)  }
0x85f: {  	v23 =	vsel vm6, s21, v23;
	s21 =	sld [smem:$0x717];
	(v2sf) =	vpush v40, $0x9;
	s16 =	spop (drf)  }
0x860: {  	s8 =	sld [smem:$0x710];
	(v2sf) =	vpush v40, $0xA;
	s31 =	spop (drf)  }
0x861: {  	s10 =	sld [smem:$0x715];
	s23 =	spop (drf)  }
0x862: {  	v23 =	vsel vm7, s21, v23;
	s21 =	sld [smem:$0x71E];
	s15 =	spop (drf)  }
0x863: {  	[smem:$0x728] =	sst s23;
	s23 =	spop (drf)  }
0x864: {  	[smem:$0x729] =	sst s15;
	s15 =	spop (drf)  }
0x865: {  	[smem:$0x72E] =	sst s23;
	s23 =	spop (v2sf)  }
0x866: {  	(drf) =	srem.u32 s23, s20;
	s2 =	spop (v2sf)  }
0x867: {  	(drf) =	srem.u32 s2, s30;
	s23 =	spop (v2sf)  }
0x868: {  	(drf) =	srem.u32 s23, s25;
	s23 =	sld [smem:$0x73C]  }
0x869: {  	[smem:$0x72C] =	sst s15;
	s2 =	smov.u32 s25;
	s25 =	spop (v2sf)  }
0x86a: {  	(drf) =	srem.u32 s25, s5;
	s25 =	spop (v2sf)  }
0x86b: {  	(drf) =	srem.u32 s25, s26;
	v24 =	vld [tilespmem:s23+$0x10];
	s23 =	spop (v2sf)  }
0x86c: {  	(drf) =	srem.u32 s23, s19;
	s25 =	spop (v2sf)  }
0x86d: {  	(drf) =	srem.u32 s25, s17;
	s26 =	spop (v2sf)  }
0x86e: {  	(drf) =	srem.u32 s26, s28;
	s17 =	spop (v2sf)  }
0x86f: {  	(drf) =	srem.u32 s17, s29;
	s23 =	spop (v2sf)  }
0x870: {  	s15 =	spop (drf);
	(drf) =	srem.u32 s23, s18  }
0x871: {  	s17 =	spop (drf);
	s23 =	sld [smem:$0x706]  }
0x872: {  	(v2sf) =	vpush v40, $0xB;
	s18 =	sld [smem:$0x70C];
	s25 =	spop (drf)  }
0x873: {  	[smem:$0x731] =	sst s25;
	s26 =	spop (drf)  }
0x874: {  	(v2sf) =	vpush v40, $0xC;
	[smem:$0x732] =	sst s26  }
0x875: {  	s26 =	sld [smem:$0x707]  }
0x876: {  	s19 =	smov.u32 s28;
	s28 =	spop (drf);
	v41 =	vmov s23;
	s23 =	sld [smem:$0x709]  }
0x877: {  	(v2sf) =	vpush v40, $0xD;
	[smem:$0x733] =	sst s28  }
0x878: {  	s28 =	sld [smem:$0x708];
	s29 =	spop (drf)  }
0x879: {  	(v2sf) =	vpush v40, $0xE;
	[smem:$0x734] =	sst s29  }
0x87a: {  	s25 =	spop (drf);
	v21 =	vsel vm2, s26, v41;
	s26 =	sld [smem:$0x70A]  }
0x87b: {  	(v2sf) =	vpush v24, $0x0;
	[smem:$0x735] =	sst s25  }
0x87c: {  	s29 =	spop (drf);
	s25 =	sld [smem:$0x70D]  }
0x87d: {  	(v2sf) =	vpush v24, $0xF;
	[smem:$0x736] =	sst s29  }
0x87e: {  	v42 =	vmov s28;
	s28 =	spop (drf);
	s29 =	sld [smem:$0x70B]  }
0x87f: {  	[smem:$0x737] =	sst s28  }
0x880: {  	(v2sf) =	vpush v24, $0x1;
	v21 =	vsel vm3, s23, v21;
	v22 =	vsel vm2, s26, v42;
	s23 =	spop (drf);
	s26 =	sld [smem:$0x70E]  }
0x881: {  	s28 =	spop (v2sf);
	[smem:$0x738] =	sst s23  }
0x882: {  	(v2sf) =	vpush v24, $0x2;
	(drf) =	srem.u32 s28, s4;
	s23 =	sld [smem:$0x711]  }
0x883: {  	v22 =	vsel vm3, s18, v22;
	s18 =	spop (v2sf);
	v21 =	vsel vm4, s29, v21;
	s29 =	sld [smem:$0x70F]  }
0x884: {  	(drf) =	srem.u32 s18, s24;
	s18 =	sld [smem:$0x716]  }
0x885: {  	(v2sf) =	vpush v24, $0x3;
	v22 =	vsel vm4, s26, v22;
	s26 =	sld [smem:$0x712]  }
0x886: {  	s28 =	spop (v2sf);
	v21 =	vsel vm5, s25, v21;
	s25 =	smov.u32 s4;
	s4 =	sld [smem:$0x714]  }
0x887: {  	(v2sf) =	vpush v24, $0x4;
	(drf) =	srem.u32 s28, s22;
	s28 =	sld [smem:$0x719]  }
0x888: {  	v22 =	vsel vm5, s8, v22;
	s8 =	spop (v2sf);
	v21 =	vsel vm6, s29, v21;
	s29 =	sld [smem:$0x713]  }
0x889: {  	(drf) =	srem.u32 s8, s12;
	s8 =	sld [smem:$0x71C]  }
0x88a: {  	v21 =	vsel vm7, s23, v21;
	v22 =	vsel vm6, s26, v22;
	s23 =	spop (v2sf);
	s26 =	sld [smem:$0x718]  }
0x88b: {  	v22 =	vsel vm7, s4, v22;
	(drf) =	srem.u32 s23, s6;
	v21 =	vsel vm8, s29, v21;
	s29 =	sld [smem:$0x71A]  }
0x88c: {  	(v2sf) =	vpush v24, $0x5;
	s4 =	spop (v2sf);
	v22 =	vsel vm8, s18, v22;
	s18 =	sld [smem:$0x71D]  }
0x88d: {  	(drf) =	srem.u32 s4, s13;
	s4 =	sld [smem:$0x721]  }
0x88e: {  	(v2sf) =	vpush v24, $0x6;
	v21 =	vsel vm9, s10, v21;
	v22 =	vsel vm9, s28, v22;
	s28 =	smov.u32 s6;
	s6 =	sld [smem:$0x71B]  }
0x88f: {  	s10 =	spop (v2sf);
	v21 =	vsel vm15, s26, v21;
	s26 =	sld [smem:$0x71F]  }
0x890: {  	v22 =	vsel vm15, s8, v22;
	(drf) =	srem.u32 s10, s20;
	s8 =	sld [smem:$0x723]  }
0x891: {  	(v2sf) =	vpush v24, $0x7;
	s23 =	spop (v2sf);
	s10 =	sld [smem:$0x725]  }
0x892: {  	s0 =	spop (drf);
	v23 =	vsel vm8, s29, v23;
	s29 =	sld [smem:$0x720]  }
0x893: {  	(drf) =	srem.u32 s23, s30;
	v21 =	vsel vm1, s6, v21;
	v23 =	vsel vm9, s1, v23;
	s6 =	sld [smem:$0x722]  }
0x894: {  	(v2sf) =	vpush v24, $0x8;
	s3 =	spop (v2sf);
	v21 =	vsel vm0, s18, v21;
	v23 =	vsel vm15, s7, v23;
	s18 =	smov.u32 s20;
	s20 =	sld [smem:$0x728]  }
0x895: {  	(v2sf) =	vpush v24, $0x9;
	v22 =	vsel vm1, s21, v22;
	(drf) =	srem.u32 s3, s2;
	v23 =	vsel vm1, s9, v23;
	s9 =	sld [smem:$0x724]  }
0x896: {  	s7 =	spop (v2sf);
	v21 =	vsel vm11, s26, v21;
	v22 =	vsel vm0, s29, v22;
	v23 =	vsel vm0, s11, v23;
	s11 =	sld [smem:$0x726]  }
0x897: {  	s26 =	smov.u32 s2;
	s2 =	spop (drf);
	v21 =	vsel vm12, s4, v21;
	v22 =	vsel vm11, s6, v22;
	v23 =	vsel vm11, s16, v23;
	s16 =	sld [smem:$0x727]  }
0x898: {  	(v2sf) =	vpush v24, $0xA;
	s21 =	sld [smem:$0x729];
	s3 =	spop (drf);
	v21 =	vsel vm13, s8, v21;
	v22 =	vsel vm12, s9, v22  }
0x899: {  	s1 =	spop (drf);
	v21 =	vsel vm14, s10, v21;
	v23 =	vsel vm12, s31, v23;
	v22 =	vsel vm13, s11, v22  }
0x89a: {  	(v2sf) =	vpush v24, $0xB;
	s4 =	spop (drf);
	v23 =	vsel vm13, s20, v23;
	v22 =	vsel vm14, s16, v22  }
0x89b: {  	s31 =	spop (v2sf);
	v25 =	vsel vm14, s21, v23;
	s16 =	sld [smem:$0x72A]  }
0x89c: {  	(v2sf) =	vpush v24, $0xC;
	s23 =	smov.u32 s5;
	(drf) =	srem.u32 s7, s5;
	s5 =	spop (drf)  }
0x89d: {  	(v2sf) =	vpush v24, $0xD;
	s29 =	simm.s32 $0xC080;
	s11 =	spop (v2sf)  }
0x89e: {  	v43 =	vld.idx.msk [tilespmem:v21+s29+$0x0], $0xffff;
	(drf) =	srem.u32 s31, s16;
	s31 =	sld [smem:$0x72C]  }
0x89f: {  	(v2sf) =	vpush v24, $0xE;
	s6 =	spop (drf);
	s21 =	sld [smem:$0x72B];
	v22 =	vld.idx.msk [tilespmem:v22+s29+$0x0], $0xffff  }
0x8a0: {  	s20 =	spop (v2sf);
	v44 =	vld.idx.msk [tilespmem:v25+s29+$0x0], $0xffff;
	s29 =	sld [smem:$0x72D]  }
0x8a1: {  	s7 =	spop (drf);
	v45 =	vmov s31;
	s31 =	sld [smem:$0x72E]  }
0x8a2: {  	s8 =	spop (drf);
	(drf) =	srem.u32 s11, s21  }
0x8a3: {  	(drf) =	srem.u32 s20, s29;
	s20 =	spop (v2sf)  }
0x8a4: {  	v24 =	vsel vm2, s31, v45;
	(drf) =	srem.u32 s20, s19;
	s20 =	sld [smem:$0x72F]  }
0x8a5: {  	s10 =	sld [smem:$0x731];
	v46 =	vmov s5;
	s9 =	spop (drf);
	v24 =	vsel vm3, s15, v24  }
0x8a6: {  	v25 =	vsel vm2, s4, v46;
	s11 =	spop (v2sf);
	v24 =	vsel vm4, s17, v24;
	s17 =	sld [smem:$0x732]  }
0x8a7: {  	v25 =	vsel vm3, s6, v25;
	(drf) =	srem.u32 s11, s20;
	s11 =	sld [smem:$0x730]  }
0x8a8: {  	s6 =	sld [smem:$0x733];
	v25 =	vsel vm4, s7, v25;
	s15 =	spop (v2sf)  }
0x8a9: {  	v25 =	vsel vm5, s8, v25;
	s8 =	sld [smem:$0x734];
	s31 =	spop (v2sf);
	v24 =	vsel vm5, s10, v24  }
0x8aa: {  	v24 =	vsel vm6, s17, v24;
	s17 =	sld [smem:$0x735];
	(drf) =	srem.u32 s15, s11  }
0x8ab: {  	s15 =	spop (v2sf);
	v24 =	vsel vm7, s6, v24;
	s6 =	sld [smem:$0x736]  }
0x8ac: {  	(drf) =	srem.u32 s31, s25;
	s31 =	spop (v2sf)  }
0x8ad: {  	v24 =	vsel vm8, s8, v24;
	s8 =	sld [smem:$0x737];
	(drf) =	srem.u32 s15, s24  }
0x8ae: {  	s7 =	spop (v2sf);
	(drf) =	srem.u32 s31, s22  }
0x8af: {  	v25 =	vsel vm6, s9, v25;
	s15 =	spop (drf);
	(drf) =	srem.u32 s7, s12  }
0x8b0: {  	v24 =	vsel vm9, s17, v24;
	v25 =	vsel vm7, s15, v25;
	s31 =	spop (drf);
	s15 =	sld [smem:$0x738]  }
0x8b1: {  	v24 =	vsel vm15, s6, v24;
	v25 =	vsel vm8, s31, v25;
	s7 =	spop (drf)  }
0x8b2: {  	v24 =	vsel vm1, s8, v24;
	v25 =	vsel vm9, s7, v25;
	s9 =	spop (drf)  }
0x8b3: {  	v24 =	vsel vm0, s15, v24;
	v25 =	vsel vm15, s9, v25;
	s17 =	spop (drf)  }
0x8b4: {  	v24 =	vsel vm11, s0, v24;
	v25 =	vsel vm1, s17, v25;
	s31 =	spop (drf)  }
0x8b5: {  	v24 =	vsel vm12, s2, v24;
	v25 =	vsel vm0, s31, v25;
	s2 =	spop (drf)  }
0x8b6: {  	v24 =	vsel vm13, s3, v24;
	v25 =	vsel vm11, s2, v25;
	s3 =	spop (drf)  }
0x8b7: {  	v24 =	vsel vm14, s1, v24;
	v25 =	vsel vm12, s3, v25;
	s4 =	spop (drf)  }
0x8b8: {  	v24 =	vmul.u32 v13, v24;
	v25 =	vsel vm13, s4, v25;
	s5 =	spop (drf)  }
0x8b9: {  	v25 =	vsel vm14, s5, v25  }
0x8ba: {  	v24 =	vadd.s32 v25, v24  }
0x8bb: {  	(v2sf) =	vpush v24, $0x0  }
0x8bc: {  	(v2sf) =	vpush v24, $0xF  }
0x8bd: {  	(v2sf) =	vpush v24, $0x1;
	_ =	sdelay $0x1  }
0x8be: {  	(v2sf) =	vpush v24, $0x2  }
0x8bf: {  	(v2sf) =	vpush v24, $0x3  }
0x8c0: {  	(v2sf) =	vpush v24, $0x4  }
0x8c1: {  	(v2sf) =	vpush v24, $0x5  }
0x8c2: {  	(v2sf) =	vpush v24, $0x6;
	_ =	sdelay $0x1  }
0x8c3: {  	(v2sf) =	vpush v24, $0x7;
	_ =	sdelay $0x4  }
0x8c4: {  	s6 =	spop (v2sf)  }
0x8c5: {  	(drf) =	srem.u32 s6, s28;
	s7 =	spop (v2sf)  }
0x8c6: {  	(drf) =	srem.u32 s7, s13;
	s8 =	spop (v2sf)  }
0x8c7: {  	(drf) =	srem.u32 s8, s18  }
0x8c8: {  	s31 =	smov.u32 s18;
	s9 =	spop (v2sf);
	s18 =	sld [smem:$0x73B]  }
0x8c9: {  	s1 =	smov.u32 s13;
	(v2sf) =	vpush v24, $0x8;
	(drf) =	srem.u32 s9, s30;
	s13 =	spop (v2sf)  }
0x8ca: {  	(v2sf) =	vpush v24, $0x9;
	(drf) =	srem.u32 s13, s26;
	s15 =	spop (v2sf)  }
0x8cb: {  	(v2sf) =	vpush v24, $0xA;
	(drf) =	srem.u32 s15, s23;
	s17 =	spop (v2sf)  }
0x8cc: {  	(v2sf) =	vpush v24, $0xB;
	v47 =	vld [tilespmem:s18+$0x20];
	(drf) =	srem.u32 s17, s16;
	s3 =	spop (v2sf)  }
0x8cd: {  	(v2sf) =	vpush v24, $0xC;
	(drf) =	srem.u32 s3, s21  }
0x8ce: {  	(v2sf) =	vpush v24, $0xD;
	s18 =	spop (v2sf)  }
0x8cf: {  	(v2sf) =	vpush v24, $0xE;
	(drf) =	srem.u32 s18, s29;
	s4 =	spop (drf)  }
0x8d0: {  	[smem:$0x749] =	sst s4;
	s5 =	spop (drf)  }
0x8d1: {  	(v2sf) =	vpush v47, $0x0;
	[smem:$0x748] =	sst s5;
	s8 =	spop (drf)  }
0x8d2: {  	(v2sf) =	vpush v47, $0xF;
	[smem:$0x74B] =	sst s8;
	s9 =	spop (drf)  }
0x8d3: {  	[smem:$0x74D] =	sst s9;
	s13 =	spop (drf)  }
0x8d4: {  	[smem:$0x74F] =	sst s13;
	s15 =	spop (drf)  }
0x8d5: {  	s6 =	smov.u32 s16;
	[smem:$0x751] =	sst s15;
	s16 =	spop (drf)  }
0x8d6: {  	[smem:$0x753] =	sst s16;
	s17 =	spop (drf)  }
0x8d7: {  	[smem:$0x756] =	sst s17  }
0x8d8: {  	s10 =	smov.u32 s25;
	s0 =	spop (v2sf)  }
0x8d9: {  	s3 =	smov.u32 s19;
	(drf) =	srem.u32 s0, s19;
	s19 =	spop (v2sf)  }
0x8da: {  	s4 =	smov.u32 s20;
	(v2sf) =	vpush v47, $0x1;
	(drf) =	srem.u32 s19, s20;
	s20 =	spop (v2sf)  }
0x8db: {  	s7 =	smov.u32 s21;
	(drf) =	srem.u32 s20, s11;
	s21 =	spop (v2sf)  }
0x8dc: {  	s13 =	smov.u32 s25;
	(v2sf) =	vpush v47, $0x2;
	(drf) =	srem.u32 s21, s10;
	s25 =	spop (v2sf)  }
0x8dd: {  	(drf) =	srem.u32 s25, s24;
	s2 =	spop (v2sf)  }
0x8de: {  	(v2sf) =	vpush v47, $0x3;
	(drf) =	srem.u32 s2, s22;
	s5 =	spop (v2sf)  }
0x8df: {  	(v2sf) =	vpush v47, $0x4;
	s10 =	spop (drf);
	(drf) =	srem.u32 s5, s12  }
0x8e0: {  	(v2sf) =	vpush v47, $0x5;
	s8 =	spop (v2sf)  }
0x8e1: {  	(v2sf) =	vpush v47, $0x6;
	(drf) =	srem.u32 s8, s28;
	s9 =	spop (v2sf)  }
0x8e2: {  	s21 =	smov.u32 s12;
	[smem:$0x758] =	sst s10;
	(v2sf) =	vpush v47, $0x7;
	s12 =	spop (drf)  }
0x8e3: {  	(v2sf) =	vpush v47, $0x8;
	(drf) =	srem.u32 s9, s1;
	s15 =	spop (drf)  }
0x8e4: {  	s10 =	sld [smem:$0x73C];
	(v2sf) =	vpush v47, $0x9;
	s16 =	spop (drf)  }
0x8e5: {  	(v2sf) =	vpush v47, $0xA;
	[smem:$0x75A] =	sst s12;
	s17 =	spop (drf)  }
0x8e6: {  	[smem:$0x75C] =	sst s15;
	s20 =	spop (drf)  }
0x8e7: {  	s14 =	smov.u32 s22;
	[smem:$0x75E] =	sst s16;
	s22 =	spop (drf)  }
0x8e8: {  	[smem:$0x762] =	sst s20;
	s25 =	spop (drf)  }
0x8e9: {  	[smem:$0x764] =	sst s22;
	s0 =	spop (v2sf)  }
0x8ea: {  	s18 =	smov.u32 s28;
	[smem:$0x766] =	sst s25;
	s28 =	spop (drf)  }
0x8eb: {  	(drf) =	srem.u32 s0, s31;
	s5 =	spop (v2sf)  }
0x8ec: {  	s19 =	smov.u32 s1;
	(v2sf) =	vpush v47, $0xB;
	[smem:$0x739] =	sst s28;
	s1 =	spop (drf)  }
0x8ed: {  	(drf) =	srem.u32 s5, s30;
	s8 =	spop (v2sf)  }
0x8ee: {  	(v2sf) =	vpush v47, $0xC;
	(drf) =	srem.u32 s8, s26;
	s9 =	spop (v2sf)  }
0x8ef: {  	v48 =	vld [tilespmem:s10+$0x20];
	(drf) =	srem.u32 s9, s23;
	s12 =	spop (v2sf)  }
0x8f0: {  	(v2sf) =	vpush v47, $0xD;
	(drf) =	srem.u32 s12, s6;
	s22 =	spop (v2sf)  }
0x8f1: {  	s15 =	smov.u32 s23;
	(drf) =	srem.u32 s22, s7;
	s23 =	spop (v2sf)  }
0x8f2: {  	s16 =	smov.u32 s26;
	(drf) =	srem.u32 s23, s29;
	s25 =	spop (v2sf)  }
0x8f3: {  	s20 =	smov.u32 s31;
	(v2sf) =	vpush v47, $0xE;
	(drf) =	srem.u32 s25, s3;
	s26 =	spop (v2sf)  }
0x8f4: {  	s31 =	smov.u32 s7;
	(v2sf) =	vpush v48, $0x0;
	(drf) =	srem.u32 s26, s4;
	s28 =	spop (v2sf)  }
0x8f5: {  	(v2sf) =	vpush v48, $0xF;
	s7 =	smov.u32 s11;
	(drf) =	srem.u32 s28, s11;
	s11 =	spop (drf)  }
0x8f6: {  	(v2sf) =	vpush v48, $0x1;
	s10 =	spop (drf)  }
0x8f7: {  	(v2sf) =	vpush v48, $0x2;
	s5 =	spop (drf)  }
0x8f8: {  	(v2sf) =	vpush v48, $0x3;
	s8 =	spop (drf)  }
0x8f9: {  	s22 =	spop (drf)  }
0x8fa: {  	(v2sf) =	vpush v48, $0x4;
	s23 =	spop (drf)  }
0x8fb: {  	s0 =	smov.u32 s3;
	s3 =	spop (v2sf)  }
0x8fc: {  	[smem:$0x760] =	sst s17;
	s25 =	spop (drf)  }
0x8fd: {  	s17 =	smov.u32 s30;
	s30 =	smov.u32 s6;
	s6 =	spop (v2sf)  }
0x8fe: {  	(v2sf) =	vpush v48, $0x5;
	(drf) =	srem.u32 s3, s13;
	s26 =	spop (drf)  }
0x8ff: {  	s9 =	smov.u32 s24;
	(drf) =	srem.u32 s6, s24;
	s24 =	spop (v2sf)  }
0x900: {  	(v2sf) =	vpush v48, $0x6;
	s28 =	spop (drf)  }
0x901: {  	(drf) =	srem.u32 s24, s14;
	s2 =	spop (drf)  }
0x902: {  	(v2sf) =	vpush v48, $0x7;
	[smem:$0x73A] =	sst s2;
	s2 =	spop (v2sf)  }
0x903: {  	(drf) =	srem.u32 s2, s21;
	s3 =	spop (v2sf)  }
0x904: {  	(drf) =	srem.u32 s3, s18;
	s18 =	spop (v2sf)  }
0x905: {  	(drf) =	srem.u32 s18, s19;
	s19 =	spop (v2sf)  }
0x906: {  	(v2sf) =	vpush v48, $0x8;
	(drf) =	srem.u32 s19, s20;
	s20 =	spop (v2sf)  }
0x907: {  	s6 =	smov.u32 s21;
	s21 =	spop (v2sf)  }
0x908: {  	(v2sf) =	vpush v48, $0x9;
	(drf) =	srem.u32 s20, s17;
	s2 =	spop (drf)  }
0x909: {  	(v2sf) =	vpush v48, $0xA;
	(drf) =	srem.u32 s21, s16;
	s24 =	spop (v2sf)  }
0x90a: {  	(v2sf) =	vpush v48, $0xB;
	(drf) =	srem.u32 s24, s15;
	s15 =	spop (drf)  }
0x90b: {  	(v2sf) =	vpush v48, $0xC;
	s3 =	spop (drf)  }
0x90c: {  	(v2sf) =	vpush v48, $0xD;
	s12 =	spop (drf)  }
0x90d: {  	(v2sf) =	vpush v48, $0xE;
	s24 =	spop (v2sf)  }
0x90e: {  	s16 =	spop (drf)  }
0x90f: {  	(drf) =	srem.u32 s24, s30;
	s24 =	spop (v2sf)  }
0x910: {  	s17 =	spop (drf)  }
0x911: {  	(drf) =	srem.u32 s24, s31;
	s24 =	spop (v2sf)  }
0x912: {  	s18 =	spop (drf)  }
0x913: {  	(drf) =	srem.u32 s24, s29;
	s19 =	spop (drf)  }
0x914: {  	s24 =	smov.u32 s29;
	s29 =	sld [smem:$0x739];
	s20 =	spop (drf)  }
0x915: {  	v49 =	vmov s1;
	s1 =	spop (v2sf)  }
0x916: {  	s21 =	spop (drf)  }
0x917: {  	v24 =	vsel vm2, s29, v49;
	(drf) =	srem.u32 s1, s0;
	s1 =	spop (v2sf)  }
0x918: {  	v50 =	vmov s17;
	v24 =	vsel vm3, s11, v24;
	(drf) =	srem.u32 s1, s4;
	s11 =	spop (v2sf)  }
0x919: {  	v25 =	vsel vm2, s16, v50;
	v24 =	vsel vm4, s10, v24;
	(drf) =	srem.u32 s11, s7;
	s16 =	spop (v2sf)  }
0x91a: {  	v25 =	vsel vm3, s18, v25;
	v24 =	vsel vm5, s5, v24;
	(drf) =	srem.u32 s16, s13;
	s18 =	spop (v2sf)  }
0x91b: {  	v25 =	vsel vm4, s19, v25;
	v24 =	vsel vm6, s8, v24;
	(drf) =	srem.u32 s18, s9;
	s1 =	spop (v2sf)  }
0x91c: {  	v25 =	vsel vm5, s20, v25;
	v24 =	vsel vm7, s22, v24;
	(drf) =	srem.u32 s1, s14;
	s5 =	spop (v2sf)  }
0x91d: {  	v25 =	vsel vm6, s21, v25;
	s8 =	spop (drf);
	v24 =	vsel vm8, s23, v24;
	(drf) =	srem.u32 s5, s6  }
0x91e: {  	s16 =	smov.u32 s9;
	s18 =	sld [smem:$0x73A];
	v25 =	vsel vm7, s8, v25;
	s9 =	spop (drf);
	v24 =	vsel vm9, s25, v24  }
0x91f: {  	v25 =	vsel vm8, s9, v25;
	s11 =	spop (drf);
	v24 =	vsel vm15, s26, v24  }
0x920: {  	s10 =	smov.u32 s14;
	v25 =	vsel vm9, s11, v25;
	v24 =	vsel vm1, s28, v24;
	s14 =	spop (drf)  }
0x921: {  	v24 =	vsel vm0, s18, v24;
	v25 =	vsel vm15, s14, v25;
	s19 =	spop (drf)  }
0x922: {  	v24 =	vsel vm11, s2, v24;
	v25 =	vsel vm1, s19, v25;
	s20 =	spop (drf)  }
0x923: {  	v24 =	vsel vm12, s15, v24;
	v25 =	vsel vm0, s20, v25;
	s21 =	spop (drf)  }
0x924: {  	v24 =	vsel vm13, s3, v24;
	v25 =	vsel vm11, s21, v25;
	s22 =	spop (drf)  }
0x925: {  	v24 =	vsel vm14, s12, v24;
	v25 =	vsel vm12, s22, v25;
	s23 =	spop (drf)  }
0x926: {  	v25 =	vsel vm13, s23, v25;
	v24 =	vmul.u32 v13, v24;
	s25 =	spop (drf)  }
0x927: {  	v25 =	vsel vm14, s25, v25  }
0x928: {  	v24 =	vadd.s32 v25, v24  }
0x929: {  	(v2sf) =	vpush v24, $0x0  }
0x92a: {  	(v2sf) =	vpush v24, $0xF  }
0x92b: {  	(v2sf) =	vpush v24, $0x1  }
0x92c: {  	(v2sf) =	vpush v24, $0x2  }
0x92d: {  	(v2sf) =	vpush v24, $0x3  }
0x92e: {  	(v2sf) =	vpush v24, $0x4  }
0x92f: {  	(v2sf) =	vpush v24, $0x5  }
0x930: {  	(v2sf) =	vpush v24, $0x6  }
0x931: {  	(v2sf) =	vpush v24, $0x7  }
0x932: {  	(v2sf) =	vpush v24, $0x8  }
0x933: {  	s8 =	sld [smem:$0x73B]  }
0x934: {  	s9 =	sld [smem:$0x744];
	(v2sf) =	vpush v24, $0x9  }
0x935: {  	s11 =	sld [smem:$0x745]  }
0x936: {  	s23 =	sld [smem:$0x742]  }
0x937: {  	s14 =	sld [smem:$0x746]  }
0x938: {  	s22 =	sld [smem:$0x743];
	s26 =	spop (v2sf)  }
0x939: {  	(drf) =	srem.u32 s26, s23;
	s28 =	spop (v2sf)  }
0x93a: {  	s12 =	sld [smem:$0x747];
	s1 =	spop (v2sf)  }
0x93b: {  	(v2sf) =	vpush v24, $0xA;
	(drf) =	srem.u32 s28, s22;
	s2 =	spop (v2sf)  }
0x93c: {  	(drf) =	srem.u32 s1, s9;
	s3 =	spop (v2sf)  }
0x93d: {  	(v2sf) =	vpush v24, $0xB;
	(drf) =	srem.u32 s2, s11;
	s5 =	spop (v2sf)  }
0x93e: {  	(v2sf) =	vpush v24, $0xC;
	(drf) =	srem.u32 s3, s14;
	s15 =	spop (v2sf)  }
0x93f: {  	v51 =	vld [tilespmem:s8+$0x30];
	(drf) =	srem.u32 s5, s12;
	s18 =	spop (v2sf)  }
0x940: {  	(v2sf) =	vpush v24, $0xD;
	(drf) =	srem.u32 s15, s30;
	s3 =	spop (v2sf)  }
0x941: {  	s5 =	spop (v2sf)  }
0x942: {  	(v2sf) =	vpush v24, $0xE;
	(drf) =	srem.u32 s18, s31;
	s19 =	spop (drf)  }
0x943: {  	s15 =	spop (v2sf)  }
0x944: {  	(v2sf) =	vpush v51, $0x0;
	s20 =	spop (drf)  }
0x945: {  	s29 =	smov.u32 s0;
	(v2sf) =	vpush v51, $0xF;
	(drf) =	srem.u32 s3, s24;
	s21 =	spop (drf)  }
0x946: {  	(drf) =	srem.u32 s5, s29;
	(v2sf) =	vpush v51, $0x1;
	s25 =	spop (drf)  }
0x947: {  	s17 =	smov.u32 s4;
	[smem:$0x74C] =	sst s19;
	s26 =	spop (drf)  }
0x948: {  	(drf) =	srem.u32 s15, s17;
	(v2sf) =	vpush v51, $0x2;
	s28 =	spop (drf)  }
0x949: {  	[smem:$0x74A] =	sst s20;
	s1 =	spop (drf)  }
0x94a: {  	(v2sf) =	vpush v51, $0x3;
	[smem:$0x74E] =	sst s21;
	s17 =	spop (v2sf)  }
0x94b: {  	[smem:$0x750] =	sst s25;
	s2 =	spop (drf)  }
0x94c: {  	(v2sf) =	vpush v51, $0x4;
	[smem:$0x752] =	sst s26;
	s18 =	spop (v2sf)  }
0x94d: {  	(drf) =	srem.u32 s17, s7;
	s19 =	spop (v2sf)  }
0x94e: {  	[smem:$0x754] =	sst s28;
	s26 =	spop (drf)  }
0x94f: {  	(drf) =	srem.u32 s18, s13;
	s20 =	spop (v2sf)  }
0x950: {  	(v2sf) =	vpush v51, $0x5;
	[smem:$0x757] =	sst s1;
	s28 =	spop (drf)  }
0x951: {  	(drf) =	srem.u32 s19, s16;
	s21 =	spop (v2sf)  }
0x952: {  	[smem:$0x759] =	sst s2;
	(v2sf) =	vpush v51, $0x6;
	s1 =	spop (drf)  }
0x953: {  	s8 =	smov.u32 s24;
	(v2sf) =	vpush v51, $0x7;
	(drf) =	srem.u32 s20, s10;
	s24 =	spop (v2sf)  }
0x954: {  	(v2sf) =	vpush v51, $0x8;
	(drf) =	srem.u32 s21, s6;
	s25 =	spop (v2sf)  }
0x955: {  	(drf) =	srem.u32 s24, s23;
	s20 =	spop (v2sf)  }
0x956: {  	[smem:$0x75B] =	sst s26;
	(v2sf) =	vpush v51, $0x9;
	s2 =	spop (drf)  }
0x957: {  	(drf) =	srem.u32 s25, s22;
	s21 =	spop (v2sf)  }
0x958: {  	s26 =	sld [smem:$0x73C];
	(v2sf) =	vpush v51, $0xA;
	s5 =	spop (drf)  }
0x959: {  	[smem:$0x75D] =	sst s28;
	s24 =	smov.u32 s22;
	s22 =	spop (v2sf)  }
0x95a: {  	s18 =	smov.u32 s6;
	(drf) =	srem.u32 s20, s9;
	s6 =	spop (drf)  }
0x95b: {  	s3 =	smov.u32 s29;
	(v2sf) =	vpush v51, $0xB;
	[smem:$0x761] =	sst s2;
	s25 =	spop (v2sf)  }
0x95c: {  	s29 =	smov.u32 s7;
	(drf) =	srem.u32 s21, s11;
	s7 =	spop (drf)  }
0x95d: {  	(v2sf) =	vpush v51, $0xC;
	(drf) =	srem.u32 s22, s14;
	s15 =	spop (drf)  }
0x95e: {  	(v2sf) =	vpush v51, $0xD;
	(drf) =	srem.u32 s25, s12;
	s19 =	spop (drf)  }
0x95f: {  	s17 =	smov.u32 s10;
	[smem:$0x767] =	sst s7;
	s28 =	spop (v2sf)  }
0x960: {  	s10 =	smov.u32 s23;
	v52 =	vld [tilespmem:s26+$0x30];
	[smem:$0x768] =	sst s15;
	s15 =	spop (drf)  }
0x961: {  	(drf) =	srem.u32 s28, s30;
	s28 =	smov.u32 s30;
	s30 =	spop (v2sf)  }
0x962: {  	s7 =	smov.u32 s31;
	(drf) =	srem.u32 s30, s31;
	s31 =	spop (v2sf)  }
0x963: {  	s23 =	smov.u32 s11;
	(v2sf) =	vpush v51, $0xE;
	[smem:$0x73E] =	sst s19;
	s2 =	spop (v2sf)  }
0x964: {  	s11 =	smov.u32 s8;
	(drf) =	srem.u32 s31, s8;
	s19 =	spop (drf)  }
0x965: {  	(v2sf) =	vpush v52, $0x0;
	s8 =	smov.u32 s3;
	(drf) =	srem.u32 s2, s3;
	s3 =	spop (v2sf)  }
0x966: {  	(v2sf) =	vpush v52, $0xF;
	s20 =	spop (drf)  }
0x967: {  	[smem:$0x763] =	sst s5;
	(v2sf) =	vpush v52, $0x1;
	s5 =	spop (v2sf)  }
0x968: {  	(v2sf) =	vpush v52, $0x2;
	(drf) =	srem.u32 s3, s4;
	s22 =	spop (drf)  }
0x969: {  	s25 =	spop (drf)  }
0x96a: {  	(v2sf) =	vpush v52, $0x3;
	(drf) =	srem.u32 s5, s29;
	s3 =	spop (v2sf)  }
0x96b: {  	[smem:$0x765] =	sst s6;
	s26 =	spop (drf)  }
0x96c: {  	s6 =	smov.u32 s12;
	s12 =	smov.u32 s4;
	(v2sf) =	vpush v52, $0x4;
	s4 =	spop (v2sf)  }
0x96d: {  	s5 =	spop (v2sf)  }
0x96e: {  	[smem:$0x75F] =	sst s1;
	(v2sf) =	vpush v52, $0x5;
	s30 =	spop (drf)  }
0x96f: {  	(drf) =	srem.u32 s3, s13;
	s31 =	spop (drf)  }
0x970: {  	s1 =	smov.u32 s14;
	(v2sf) =	vpush v52, $0x6;
	(drf) =	srem.u32 s4, s16;
	s14 =	spop (drf)  }
0x971: {  	(drf) =	srem.u32 s5, s17;
	s21 =	spop (drf)  }
0x972: {  	(v2sf) =	vpush v52, $0x7;
	[smem:$0x73F] =	sst s14;
	s14 =	smov.u32 s13;
	s13 =	spop (v2sf)  }
0x973: {  	[smem:$0x740] =	sst s21;
	s2 =	spop (drf)  }
0x974: {  	(drf) =	srem.u32 s13, s18;
	s21 =	spop (v2sf)  }
0x975: {  	[smem:$0x741] =	sst s2;
	s2 =	spop (v2sf)  }
0x976: {  	s3 =	spop (v2sf)  }
0x977: {  	(v2sf) =	vpush v52, $0x8;
	(drf) =	srem.u32 s21, s10;
	s4 =	spop (v2sf)  }
0x978: {  	(drf) =	srem.u32 s2, s24;
	s21 =	spop (drf)  }
0x979: {  	(v2sf) =	vpush v52, $0x9;
	(drf) =	srem.u32 s3, s9;
	s5 =	spop (v2sf)  }
0x97a: {  	(v2sf) =	vpush v52, $0xA;
	(drf) =	srem.u32 s4, s23;
	s24 =	spop (drf)  }
0x97b: {  	(drf) =	srem.u32 s5, s1;
	s9 =	spop (v2sf)  }
0x97c: {  	(v2sf) =	vpush v52, $0xB;
	(drf) =	srem.u32 s9, s6;
	s6 =	spop (drf)  }
0x97d: {  	(v2sf) =	vpush v52, $0xC;
	s10 =	spop (v2sf)  }
0x97e: {  	(v2sf) =	vpush v52, $0xD;
	s9 =	spop (drf)  }
0x97f: {  	(v2sf) =	vpush v52, $0xE;
	s23 =	spop (v2sf)  }
0x980: {  	(drf) =	srem.u32 s10, s28;
	s1 =	spop (drf)  }
0x981: {  	(drf) =	srem.u32 s23, s7;
	s23 =	smov.u32 s7;
	s7 =	spop (v2sf)  }
0x982: {  	s0 =	spop (drf)  }
0x983: {  	s2 =	spop (drf)  }
0x984: {  	s3 =	spop (drf)  }
0x985: {  	s10 =	sld [smem:$0x73E];
	s4 =	spop (drf)  }
0x986: {  	s13 =	spop (v2sf)  }
0x987: {  	v53 =	vmov s15;
	(drf) =	srem.u32 s7, s11;
	s5 =	spop (drf)  }
0x988: {  	v24 =	vsel vm2, s10, v53;
	(drf) =	srem.u32 s13, s8;
	s10 =	spop (v2sf)  }
0x989: {  	v24 =	vsel vm3, s19, v24;
	(drf) =	srem.u32 s10, s12;
	s19 =	spop (v2sf)  }
0x98a: {  	v54 =	vmov s0;
	s10 =	sld [smem:$0x73F];
	(drf) =	srem.u32 s19, s29  }
0x98b: {  	v25 =	vsel vm2, s1, v54;
	v24 =	vsel vm4, s20, v24;
	s1 =	spop (v2sf);
	s19 =	sld [smem:$0x740]  }
0x98c: {  	v25 =	vsel vm3, s2, v25;
	v24 =	vsel vm5, s22, v24;
	(drf) =	srem.u32 s1, s14;
	s2 =	spop (v2sf)  }
0x98d: {  	v25 =	vsel vm4, s3, v25;
	v24 =	vsel vm6, s25, v24;
	(drf) =	srem.u32 s2, s16;
	s3 =	spop (v2sf)  }
0x98e: {  	v25 =	vsel vm5, s4, v25;
	v24 =	vsel vm7, s26, v24;
	(drf) =	srem.u32 s3, s17;
	s4 =	spop (v2sf)  }
0x98f: {  	v25 =	vsel vm6, s5, v25;
	v24 =	vsel vm8, s30, v24;
	s5 =	spop (drf);
	(drf) =	srem.u32 s4, s18  }
0x990: {  	s22 =	sld [smem:$0x741];
	v24 =	vsel vm9, s31, v24;
	v25 =	vsel vm7, s5, v25;
	s7 =	spop (drf)  }
0x991: {  	v24 =	vsel vm15, s10, v24;
	v25 =	vsel vm8, s7, v25;
	s13 =	spop (drf)  }
0x992: {  	v24 =	vsel vm1, s19, v24;
	v25 =	vsel vm9, s13, v25;
	s20 =	spop (drf)  }
0x993: {  	v24 =	vsel vm0, s22, v24;
	v25 =	vsel vm15, s20, v25;
	s25 =	spop (drf)  }
0x994: {  	v24 =	vsel vm11, s21, v24;
	v25 =	vsel vm1, s25, v25;
	s26 =	spop (drf)  }
0x995: {  	v24 =	vsel vm12, s24, v24;
	v25 =	vsel vm0, s26, v25;
	s30 =	spop (drf)  }
0x996: {  	v24 =	vsel vm13, s6, v24;
	v25 =	vsel vm11, s30, v25;
	s31 =	spop (drf)  }
0x997: {  	v24 =	vsel vm14, s9, v24;
	v25 =	vsel vm12, s31, v25;
	s1 =	spop (drf)  }
0x998: {  	v24 =	vmul.u32 v13, v24;
	v25 =	vsel vm13, s1, v25;
	s2 =	spop (drf)  }
0x999: {  	v25 =	vsel vm14, s2, v25  }
0x99a: {  	v24 =	vadd.s32 v25, v24  }
0x99b: {  	(v2sf) =	vpush v24, $0x0  }
0x99c: {  	(v2sf) =	vpush v24, $0xF;
	_ =	sdelay $0x1  }
0x99d: {  	(v2sf) =	vpush v24, $0x1  }
0x99e: {  	(v2sf) =	vpush v24, $0x2  }
0x99f: {  	(v2sf) =	vpush v24, $0x3;
	_ =	sdelay $0x1  }
0x9a0: {  	(v2sf) =	vpush v24, $0x4;
	_ =	sdelay $0x1  }
0x9a1: {  	(v2sf) =	vpush v24, $0x5;
	_ =	sdelay $0x1  }
0x9a2: {  	s13 =	sld [smem:$0x742];
	(v2sf) =	vpush v24, $0x6  }
0x9a3: {  	s22 =	sld [smem:$0x744];
	(v2sf) =	vpush v24, $0x7  }
0x9a4: {  	s20 =	sld [smem:$0x743];
	(v2sf) =	vpush v24, $0x8  }
0x9a5: {  	s25 =	sld [smem:$0x745]  }
0x9a6: {  	s30 =	sld [smem:$0x746];
	(v2sf) =	vpush v24, $0x9;
	s3 =	spop (v2sf)  }
0x9a7: {  	s4 =	spop (v2sf);
	(drf) =	srem.u32 s3, s13  }
0x9a8: {  	(v2sf) =	vpush v24, $0xA;
	(drf) =	srem.u32 s4, s20;
	s20 =	sld [smem:$0x748]  }
0x9a9: {  	s5 =	spop (v2sf);
	s4 =	sld [smem:$0x75E]  }
0x9aa: {  	s7 =	spop (v2sf);
	(drf) =	srem.u32 s5, s22  }
0x9ab: {  	(v2sf) =	vpush v24, $0xB;
	s22 =	sld [smem:$0x749];
	s9 =	spop (v2sf)  }
0x9ac: {  	(drf) =	srem.u32 s7, s25;
	s7 =	sld [smem:$0x747]  }
0x9ad: {  	(v2sf) =	vpush v24, $0xC;
	s25 =	sld [smem:$0x74B];
	s10 =	spop (v2sf)  }
0x9ae: {  	(v2sf) =	vpush v24, $0xD;
	(drf) =	srem.u32 s9, s30;
	v55 =	vmov s20;
	s30 =	sld [smem:$0x74D]  }
0x9af: {  	(v2sf) =	vpush v24, $0xE;
	s19 =	spop (v2sf);
	v24 =	vsel vm2, s22, v55;
	s22 =	sld [smem:$0x758]  }
0x9b0: {  	(drf) =	srem.u32 s10, s7;
	s7 =	sld [smem:$0x74F]  }
0x9b1: {  	s21 =	spop (v2sf);
	v24 =	vsel vm3, s25, v24;
	s25 =	sld [smem:$0x75A]  }
0x9b2: {  	s24 =	spop (v2sf);
	(drf) =	srem.u32 s19, s28  }
0x9b3: {  	v24 =	vsel vm4, s30, v24;
	s30 =	sld [smem:$0x75D];
	s26 =	spop (v2sf)  }
0x9b4: {  	(drf) =	srem.u32 s21, s23;
	s23 =	sld [smem:$0x74A]  }
0x9b5: {  	s31 =	spop (v2sf);
	(drf) =	srem.u32 s24, s11  }
0x9b6: {  	s21 =	spop (drf);
	s11 =	sld [smem:$0x752]  }
0x9b7: {  	v24 =	vsel vm5, s7, v24;
	s7 =	sld [smem:$0x760];
	s9 =	spop (v2sf)  }
0x9b8: {  	(drf) =	srem.u32 s26, s8;
	s26 =	sld [smem:$0x74C]  }
0x9b9: {  	s24 =	spop (drf);
	s8 =	sld [smem:$0x750]  }
0x9ba: {  	s10 =	spop (v2sf);
	(drf) =	srem.u32 s31, s12  }
0x9bb: {  	s28 =	spop (drf);
	s31 =	sld [smem:$0x74E]  }
0x9bc: {  	v56 =	vmov s23;
	s23 =	sld [smem:$0x759];
	s13 =	spop (v2sf)  }
0x9bd: {  	(drf) =	srem.u32 s9, s29;
	s5 =	spop (drf)  }
0x9be: {  	s29 =	sld [smem:$0x75C];
	s19 =	spop (v2sf)  }
0x9bf: {  	(drf) =	srem.u32 s10, s14;
	s10 =	sld [smem:$0x751]  }
0x9c0: {  	s9 =	spop (drf);
	s14 =	sld [smem:$0x754]  }
0x9c1: {  	v25 =	vsel vm2, s26, v56;
	s26 =	sld [smem:$0x75B];
	(drf) =	srem.u32 s13, s16  }
0x9c2: {  	v26 =	vmov s24;
	s13 =	sld [smem:$0x753];
	s12 =	spop (drf)  }
0x9c3: {  	v26 =	vsel vm2, s21, v26;
	v25 =	vsel vm3, s31, v25;
	(drf) =	srem.u32 s19, s17;
	s17 =	sld [smem:$0x756]  }
0x9c4: {  	v26 =	vsel vm3, s28, v26;
	v25 =	vsel vm4, s8, v25;
	s19 =	sld [smem:$0x757]  }
0x9c5: {  	v26 =	vsel vm4, s5, v26;
	s16 =	spop (v2sf);
	s5 =	sld [smem:$0x75F];
	v24 =	vsel vm6, s10, v24;
	v25 =	vsel vm5, s11, v25  }
0x9c6: {  	v26 =	vsel vm5, s9, v26;
	s8 =	sld [smem:$0x761];
	s20 =	spop (drf);
	v24 =	vsel vm7, s13, v24;
	v25 =	vsel vm6, s14, v25  }
0x9c7: {  	v26 =	vsel vm6, s12, v26;
	(drf) =	srem.u32 s16, s18;
	s10 =	sld [smem:$0x762];
	v24 =	vsel vm8, s17, v24;
	v25 =	vsel vm7, s19, v25  }
0x9c8: {  	s11 =	sld [smem:$0x763];
	s21 =	spop (drf);
	v26 =	vsel vm7, s20, v26;
	v24 =	vsel vm9, s22, v24;
	v25 =	vsel vm8, s23, v25  }
0x9c9: {  	s18 =	sld [smem:$0x767];
	s24 =	spop (drf);
	v26 =	vsel vm8, s21, v26;
	v24 =	vsel vm15, s25, v24;
	v25 =	vsel vm9, s26, v25  }
0x9ca: {  	s13 =	sld [smem:$0x764];
	s28 =	spop (drf);
	v26 =	vsel vm9, s24, v26;
	v24 =	vsel vm1, s29, v24;
	v25 =	vsel vm15, s30, v25  }
0x9cb: {  	s14 =	sld [smem:$0x765];
	s31 =	spop (drf);
	v26 =	vsel vm15, s28, v26;
	v24 =	vsel vm0, s4, v24;
	v25 =	vsel vm1, s5, v25  }
0x9cc: {  	s17 =	sld [smem:$0x766];
	s6 =	spop (drf);
	v26 =	vsel vm1, s31, v26;
	v24 =	vsel vm11, s7, v24;
	v25 =	vsel vm0, s8, v25  }
0x9cd: {  	s19 =	sld [smem:$0x768];
	s9 =	spop (drf);
	v26 =	vsel vm0, s6, v26;
	v24 =	vsel vm12, s10, v24;
	v25 =	vsel vm11, s11, v25  }
0x9ce: {  	s12 =	spop (drf);
	v26 =	vsel vm11, s9, v26;
	v24 =	vsel vm13, s13, v24;
	v25 =	vsel vm12, s14, v25  }
0x9cf: {  	s16 =	spop (drf);
	v26 =	vsel vm12, s12, v26;
	v24 =	vsel vm14, s17, v24;
	v25 =	vsel vm13, s18, v25  }
0x9d0: {  	v26 =	vsel vm13, s16, v26;
	s20 =	spop (drf);
	v25 =	vsel vm14, s19, v25  }
0x9d1: {  	v26 =	vsel vm14, s20, v26;
	_ =	sdelay $0x1  }
0x9d2: {  	s21 =	simm.s32 $0xC080  }
0x9d3: {  	v27 =	vadd.f32 $1.000000000e+00, v20;
	v24 =	vld.idx.msk [tilespmem:v24+s21+$0x0], $0xffff  }
0x9d4: {  	v28 =	vadd.f32 $1.000000000e+00, v19;
	s22 =	simm.s32 $0xC080;
	v25 =	vld.idx.msk [tilespmem:v25+s21+$0x0], $0xffff  }
0x9d5: {  	v57 =	vadd.f32 $1.000000000e+00, v43;
	vm6 =	vgt.f32 v27, v15;
	v26 =	vld.idx.msk [tilespmem:v26+s22+$0x0], $0xffff  }
0x9d6: {  	v58 =	vadd.f32 $1.000000000e+00, v22;
	vm5 =	vgt.f32 v28, v15;
	v29 =	vsel vm6, $0x1, v18  }
0x9d7: {  	v59 =	vadd.f32 $1.000000000e+00, v44;
	vm4 =	vgt.f32 v57, v15;
	v30 =	vsel vm5, $0x1, v29  }
0x9d8: {  	vm3 =	vgt.f32 v58, v15;
	v31 =	vsel vm4, $0x1, v30;
	v60 =	vadd.f32 $1.000000000e+00, v24  }
0x9d9: {  	vm2 =	vgt.f32 v59, v15;
	v32 =	vsel vm3, $0x1, v31;
	v61 =	vadd.f32 $1.000000000e+00, v25  }
0x9da: {  	v33 =	vsel vm2, $0x1, v32;
	v62 =	vadd.f32 $1.000000000e+00, v26;
	vm1 =	vgt.f32 v60, v15  }
0x9db: {  	v34 =	vsel vm1, $0x1, v33;
	vm0 =	vgt.f32 v61, v15  }
0x9dc: {  	vm15 =	vgt.f32 v62, v15;
	v27 =	vsel vm0, $0x1, v34  }
0x9dd: {  	vm7 =	veq.s32 v18, $0x0;
	v18 =	vsel vm15, $0x1, v27  }
0x9de: {  	v63 =	vxor.u32 $0x80000000, v18  }
0x9df: {  	(xrf0) =	vmin.scan.msk.u32 $0xffff, v63;
	_ =	sdelay $0x5  }
0x9e0: {  	v28, _, _ =	vpop (xrf0)  }
0x9e1: {  	(v2sf) =	vpush v28, $0xF  }
0x9e2: {  	s3 =	sld [smem:$0x755];
	_ =	sdelay $0x1  }
0x9e3: {  	vm10 =	vmxor vm10, vm10;
	vm8 =	veq.s32 v29, $0x0  }
0x9e4: {  	s23 =	sadd.s32 $0x2, s3;
	vm6 =	vmand vm7, vm6;
	vm7 =	vmmov vm10;
	vm9 =	veq.s32 v30, $0x0  }
0x9e5: {  	p2 =	slt.u32 s23, $0x32;
	v16 =	vsel vm6, s3, v16;
	v17 =	vsel vm6, v20, v17;
	vm5 =	vmand vm8, vm5;
	s25 =	sadd.s32 $0x1, s3  }
0x9e6: {  	s24 =	sadd.s32 $0x3, s3;
	vm7 =	vmneg @p2 vm7;
	vm8 =	veq.s32 v31, $0x0;
	v16 =	vsel vm5, s25, v16  }
0x9e7: {  	p2 =	slt.u32 s24, $0x32;
	v17 =	vsel vm5, v19, v17;
	vm6 =	vmand vm7, vm9;
	vm7 =	vmmov vm10  }
0x9e8: {  	s26 =	sadd.s32 $0x4, s3;
	vm9 =	vcmask $0x1F1C;
	vm7 =	vmneg @p2 vm7;
	vm4 =	vmand vm6, vm4  }
0x9e9: {  	p2 =	slt.u32 s26, $0x32;
	vm6 =	vmmov vm10;
	vm5 =	vmand vm7, vm8;
	vm8 =	vcmask $0x1B18  }
0x9ea: {  	vm7 =	veq.s32 v32, $0x0;
	v16 =	vsel vm4, s23, v16;
	vm6 =	vmneg @p2 vm6  }
0x9eb: {  	s28 =	sadd.s32 $0x5, s3;
	v17 =	vsel vm4, v43, v17;
	vm3 =	vmand vm5, vm3;
	vm4 =	vmand vm6, vm7  }
0x9ec: {  	s29 =	sadd.s32 $0x6, s3;
	p2 =	slt.u32 s28, $0x32;
	vm7 =	vcmask $0x1714;
	vm5 =	vmmov vm10;
	vm6 =	veq.s32 v33, $0x0  }
0x9ed: {  	s30 =	sadd.s32 $0x7, s3;
	vm5 =	vmneg @p2 vm5;
	vm2 =	vmand vm4, vm2;
	p2 =	slt.u32 s29, $0x32;
	vm4 =	vmmov vm10  }
0x9ee: {  	v16 =	vsel vm3, s24, v16;
	v17 =	vsel vm3, v22, v17;
	vm4 =	vmneg @p2 vm4;
	p2 =	slt.u32 s30, $0x32  }
0x9ef: {  	vm3 =	vmand vm5, vm6;
	vm6 =	vcmask $0x1310;
	vm10 =	vmneg @p2 vm10;
	p2 =	sgt.u32 s3, $0x29;
	s0 =	spop (v2sf)  }
0x9f0: {  	v16 =	vsel vm2, s26, v16;
	v17 =	vsel vm2, v44, v17;
	vm1 =	vmand vm3, vm1;
	p3 =	seq.s32 @!p2 s0, $0x80000000  }
0x9f1: {  	vm3 =	vcmask $0x704;
	vm5 =	veq.s32 v34, $0x0;
	v16 =	vsel vm1, s28, v16;
	p3 =	por p2, !p3  }
.Ltmp15:
0x9f2: {  	v17 =	vsel vm1, v24, v17;
	vm2 =	vmand vm4, vm5;
	vm5 =	vcmask $0xF0C;
	(pc) =	sbr.rel @!p3 .LBB2_17-.Ltmp15, $4  }
0x9f3: {  	s15 =	sld [smem:$0x73D];
	vm4 =	veq.s32 v27, $0x0;
	vm0 =	vmand vm2, vm0;
	vm2 =	vcmask $0x300  }
0x9f4: {  	vm1 =	vmand vm10, vm4;
	vm4 =	vcmask $0xB08;
	v17 =	vsel vm0, v25, v17  }
0x9f5: {  	s31 =	rddreg [dreg:$0x1f];
	v16 =	vsel vm0, s29, v16;
	vm0 =	vmand vm1, vm15;
	vm1 =	vcmask $0x2724  }
0x9f6: {  	s15 =	sadd.s32 $0x80, s15;
	s1 =	sadd.s32 $0x80, s31;
	s3 =	sadd.s32 $0x8, s3;
	vm15 =	vcmask $0x2320;
	v16 =	vsel vm0, s30, v16;
	v17 =	vsel vm0, v26, v17  }
.Ltmp16:
0x9f7: {  	s20 =	rddreg [dreg:$0x15];
	(pc) =	sbr.rel .LBB2_19-.Ltmp16, $4  }
0x9f8: {  	s21 =	rddreg [dreg:$0x17]  }
0x9f9: {  	s22 =	sld [smem:$0x769]  }
0x9fa: {  	s23 =	rddreg [dreg:$0x19]  }
0x9fb: {  	v16 =	vpsel p2, v16, v16;
	v17 =	vpsel p2, v17, v17;
	s18 =	simm.s32 $0x16700;
	s19 =	simm.s32 $0x32;
	s24 =	rddreg [dreg:$0x1b]  }
.LBB2_22:
0x9fc: {  	_ =	sfence.sel $0x180000  }
0x9fd: {  	[bflag:$0x0] =	sbarrier.arrive $0xFFFF  }
0x9fe: {  	_ =	strace $0x90000047  }
0x9ff: {  	[bflag:$0x2] =	sbarrier.arrive $0xFFFF  }
0xa00: {  	s0 =	rddreg [dreg:$0x5]  }
0xa01: {  	s0 =	sadd.s32 @!p0 $0x100000, s0  }
0xa02: {  	[sflag:s0] =	ssyncadd.tile.s32 @!p0 $0x1;
	_ =	shalt  }
.Lfunc_end2:
_tile_overlayer_lowered:
.L_overlay_start_2:
0xa03: {  	(tag) =	ssettag $0x2  }
0xa04: {  	s0 =	rddreg [dreg:$0x0];
	s2 =	stileid.u32  }
0xa05: {  	s1 =	rddreg [dreg:$0x1];
	p0 =	sne.s32 s2, $0x0  }
0xa06: {  	s3 =	rddreg [dreg:$0x2];
	[bflag:$0x3] =	sbarrier.arrive $0xFFFF;
	s2 =	simm.s32 @!p0 $0x1C05  }
0xa07: {  	[timem:s3], [sflag:s2] =	dma.local @!p0 [hbm:s0], s1  }
0xa08: {  	s0 =	simm.s32 @!p0 $0x5  }
0xa09: {  	_ =	swait.ge @!p0 [sflag:s0], s1  }
0xa0a: {  	s1 =	ssub.s32 @!p0 $0x0, s1;
	[sflag:s0] =	ssyncset.done @!p0 $0x0  }
0xa0b: {  	[sflag:s0] =	ssyncadd.s32 @!p0 s1  }
0xa0c: {  	[bflag:$0x3] =	sbarrier.arrive $0xFFFF  }
0xa0d: {  	_ =	shalt  }

</sc_bundles>
